<compile_context>
chip_gen: v7x
topology: tpu7x:2x2x1
jax: 0.10.2.dev20260603
libtpu: 0.0.44.dev20260713+nightly
codegen_flags: <defaults>
</compile_context>

<pallas_src>
import functools

import jax
import jax.numpy as jnp
from jax import lax
from jax.experimental import pallas as pl
from jax.experimental.pallas import tpu as pltpu
from jax.experimental.pallas import tpu_sc as plsc

CHUNK = 256
LANES = 16
GRP = CHUNK // LANES


@functools.lru_cache(maxsize=None)
def _build_gather(V, D, J, S):
    info = plsc.get_sparse_core_info()
    NC, NS = info.num_cores, info.num_subcores
    NW = NC * NS
    B = J * S
    cpj = S // CHUNK
    n_chunks = B // CHUNK
    assert n_chunks % (2 * NW) == 0
    cpw = n_chunks // NW
    assert cpj & (cpj - 1) == 0
    cpj_shift = cpj.bit_length() - 1
    PITCH = CHUNK + 1
    mesh = plsc.VectorSubcoreMesh(core_axis_name="c", subcore_axis_name="s")

    @functools.partial(
        pl.kernel,
        mesh=mesh,
        out_type=jax.ShapeDtypeStruct((J * D, S), jnp.float32),
        scratch_types=[
            [pltpu.VMEM((CHUNK,), jnp.int32) for _ in range(2)],
            [pltpu.VMEM((CHUNK, D), jnp.float32) for _ in range(2)],
            [pltpu.VMEM((D, PITCH), jnp.float32) for _ in range(2)],
            [pltpu.SemaphoreType.DMA for _ in range(2)],
            [pltpu.SemaphoreType.DMA for _ in range(2)],
        ],
        compiler_params=pltpu.CompilerParams(
            use_tc_tiling_on_sc=False, needs_layout_passes=False),
    )
    def gather_k(table_hbm, idx_hbm, out_hbm, idx_v,
                 gbufs, tbufs, gsems, ssems):
        wid = lax.axis_index("s") * NC + lax.axis_index("c")
        c0 = wid * cpw
        i16 = lax.iota(jnp.int32, LANES)

        def load_indices(c, b):
            pltpu.sync_copy(idx_hbm.at[pl.ds(c * CHUNK, CHUNK)], idx_v[b])

        def fire_gather(b):
            pltpu.make_async_copy(
                table_hbm.at[idx_v[b]], gbufs[b], gsems[b]).start()

        def wait_gather(b):
            pltpu.make_async_copy(
                table_hbm.at[idx_v[b]], gbufs[b], gsems[b]).wait()

        def store_cp(c, b):
            j = c >> cpj_shift
            s0 = (c & (cpj - 1)) * CHUNK
            return pltpu.make_async_copy(
                tbufs[b].at[:, pl.ds(0, CHUNK)],
                out_hbm.at[pl.ds(j * D, D), pl.ds(s0, CHUNK)], ssems[b])

        def transpose(b):
            gbuf = gbufs[b]
            tbuf = tbufs[b]

            @plsc.parallel_loop(0, GRP)
            def sgroup(g):
                for i in range(LANES):
                    s = g * LANES + i
                    scol = jnp.full((LANES,), 0, jnp.int32) + s
                    for k in range(D // LANES):
                        vals = plsc.load_gather(
                            gbuf.at[s], [i16 + k * LANES])
                        plsc.store_scatter(
                            tbuf, [i16 + k * LANES, scol], vals)

        load_indices(c0, 0)
        fire_gather(0)
        load_indices(c0 + 1, 1)
        fire_gather(1)

        def group(t, carry):
            for b in range(2):
                i = 2 * t + b
                c = c0 + i
                wait_gather(b)

                @pl.when(i >= 2)
                def _():
                    store_cp(c - 2, b).wait()

                transpose(b)
                store_cp(c, b).start()

                @pl.when(i + 2 < cpw)
                def _():
                    load_indices(c + 2, b)
                    fire_gather(b)

            return carry

        lax.fori_loop(0, cpw // 2, group, 0)
        store_cp(c0 + cpw - 2, 0).wait()
        store_cp(c0 + cpw - 1, 1).wait()

    return gather_k


def kernel(input, weight):
    B0, B1 = input.shape
    V, D = weight.shape
    idx = input.T.reshape(-1).astype(jnp.int32)
    out = _build_gather(V, D, B1, B0)(weight, idx)
    return jnp.transpose(out.reshape(B1, D, B0), (2, 0, 1))

# --- scband reference (transcript-rebuilt; emitter-appended) ---
"""Pipeline reference for scband-embedding-58780922413727 (READ-ONLY COPY).

The authoritative reference and input builder live on the scoring server;
editing this copy changes nothing except your own understanding.
"""

import jax, jax.numpy as jnp
import numpy as np

NUM_EMBEDDINGS = 1000000
EMBEDDING_DIM = 64

def setup_inputs(seed: int = 0) -> dict:
    key = jax.random.key(seed)
    k_idx, k_w = jax.random.split(key)
    input = jax.random.randint(k_idx, (4096, 200), 0, NUM_EMBEDDINGS, dtype=jnp.int64 if jax.config.jax_enable_x64 else jnp.int32)
    weight = jax.random.normal(k_w, (NUM_EMBEDDINGS, EMBEDDING_DIM), dtype=jnp.float32)
    return {"input": input, "weight": weight}

def reference(input, weight):
    # F.embedding(input, weight): gather rows of weight by index
    return jnp.take(weight, input, axis=0)

if __name__ == "__main__":
    import jax
    _d = setup_inputs()
    print(jax.jit(kernel)(*tuple(_d.values())))

</pallas_src>

<mosaic_0001>
#map = affine_map<(d0, d1) -> (0, 0)>
#map1 = affine_map<(d0, d1) -> (0)>
module attributes {stable_mosaic.version = 14 : i64} {
  func.func @gather_k(%arg0: i32, %arg1: i32, %arg2: memref<1000000x64xf32, #tpu.memory_space<hbm>>, %arg3: memref<819200xi32, #tpu.memory_space<hbm>>, %arg4: memref<12800x4096xf32, #tpu.memory_space<hbm>>, %arg5: memref<256xi32, #tpu.memory_space<vmem>>, %arg6: memref<256xi32, #tpu.memory_space<vmem>>, %arg7: memref<256x64xf32, #tpu.memory_space<vmem>>, %arg8: memref<256x64xf32, #tpu.memory_space<vmem>>, %arg9: memref<64x257xf32, #tpu.memory_space<vmem>>, %arg10: memref<64x257xf32, #tpu.memory_space<vmem>>, %arg11: memref<!tpu.dma_semaphore, #tpu.memory_space<semaphore_mem>>, %arg12: memref<!tpu.dma_semaphore, #tpu.memory_space<semaphore_mem>>, %arg13: memref<!tpu.dma_semaphore, #tpu.memory_space<semaphore_mem>>, %arg14: memref<!tpu.dma_semaphore, #tpu.memory_space<semaphore_mem>>) attributes {dimension_semantics = [#tpu.dimension_semantics<core_parallel>, #tpu.dimension_semantics<subcore_parallel>], iteration_bounds = array<i64: 2, 16>, scalar_prefetch = 0 : i64, scratch_operands = 10 : i64, tpu.core_type = #tpu.core_type<sc_vector_subcore>, window_params = [{transform_indices = #map}, {transform_indices = #map1}, {transform_indices = #map}]} {
    %mul3A = arith.constant 2 : i32
    %mul3A_0 = arith.muli %arg1, %mul3A : i32
    %add3A = arith.addi %mul3A_0, %arg0 : i32
    %mul3A_1 = arith.constant 100 : i32
    %mul3A_2 = arith.muli %add3A, %mul3A_1 : i32
    %iota3A = tpu.iota {dimensions = array<i32: 0>} : vector<16xi32>
    %mul3A_3 = arith.constant 256 : i32
    %mul3A_4 = arith.muli %mul3A_2, %mul3A_3 : i32
    "tpu.region"() ({
      %run_scoped3A = tpu.sem_alloc : memref<!tpu.dma_semaphore, #tpu.memory_space<semaphore_mem>>
      %dma_start3A_55 = tpu.memref_slice %arg3[%mul3A_4] : memref<819200xi32, #tpu.memory_space<hbm>> -> memref<256xi32, #tpu.memory_space<hbm>>
      %dma_start3A_56 = tpu.memref_slice %arg3[%mul3A_4] : memref<819200xi32, #tpu.memory_space<hbm>> -> memref<256xi32, #tpu.memory_space<hbm>>
      tpu.enqueue_dma source(%dma_start3A_56 : memref<256xi32, #tpu.memory_space<hbm>>) target(%arg5 : memref<256xi32, #tpu.memory_space<vmem>>) target_semaphore(%run_scoped3A : memref<!tpu.dma_semaphore, #tpu.memory_space<semaphore_mem>>)
      %dma_wait3A_57 = tpu.memref_slice %arg3[%mul3A_4] : memref<819200xi32, #tpu.memory_space<hbm>> -> memref<256xi32, #tpu.memory_space<hbm>>
      %dma_wait3A_58 = tpu.memref_slice %arg3[%mul3A_4] : memref<819200xi32, #tpu.memory_space<hbm>> -> memref<256xi32, #tpu.memory_space<hbm>>
      tpu.wait_dma2 semaphore(%run_scoped3A : memref<!tpu.dma_semaphore, #tpu.memory_space<semaphore_mem>>) src(%dma_wait3A_58 : memref<256xi32, #tpu.memory_space<hbm>>) dst(%arg5 : memref<256xi32, #tpu.memory_space<vmem>>)
      tpu.yield
    }) : () -> ()
    %dma_start3A = arith.constant 0 : i32
    %dma_start3A_5 = arith.constant 0 : i32
    %dma_start3A_6 = tpu.memref_slice %arg2[%dma_start3A, %dma_start3A_5] : memref<1000000x64xf32, #tpu.memory_space<hbm>> -> memref<1000000x64xf32, #tpu.memory_space<hbm>>
    tpu.enqueue_indirect_dma source(%dma_start3A_6 : memref<1000000x64xf32, #tpu.memory_space<hbm>>) target(%arg7 : memref<256x64xf32, #tpu.memory_space<vmem>>) offsets(%arg5 : memref<256xi32, #tpu.memory_space<vmem>>) semaphore(%arg11 : memref<!tpu.dma_semaphore, #tpu.memory_space<semaphore_mem>>)
    %add3A_7 = arith.constant 1 : i32
    %add3A_8 = arith.addi %mul3A_2, %add3A_7 : i32
    %mul3A_9 = arith.constant 256 : i32
    %mul3A_10 = arith.muli %add3A_8, %mul3A_9 : i32
    "tpu.region"() ({
      %run_scoped3A = tpu.sem_alloc : memref<!tpu.dma_semaphore, #tpu.memory_space<semaphore_mem>>
      %dma_start3A_55 = tpu.memref_slice %arg3[%mul3A_10] : memref<819200xi32, #tpu.memory_space<hbm>> -> memref<256xi32, #tpu.memory_space<hbm>>
      %dma_start3A_56 = tpu.memref_slice %arg3[%mul3A_10] : memref<819200xi32, #tpu.memory_space<hbm>> -> memref<256xi32, #tpu.memory_space<hbm>>
      tpu.enqueue_dma source(%dma_start3A_56 : memref<256xi32, #tpu.memory_space<hbm>>) target(%arg6 : memref<256xi32, #tpu.memory_space<vmem>>) target_semaphore(%run_scoped3A : memref<!tpu.dma_semaphore, #tpu.memory_space<semaphore_mem>>)
      %dma_wait3A_57 = tpu.memref_slice %arg3[%mul3A_10] : memref<819200xi32, #tpu.memory_space<hbm>> -> memref<256xi32, #tpu.memory_space<hbm>>
      %dma_wait3A_58 = tpu.memref_slice %arg3[%mul3A_10] : memref<819200xi32, #tpu.memory_space<hbm>> -> memref<256xi32, #tpu.memory_space<hbm>>
      tpu.wait_dma2 semaphore(%run_scoped3A : memref<!tpu.dma_semaphore, #tpu.memory_space<semaphore_mem>>) src(%dma_wait3A_58 : memref<256xi32, #tpu.memory_space<hbm>>) dst(%arg6 : memref<256xi32, #tpu.memory_space<vmem>>)
      tpu.yield
    }) : () -> ()
    %dma_start3A_11 = arith.constant 0 : i32
    %dma_start3A_12 = arith.constant 0 : i32
    %dma_start3A_13 = tpu.memref_slice %arg2[%dma_start3A_11, %dma_start3A_12] : memref<1000000x64xf32, #tpu.memory_space<hbm>> -> memref<1000000x64xf32, #tpu.memory_space<hbm>>
    tpu.enqueue_indirect_dma source(%dma_start3A_13 : memref<1000000x64xf32, #tpu.memory_space<hbm>>) target(%arg8 : memref<256x64xf32, #tpu.memory_space<vmem>>) offsets(%arg6 : memref<256xi32, #tpu.memory_space<vmem>>) semaphore(%arg12 : memref<!tpu.dma_semaphore, #tpu.memory_space<semaphore_mem>>)
    %scan3A = arith.constant 0 : i32
    %scan3A_14 = arith.constant 0 : i32
    %scan3A_15 = arith.constant 50 : i32
    %scan3A_16 = arith.addi %scan3A_14, %scan3A_15 : i32
    %scan3A_17 = arith.constant 1 : i32
    scf.for %scan3A_55 = %scan3A_14 to %scan3A_16 step %scan3A_17  : i32 {
      %mul3A_56 = arith.constant 2 : i32
      %mul3A_57 = arith.muli %mul3A_56, %scan3A_55 : i32
      %add3A_58 = arith.constant 0 : i32
      %add3A_59 = arith.addi %mul3A_57, %add3A_58 : i32
      %add3A_60 = arith.addi %mul3A_2, %add3A_59 : i32
      %dma_wait3A_61 = arith.constant 0 : i32
      %dma_wait3A_62 = arith.constant 0 : i32
      %dma_wait3A_63 = tpu.memref_slice %arg2[%dma_wait3A_61, %dma_wait3A_62] : memref<1000000x64xf32, #tpu.memory_space<hbm>> -> memref<1000000x64xf32, #tpu.memory_space<hbm>>
      tpu.wait_indirect_dma semaphore(%arg11 : memref<!tpu.dma_semaphore, #tpu.memory_space<semaphore_mem>>) src(%dma_wait3A_63 : memref<1000000x64xf32, #tpu.memory_space<hbm>>) dst(%arg7 : memref<256x64xf32, #tpu.memory_space<vmem>>)
      %ge3A = arith.constant 2 : i32
      %ge3A_64 = arith.cmpi sge, %add3A_59, %ge3A : i32
      %convert_element_type3A = arith.extui %ge3A_64 : i1 to i32
      %cond3A = arith.constant 0 : i32
      %cond3A_65 = arith.cmpi ne, %convert_element_type3A, %cond3A : i32
      scf.if %cond3A_65 {
        %sub3A_129 = arith.constant 2 : i32
        %sub3A_130 = arith.subi %add3A_60, %sub3A_129 : i32
        %shift_right_arithmetic3A_131 = arith.constant 4 : i32
        %shift_right_arithmetic3A_132 = arith.shrsi %sub3A_130, %shift_right_arithmetic3A_131 : i32
        %and3A_133 = arith.constant 15 : i32
        %and3A_134 = arith.andi %sub3A_130, %and3A_133 : i32
        %mul3A_135 = arith.constant 256 : i32
        %mul3A_136 = arith.muli %and3A_134, %mul3A_135 : i32
        %mul3A_137 = arith.constant 64 : i32
        %mul3A_138 = arith.muli %shift_right_arithmetic3A_132, %mul3A_137 : i32
        %dma_wait3A_139 = arith.constant 0 : i32
        %dma_wait3A_140 = arith.constant 0 : i32
        %dma_wait3A_141 = tpu.memref_slice %arg9[%dma_wait3A_139, %dma_wait3A_140] : memref<64x257xf32, #tpu.memory_space<vmem>> -> memref<64x256xf32, #tpu.memory_space<vmem>>
        %dma_wait3A_142 = tpu.memref_slice %arg4[%mul3A_138, %mul3A_136] : memref<12800x4096xf32, #tpu.memory_space<hbm>> -> memref<64x256xf32, #tpu.memory_space<hbm>>
        %dma_wait3A_143 = tpu.memref_slice %arg4[%mul3A_138, %mul3A_136] : memref<12800x4096xf32, #tpu.memory_space<hbm>> -> memref<64x256xf32, #tpu.memory_space<hbm>>
        %dma_wait3A_144 = arith.constant 0 : i32
        %dma_wait3A_145 = arith.constant 0 : i32
        %dma_wait3A_146 = tpu.memref_slice %arg9[%dma_wait3A_144, %dma_wait3A_145] : memref<64x257xf32, #tpu.memory_space<vmem>> -> memref<64x256xf32, #tpu.memory_space<vmem>>
        tpu.wait_dma2 semaphore(%arg13 : memref<!tpu.dma_semaphore, #tpu.memory_space<semaphore_mem>>) src(%dma_wait3A_146 : memref<64x256xf32, #tpu.memory_space<vmem>>) dst(%dma_wait3A_143 : memref<64x256xf32, #tpu.memory_space<hbm>>)
      } else {
      }
      %parallel_loop3A = arith.constant 0 : i32
      %parallel_loop3A_66 = arith.constant 16 : i32
      %parallel_loop3A_67 = arith.constant 1 : i32
      scf.for %parallel_loop3A_129 = %parallel_loop3A to %parallel_loop3A_66 step %parallel_loop3A_67  : i32 {
        %parallel_loop3A_130 = arith.constant 16 : i32
        %parallel_loop3A_131 = arith.muli %parallel_loop3A_129, %parallel_loop3A_130 : i32
        %parallel_loop3A_132 = arith.constant 0 : i32
        %parallel_loop3A_133 = arith.addi %parallel_loop3A_131, %parallel_loop3A_132 : i32
        %parallel_loop3A_134 = arith.constant 0 : i32
        %parallel_loop3A_135 = vector.broadcast %parallel_loop3A_134 : i32 to vector<16xi32>
        %parallel_loop3A_136 = vector.broadcast %parallel_loop3A_133 : i32 to vector<16xi32>
        %parallel_loop3A_137 = arith.addi %parallel_loop3A_135, %parallel_loop3A_136 : vector<16xi32>
        %parallel_loop3A_138 = arith.constant 0 : i32
        %parallel_loop3A_139 = vector.broadcast %parallel_loop3A_138 : i32 to vector<16xi32>
        %parallel_loop3A_140 = arith.addi %iota3A, %parallel_loop3A_139 : vector<16xi32>
        %parallel_loop3A_141 = arith.constant 0 : i32
        %parallel_loop3A_142 = tpu.memref_slice %arg7[%parallel_loop3A_133, %parallel_loop3A_141] : memref<256x64xf32, #tpu.memory_space<vmem>> -> memref<1x64xf32, #tpu.memory_space<vmem>>
        %parallel_loop3A_143 = tpu.memref_squeeze %parallel_loop3A_142 : memref<1x64xf32, #tpu.memory_space<vmem>> -> memref<64xf32, #tpu.memory_space<vmem>>
        %parallel_loop3A_144 = tpu.vector_load_idx %parallel_loop3A_143[%parallel_loop3A_140] : memref<64xf32, #tpu.memory_space<vmem>>[vector<16xi32>], vector<16xf32>,
        %parallel_loop3A_145 = arith.constant 0 : i32
        %parallel_loop3A_146 = vector.broadcast %parallel_loop3A_145 : i32 to vector<16xi32>
        %parallel_loop3A_147 = arith.addi %iota3A, %parallel_loop3A_146 : vector<16xi32>
        tpu.vector_store_idx %arg9[%parallel_loop3A_147, %parallel_loop3A_137], %parallel_loop3A_144 : memref<64x257xf32, #tpu.memory_space<vmem>>[vector<16xi32>, vector<16xi32>], vector<16xf32>,
        %parallel_loop3A_148 = arith.constant 16 : i32
        %parallel_loop3A_149 = vector.broadcast %parallel_loop3A_148 : i32 to vector<16xi32>
        %parallel_loop3A_150 = arith.addi %iota3A, %parallel_loop3A_149 : vector<16xi32>
        %parallel_loop3A_151 = arith.constant 0 : i32
        %parallel_loop3A_152 = tpu.memref_slice %arg7[%parallel_loop3A_133, %parallel_loop3A_151] : memref<256x64xf32, #tpu.memory_space<vmem>> -> memref<1x64xf32, #tpu.memory_space<vmem>>
        %parallel_loop3A_153 = tpu.memref_squeeze %parallel_loop3A_152 : memref<1x64xf32, #tpu.memory_space<vmem>> -> memref<64xf32, #tpu.memory_space<vmem>>
        %parallel_loop3A_154 = tpu.vector_load_idx %parallel_loop3A_153[%parallel_loop3A_150] : memref<64xf32, #tpu.memory_space<vmem>>[vector<16xi32>], vector<16xf32>,
        %parallel_loop3A_155 = arith.constant 16 : i32
        %parallel_loop3A_156 = vector.broadcast %parallel_loop3A_155 : i32 to vector<16xi32>
        %parallel_loop3A_157 = arith.addi %iota3A, %parallel_loop3A_156 : vector<16xi32>
        tpu.vector_store_idx %arg9[%parallel_loop3A_157, %parallel_loop3A_137], %parallel_loop3A_154 : memref<64x257xf32, #tpu.memory_space<vmem>>[vector<16xi32>, vector<16xi32>], vector<16xf32>,
        %parallel_loop3A_158 = arith.constant 32 : i32
        %parallel_loop3A_159 = vector.broadcast %parallel_loop3A_158 : i32 to vector<16xi32>
        %parallel_loop3A_160 = arith.addi %iota3A, %parallel_loop3A_159 : vector<16xi32>
        %parallel_loop3A_161 = arith.constant 0 : i32
        %parallel_loop3A_162 = tpu.memref_slice %arg7[%parallel_loop3A_133, %parallel_loop3A_161] : memref<256x64xf32, #tpu.memory_space<vmem>> -> memref<1x64xf32, #tpu.memory_space<vmem>>
        %parallel_loop3A_163 = tpu.memref_squeeze %parallel_loop3A_162 : memref<1x64xf32, #tpu.memory_space<vmem>> -> memref<64xf32, #tpu.memory_space<vmem>>
        %parallel_loop3A_164 = tpu.vector_load_idx %parallel_loop3A_163[%parallel_loop3A_160] : memref<64xf32, #tpu.memory_space<vmem>>[vector<16xi32>], vector<16xf32>,
        %parallel_loop3A_165 = arith.constant 32 : i32
        %parallel_loop3A_166 = vector.broadcast %parallel_loop3A_165 : i32 to vector<16xi32>
        %parallel_loop3A_167 = arith.addi %iota3A, %parallel_loop3A_166 : vector<16xi32>
        tpu.vector_store_idx %arg9[%parallel_loop3A_167, %parallel_loop3A_137], %parallel_loop3A_164 : memref<64x257xf32, #tpu.memory_space<vmem>>[vector<16xi32>, vector<16xi32>], vector<16xf32>,
        %parallel_loop3A_168 = arith.constant 48 : i32
        %parallel_loop3A_169 = vector.broadcast %parallel_loop3A_168 : i32 to vector<16xi32>
        %parallel_loop3A_170 = arith.addi %iota3A, %parallel_loop3A_169 : vector<16xi32>
        %parallel_loop3A_171 = arith.constant 0 : i32
        %parallel_loop3A_172 = tpu.memref_slice %arg7[%parallel_loop3A_133, %parallel_loop3A_171] : memref<256x64xf32, #tpu.memory_space<vmem>> -> memref<1x64xf32, #tpu.memory_space<vmem>>
        %parallel_loop3A_173 = tpu.memref_squeeze %parallel_loop3A_172 : memref<1x64xf32, #tpu.memory_space<vmem>> -> memref<64xf32, #tpu.memory_space<vmem>>
        %parallel_loop3A_174 = tpu.vector_load_idx %parallel_loop3A_173[%parallel_loop3A_170] : memref<64xf32, #tpu.memory_space<vmem>>[vector<16xi32>], vector<16xf32>,
        %parallel_loop3A_175 = arith.constant 48 : i32
        %parallel_loop3A_176 = vector.broadcast %parallel_loop3A_175 : i32 to vector<16xi32>
        %parallel_loop3A_177 = arith.addi %iota3A, %parallel_loop3A_176 : vector<16xi32>
        tpu.vector_store_idx %arg9[%parallel_loop3A_177, %parallel_loop3A_137], %parallel_loop3A_174 : memref<64x257xf32, #tpu.memory_space<vmem>>[vector<16xi32>, vector<16xi32>], vector<16xf32>,
        %parallel_loop3A_178 = arith.constant 16 : i32
        %parallel_loop3A_179 = arith.muli %parallel_loop3A_129, %parallel_loop3A_178 : i32
        %parallel_loop3A_180 = arith.constant 1 : i32
        %parallel_loop3A_181 = arith.addi %parallel_loop3A_179, %parallel_loop3A_180 : i32
        %parallel_loop3A_182 = arith.constant 0 : i32
        %parallel_loop3A_183 = vector.broadcast %parallel_loop3A_182 : i32 to vector<16xi32>
        %parallel_loop3A_184 = vector.broadcast %parallel_loop3A_181 : i32 to vector<16xi32>
        %parallel_loop3A_185 = arith.addi %parallel_loop3A_183, %parallel_loop3A_184 : vector<16xi32>
        %parallel_loop3A_186 = arith.constant 0 : i32
        %parallel_loop3A_187 = vector.broadcast %parallel_loop3A_186 : i32 to vector<16xi32>
        %parallel_loop3A_188 = arith.addi %iota3A, %parallel_loop3A_187 : vector<16xi32>
        %parallel_loop3A_189 = arith.constant 0 : i32
        %parallel_loop3A_190 = tpu.memref_slice %arg7[%parallel_loop3A_181, %parallel_loop3A_189] : memref<256x64xf32, #tpu.memory_space<vmem>> -> memref<1x64xf32, #tpu.memory_space<vmem>>
        %parallel_loop3A_191 = tpu.memref_squeeze %parallel_loop3A_190 : memref<1x64xf32, #tpu.memory_space<vmem>> -> memref<64xf32, #tpu.memory_space<vmem>>
        %parallel_loop3A_192 = tpu.vector_load_idx %parallel_loop3A_191[%parallel_loop3A_188] : memref<64xf32, #tpu.memory_space<vmem>>[vector<16xi32>], vector<16xf32>,
        %parallel_loop3A_193 = arith.constant 0 : i32
        %parallel_loop3A_194 = vector.broadcast %parallel_loop3A_193 : i32 to vector<16xi32>
        %parallel_loop3A_195 = arith.addi %iota3A, %parallel_loop3A_194 : vector<16xi32>
        tpu.vector_store_idx %arg9[%parallel_loop3A_195, %parallel_loop3A_185], %parallel_loop3A_192 : memref<64x257xf32, #tpu.memory_space<vmem>>[vector<16xi32>, vector<16xi32>], vector<16xf32>,
        %parallel_loop3A_196 = arith.constant 16 : i32
        %parallel_loop3A_197 = vector.broadcast %parallel_loop3A_196 : i32 to vector<16xi32>
        %parallel_loop3A_198 = arith.addi %iota3A, %parallel_loop3A_197 : vector<16xi32>
        %parallel_loop3A_199 = arith.constant 0 : i32
        %parallel_loop3A_200 = tpu.memref_slice %arg7[%parallel_loop3A_181, %parallel_loop3A_199] : memref<256x64xf32, #tpu.memory_space<vmem>> -> memref<1x64xf32, #tpu.memory_space<vmem>>
        %parallel_loop3A_201 = tpu.memref_squeeze %parallel_loop3A_200 : memref<1x64xf32, #tpu.memory_space<vmem>> -> memref<64xf32, #tpu.memory_space<vmem>>
        %parallel_loop3A_202 = tpu.vector_load_idx %parallel_loop3A_201[%parallel_loop3A_198] : memref<64xf32, #tpu.memory_space<vmem>>[vector<16xi32>], vector<16xf32>,
        %parallel_loop3A_203 = arith.constant 16 : i32
        %parallel_loop3A_204 = vector.broadcast %parallel_loop3A_203 : i32 to vector<16xi32>
        %parallel_loop3A_205 = arith.addi %iota3A, %parallel_loop3A_204 : vector<16xi32>
        tpu.vector_store_idx %arg9[%parallel_loop3A_205, %parallel_loop3A_185], %parallel_loop3A_202 : memref<64x257xf32, #tpu.memory_space<vmem>>[vector<16xi32>, vector<16xi32>], vector<16xf32>,
        %parallel_loop3A_206 = arith.constant 32 : i32
        %parallel_loop3A_207 = vector.broadcast %parallel_loop3A_206 : i32 to vector<16xi32>
        %parallel_loop3A_208 = arith.addi %iota3A, %parallel_loop3A_207 : vector<16xi32>
        %parallel_loop3A_209 = arith.constant 0 : i32
        %parallel_loop3A_210 = tpu.memref_slice %arg7[%parallel_loop3A_181, %parallel_loop3A_209] : memref<256x64xf32, #tpu.memory_space<vmem>> -> memref<1x64xf32, #tpu.memory_space<vmem>>
        %parallel_loop3A_211 = tpu.memref_squeeze %parallel_loop3A_210 : memref<1x64xf32, #tpu.memory_space<vmem>> -> memref<64xf32, #tpu.memory_space<vmem>>
        %parallel_loop3A_212 = tpu.vector_load_idx %parallel_loop3A_211[%parallel_loop3A_208] : memref<64xf32, #tpu.memory_space<vmem>>[vector<16xi32>], vector<16xf32>,
        %parallel_loop3A_213 = arith.constant 32 : i32
        %parallel_loop3A_214 = vector.broadcast %parallel_loop3A_213 : i32 to vector<16xi32>
        %parallel_loop3A_215 = arith.addi %iota3A, %parallel_loop3A_214 : vector<16xi32>
        tpu.vector_store_idx %arg9[%parallel_loop3A_215, %parallel_loop3A_185], %parallel_loop3A_212 : memref<64x257xf32, #tpu.memory_space<vmem>>[vector<16xi32>, vector<16xi32>], vector<16xf32>,
        %parallel_loop3A_216 = arith.constant 48 : i32
        %parallel_loop3A_217 = vector.broadcast %parallel_loop3A_216 : i32 to vector<16xi32>
        %parallel_loop3A_218 = arith.addi %iota3A, %parallel_loop3A_217 : vector<16xi32>
        %parallel_loop3A_219 = arith.constant 0 : i32
        %parallel_loop3A_220 = tpu.memref_slice %arg7[%parallel_loop3A_181, %parallel_loop3A_219] : memref<256x64xf32, #tpu.memory_space<vmem>> -> memref<1x64xf32, #tpu.memory_space<vmem>>
        %parallel_loop3A_221 = tpu.memref_squeeze %parallel_loop3A_220 : memref<1x64xf32, #tpu.memory_space<vmem>> -> memref<64xf32, #tpu.memory_space<vmem>>
        %parallel_loop3A_222 = tpu.vector_load_idx %parallel_loop3A_221[%parallel_loop3A_218] : memref<64xf32, #tpu.memory_space<vmem>>[vector<16xi32>], vector<16xf32>,
        %parallel_loop3A_223 = arith.constant 48 : i32
        %parallel_loop3A_224 = vector.broadcast %parallel_loop3A_223 : i32 to vector<16xi32>
        %parallel_loop3A_225 = arith.addi %iota3A, %parallel_loop3A_224 : vector<16xi32>
        tpu.vector_store_idx %arg9[%parallel_loop3A_225, %parallel_loop3A_185], %parallel_loop3A_222 : memref<64x257xf32, #tpu.memory_space<vmem>>[vector<16xi32>, vector<16xi32>], vector<16xf32>,
        %parallel_loop3A_226 = arith.constant 16 : i32
        %parallel_loop3A_227 = arith.muli %parallel_loop3A_129, %parallel_loop3A_226 : i32
        %parallel_loop3A_228 = arith.constant 2 : i32
        %parallel_loop3A_229 = arith.addi %parallel_loop3A_227, %parallel_loop3A_228 : i32
        %parallel_loop3A_230 = arith.constant 0 : i32
        %parallel_loop3A_231 = vector.broadcast %parallel_loop3A_230 : i32 to vector<16xi32>
        %parallel_loop3A_232 = vector.broadcast %parallel_loop3A_229 : i32 to vector<16xi32>
        %parallel_loop3A_233 = arith.addi %parallel_loop3A_231, %parallel_loop3A_232 : vector<16xi32>
        %parallel_loop3A_234 = arith.constant 0 : i32
        %parallel_loop3A_235 = vector.broadcast %parallel_loop3A_234 : i32 to vector<16xi32>
        %parallel_loop3A_236 = arith.addi %iota3A, %parallel_loop3A_235 : vector<16xi32>
        %parallel_loop3A_237 = arith.constant 0 : i32
        %parallel_loop3A_238 = tpu.memref_slice %arg7[%parallel_loop3A_229, %parallel_loop3A_237] : memref<256x64xf32, #tpu.memory_space<vmem>> -> memref<1x64xf32, #tpu.memory_space<vmem>>
        %parallel_loop3A_239 = tpu.memref_squeeze %parallel_loop3A_238 : memref<1x64xf32, #tpu.memory_space<vmem>> -> memref<64xf32, #tpu.memory_space<vmem>>
        %parallel_loop3A_240 = tpu.vector_load_idx %parallel_loop3A_239[%parallel_loop3A_236] : memref<64xf32, #tpu.memory_space<vmem>>[vector<16xi32>], vector<16xf32>,
        %parallel_loop3A_241 = arith.constant 0 : i32
        %parallel_loop3A_242 = vector.broadcast %parallel_loop3A_241 : i32 to vector<16xi32>
        %parallel_loop3A_243 = arith.addi %iota3A, %parallel_loop3A_242 : vector<16xi32>
        tpu.vector_store_idx %arg9[%parallel_loop3A_243, %parallel_loop3A_233], %parallel_loop3A_240 : memref<64x257xf32, #tpu.memory_space<vmem>>[vector<16xi32>, vector<16xi32>], vector<16xf32>,
        %parallel_loop3A_244 = arith.constant 16 : i32
        %parallel_loop3A_245 = vector.broadcast %parallel_loop3A_244 : i32 to vector<16xi32>
        %parallel_loop3A_246 = arith.addi %iota3A, %parallel_loop3A_245 : vector<16xi32>
        %parallel_loop3A_247 = arith.constant 0 : i32
        %parallel_loop3A_248 = tpu.memref_slice %arg7[%parallel_loop3A_229, %parallel_loop3A_247] : memref<256x64xf32, #tpu.memory_space<vmem>> -> memref<1x64xf32, #tpu.memory_space<vmem>>
        %parallel_loop3A_249 = tpu.memref_squeeze %parallel_loop3A_248 : memref<1x64xf32, #tpu.memory_space<vmem>> -> memref<64xf32, #tpu.memory_space<vmem>>
        %parallel_loop3A_250 = tpu.vector_load_idx %parallel_loop3A_249[%parallel_loop3A_246] : memref<64xf32, #tpu.memory_space<vmem>>[vector<16xi32>], vector<16xf32>,
        %parallel_loop3A_251 = arith.constant 16 : i32
        %parallel_loop3A_252 = vector.broadcast %parallel_loop3A_251 : i32 to vector<16xi32>
        %parallel_loop3A_253 = arith.addi %iota3A, %parallel_loop3A_252 : vector<16xi32>
        tpu.vector_store_idx %arg9[%parallel_loop3A_253, %parallel_loop3A_233], %parallel_loop3A_250 : memref<64x257xf32, #tpu.memory_space<vmem>>[vector<16xi32>, vector<16xi32>], vector<16xf32>,
        %parallel_loop3A_254 = arith.constant 32 : i32
        %parallel_loop3A_255 = vector.broadcast %parallel_loop3A_254 : i32 to vector<16xi32>
        %parallel_loop3A_256 = arith.addi %iota3A, %parallel_loop3A_255 : vector<16xi32>
        %parallel_loop3A_257 = arith.constant 0 : i32
        %parallel_loop3A_258 = tpu.memref_slice %arg7[%parallel_loop3A_229, %parallel_loop3A_257] : memref<256x64xf32, #tpu.memory_space<vmem>> -> memref<1x64xf32, #tpu.memory_space<vmem>>
        %parallel_loop3A_259 = tpu.memref_squeeze %parallel_loop3A_258 : memref<1x64xf32, #tpu.memory_space<vmem>> -> memref<64xf32, #tpu.memory_space<vmem>>
        %parallel_loop3A_260 = tpu.vector_load_idx %parallel_loop3A_259[%parallel_loop3A_256] : memref<64xf32, #tpu.memory_space<vmem>>[vector<16xi32>], vector<16xf32>,
        %parallel_loop3A_261 = arith.constant 32 : i32
        %parallel_loop3A_262 = vector.broadcast %parallel_loop3A_261 : i32 to vector<16xi32>
        %parallel_loop3A_263 = arith.addi %iota3A, %parallel_loop3A_262 : vector<16xi32>
        tpu.vector_store_idx %arg9[%parallel_loop3A_263, %parallel_loop3A_233], %parallel_loop3A_260 : memref<64x257xf32, #tpu.memory_space<vmem>>[vector<16xi32>, vector<16xi32>], vector<16xf32>,
        %parallel_loop3A_264 = arith.constant 48 : i32
        %parallel_loop3A_265 = vector.broadcast %parallel_loop3A_264 : i32 to vector<16xi32>
        %parallel_loop3A_266 = arith.addi %iota3A, %parallel_loop3A_265 : vector<16xi32>
        %parallel_loop3A_267 = arith.constant 0 : i32
        %parallel_loop3A_268 = tpu.memref_slice %arg7[%parallel_loop3A_229, %parallel_loop3A_267] : memref<256x64xf32, #tpu.memory_space<vmem>> -> memref<1x64xf32, #tpu.memory_space<vmem>>
        %parallel_loop3A_269 = tpu.memref_squeeze %parallel_loop3A_268 : memref<1x64xf32, #tpu.memory_space<vmem>> -> memref<64xf32, #tpu.memory_space<vmem>>
        %parallel_loop3A_270 = tpu.vector_load_idx %parallel_loop3A_269[%parallel_loop3A_266] : memref<64xf32, #tpu.memory_space<vmem>>[vector<16xi32>], vector<16xf32>,
        %parallel_loop3A_271 = arith.constant 48 : i32
        %parallel_loop3A_272 = vector.broadcast %parallel_loop3A_271 : i32 to vector<16xi32>
        %parallel_loop3A_273 = arith.addi %iota3A, %parallel_loop3A_272 : vector<16xi32>
        tpu.vector_store_idx %arg9[%parallel_loop3A_273, %parallel_loop3A_233], %parallel_loop3A_270 : memref<64x257xf32, #tpu.memory_space<vmem>>[vector<16xi32>, vector<16xi32>], vector<16xf32>,
        %parallel_loop3A_274 = arith.constant 16 : i32
        %parallel_loop3A_275 = arith.muli %parallel_loop3A_129, %parallel_loop3A_274 : i32
        %parallel_loop3A_276 = arith.constant 3 : i32
        %parallel_loop3A_277 = arith.addi %parallel_loop3A_275, %parallel_loop3A_276 : i32
        %parallel_loop3A_278 = arith.constant 0 : i32
        %parallel_loop3A_279 = vector.broadcast %parallel_loop3A_278 : i32 to vector<16xi32>
        %parallel_loop3A_280 = vector.broadcast %parallel_loop3A_277 : i32 to vector<16xi32>
        %parallel_loop3A_281 = arith.addi %parallel_loop3A_279, %parallel_loop3A_280 : vector<16xi32>
        %parallel_loop3A_282 = arith.constant 0 : i32
        %parallel_loop3A_283 = vector.broadcast %parallel_loop3A_282 : i32 to vector<16xi32>
        %parallel_loop3A_284 = arith.addi %iota3A, %parallel_loop3A_283 : vector<16xi32>
        %parallel_loop3A_285 = arith.constant 0 : i32
        %parallel_loop3A_286 = tpu.memref_slice %arg7[%parallel_loop3A_277, %parallel_loop3A_285] : memref<256x64xf32, #tpu.memory_space<vmem>> -> memref<1x64xf32, #tpu.memory_space<vmem>>
        %parallel_loop3A_287 = tpu.memref_squeeze %parallel_loop3A_286 : memref<1x64xf32, #tpu.memory_space<vmem>> -> memref<64xf32, #tpu.memory_space<vmem>>
        %parallel_loop3A_288 = tpu.vector_load_idx %parallel_loop3A_287[%parallel_loop3A_284] : memref<64xf32, #tpu.memory_space<vmem>>[vector<16xi32>], vector<16xf32>,
        %parallel_loop3A_289 = arith.constant 0 : i32
        %parallel_loop3A_290 = vector.broadcast %parallel_loop3A_289 : i32 to vector<16xi32>
        %parallel_loop3A_291 = arith.addi %iota3A, %parallel_loop3A_290 : vector<16xi32>
        tpu.vector_store_idx %arg9[%parallel_loop3A_291, %parallel_loop3A_281], %parallel_loop3A_288 : memref<64x257xf32, #tpu.memory_space<vmem>>[vector<16xi32>, vector<16xi32>], vector<16xf32>,
        %parallel_loop3A_292 = arith.constant 16 : i32
        %parallel_loop3A_293 = vector.broadcast %parallel_loop3A_292 : i32 to vector<16xi32>
        %parallel_loop3A_294 = arith.addi %iota3A, %parallel_loop3A_293 : vector<16xi32>
        %parallel_loop3A_295 = arith.constant 0 : i32
        %parallel_loop3A_296 = tpu.memref_slice %arg7[%parallel_loop3A_277, %parallel_loop3A_295] : memref<256x64xf32, #tpu.memory_space<vmem>> -> memref<1x64xf32, #tpu.memory_space<vmem>>
        %parallel_loop3A_297 = tpu.memref_squeeze %parallel_loop3A_296 : memref<1x64xf32, #tpu.memory_space<vmem>> -> memref<64xf32, #tpu.memory_space<vmem>>
        %parallel_loop3A_298 = tpu.vector_load_idx %parallel_loop3A_297[%parallel_loop3A_294] : memref<64xf32, #tpu.memory_space<vmem>>[vector<16xi32>], vector<16xf32>,
        %parallel_loop3A_299 = arith.constant 16 : i32
        %parallel_loop3A_300 = vector.broadcast %parallel_loop3A_299 : i32 to vector<16xi32>
        %parallel_loop3A_301 = arith.addi %iota3A, %parallel_loop3A_300 : vector<16xi32>
        tpu.vector_store_idx %arg9[%parallel_loop3A_301, %parallel_loop3A_281], %parallel_loop3A_298 : memref<64x257xf32, #tpu.memory_space<vmem>>[vector<16xi32>, vector<16xi32>], vector<16xf32>,
        %parallel_loop3A_302 = arith.constant 32 : i32
        %parallel_loop3A_303 = vector.broadcast %parallel_loop3A_302 : i32 to vector<16xi32>
        %parallel_loop3A_304 = arith.addi %iota3A, %parallel_loop3A_303 : vector<16xi32>
        %parallel_loop3A_305 = arith.constant 0 : i32
        %parallel_loop3A_306 = tpu.memref_slice %arg7[%parallel_loop3A_277, %parallel_loop3A_305] : memref<256x64xf32, #tpu.memory_space<vmem>> -> memref<1x64xf32, #tpu.memory_space<vmem>>
        %parallel_loop3A_307 = tpu.memref_squeeze %parallel_loop3A_306 : memref<1x64xf32, #tpu.memory_space<vmem>> -> memref<64xf32, #tpu.memory_space<vmem>>
        %parallel_loop3A_308 = tpu.vector_load_idx %parallel_loop3A_307[%parallel_loop3A_304] : memref<64xf32, #tpu.memory_space<vmem>>[vector<16xi32>], vector<16xf32>,
        %parallel_loop3A_309 = arith.constant 32 : i32
        %parallel_loop3A_310 = vector.broadcast %parallel_loop3A_309 : i32 to vector<16xi32>
        %parallel_loop3A_311 = arith.addi %iota3A, %parallel_loop3A_310 : vector<16xi32>
        tpu.vector_store_idx %arg9[%parallel_loop3A_311, %parallel_loop3A_281], %parallel_loop3A_308 : memref<64x257xf32, #tpu.memory_space<vmem>>[vector<16xi32>, vector<16xi32>], vector<16xf32>,
        %parallel_loop3A_312 = arith.constant 48 : i32
        %parallel_loop3A_313 = vector.broadcast %parallel_loop3A_312 : i32 to vector<16xi32>
        %parallel_loop3A_314 = arith.addi %iota3A, %parallel_loop3A_313 : vector<16xi32>
        %parallel_loop3A_315 = arith.constant 0 : i32
        %parallel_loop3A_316 = tpu.memref_slice %arg7[%parallel_loop3A_277, %parallel_loop3A_315] : memref<256x64xf32, #tpu.memory_space<vmem>> -> memref<1x64xf32, #tpu.memory_space<vmem>>
        %parallel_loop3A_317 = tpu.memref_squeeze %parallel_loop3A_316 : memref<1x64xf32, #tpu.memory_space<vmem>> -> memref<64xf32, #tpu.memory_space<vmem>>
        %parallel_loop3A_318 = tpu.vector_load_idx %parallel_loop3A_317[%parallel_loop3A_314] : memref<64xf32, #tpu.memory_space<vmem>>[vector<16xi32>], vector<16xf32>,
        %parallel_loop3A_319 = arith.constant 48 : i32
        %parallel_loop3A_320 = vector.broadcast %parallel_loop3A_319 : i32 to vector<16xi32>
        %parallel_loop3A_321 = arith.addi %iota3A, %parallel_loop3A_320 : vector<16xi32>
        tpu.vector_store_idx %arg9[%parallel_loop3A_321, %parallel_loop3A_281], %parallel_loop3A_318 : memref<64x257xf32, #tpu.memory_space<vmem>>[vector<16xi32>, vector<16xi32>], vector<16xf32>,
        %parallel_loop3A_322 = arith.constant 16 : i32
        %parallel_loop3A_323 = arith.muli %parallel_loop3A_129, %parallel_loop3A_322 : i32
        %parallel_loop3A_324 = arith.constant 4 : i32
        %parallel_loop3A_325 = arith.addi %parallel_loop3A_323, %parallel_loop3A_324 : i32
        %parallel_loop3A_326 = arith.constant 0 : i32
        %parallel_loop3A_327 = vector.broadcast %parallel_loop3A_326 : i32 to vector<16xi32>
        %parallel_loop3A_328 = vector.broadcast %parallel_loop3A_325 : i32 to vector<16xi32>
        %parallel_loop3A_329 = arith.addi %parallel_loop3A_327, %parallel_loop3A_328 : vector<16xi32>
        %parallel_loop3A_330 = arith.constant 0 : i32
        %parallel_loop3A_331 = vector.broadcast %parallel_loop3A_330 : i32 to vector<16xi32>
        %parallel_loop3A_332 = arith.addi %iota3A, %parallel_loop3A_331 : vector<16xi32>
        %parallel_loop3A_333 = arith.constant 0 : i32
        %parallel_loop3A_334 = tpu.memref_slice %arg7[%parallel_loop3A_325, %parallel_loop3A_333] : memref<256x64xf32, #tpu.memory_space<vmem>> -> memref<1x64xf32, #tpu.memory_space<vmem>>
        %parallel_loop3A_335 = tpu.memref_squeeze %parallel_loop3A_334 : memref<1x64xf32, #tpu.memory_space<vmem>> -> memref<64xf32, #tpu.memory_space<vmem>>
        %parallel_loop3A_336 = tpu.vector_load_idx %parallel_loop3A_335[%parallel_loop3A_332] : memref<64xf32, #tpu.memory_space<vmem>>[vector<16xi32>], vector<16xf32>,
        %parallel_loop3A_337 = arith.constant 0 : i32
        %parallel_loop3A_338 = vector.broadcast %parallel_loop3A_337 : i32 to vector<16xi32>
        %parallel_loop3A_339 = arith.addi %iota3A, %parallel_loop3A_338 : vector<16xi32>
        tpu.vector_store_idx %arg9[%parallel_loop3A_339, %parallel_loop3A_329], %parallel_loop3A_336 : memref<64x257xf32, #tpu.memory_space<vmem>>[vector<16xi32>, vector<16xi32>], vector<16xf32>,
        %parallel_loop3A_340 = arith.constant 16 : i32
        %parallel_loop3A_341 = vector.broadcast %parallel_loop3A_340 : i32 to vector<16xi32>
        %parallel_loop3A_342 = arith.addi %iota3A, %parallel_loop3A_341 : vector<16xi32>
        %parallel_loop3A_343 = arith.constant 0 : i32
        %parallel_loop3A_344 = tpu.memref_slice %arg7[%parallel_loop3A_325, %parallel_loop3A_343] : memref<256x64xf32, #tpu.memory_space<vmem>> -> memref<1x64xf32, #tpu.memory_space<vmem>>
        %parallel_loop3A_345 = tpu.memref_squeeze %parallel_loop3A_344 : memref<1x64xf32, #tpu.memory_space<vmem>> -> memref<64xf32, #tpu.memory_space<vmem>>
        %parallel_loop3A_346 = tpu.vector_load_idx %parallel_loop3A_345[%parallel_loop3A_342] : memref<64xf32, #tpu.memory_space<vmem>>[vector<16xi32>], vector<16xf32>,
        %parallel_loop3A_347 = arith.constant 16 : i32
        %parallel_loop3A_348 = vector.broadcast %parallel_loop3A_347 : i32 to vector<16xi32>
        %parallel_loop3A_349 = arith.addi %iota3A, %parallel_loop3A_348 : vector<16xi32>
        tpu.vector_store_idx %arg9[%parallel_loop3A_349, %parallel_loop3A_329], %parallel_loop3A_346 : memref<64x257xf32, #tpu.memory_space<vmem>>[vector<16xi32>, vector<16xi32>], vector<16xf32>,
        %parallel_loop3A_350 = arith.constant 32 : i32
        %parallel_loop3A_351 = vector.broadcast %parallel_loop3A_350 : i32 to vector<16xi32>
        %parallel_loop3A_352 = arith.addi %iota3A, %parallel_loop3A_351 : vector<16xi32>
        %parallel_loop3A_353 = arith.constant 0 : i32
        %parallel_loop3A_354 = tpu.memref_slice %arg7[%parallel_loop3A_325, %parallel_loop3A_353] : memref<256x64xf32, #tpu.memory_space<vmem>> -> memref<1x64xf32, #tpu.memory_space<vmem>>
        %parallel_loop3A_355 = tpu.memref_squeeze %parallel_loop3A_354 : memref<1x64xf32, #tpu.memory_space<vmem>> -> memref<64xf32, #tpu.memory_space<vmem>>
        %parallel_loop3A_356 = tpu.vector_load_idx %parallel_loop3A_355[%parallel_loop3A_352] : memref<64xf32, #tpu.memory_space<vmem>>[vector<16xi32>], vector<16xf32>,
        %parallel_loop3A_357 = arith.constant 32 : i32
        %parallel_loop3A_358 = vector.broadcast %parallel_loop3A_357 : i32 to vector<16xi32>
        %parallel_loop3A_359 = arith.addi %iota3A, %parallel_loop3A_358 : vector<16xi32>
        tpu.vector_store_idx %arg9[%parallel_loop3A_359, %parallel_loop3A_329], %parallel_loop3A_356 : memref<64x257xf32, #tpu.memory_space<vmem>>[vector<16xi32>, vector<16xi32>], vector<16xf32>,
        %parallel_loop3A_360 = arith.constant 48 : i32
        %parallel_loop3A_361 = vector.broadcast %parallel_loop3A_360 : i32 to vector<16xi32>
        %parallel_loop3A_362 = arith.addi %iota3A, %parallel_loop3A_361 : vector<16xi32>
        %parallel_loop3A_363 = arith.constant 0 : i32
        %parallel_loop3A_364 = tpu.memref_slice %arg7[%parallel_loop3A_325, %parallel_loop3A_363] : memref<256x64xf32, #tpu.memory_space<vmem>> -> memref<1x64xf32, #tpu.memory_space<vmem>>
        %parallel_loop3A_365 = tpu.memref_squeeze %parallel_loop3A_364 : memref<1x64xf32, #tpu.memory_space<vmem>> -> memref<64xf32, #tpu.memory_space<vmem>>
        %parallel_loop3A_366 = tpu.vector_load_idx %parallel_loop3A_365[%parallel_loop3A_362] : memref<64xf32, #tpu.memory_space<vmem>>[vector<16xi32>], vector<16xf32>,
        %parallel_loop3A_367 = arith.constant 48 : i32
        %parallel_loop3A_368 = vector.broadcast %parallel_loop3A_367 : i32 to vector<16xi32>
        %parallel_loop3A_369 = arith.addi %iota3A, %parallel_loop3A_368 : vector<16xi32>
        tpu.vector_store_idx %arg9[%parallel_loop3A_369, %parallel_loop3A_329], %parallel_loop3A_366 : memref<64x257xf32, #tpu.memory_space<vmem>>[vector<16xi32>, vector<16xi32>], vector<16xf32>,
        %parallel_loop3A_370 = arith.constant 16 : i32
        %parallel_loop3A_371 = arith.muli %parallel_loop3A_129, %parallel_loop3A_370 : i32
        %parallel_loop3A_372 = arith.constant 5 : i32
        %parallel_loop3A_373 = arith.addi %parallel_loop3A_371, %parallel_loop3A_372 : i32
        %parallel_loop3A_374 = arith.constant 0 : i32
        %parallel_loop3A_375 = vector.broadcast %parallel_loop3A_374 : i32 to vector<16xi32>
        %parallel_loop3A_376 = vector.broadcast %parallel_loop3A_373 : i32 to vector<16xi32>
        %parallel_loop3A_377 = arith.addi %parallel_loop3A_375, %parallel_loop3A_376 : vector<16xi32>
        %parallel_loop3A_378 = arith.constant 0 : i32
        %parallel_loop3A_379 = vector.broadcast %parallel_loop3A_378 : i32 to vector<16xi32>
        %parallel_loop3A_380 = arith.addi %iota3A, %parallel_loop3A_379 : vector<16xi32>
        %parallel_loop3A_381 = arith.constant 0 : i32
        %parallel_loop3A_382 = tpu.memref_slice %arg7[%parallel_loop3A_373, %parallel_loop3A_381] : memref<256x64xf32, #tpu.memory_space<vmem>> -> memref<1x64xf32, #tpu.memory_space<vmem>>
        %parallel_loop3A_383 = tpu.memref_squeeze %parallel_loop3A_382 : memref<1x64xf32, #tpu.memory_space<vmem>> -> memref<64xf32, #tpu.memory_space<vmem>>
        %parallel_loop3A_384 = tpu.vector_load_idx %parallel_loop3A_383[%parallel_loop3A_380] : memref<64xf32, #tpu.memory_space<vmem>>[vector<16xi32>], vector<16xf32>,
        %parallel_loop3A_385 = arith.constant 0 : i32
        %parallel_loop3A_386 = vector.broadcast %parallel_loop3A_385 : i32 to vector<16xi32>
        %parallel_loop3A_387 = arith.addi %iota3A, %parallel_loop3A_386 : vector<16xi32>
        tpu.vector_store_idx %arg9[%parallel_loop3A_387, %parallel_loop3A_377], %parallel_loop3A_384 : memref<64x257xf32, #tpu.memory_space<vmem>>[vector<16xi32>, vector<16xi32>], vector<16xf32>,
        %parallel_loop3A_388 = arith.constant 16 : i32
        %parallel_loop3A_389 = vector.broadcast %parallel_loop3A_388 : i32 to vector<16xi32>
        %parallel_loop3A_390 = arith.addi %iota3A, %parallel_loop3A_389 : vector<16xi32>
        %parallel_loop3A_391 = arith.constant 0 : i32
        %parallel_loop3A_392 = tpu.memref_slice %arg7[%parallel_loop3A_373, %parallel_loop3A_391] : memref<256x64xf32, #tpu.memory_space<vmem>> -> memref<1x64xf32, #tpu.memory_space<vmem>>
        %parallel_loop3A_393 = tpu.memref_squeeze %parallel_loop3A_392 : memref<1x64xf32, #tpu.memory_space<vmem>> -> memref<64xf32, #tpu.memory_space<vmem>>
        %parallel_loop3A_394 = tpu.vector_load_idx %parallel_loop3A_393[%parallel_loop3A_390] : memref<64xf32, #tpu.memory_space<vmem>>[vector<16xi32>], vector<16xf32>,
        %parallel_loop3A_395 = arith.constant 16 : i32
        %parallel_loop3A_396 = vector.broadcast %parallel_loop3A_395 : i32 to vector<16xi32>
        %parallel_loop3A_397 = arith.addi %iota3A, %parallel_loop3A_396 : vector<16xi32>
        tpu.vector_store_idx %arg9[%parallel_loop3A_397, %parallel_loop3A_377], %parallel_loop3A_394 : memref<64x257xf32, #tpu.memory_space<vmem>>[vector<16xi32>, vector<16xi32>], vector<16xf32>,
        %parallel_loop3A_398 = arith.constant 32 : i32
        %parallel_loop3A_399 = vector.broadcast %parallel_loop3A_398 : i32 to vector<16xi32>
        %parallel_loop3A_400 = arith.addi %iota3A, %parallel_loop3A_399 : vector<16xi32>
        %parallel_loop3A_401 = arith.constant 0 : i32
        %parallel_loop3A_402 = tpu.memref_slice %arg7[%parallel_loop3A_373, %parallel_loop3A_401] : memref<256x64xf32, #tpu.memory_space<vmem>> -> memref<1x64xf32, #tpu.memory_space<vmem>>
        %parallel_loop3A_403 = tpu.memref_squeeze %parallel_loop3A_402 : memref<1x64xf32, #tpu.memory_space<vmem>> -> memref<64xf32, #tpu.memory_space<vmem>>
        %parallel_loop3A_404 = tpu.vector_load_idx %parallel_loop3A_403[%parallel_loop3A_400] : memref<64xf32, #tpu.memory_space<vmem>>[vector<16xi32>], vector<16xf32>,
        %parallel_loop3A_405 = arith.constant 32 : i32
        %parallel_loop3A_406 = vector.broadcast %parallel_loop3A_405 : i32 to vector<16xi32>
        %parallel_loop3A_407 = arith.addi %iota3A, %parallel_loop3A_406 : vector<16xi32>
        tpu.vector_store_idx %arg9[%parallel_loop3A_407, %parallel_loop3A_377], %parallel_loop3A_404 : memref<64x257xf32, #tpu.memory_space<vmem>>[vector<16xi32>, vector<16xi32>], vector<16xf32>,
        %parallel_loop3A_408 = arith.constant 48 : i32
        %parallel_loop3A_409 = vector.broadcast %parallel_loop3A_408 : i32 to vector<16xi32>
        %parallel_loop3A_410 = arith.addi %iota3A, %parallel_loop3A_409 : vector<16xi32>
        %parallel_loop3A_411 = arith.constant 0 : i32
        %parallel_loop3A_412 = tpu.memref_slice %arg7[%parallel_loop3A_373, %parallel_loop3A_411] : memref<256x64xf32, #tpu.memory_space<vmem>> -> memref<1x64xf32, #tpu.memory_space<vmem>>
        %parallel_loop3A_413 = tpu.memref_squeeze %parallel_loop3A_412 : memref<1x64xf32, #tpu.memory_space<vmem>> -> memref<64xf32, #tpu.memory_space<vmem>>
        %parallel_loop3A_414 = tpu.vector_load_idx %parallel_loop3A_413[%parallel_loop3A_410] : memref<64xf32, #tpu.memory_space<vmem>>[vector<16xi32>], vector<16xf32>,
        %parallel_loop3A_415 = arith.constant 48 : i32
        %parallel_loop3A_416 = vector.broadcast %parallel_loop3A_415 : i32 to vector<16xi32>
        %parallel_loop3A_417 = arith.addi %iota3A, %parallel_loop3A_416 : vector<16xi32>
        tpu.vector_store_idx %arg9[%parallel_loop3A_417, %parallel_loop3A_377], %parallel_loop3A_414 : memref<64x257xf32, #tpu.memory_space<vmem>>[vector<16xi32>, vector<16xi32>], vector<16xf32>,
        %parallel_loop3A_418 = arith.constant 16 : i32
        %parallel_loop3A_419 = arith.muli %parallel_loop3A_129, %parallel_loop3A_418 : i32
        %parallel_loop3A_420 = arith.constant 6 : i32
        %parallel_loop3A_421 = arith.addi %parallel_loop3A_419, %parallel_loop3A_420 : i32
        %parallel_loop3A_422 = arith.constant 0 : i32
        %parallel_loop3A_423 = vector.broadcast %parallel_loop3A_422 : i32 to vector<16xi32>
        %parallel_loop3A_424 = vector.broadcast %parallel_loop3A_421 : i32 to vector<16xi32>
        %parallel_loop3A_425 = arith.addi %parallel_loop3A_423, %parallel_loop3A_424 : vector<16xi32>
        %parallel_loop3A_426 = arith.constant 0 : i32
        %parallel_loop3A_427 = vector.broadcast %parallel_loop3A_426 : i32 to vector<16xi32>
        %parallel_loop3A_428 = arith.addi %iota3A, %parallel_loop3A_427 : vector<16xi32>
        %parallel_loop3A_429 = arith.constant 0 : i32
        %parallel_loop3A_430 = tpu.memref_slice %arg7[%parallel_loop3A_421, %parallel_loop3A_429] : memref<256x64xf32, #tpu.memory_space<vmem>> -> memref<1x64xf32, #tpu.memory_space<vmem>>
        %parallel_loop3A_431 = tpu.memref_squeeze %parallel_loop3A_430 : memref<1x64xf32, #tpu.memory_space<vmem>> -> memref<64xf32, #tpu.memory_space<vmem>>
        %parallel_loop3A_432 = tpu.vector_load_idx %parallel_loop3A_431[%parallel_loop3A_428] : memref<64xf32, #tpu.memory_space<vmem>>[vector<16xi32>], vector<16xf32>,
        %parallel_loop3A_433 = arith.constant 0 : i32
        %parallel_loop3A_434 = vector.broadcast %parallel_loop3A_433 : i32 to vector<16xi32>
        %parallel_loop3A_435 = arith.addi %iota3A, %parallel_loop3A_434 : vector<16xi32>
        tpu.vector_store_idx %arg9[%parallel_loop3A_435, %parallel_loop3A_425], %parallel_loop3A_432 : memref<64x257xf32, #tpu.memory_space<vmem>>[vector<16xi32>, vector<16xi32>], vector<16xf32>,
        %parallel_loop3A_436 = arith.constant 16 : i32
        %parallel_loop3A_437 = vector.broadcast %parallel_loop3A_436 : i32 to vector<16xi32>
        %parallel_loop3A_438 = arith.addi %iota3A, %parallel_loop3A_437 : vector<16xi32>
        %parallel_loop3A_439 = arith.constant 0 : i32
        %parallel_loop3A_440 = tpu.memref_slice %arg7[%parallel_loop3A_421, %parallel_loop3A_439] : memref<256x64xf32, #tpu.memory_space<vmem>> -> memref<1x64xf32, #tpu.memory_space<vmem>>
        %parallel_loop3A_441 = tpu.memref_squeeze %parallel_loop3A_440 : memref<1x64xf32, #tpu.memory_space<vmem>> -> memref<64xf32, #tpu.memory_space<vmem>>
        %parallel_loop3A_442 = tpu.vector_load_idx %parallel_loop3A_441[%parallel_loop3A_438] : memref<64xf32, #tpu.memory_space<vmem>>[vector<16xi32>], vector<16xf32>,
        %parallel_loop3A_443 = arith.constant 16 : i32
        %parallel_loop3A_444 = vector.broadcast %parallel_loop3A_443 : i32 to vector<16xi32>
        %parallel_loop3A_445 = arith.addi %iota3A, %parallel_loop3A_444 : vector<16xi32>
        tpu.vector_store_idx %arg9[%parallel_loop3A_445, %parallel_loop3A_425], %parallel_loop3A_442 : memref<64x257xf32, #tpu.memory_space<vmem>>[vector<16xi32>, vector<16xi32>], vector<16xf32>,
        %parallel_loop3A_446 = arith.constant 32 : i32
        %parallel_loop3A_447 = vector.broadcast %parallel_loop3A_446 : i32 to vector<16xi32>
        %parallel_loop3A_448 = arith.addi %iota3A, %parallel_loop3A_447 : vector<16xi32>
        %parallel_loop3A_449 = arith.constant 0 : i32
        %parallel_loop3A_450 = tpu.memref_slice %arg7[%parallel_loop3A_421, %parallel_loop3A_449] : memref<256x64xf32, #tpu.memory_space<vmem>> -> memref<1x64xf32, #tpu.memory_space<vmem>>
        %parallel_loop3A_451 = tpu.memref_squeeze %parallel_loop3A_450 : memref<1x64xf32, #tpu.memory_space<vmem>> -> memref<64xf32, #tpu.memory_space<vmem>>
        %parallel_loop3A_452 = tpu.vector_load_idx %parallel_loop3A_451[%parallel_loop3A_448] : memref<64xf32, #tpu.memory_space<vmem>>[vector<16xi32>], vector<16xf32>,
        %parallel_loop3A_453 = arith.constant 32 : i32
        %parallel_loop3A_454 = vector.broadcast %parallel_loop3A_453 : i32 to vector<16xi32>
        %parallel_loop3A_455 = arith.addi %iota3A, %parallel_loop3A_454 : vector<16xi32>
        tpu.vector_store_idx %arg9[%parallel_loop3A_455, %parallel_loop3A_425], %parallel_loop3A_452 : memref<64x257xf32, #tpu.memory_space<vmem>>[vector<16xi32>, vector<16xi32>], vector<16xf32>,
        %parallel_loop3A_456 = arith.constant 48 : i32
        %parallel_loop3A_457 = vector.broadcast %parallel_loop3A_456 : i32 to vector<16xi32>
        %parallel_loop3A_458 = arith.addi %iota3A, %parallel_loop3A_457 : vector<16xi32>
        %parallel_loop3A_459 = arith.constant 0 : i32
        %parallel_loop3A_460 = tpu.memref_slice %arg7[%parallel_loop3A_421, %parallel_loop3A_459] : memref<256x64xf32, #tpu.memory_space<vmem>> -> memref<1x64xf32, #tpu.memory_space<vmem>>
        %parallel_loop3A_461 = tpu.memref_squeeze %parallel_loop3A_460 : memref<1x64xf32, #tpu.memory_space<vmem>> -> memref<64xf32, #tpu.memory_space<vmem>>
        %parallel_loop3A_462 = tpu.vector_load_idx %parallel_loop3A_461[%parallel_loop3A_458] : memref<64xf32, #tpu.memory_space<vmem>>[vector<16xi32>], vector<16xf32>,
        %parallel_loop3A_463 = arith.constant 48 : i32
        %parallel_loop3A_464 = vector.broadcast %parallel_loop3A_463 : i32 to vector<16xi32>
        %parallel_loop3A_465 = arith.addi %iota3A, %parallel_loop3A_464 : vector<16xi32>
        tpu.vector_store_idx %arg9[%parallel_loop3A_465, %parallel_loop3A_425], %parallel_loop3A_462 : memref<64x257xf32, #tpu.memory_space<vmem>>[vector<16xi32>, vector<16xi32>], vector<16xf32>,
        %parallel_loop3A_466 = arith.constant 16 : i32
        %parallel_loop3A_467 = arith.muli %parallel_loop3A_129, %parallel_loop3A_466 : i32
        %parallel_loop3A_468 = arith.constant 7 : i32
        %parallel_loop3A_469 = arith.addi %parallel_loop3A_467, %parallel_loop3A_468 : i32
        %parallel_loop3A_470 = arith.constant 0 : i32
        %parallel_loop3A_471 = vector.broadcast %parallel_loop3A_470 : i32 to vector<16xi32>
        %parallel_loop3A_472 = vector.broadcast %parallel_loop3A_469 : i32 to vector<16xi32>
        %parallel_loop3A_473 = arith.addi %parallel_loop3A_471, %parallel_loop3A_472 : vector<16xi32>
        %parallel_loop3A_474 = arith.constant 0 : i32
        %parallel_loop3A_475 = vector.broadcast %parallel_loop3A_474 : i32 to vector<16xi32>
        %parallel_loop3A_476 = arith.addi %iota3A, %parallel_loop3A_475 : vector<16xi32>
        %parallel_loop3A_477 = arith.constant 0 : i32
        %parallel_loop3A_478 = tpu.memref_slice %arg7[%parallel_loop3A_469, %parallel_loop3A_477] : memref<256x64xf32, #tpu.memory_space<vmem>> -> memref<1x64xf32, #tpu.memory_space<vmem>>
        %parallel_loop3A_479 = tpu.memref_squeeze %parallel_loop3A_478 : memref<1x64xf32, #tpu.memory_space<vmem>> -> memref<64xf32, #tpu.memory_space<vmem>>
        %parallel_loop3A_480 = tpu.vector_load_idx %parallel_loop3A_479[%parallel_loop3A_476] : memref<64xf32, #tpu.memory_space<vmem>>[vector<16xi32>], vector<16xf32>,
        %parallel_loop3A_481 = arith.constant 0 : i32
        %parallel_loop3A_482 = vector.broadcast %parallel_loop3A_481 : i32 to vector<16xi32>
        %parallel_loop3A_483 = arith.addi %iota3A, %parallel_loop3A_482 : vector<16xi32>
        tpu.vector_store_idx %arg9[%parallel_loop3A_483, %parallel_loop3A_473], %parallel_loop3A_480 : memref<64x257xf32, #tpu.memory_space<vmem>>[vector<16xi32>, vector<16xi32>], vector<16xf32>,
        %parallel_loop3A_484 = arith.constant 16 : i32
        %parallel_loop3A_485 = vector.broadcast %parallel_loop3A_484 : i32 to vector<16xi32>
        %parallel_loop3A_486 = arith.addi %iota3A, %parallel_loop3A_485 : vector<16xi32>
        %parallel_loop3A_487 = arith.constant 0 : i32
        %parallel_loop3A_488 = tpu.memref_slice %arg7[%parallel_loop3A_469, %parallel_loop3A_487] : memref<256x64xf32, #tpu.memory_space<vmem>> -> memref<1x64xf32, #tpu.memory_space<vmem>>
        %parallel_loop3A_489 = tpu.memref_squeeze %parallel_loop3A_488 : memref<1x64xf32, #tpu.memory_space<vmem>> -> memref<64xf32, #tpu.memory_space<vmem>>
        %parallel_loop3A_490 = tpu.vector_load_idx %parallel_loop3A_489[%parallel_loop3A_486] : memref<64xf32, #tpu.memory_space<vmem>>[vector<16xi32>], vector<16xf32>,
        %parallel_loop3A_491 = arith.constant 16 : i32
        %parallel_loop3A_492 = vector.broadcast %parallel_loop3A_491 : i32 to vector<16xi32>
        %parallel_loop3A_493 = arith.addi %iota3A, %parallel_loop3A_492 : vector<16xi32>
        tpu.vector_store_idx %arg9[%parallel_loop3A_493, %parallel_loop3A_473], %parallel_loop3A_490 : memref<64x257xf32, #tpu.memory_space<vmem>>[vector<16xi32>, vector<16xi32>], vector<16xf32>,
        %parallel_loop3A_494 = arith.constant 32 : i32
        %parallel_loop3A_495 = vector.broadcast %parallel_loop3A_494 : i32 to vector<16xi32>
        %parallel_loop3A_496 = arith.addi %iota3A, %parallel_loop3A_495 : vector<16xi32>
        %parallel_loop3A_497 = arith.constant 0 : i32
        %parallel_loop3A_498 = tpu.memref_slice %arg7[%parallel_loop3A_469, %parallel_loop3A_497] : memref<256x64xf32, #tpu.memory_space<vmem>> -> memref<1x64xf32, #tpu.memory_space<vmem>>
        %parallel_loop3A_499 = tpu.memref_squeeze %parallel_loop3A_498 : memref<1x64xf32, #tpu.memory_space<vmem>> -> memref<64xf32, #tpu.memory_space<vmem>>
        %parallel_loop3A_500 = tpu.vector_load_idx %parallel_loop3A_499[%parallel_loop3A_496] : memref<64xf32, #tpu.memory_space<vmem>>[vector<16xi32>], vector<16xf32>,
        %parallel_loop3A_501 = arith.constant 32 : i32
        %parallel_loop3A_502 = vector.broadcast %parallel_loop3A_501 : i32 to vector<16xi32>
        %parallel_loop3A_503 = arith.addi %iota3A, %parallel_loop3A_502 : vector<16xi32>
        tpu.vector_store_idx %arg9[%parallel_loop3A_503, %parallel_loop3A_473], %parallel_loop3A_500 : memref<64x257xf32, #tpu.memory_space<vmem>>[vector<16xi32>, vector<16xi32>], vector<16xf32>,
        %parallel_loop3A_504 = arith.constant 48 : i32
        %parallel_loop3A_505 = vector.broadcast %parallel_loop3A_504 : i32 to vector<16xi32>
        %parallel_loop3A_506 = arith.addi %iota3A, %parallel_loop3A_505 : vector<16xi32>
        %parallel_loop3A_507 = arith.constant 0 : i32
        %parallel_loop3A_508 = tpu.memref_slice %arg7[%parallel_loop3A_469, %parallel_loop3A_507] : memref<256x64xf32, #tpu.memory_space<vmem>> -> memref<1x64xf32, #tpu.memory_space<vmem>>
        %parallel_loop3A_509 = tpu.memref_squeeze %parallel_loop3A_508 : memref<1x64xf32, #tpu.memory_space<vmem>> -> memref<64xf32, #tpu.memory_space<vmem>>
        %parallel_loop3A_510 = tpu.vector_load_idx %parallel_loop3A_509[%parallel_loop3A_506] : memref<64xf32, #tpu.memory_space<vmem>>[vector<16xi32>], vector<16xf32>,
        %parallel_loop3A_511 = arith.constant 48 : i32
        %parallel_loop3A_512 = vector.broadcast %parallel_loop3A_511 : i32 to vector<16xi32>
        %parallel_loop3A_513 = arith.addi %iota3A, %parallel_loop3A_512 : vector<16xi32>
        tpu.vector_store_idx %arg9[%parallel_loop3A_513, %parallel_loop3A_473], %parallel_loop3A_510 : memref<64x257xf32, #tpu.memory_space<vmem>>[vector<16xi32>, vector<16xi32>], vector<16xf32>,
        %parallel_loop3A_514 = arith.constant 16 : i32
        %parallel_loop3A_515 = arith.muli %parallel_loop3A_129, %parallel_loop3A_514 : i32
        %parallel_loop3A_516 = arith.constant 8 : i32
        %parallel_loop3A_517 = arith.addi %parallel_loop3A_515, %parallel_loop3A_516 : i32
        %parallel_loop3A_518 = arith.constant 0 : i32
        %parallel_loop3A_519 = vector.broadcast %parallel_loop3A_518 : i32 to vector<16xi32>
        %parallel_loop3A_520 = vector.broadcast %parallel_loop3A_517 : i32 to vector<16xi32>
        %parallel_loop3A_521 = arith.addi %parallel_loop3A_519, %parallel_loop3A_520 : vector<16xi32>
        %parallel_loop3A_522 = arith.constant 0 : i32
        %parallel_loop3A_523 = vector.broadcast %parallel_loop3A_522 : i32 to vector<16xi32>
        %parallel_loop3A_524 = arith.addi %iota3A, %parallel_loop3A_523 : vector<16xi32>
        %parallel_loop3A_525 = arith.constant 0 : i32
        %parallel_loop3A_526 = tpu.memref_slice %arg7[%parallel_loop3A_517, %parallel_loop3A_525] : memref<256x64xf32, #tpu.memory_space<vmem>> -> memref<1x64xf32, #tpu.memory_space<vmem>>
        %parallel_loop3A_527 = tpu.memref_squeeze %parallel_loop3A_526 : memref<1x64xf32, #tpu.memory_space<vmem>> -> memref<64xf32, #tpu.memory_space<vmem>>
        %parallel_loop3A_528 = tpu.vector_load_idx %parallel_loop3A_527[%parallel_loop3A_524] : memref<64xf32, #tpu.memory_space<vmem>>[vector<16xi32>], vector<16xf32>,
        %parallel_loop3A_529 = arith.constant 0 : i32
        %parallel_loop3A_530 = vector.broadcast %parallel_loop3A_529 : i32 to vector<16xi32>
        %parallel_loop3A_531 = arith.addi %iota3A, %parallel_loop3A_530 : vector<16xi32>
        tpu.vector_store_idx %arg9[%parallel_loop3A_531, %parallel_loop3A_521], %parallel_loop3A_528 : memref<64x257xf32, #tpu.memory_space<vmem>>[vector<16xi32>, vector<16xi32>], vector<16xf32>,
        %parallel_loop3A_532 = arith.constant 16 : i32
        %parallel_loop3A_533 = vector.broadcast %parallel_loop3A_532 : i32 to vector<16xi32>
        %parallel_loop3A_534 = arith.addi %iota3A, %parallel_loop3A_533 : vector<16xi32>
        %parallel_loop3A_535 = arith.constant 0 : i32
        %parallel_loop3A_536 = tpu.memref_slice %arg7[%parallel_loop3A_517, %parallel_loop3A_535] : memref<256x64xf32, #tpu.memory_space<vmem>> -> memref<1x64xf32, #tpu.memory_space<vmem>>
        %parallel_loop3A_537 = tpu.memref_squeeze %parallel_loop3A_536 : memref<1x64xf32, #tpu.memory_space<vmem>> -> memref<64xf32, #tpu.memory_space<vmem>>
        %parallel_loop3A_538 = tpu.vector_load_idx %parallel_loop3A_537[%parallel_loop3A_534] : memref<64xf32, #tpu.memory_space<vmem>>[vector<16xi32>], vector<16xf32>,
        %parallel_loop3A_539 = arith.constant 16 : i32
        %parallel_loop3A_540 = vector.broadcast %parallel_loop3A_539 : i32 to vector<16xi32>
        %parallel_loop3A_541 = arith.addi %iota3A, %parallel_loop3A_540 : vector<16xi32>
        tpu.vector_store_idx %arg9[%parallel_loop3A_541, %parallel_loop3A_521], %parallel_loop3A_538 : memref<64x257xf32, #tpu.memory_space<vmem>>[vector<16xi32>, vector<16xi32>], vector<16xf32>,
        %parallel_loop3A_542 = arith.constant 32 : i32
        %parallel_loop3A_543 = vector.broadcast %parallel_loop3A_542 : i32 to vector<16xi32>
        %parallel_loop3A_544 = arith.addi %iota3A, %parallel_loop3A_543 : vector<16xi32>
        %parallel_loop3A_545 = arith.constant 0 : i32
        %parallel_loop3A_546 = tpu.memref_slice %arg7[%parallel_loop3A_517, %parallel_loop3A_545] : memref<256x64xf32, #tpu.memory_space<vmem>> -> memref<1x64xf32, #tpu.memory_space<vmem>>
        %parallel_loop3A_547 = tpu.memref_squeeze %parallel_loop3A_546 : memref<1x64xf32, #tpu.memory_space<vmem>> -> memref<64xf32, #tpu.memory_space<vmem>>
        %parallel_loop3A_548 = tpu.vector_load_idx %parallel_loop3A_547[%parallel_loop3A_544] : memref<64xf32, #tpu.memory_space<vmem>>[vector<16xi32>], vector<16xf32>,
        %parallel_loop3A_549 = arith.constant 32 : i32
        %parallel_loop3A_550 = vector.broadcast %parallel_loop3A_549 : i32 to vector<16xi32>
        %parallel_loop3A_551 = arith.addi %iota3A, %parallel_loop3A_550 : vector<16xi32>
        tpu.vector_store_idx %arg9[%parallel_loop3A_551, %parallel_loop3A_521], %parallel_loop3A_548 : memref<64x257xf32, #tpu.memory_space<vmem>>[vector<16xi32>, vector<16xi32>], vector<16xf32>,
        %parallel_loop3A_552 = arith.constant 48 : i32
        %parallel_loop3A_553 = vector.broadcast %parallel_loop3A_552 : i32 to vector<16xi32>
        %parallel_loop3A_554 = arith.addi %iota3A, %parallel_loop3A_553 : vector<16xi32>
        %parallel_loop3A_555 = arith.constant 0 : i32
        %parallel_loop3A_556 = tpu.memref_slice %arg7[%parallel_loop3A_517, %parallel_loop3A_555] : memref<256x64xf32, #tpu.memory_space<vmem>> -> memref<1x64xf32, #tpu.memory_space<vmem>>
        %parallel_loop3A_557 = tpu.memref_squeeze %parallel_loop3A_556 : memref<1x64xf32, #tpu.memory_space<vmem>> -> memref<64xf32, #tpu.memory_space<vmem>>
        %parallel_loop3A_558 = tpu.vector_load_idx %parallel_loop3A_557[%parallel_loop3A_554] : memref<64xf32, #tpu.memory_space<vmem>>[vector<16xi32>], vector<16xf32>,
        %parallel_loop3A_559 = arith.constant 48 : i32
        %parallel_loop3A_560 = vector.broadcast %parallel_loop3A_559 : i32 to vector<16xi32>
        %parallel_loop3A_561 = arith.addi %iota3A, %parallel_loop3A_560 : vector<16xi32>
        tpu.vector_store_idx %arg9[%parallel_loop3A_561, %parallel_loop3A_521], %parallel_loop3A_558 : memref<64x257xf32, #tpu.memory_space<vmem>>[vector<16xi32>, vector<16xi32>], vector<16xf32>,
        %parallel_loop3A_562 = arith.constant 16 : i32
        %parallel_loop3A_563 = arith.muli %parallel_loop3A_129, %parallel_loop3A_562 : i32
        %parallel_loop3A_564 = arith.constant 9 : i32
        %parallel_loop3A_565 = arith.addi %parallel_loop3A_563, %parallel_loop3A_564 : i32
        %parallel_loop3A_566 = arith.constant 0 : i32
        %parallel_loop3A_567 = vector.broadcast %parallel_loop3A_566 : i32 to vector<16xi32>
        %parallel_loop3A_568 = vector.broadcast %parallel_loop3A_565 : i32 to vector<16xi32>
        %parallel_loop3A_569 = arith.addi %parallel_loop3A_567, %parallel_loop3A_568 : vector<16xi32>
        %parallel_loop3A_570 = arith.constant 0 : i32
        %parallel_loop3A_571 = vector.broadcast %parallel_loop3A_570 : i32 to vector<16xi32>
        %parallel_loop3A_572 = arith.addi %iota3A, %parallel_loop3A_571 : vector<16xi32>
        %parallel_loop3A_573 = arith.constant 0 : i32
        %parallel_loop3A_574 = tpu.memref_slice %arg7[%parallel_loop3A_565, %parallel_loop3A_573] : memref<256x64xf32, #tpu.memory_space<vmem>> -> memref<1x64xf32, #tpu.memory_space<vmem>>
        %parallel_loop3A_575 = tpu.memref_squeeze %parallel_loop3A_574 : memref<1x64xf32, #tpu.memory_space<vmem>> -> memref<64xf32, #tpu.memory_space<vmem>>
        %parallel_loop3A_576 = tpu.vector_load_idx %parallel_loop3A_575[%parallel_loop3A_572] : memref<64xf32, #tpu.memory_space<vmem>>[vector<16xi32>], vector<16xf32>,
        %parallel_loop3A_577 = arith.constant 0 : i32
        %parallel_loop3A_578 = vector.broadcast %parallel_loop3A_577 : i32 to vector<16xi32>
        %parallel_loop3A_579 = arith.addi %iota3A, %parallel_loop3A_578 : vector<16xi32>
        tpu.vector_store_idx %arg9[%parallel_loop3A_579, %parallel_loop3A_569], %parallel_loop3A_576 : memref<64x257xf32, #tpu.memory_space<vmem>>[vector<16xi32>, vector<16xi32>], vector<16xf32>,
        %parallel_loop3A_580 = arith.constant 16 : i32
        %parallel_loop3A_581 = vector.broadcast %parallel_loop3A_580 : i32 to vector<16xi32>
        %parallel_loop3A_582 = arith.addi %iota3A, %parallel_loop3A_581 : vector<16xi32>
        %parallel_loop3A_583 = arith.constant 0 : i32
        %parallel_loop3A_584 = tpu.memref_slice %arg7[%parallel_loop3A_565, %parallel_loop3A_583] : memref<256x64xf32, #tpu.memory_space<vmem>> -> memref<1x64xf32, #tpu.memory_space<vmem>>
        %parallel_loop3A_585 = tpu.memref_squeeze %parallel_loop3A_584 : memref<1x64xf32, #tpu.memory_space<vmem>> -> memref<64xf32, #tpu.memory_space<vmem>>
        %parallel_loop3A_586 = tpu.vector_load_idx %parallel_loop3A_585[%parallel_loop3A_582] : memref<64xf32, #tpu.memory_space<vmem>>[vector<16xi32>], vector<16xf32>,
        %parallel_loop3A_587 = arith.constant 16 : i32
        %parallel_loop3A_588 = vector.broadcast %parallel_loop3A_587 : i32 to vector<16xi32>
        %parallel_loop3A_589 = arith.addi %iota3A, %parallel_loop3A_588 : vector<16xi32>
        tpu.vector_store_idx %arg9[%parallel_loop3A_589, %parallel_loop3A_569], %parallel_loop3A_586 : memref<64x257xf32, #tpu.memory_space<vmem>>[vector<16xi32>, vector<16xi32>], vector<16xf32>,
        %parallel_loop3A_590 = arith.constant 32 : i32
        %parallel_loop3A_591 = vector.broadcast %parallel_loop3A_590 : i32 to vector<16xi32>
        %parallel_loop3A_592 = arith.addi %iota3A, %parallel_loop3A_591 : vector<16xi32>
        %parallel_loop3A_593 = arith.constant 0 : i32
        %parallel_loop3A_594 = tpu.memref_slice %arg7[%parallel_loop3A_565, %parallel_loop3A_593] : memref<256x64xf32, #tpu.memory_space<vmem>> -> memref<1x64xf32, #tpu.memory_space<vmem>>
        %parallel_loop3A_595 = tpu.memref_squeeze %parallel_loop3A_594 : memref<1x64xf32, #tpu.memory_space<vmem>> -> memref<64xf32, #tpu.memory_space<vmem>>
        %parallel_loop3A_596 = tpu.vector_load_idx %parallel_loop3A_595[%parallel_loop3A_592] : memref<64xf32, #tpu.memory_space<vmem>>[vector<16xi32>], vector<16xf32>,
        %parallel_loop3A_597 = arith.constant 32 : i32
        %parallel_loop3A_598 = vector.broadcast %parallel_loop3A_597 : i32 to vector<16xi32>
        %parallel_loop3A_599 = arith.addi %iota3A, %parallel_loop3A_598 : vector<16xi32>
        tpu.vector_store_idx %arg9[%parallel_loop3A_599, %parallel_loop3A_569], %parallel_loop3A_596 : memref<64x257xf32, #tpu.memory_space<vmem>>[vector<16xi32>, vector<16xi32>], vector<16xf32>,
        %parallel_loop3A_600 = arith.constant 48 : i32
        %parallel_loop3A_601 = vector.broadcast %parallel_loop3A_600 : i32 to vector<16xi32>
        %parallel_loop3A_602 = arith.addi %iota3A, %parallel_loop3A_601 : vector<16xi32>
        %parallel_loop3A_603 = arith.constant 0 : i32
        %parallel_loop3A_604 = tpu.memref_slice %arg7[%parallel_loop3A_565, %parallel_loop3A_603] : memref<256x64xf32, #tpu.memory_space<vmem>> -> memref<1x64xf32, #tpu.memory_space<vmem>>
        %parallel_loop3A_605 = tpu.memref_squeeze %parallel_loop3A_604 : memref<1x64xf32, #tpu.memory_space<vmem>> -> memref<64xf32, #tpu.memory_space<vmem>>
        %parallel_loop3A_606 = tpu.vector_load_idx %parallel_loop3A_605[%parallel_loop3A_602] : memref<64xf32, #tpu.memory_space<vmem>>[vector<16xi32>], vector<16xf32>,
        %parallel_loop3A_607 = arith.constant 48 : i32
        %parallel_loop3A_608 = vector.broadcast %parallel_loop3A_607 : i32 to vector<16xi32>
        %parallel_loop3A_609 = arith.addi %iota3A, %parallel_loop3A_608 : vector<16xi32>
        tpu.vector_store_idx %arg9[%parallel_loop3A_609, %parallel_loop3A_569], %parallel_loop3A_606 : memref<64x257xf32, #tpu.memory_space<vmem>>[vector<16xi32>, vector<16xi32>], vector<16xf32>,
        %parallel_loop3A_610 = arith.constant 16 : i32
        %parallel_loop3A_611 = arith.muli %parallel_loop3A_129, %parallel_loop3A_610 : i32
        %parallel_loop3A_612 = arith.constant 10 : i32
        %parallel_loop3A_613 = arith.addi %parallel_loop3A_611, %parallel_loop3A_612 : i32
        %parallel_loop3A_614 = arith.constant 0 : i32
        %parallel_loop3A_615 = vector.broadcast %parallel_loop3A_614 : i32 to vector<16xi32>
        %parallel_loop3A_616 = vector.broadcast %parallel_loop3A_613 : i32 to vector<16xi32>
        %parallel_loop3A_617 = arith.addi %parallel_loop3A_615, %parallel_loop3A_616 : vector<16xi32>
        %parallel_loop3A_618 = arith.constant 0 : i32
        %parallel_loop3A_619 = vector.broadcast %parallel_loop3A_618 : i32 to vector<16xi32>
        %parallel_loop3A_620 = arith.addi %iota3A, %parallel_loop3A_619 : vector<16xi32>
        %parallel_loop3A_621 = arith.constant 0 : i32
        %parallel_loop3A_622 = tpu.memref_slice %arg7[%parallel_loop3A_613, %parallel_loop3A_621] : memref<256x64xf32, #tpu.memory_space<vmem>> -> memref<1x64xf32, #tpu.memory_space<vmem>>
        %parallel_loop3A_623 = tpu.memref_squeeze %parallel_loop3A_622 : memref<1x64xf32, #tpu.memory_space<vmem>> -> memref<64xf32, #tpu.memory_space<vmem>>
        %parallel_loop3A_624 = tpu.vector_load_idx %parallel_loop3A_623[%parallel_loop3A_620] : memref<64xf32, #tpu.memory_space<vmem>>[vector<16xi32>], vector<16xf32>,
        %parallel_loop3A_625 = arith.constant 0 : i32
        %parallel_loop3A_626 = vector.broadcast %parallel_loop3A_625 : i32 to vector<16xi32>
        %parallel_loop3A_627 = arith.addi %iota3A, %parallel_loop3A_626 : vector<16xi32>
        tpu.vector_store_idx %arg9[%parallel_loop3A_627, %parallel_loop3A_617], %parallel_loop3A_624 : memref<64x257xf32, #tpu.memory_space<vmem>>[vector<16xi32>, vector<16xi32>], vector<16xf32>,
        %parallel_loop3A_628 = arith.constant 16 : i32
        %parallel_loop3A_629 = vector.broadcast %parallel_loop3A_628 : i32 to vector<16xi32>
        %parallel_loop3A_630 = arith.addi %iota3A, %parallel_loop3A_629 : vector<16xi32>
        %parallel_loop3A_631 = arith.constant 0 : i32
        %parallel_loop3A_632 = tpu.memref_slice %arg7[%parallel_loop3A_613, %parallel_loop3A_631] : memref<256x64xf32, #tpu.memory_space<vmem>> -> memref<1x64xf32, #tpu.memory_space<vmem>>
        %parallel_loop3A_633 = tpu.memref_squeeze %parallel_loop3A_632 : memref<1x64xf32, #tpu.memory_space<vmem>> -> memref<64xf32, #tpu.memory_space<vmem>>
        %parallel_loop3A_634 = tpu.vector_load_idx %parallel_loop3A_633[%parallel_loop3A_630] : memref<64xf32, #tpu.memory_space<vmem>>[vector<16xi32>], vector<16xf32>,
        %parallel_loop3A_635 = arith.constant 16 : i32
        %parallel_loop3A_636 = vector.broadcast %parallel_loop3A_635 : i32 to vector<16xi32>
        %parallel_loop3A_637 = arith.addi %iota3A, %parallel_loop3A_636 : vector<16xi32>
        tpu.vector_store_idx %arg9[%parallel_loop3A_637, %parallel_loop3A_617], %parallel_loop3A_634 : memref<64x257xf32, #tpu.memory_space<vmem>>[vector<16xi32>, vector<16xi32>], vector<16xf32>,
        %parallel_loop3A_638 = arith.constant 32 : i32
        %parallel_loop3A_639 = vector.broadcast %parallel_loop3A_638 : i32 to vector<16xi32>
        %parallel_loop3A_640 = arith.addi %iota3A, %parallel_loop3A_639 : vector<16xi32>
        %parallel_loop3A_641 = arith.constant 0 : i32
        %parallel_loop3A_642 = tpu.memref_slice %arg7[%parallel_loop3A_613, %parallel_loop3A_641] : memref<256x64xf32, #tpu.memory_space<vmem>> -> memref<1x64xf32, #tpu.memory_space<vmem>>
        %parallel_loop3A_643 = tpu.memref_squeeze %parallel_loop3A_642 : memref<1x64xf32, #tpu.memory_space<vmem>> -> memref<64xf32, #tpu.memory_space<vmem>>
        %parallel_loop3A_644 = tpu.vector_load_idx %parallel_loop3A_643[%parallel_loop3A_640] : memref<64xf32, #tpu.memory_space<vmem>>[vector<16xi32>], vector<16xf32>,
        %parallel_loop3A_645 = arith.constant 32 : i32
        %parallel_loop3A_646 = vector.broadcast %parallel_loop3A_645 : i32 to vector<16xi32>
        %parallel_loop3A_647 = arith.addi %iota3A, %parallel_loop3A_646 : vector<16xi32>
        tpu.vector_store_idx %arg9[%parallel_loop3A_647, %parallel_loop3A_617], %parallel_loop3A_644 : memref<64x257xf32, #tpu.memory_space<vmem>>[vector<16xi32>, vector<16xi32>], vector<16xf32>,
        %parallel_loop3A_648 = arith.constant 48 : i32
        %parallel_loop3A_649 = vector.broadcast %parallel_loop3A_648 : i32 to vector<16xi32>
        %parallel_loop3A_650 = arith.addi %iota3A, %parallel_loop3A_649 : vector<16xi32>
        %parallel_loop3A_651 = arith.constant 0 : i32
        %parallel_loop3A_652 = tpu.memref_slice %arg7[%parallel_loop3A_613, %parallel_loop3A_651] : memref<256x64xf32, #tpu.memory_space<vmem>> -> memref<1x64xf32, #tpu.memory_space<vmem>>
        %parallel_loop3A_653 = tpu.memref_squeeze %parallel_loop3A_652 : memref<1x64xf32, #tpu.memory_space<vmem>> -> memref<64xf32, #tpu.memory_space<vmem>>
        %parallel_loop3A_654 = tpu.vector_load_idx %parallel_loop3A_653[%parallel_loop3A_650] : memref<64xf32, #tpu.memory_space<vmem>>[vector<16xi32>], vector<16xf32>,
        %parallel_loop3A_655 = arith.constant 48 : i32
        %parallel_loop3A_656 = vector.broadcast %parallel_loop3A_655 : i32 to vector<16xi32>
        %parallel_loop3A_657 = arith.addi %iota3A, %parallel_loop3A_656 : vector<16xi32>
        tpu.vector_store_idx %arg9[%parallel_loop3A_657, %parallel_loop3A_617], %parallel_loop3A_654 : memref<64x257xf32, #tpu.memory_space<vmem>>[vector<16xi32>, vector<16xi32>], vector<16xf32>,
        %parallel_loop3A_658 = arith.constant 16 : i32
        %parallel_loop3A_659 = arith.muli %parallel_loop3A_129, %parallel_loop3A_658 : i32
        %parallel_loop3A_660 = arith.constant 11 : i32
        %parallel_loop3A_661 = arith.addi %parallel_loop3A_659, %parallel_loop3A_660 : i32
        %parallel_loop3A_662 = arith.constant 0 : i32
        %parallel_loop3A_663 = vector.broadcast %parallel_loop3A_662 : i32 to vector<16xi32>
        %parallel_loop3A_664 = vector.broadcast %parallel_loop3A_661 : i32 to vector<16xi32>
        %parallel_loop3A_665 = arith.addi %parallel_loop3A_663, %parallel_loop3A_664 : vector<16xi32>
        %parallel_loop3A_666 = arith.constant 0 : i32
        %parallel_loop3A_667 = vector.broadcast %parallel_loop3A_666 : i32 to vector<16xi32>
        %parallel_loop3A_668 = arith.addi %iota3A, %parallel_loop3A_667 : vector<16xi32>
        %parallel_loop3A_669 = arith.constant 0 : i32
        %parallel_loop3A_670 = tpu.memref_slice %arg7[%parallel_loop3A_661, %parallel_loop3A_669] : memref<256x64xf32, #tpu.memory_space<vmem>> -> memref<1x64xf32, #tpu.memory_space<vmem>>
        %parallel_loop3A_671 = tpu.memref_squeeze %parallel_loop3A_670 : memref<1x64xf32, #tpu.memory_space<vmem>> -> memref<64xf32, #tpu.memory_space<vmem>>
        %parallel_loop3A_672 = tpu.vector_load_idx %parallel_loop3A_671[%parallel_loop3A_668] : memref<64xf32, #tpu.memory_space<vmem>>[vector<16xi32>], vector<16xf32>,
        %parallel_loop3A_673 = arith.constant 0 : i32
        %parallel_loop3A_674 = vector.broadcast %parallel_loop3A_673 : i32 to vector<16xi32>
        %parallel_loop3A_675 = arith.addi %iota3A, %parallel_loop3A_674 : vector<16xi32>
        tpu.vector_store_idx %arg9[%parallel_loop3A_675, %parallel_loop3A_665], %parallel_loop3A_672 : memref<64x257xf32, #tpu.memory_space<vmem>>[vector<16xi32>, vector<16xi32>], vector<16xf32>,
        %parallel_loop3A_676 = arith.constant 16 : i32
        %parallel_loop3A_677 = vector.broadcast %parallel_loop3A_676 : i32 to vector<16xi32>
        %parallel_loop3A_678 = arith.addi %iota3A, %parallel_loop3A_677 : vector<16xi32>
        %parallel_loop3A_679 = arith.constant 0 : i32
        %parallel_loop3A_680 = tpu.memref_slice %arg7[%parallel_loop3A_661, %parallel_loop3A_679] : memref<256x64xf32, #tpu.memory_space<vmem>> -> memref<1x64xf32, #tpu.memory_space<vmem>>
        %parallel_loop3A_681 = tpu.memref_squeeze %parallel_loop3A_680 : memref<1x64xf32, #tpu.memory_space<vmem>> -> memref<64xf32, #tpu.memory_space<vmem>>
        %parallel_loop3A_682 = tpu.vector_load_idx %parallel_loop3A_681[%parallel_loop3A_678] : memref<64xf32, #tpu.memory_space<vmem>>[vector<16xi32>], vector<16xf32>,
        %parallel_loop3A_683 = arith.constant 16 : i32
        %parallel_loop3A_684 = vector.broadcast %parallel_loop3A_683 : i32 to vector<16xi32>
        %parallel_loop3A_685 = arith.addi %iota3A, %parallel_loop3A_684 : vector<16xi32>
        tpu.vector_store_idx %arg9[%parallel_loop3A_685, %parallel_loop3A_665], %parallel_loop3A_682 : memref<64x257xf32, #tpu.memory_space<vmem>>[vector<16xi32>, vector<16xi32>], vector<16xf32>,
        %parallel_loop3A_686 = arith.constant 32 : i32
        %parallel_loop3A_687 = vector.broadcast %parallel_loop3A_686 : i32 to vector<16xi32>
        %parallel_loop3A_688 = arith.addi %iota3A, %parallel_loop3A_687 : vector<16xi32>
        %parallel_loop3A_689 = arith.constant 0 : i32
        %parallel_loop3A_690 = tpu.memref_slice %arg7[%parallel_loop3A_661, %parallel_loop3A_689] : memref<256x64xf32, #tpu.memory_space<vmem>> -> memref<1x64xf32, #tpu.memory_space<vmem>>
        %parallel_loop3A_691 = tpu.memref_squeeze %parallel_loop3A_690 : memref<1x64xf32, #tpu.memory_space<vmem>> -> memref<64xf32, #tpu.memory_space<vmem>>
        %parallel_loop3A_692 = tpu.vector_load_idx %parallel_loop3A_691[%parallel_loop3A_688] : memref<64xf32, #tpu.memory_space<vmem>>[vector<16xi32>], vector<16xf32>,
        %parallel_loop3A_693 = arith.constant 32 : i32
        %parallel_loop3A_694 = vector.broadcast %parallel_loop3A_693 : i32 to vector<16xi32>
        %parallel_loop3A_695 = arith.addi %iota3A, %parallel_loop3A_694 : vector<16xi32>
        tpu.vector_store_idx %arg9[%parallel_loop3A_695, %parallel_loop3A_665], %parallel_loop3A_692 : memref<64x257xf32, #tpu.memory_space<vmem>>[vector<16xi32>, vector<16xi32>], vector<16xf32>,
        %parallel_loop3A_696 = arith.constant 48 : i32
        %parallel_loop3A_697 = vector.broadcast %parallel_loop3A_696 : i32 to vector<16xi32>
        %parallel_loop3A_698 = arith.addi %iota3A, %parallel_loop3A_697 : vector<16xi32>
        %parallel_loop3A_699 = arith.constant 0 : i32
        %parallel_loop3A_700 = tpu.memref_slice %arg7[%parallel_loop3A_661, %parallel_loop3A_699] : memref<256x64xf32, #tpu.memory_space<vmem>> -> memref<1x64xf32, #tpu.memory_space<vmem>>
        %parallel_loop3A_701 = tpu.memref_squeeze %parallel_loop3A_700 : memref<1x64xf32, #tpu.memory_space<vmem>> -> memref<64xf32, #tpu.memory_space<vmem>>
        %parallel_loop3A_702 = tpu.vector_load_idx %parallel_loop3A_701[%parallel_loop3A_698] : memref<64xf32, #tpu.memory_space<vmem>>[vector<16xi32>], vector<16xf32>,
        %parallel_loop3A_703 = arith.constant 48 : i32
        %parallel_loop3A_704 = vector.broadcast %parallel_loop3A_703 : i32 to vector<16xi32>
        %parallel_loop3A_705 = arith.addi %iota3A, %parallel_loop3A_704 : vector<16xi32>
        tpu.vector_store_idx %arg9[%parallel_loop3A_705, %parallel_loop3A_665], %parallel_loop3A_702 : memref<64x257xf32, #tpu.memory_space<vmem>>[vector<16xi32>, vector<16xi32>], vector<16xf32>,
        %parallel_loop3A_706 = arith.constant 16 : i32
        %parallel_loop3A_707 = arith.muli %parallel_loop3A_129, %parallel_loop3A_706 : i32
        %parallel_loop3A_708 = arith.constant 12 : i32
        %parallel_loop3A_709 = arith.addi %parallel_loop3A_707, %parallel_loop3A_708 : i32
        %parallel_loop3A_710 = arith.constant 0 : i32
        %parallel_loop3A_711 = vector.broadcast %parallel_loop3A_710 : i32 to vector<16xi32>
        %parallel_loop3A_712 = vector.broadcast %parallel_loop3A_709 : i32 to vector<16xi32>
        %parallel_loop3A_713 = arith.addi %parallel_loop3A_711, %parallel_loop3A_712 : vector<16xi32>
        %parallel_loop3A_714 = arith.constant 0 : i32
        %parallel_loop3A_715 = vector.broadcast %parallel_loop3A_714 : i32 to vector<16xi32>
        %parallel_loop3A_716 = arith.addi %iota3A, %parallel_loop3A_715 : vector<16xi32>
        %parallel_loop3A_717 = arith.constant 0 : i32
        %parallel_loop3A_718 = tpu.memref_slice %arg7[%parallel_loop3A_709, %parallel_loop3A_717] : memref<256x64xf32, #tpu.memory_space<vmem>> -> memref<1x64xf32, #tpu.memory_space<vmem>>
        %parallel_loop3A_719 = tpu.memref_squeeze %parallel_loop3A_718 : memref<1x64xf32, #tpu.memory_space<vmem>> -> memref<64xf32, #tpu.memory_space<vmem>>
        %parallel_loop3A_720 = tpu.vector_load_idx %parallel_loop3A_719[%parallel_loop3A_716] : memref<64xf32, #tpu.memory_space<vmem>>[vector<16xi32>], vector<16xf32>,
        %parallel_loop3A_721 = arith.constant 0 : i32
        %parallel_loop3A_722 = vector.broadcast %parallel_loop3A_721 : i32 to vector<16xi32>
        %parallel_loop3A_723 = arith.addi %iota3A, %parallel_loop3A_722 : vector<16xi32>
        tpu.vector_store_idx %arg9[%parallel_loop3A_723, %parallel_loop3A_713], %parallel_loop3A_720 : memref<64x257xf32, #tpu.memory_space<vmem>>[vector<16xi32>, vector<16xi32>], vector<16xf32>,
        %parallel_loop3A_724 = arith.constant 16 : i32
        %parallel_loop3A_725 = vector.broadcast %parallel_loop3A_724 : i32 to vector<16xi32>
        %parallel_loop3A_726 = arith.addi %iota3A, %parallel_loop3A_725 : vector<16xi32>
        %parallel_loop3A_727 = arith.constant 0 : i32
        %parallel_loop3A_728 = tpu.memref_slice %arg7[%parallel_loop3A_709, %parallel_loop3A_727] : memref<256x64xf32, #tpu.memory_space<vmem>> -> memref<1x64xf32, #tpu.memory_space<vmem>>
        %parallel_loop3A_729 = tpu.memref_squeeze %parallel_loop3A_728 : memref<1x64xf32, #tpu.memory_space<vmem>> -> memref<64xf32, #tpu.memory_space<vmem>>
        %parallel_loop3A_730 = tpu.vector_load_idx %parallel_loop3A_729[%parallel_loop3A_726] : memref<64xf32, #tpu.memory_space<vmem>>[vector<16xi32>], vector<16xf32>,
        %parallel_loop3A_731 = arith.constant 16 : i32
        %parallel_loop3A_732 = vector.broadcast %parallel_loop3A_731 : i32 to vector<16xi32>
        %parallel_loop3A_733 = arith.addi %iota3A, %parallel_loop3A_732 : vector<16xi32>
        tpu.vector_store_idx %arg9[%parallel_loop3A_733, %parallel_loop3A_713], %parallel_loop3A_730 : memref<64x257xf32, #tpu.memory_space<vmem>>[vector<16xi32>, vector<16xi32>], vector<16xf32>,
        %parallel_loop3A_734 = arith.constant 32 : i32
        %parallel_loop3A_735 = vector.broadcast %parallel_loop3A_734 : i32 to vector<16xi32>
        %parallel_loop3A_736 = arith.addi %iota3A, %parallel_loop3A_735 : vector<16xi32>
        %parallel_loop3A_737 = arith.constant 0 : i32
        %parallel_loop3A_738 = tpu.memref_slice %arg7[%parallel_loop3A_709, %parallel_loop3A_737] : memref<256x64xf32, #tpu.memory_space<vmem>> -> memref<1x64xf32, #tpu.memory_space<vmem>>
        %parallel_loop3A_739 = tpu.memref_squeeze %parallel_loop3A_738 : memref<1x64xf32, #tpu.memory_space<vmem>> -> memref<64xf32, #tpu.memory_space<vmem>>
        %parallel_loop3A_740 = tpu.vector_load_idx %parallel_loop3A_739[%parallel_loop3A_736] : memref<64xf32, #tpu.memory_space<vmem>>[vector<16xi32>], vector<16xf32>,
        %parallel_loop3A_741 = arith.constant 32 : i32
        %parallel_loop3A_742 = vector.broadcast %parallel_loop3A_741 : i32 to vector<16xi32>
        %parallel_loop3A_743 = arith.addi %iota3A, %parallel_loop3A_742 : vector<16xi32>
        tpu.vector_store_idx %arg9[%parallel_loop3A_743, %parallel_loop3A_713], %parallel_loop3A_740 : memref<64x257xf32, #tpu.memory_space<vmem>>[vector<16xi32>, vector<16xi32>], vector<16xf32>,
        %parallel_loop3A_744 = arith.constant 48 : i32
        %parallel_loop3A_745 = vector.broadcast %parallel_loop3A_744 : i32 to vector<16xi32>
        %parallel_loop3A_746 = arith.addi %iota3A, %parallel_loop3A_745 : vector<16xi32>
        %parallel_loop3A_747 = arith.constant 0 : i32
        %parallel_loop3A_748 = tpu.memref_slice %arg7[%parallel_loop3A_709, %parallel_loop3A_747] : memref<256x64xf32, #tpu.memory_space<vmem>> -> memref<1x64xf32, #tpu.memory_space<vmem>>
        %parallel_loop3A_749 = tpu.memref_squeeze %parallel_loop3A_748 : memref<1x64xf32, #tpu.memory_space<vmem>> -> memref<64xf32, #tpu.memory_space<vmem>>
        %parallel_loop3A_750 = tpu.vector_load_idx %parallel_loop3A_749[%parallel_loop3A_746] : memref<64xf32, #tpu.memory_space<vmem>>[vector<16xi32>], vector<16xf32>,
        %parallel_loop3A_751 = arith.constant 48 : i32
        %parallel_loop3A_752 = vector.broadcast %parallel_loop3A_751 : i32 to vector<16xi32>
        %parallel_loop3A_753 = arith.addi %iota3A, %parallel_loop3A_752 : vector<16xi32>
        tpu.vector_store_idx %arg9[%parallel_loop3A_753, %parallel_loop3A_713], %parallel_loop3A_750 : memref<64x257xf32, #tpu.memory_space<vmem>>[vector<16xi32>, vector<16xi32>], vector<16xf32>,
        %parallel_loop3A_754 = arith.constant 16 : i32
        %parallel_loop3A_755 = arith.muli %parallel_loop3A_129, %parallel_loop3A_754 : i32
        %parallel_loop3A_756 = arith.constant 13 : i32
        %parallel_loop3A_757 = arith.addi %parallel_loop3A_755, %parallel_loop3A_756 : i32
        %parallel_loop3A_758 = arith.constant 0 : i32
        %parallel_loop3A_759 = vector.broadcast %parallel_loop3A_758 : i32 to vector<16xi32>
        %parallel_loop3A_760 = vector.broadcast %parallel_loop3A_757 : i32 to vector<16xi32>
        %parallel_loop3A_761 = arith.addi %parallel_loop3A_759, %parallel_loop3A_760 : vector<16xi32>
        %parallel_loop3A_762 = arith.constant 0 : i32
        %parallel_loop3A_763 = vector.broadcast %parallel_loop3A_762 : i32 to vector<16xi32>
        %parallel_loop3A_764 = arith.addi %iota3A, %parallel_loop3A_763 : vector<16xi32>
        %parallel_loop3A_765 = arith.constant 0 : i32
        %parallel_loop3A_766 = tpu.memref_slice %arg7[%parallel_loop3A_757, %parallel_loop3A_765] : memref<256x64xf32, #tpu.memory_space<vmem>> -> memref<1x64xf32, #tpu.memory_space<vmem>>
        %parallel_loop3A_767 = tpu.memref_squeeze %parallel_loop3A_766 : memref<1x64xf32, #tpu.memory_space<vmem>> -> memref<64xf32, #tpu.memory_space<vmem>>
        %parallel_loop3A_768 = tpu.vector_load_idx %parallel_loop3A_767[%parallel_loop3A_764] : memref<64xf32, #tpu.memory_space<vmem>>[vector<16xi32>], vector<16xf32>,
        %parallel_loop3A_769 = arith.constant 0 : i32
        %parallel_loop3A_770 = vector.broadcast %parallel_loop3A_769 : i32 to vector<16xi32>
        %parallel_loop3A_771 = arith.addi %iota3A, %parallel_loop3A_770 : vector<16xi32>
        tpu.vector_store_idx %arg9[%parallel_loop3A_771, %parallel_loop3A_761], %parallel_loop3A_768 : memref<64x257xf32, #tpu.memory_space<vmem>>[vector<16xi32>, vector<16xi32>], vector<16xf32>,
        %parallel_loop3A_772 = arith.constant 16 : i32
        %parallel_loop3A_773 = vector.broadcast %parallel_loop3A_772 : i32 to vector<16xi32>
        %parallel_loop3A_774 = arith.addi %iota3A, %parallel_loop3A_773 : vector<16xi32>
        %parallel_loop3A_775 = arith.constant 0 : i32
        %parallel_loop3A_776 = tpu.memref_slice %arg7[%parallel_loop3A_757, %parallel_loop3A_775] : memref<256x64xf32, #tpu.memory_space<vmem>> -> memref<1x64xf32, #tpu.memory_space<vmem>>
        %parallel_loop3A_777 = tpu.memref_squeeze %parallel_loop3A_776 : memref<1x64xf32, #tpu.memory_space<vmem>> -> memref<64xf32, #tpu.memory_space<vmem>>
        %parallel_loop3A_778 = tpu.vector_load_idx %parallel_loop3A_777[%parallel_loop3A_774] : memref<64xf32, #tpu.memory_space<vmem>>[vector<16xi32>], vector<16xf32>,
        %parallel_loop3A_779 = arith.constant 16 : i32
        %parallel_loop3A_780 = vector.broadcast %parallel_loop3A_779 : i32 to vector<16xi32>
        %parallel_loop3A_781 = arith.addi %iota3A, %parallel_loop3A_780 : vector<16xi32>
        tpu.vector_store_idx %arg9[%parallel_loop3A_781, %parallel_loop3A_761], %parallel_loop3A_778 : memref<64x257xf32, #tpu.memory_space<vmem>>[vector<16xi32>, vector<16xi32>], vector<16xf32>,
        %parallel_loop3A_782 = arith.constant 32 : i32
        %parallel_loop3A_783 = vector.broadcast %parallel_loop3A_782 : i32 to vector<16xi32>
        %parallel_loop3A_784 = arith.addi %iota3A, %parallel_loop3A_783 : vector<16xi32>
        %parallel_loop3A_785 = arith.constant 0 : i32
        %parallel_loop3A_786 = tpu.memref_slice %arg7[%parallel_loop3A_757, %parallel_loop3A_785] : memref<256x64xf32, #tpu.memory_space<vmem>> -> memref<1x64xf32, #tpu.memory_space<vmem>>
        %parallel_loop3A_787 = tpu.memref_squeeze %parallel_loop3A_786 : memref<1x64xf32, #tpu.memory_space<vmem>> -> memref<64xf32, #tpu.memory_space<vmem>>
        %parallel_loop3A_788 = tpu.vector_load_idx %parallel_loop3A_787[%parallel_loop3A_784] : memref<64xf32, #tpu.memory_space<vmem>>[vector<16xi32>], vector<16xf32>,
        %parallel_loop3A_789 = arith.constant 32 : i32
        %parallel_loop3A_790 = vector.broadcast %parallel_loop3A_789 : i32 to vector<16xi32>
        %parallel_loop3A_791 = arith.addi %iota3A, %parallel_loop3A_790 : vector<16xi32>
        tpu.vector_store_idx %arg9[%parallel_loop3A_791, %parallel_loop3A_761], %parallel_loop3A_788 : memref<64x257xf32, #tpu.memory_space<vmem>>[vector<16xi32>, vector<16xi32>], vector<16xf32>,
        %parallel_loop3A_792 = arith.constant 48 : i32
        %parallel_loop3A_793 = vector.broadcast %parallel_loop3A_792 : i32 to vector<16xi32>
        %parallel_loop3A_794 = arith.addi %iota3A, %parallel_loop3A_793 : vector<16xi32>
        %parallel_loop3A_795 = arith.constant 0 : i32
        %parallel_loop3A_796 = tpu.memref_slice %arg7[%parallel_loop3A_757, %parallel_loop3A_795] : memref<256x64xf32, #tpu.memory_space<vmem>> -> memref<1x64xf32, #tpu.memory_space<vmem>>
        %parallel_loop3A_797 = tpu.memref_squeeze %parallel_loop3A_796 : memref<1x64xf32, #tpu.memory_space<vmem>> -> memref<64xf32, #tpu.memory_space<vmem>>
        %parallel_loop3A_798 = tpu.vector_load_idx %parallel_loop3A_797[%parallel_loop3A_794] : memref<64xf32, #tpu.memory_space<vmem>>[vector<16xi32>], vector<16xf32>,
        %parallel_loop3A_799 = arith.constant 48 : i32
        %parallel_loop3A_800 = vector.broadcast %parallel_loop3A_799 : i32 to vector<16xi32>
        %parallel_loop3A_801 = arith.addi %iota3A, %parallel_loop3A_800 : vector<16xi32>
        tpu.vector_store_idx %arg9[%parallel_loop3A_801, %parallel_loop3A_761], %parallel_loop3A_798 : memref<64x257xf32, #tpu.memory_space<vmem>>[vector<16xi32>, vector<16xi32>], vector<16xf32>,
        %parallel_loop3A_802 = arith.constant 16 : i32
        %parallel_loop3A_803 = arith.muli %parallel_loop3A_129, %parallel_loop3A_802 : i32
        %parallel_loop3A_804 = arith.constant 14 : i32
        %parallel_loop3A_805 = arith.addi %parallel_loop3A_803, %parallel_loop3A_804 : i32
        %parallel_loop3A_806 = arith.constant 0 : i32
        %parallel_loop3A_807 = vector.broadcast %parallel_loop3A_806 : i32 to vector<16xi32>
        %parallel_loop3A_808 = vector.broadcast %parallel_loop3A_805 : i32 to vector<16xi32>
        %parallel_loop3A_809 = arith.addi %parallel_loop3A_807, %parallel_loop3A_808 : vector<16xi32>
        %parallel_loop3A_810 = arith.constant 0 : i32
        %parallel_loop3A_811 = vector.broadcast %parallel_loop3A_810 : i32 to vector<16xi32>
        %parallel_loop3A_812 = arith.addi %iota3A, %parallel_loop3A_811 : vector<16xi32>
        %parallel_loop3A_813 = arith.constant 0 : i32
        %parallel_loop3A_814 = tpu.memref_slice %arg7[%parallel_loop3A_805, %parallel_loop3A_813] : memref<256x64xf32, #tpu.memory_space<vmem>> -> memref<1x64xf32, #tpu.memory_space<vmem>>
        %parallel_loop3A_815 = tpu.memref_squeeze %parallel_loop3A_814 : memref<1x64xf32, #tpu.memory_space<vmem>> -> memref<64xf32, #tpu.memory_space<vmem>>
        %parallel_loop3A_816 = tpu.vector_load_idx %parallel_loop3A_815[%parallel_loop3A_812] : memref<64xf32, #tpu.memory_space<vmem>>[vector<16xi32>], vector<16xf32>,
        %parallel_loop3A_817 = arith.constant 0 : i32
        %parallel_loop3A_818 = vector.broadcast %parallel_loop3A_817 : i32 to vector<16xi32>
        %parallel_loop3A_819 = arith.addi %iota3A, %parallel_loop3A_818 : vector<16xi32>
        tpu.vector_store_idx %arg9[%parallel_loop3A_819, %parallel_loop3A_809], %parallel_loop3A_816 : memref<64x257xf32, #tpu.memory_space<vmem>>[vector<16xi32>, vector<16xi32>], vector<16xf32>,
        %parallel_loop3A_820 = arith.constant 16 : i32
        %parallel_loop3A_821 = vector.broadcast %parallel_loop3A_820 : i32 to vector<16xi32>
        %parallel_loop3A_822 = arith.addi %iota3A, %parallel_loop3A_821 : vector<16xi32>
        %parallel_loop3A_823 = arith.constant 0 : i32
        %parallel_loop3A_824 = tpu.memref_slice %arg7[%parallel_loop3A_805, %parallel_loop3A_823] : memref<256x64xf32, #tpu.memory_space<vmem>> -> memref<1x64xf32, #tpu.memory_space<vmem>>
        %parallel_loop3A_825 = tpu.memref_squeeze %parallel_loop3A_824 : memref<1x64xf32, #tpu.memory_space<vmem>> -> memref<64xf32, #tpu.memory_space<vmem>>
        %parallel_loop3A_826 = tpu.vector_load_idx %parallel_loop3A_825[%parallel_loop3A_822] : memref<64xf32, #tpu.memory_space<vmem>>[vector<16xi32>], vector<16xf32>,
        %parallel_loop3A_827 = arith.constant 16 : i32
        %parallel_loop3A_828 = vector.broadcast %parallel_loop3A_827 : i32 to vector<16xi32>
        %parallel_loop3A_829 = arith.addi %iota3A, %parallel_loop3A_828 : vector<16xi32>
        tpu.vector_store_idx %arg9[%parallel_loop3A_829, %parallel_loop3A_809], %parallel_loop3A_826 : memref<64x257xf32, #tpu.memory_space<vmem>>[vector<16xi32>, vector<16xi32>], vector<16xf32>,
        %parallel_loop3A_830 = arith.constant 32 : i32
        %parallel_loop3A_831 = vector.broadcast %parallel_loop3A_830 : i32 to vector<16xi32>
        %parallel_loop3A_832 = arith.addi %iota3A, %parallel_loop3A_831 : vector<16xi32>
        %parallel_loop3A_833 = arith.constant 0 : i32
        %parallel_loop3A_834 = tpu.memref_slice %arg7[%parallel_loop3A_805, %parallel_loop3A_833] : memref<256x64xf32, #tpu.memory_space<vmem>> -> memref<1x64xf32, #tpu.memory_space<vmem>>
        %parallel_loop3A_835 = tpu.memref_squeeze %parallel_loop3A_834 : memref<1x64xf32, #tpu.memory_space<vmem>> -> memref<64xf32, #tpu.memory_space<vmem>>
        %parallel_loop3A_836 = tpu.vector_load_idx %parallel_loop3A_835[%parallel_loop3A_832] : memref<64xf32, #tpu.memory_space<vmem>>[vector<16xi32>], vector<16xf32>,
        %parallel_loop3A_837 = arith.constant 32 : i32
        %parallel_loop3A_838 = vector.broadcast %parallel_loop3A_837 : i32 to vector<16xi32>
        %parallel_loop3A_839 = arith.addi %iota3A, %parallel_loop3A_838 : vector<16xi32>
        tpu.vector_store_idx %arg9[%parallel_loop3A_839, %parallel_loop3A_809], %parallel_loop3A_836 : memref<64x257xf32, #tpu.memory_space<vmem>>[vector<16xi32>, vector<16xi32>], vector<16xf32>,
        %parallel_loop3A_840 = arith.constant 48 : i32
        %parallel_loop3A_841 = vector.broadcast %parallel_loop3A_840 : i32 to vector<16xi32>
        %parallel_loop3A_842 = arith.addi %iota3A, %parallel_loop3A_841 : vector<16xi32>
        %parallel_loop3A_843 = arith.constant 0 : i32
        %parallel_loop3A_844 = tpu.memref_slice %arg7[%parallel_loop3A_805, %parallel_loop3A_843] : memref<256x64xf32, #tpu.memory_space<vmem>> -> memref<1x64xf32, #tpu.memory_space<vmem>>
        %parallel_loop3A_845 = tpu.memref_squeeze %parallel_loop3A_844 : memref<1x64xf32, #tpu.memory_space<vmem>> -> memref<64xf32, #tpu.memory_space<vmem>>
        %parallel_loop3A_846 = tpu.vector_load_idx %parallel_loop3A_845[%parallel_loop3A_842] : memref<64xf32, #tpu.memory_space<vmem>>[vector<16xi32>], vector<16xf32>,
        %parallel_loop3A_847 = arith.constant 48 : i32
        %parallel_loop3A_848 = vector.broadcast %parallel_loop3A_847 : i32 to vector<16xi32>
        %parallel_loop3A_849 = arith.addi %iota3A, %parallel_loop3A_848 : vector<16xi32>
        tpu.vector_store_idx %arg9[%parallel_loop3A_849, %parallel_loop3A_809], %parallel_loop3A_846 : memref<64x257xf32, #tpu.memory_space<vmem>>[vector<16xi32>, vector<16xi32>], vector<16xf32>,
        %parallel_loop3A_850 = arith.constant 16 : i32
        %parallel_loop3A_851 = arith.muli %parallel_loop3A_129, %parallel_loop3A_850 : i32
        %parallel_loop3A_852 = arith.constant 15 : i32
        %parallel_loop3A_853 = arith.addi %parallel_loop3A_851, %parallel_loop3A_852 : i32
        %parallel_loop3A_854 = arith.constant 0 : i32
        %parallel_loop3A_855 = vector.broadcast %parallel_loop3A_854 : i32 to vector<16xi32>
        %parallel_loop3A_856 = vector.broadcast %parallel_loop3A_853 : i32 to vector<16xi32>
        %parallel_loop3A_857 = arith.addi %parallel_loop3A_855, %parallel_loop3A_856 : vector<16xi32>
        %parallel_loop3A_858 = arith.constant 0 : i32
        %parallel_loop3A_859 = vector.broadcast %parallel_loop3A_858 : i32 to vector<16xi32>
        %parallel_loop3A_860 = arith.addi %iota3A, %parallel_loop3A_859 : vector<16xi32>
        %parallel_loop3A_861 = arith.constant 0 : i32
        %parallel_loop3A_862 = tpu.memref_slice %arg7[%parallel_loop3A_853, %parallel_loop3A_861] : memref<256x64xf32, #tpu.memory_space<vmem>> -> memref<1x64xf32, #tpu.memory_space<vmem>>
        %parallel_loop3A_863 = tpu.memref_squeeze %parallel_loop3A_862 : memref<1x64xf32, #tpu.memory_space<vmem>> -> memref<64xf32, #tpu.memory_space<vmem>>
        %parallel_loop3A_864 = tpu.vector_load_idx %parallel_loop3A_863[%parallel_loop3A_860] : memref<64xf32, #tpu.memory_space<vmem>>[vector<16xi32>], vector<16xf32>,
        %parallel_loop3A_865 = arith.constant 0 : i32
        %parallel_loop3A_866 = vector.broadcast %parallel_loop3A_865 : i32 to vector<16xi32>
        %parallel_loop3A_867 = arith.addi %iota3A, %parallel_loop3A_866 : vector<16xi32>
        tpu.vector_store_idx %arg9[%parallel_loop3A_867, %parallel_loop3A_857], %parallel_loop3A_864 : memref<64x257xf32, #tpu.memory_space<vmem>>[vector<16xi32>, vector<16xi32>], vector<16xf32>,
        %parallel_loop3A_868 = arith.constant 16 : i32
        %parallel_loop3A_869 = vector.broadcast %parallel_loop3A_868 : i32 to vector<16xi32>
        %parallel_loop3A_870 = arith.addi %iota3A, %parallel_loop3A_869 : vector<16xi32>
        %parallel_loop3A_871 = arith.constant 0 : i32
        %parallel_loop3A_872 = tpu.memref_slice %arg7[%parallel_loop3A_853, %parallel_loop3A_871] : memref<256x64xf32, #tpu.memory_space<vmem>> -> memref<1x64xf32, #tpu.memory_space<vmem>>
        %parallel_loop3A_873 = tpu.memref_squeeze %parallel_loop3A_872 : memref<1x64xf32, #tpu.memory_space<vmem>> -> memref<64xf32, #tpu.memory_space<vmem>>
        %parallel_loop3A_874 = tpu.vector_load_idx %parallel_loop3A_873[%parallel_loop3A_870] : memref<64xf32, #tpu.memory_space<vmem>>[vector<16xi32>], vector<16xf32>,
        %parallel_loop3A_875 = arith.constant 16 : i32
        %parallel_loop3A_876 = vector.broadcast %parallel_loop3A_875 : i32 to vector<16xi32>
        %parallel_loop3A_877 = arith.addi %iota3A, %parallel_loop3A_876 : vector<16xi32>
        tpu.vector_store_idx %arg9[%parallel_loop3A_877, %parallel_loop3A_857], %parallel_loop3A_874 : memref<64x257xf32, #tpu.memory_space<vmem>>[vector<16xi32>, vector<16xi32>], vector<16xf32>,
        %parallel_loop3A_878 = arith.constant 32 : i32
        %parallel_loop3A_879 = vector.broadcast %parallel_loop3A_878 : i32 to vector<16xi32>
        %parallel_loop3A_880 = arith.addi %iota3A, %parallel_loop3A_879 : vector<16xi32>
        %parallel_loop3A_881 = arith.constant 0 : i32
        %parallel_loop3A_882 = tpu.memref_slice %arg7[%parallel_loop3A_853, %parallel_loop3A_881] : memref<256x64xf32, #tpu.memory_space<vmem>> -> memref<1x64xf32, #tpu.memory_space<vmem>>
        %parallel_loop3A_883 = tpu.memref_squeeze %parallel_loop3A_882 : memref<1x64xf32, #tpu.memory_space<vmem>> -> memref<64xf32, #tpu.memory_space<vmem>>
        %parallel_loop3A_884 = tpu.vector_load_idx %parallel_loop3A_883[%parallel_loop3A_880] : memref<64xf32, #tpu.memory_space<vmem>>[vector<16xi32>], vector<16xf32>,
        %parallel_loop3A_885 = arith.constant 32 : i32
        %parallel_loop3A_886 = vector.broadcast %parallel_loop3A_885 : i32 to vector<16xi32>
        %parallel_loop3A_887 = arith.addi %iota3A, %parallel_loop3A_886 : vector<16xi32>
        tpu.vector_store_idx %arg9[%parallel_loop3A_887, %parallel_loop3A_857], %parallel_loop3A_884 : memref<64x257xf32, #tpu.memory_space<vmem>>[vector<16xi32>, vector<16xi32>], vector<16xf32>,
        %parallel_loop3A_888 = arith.constant 48 : i32
        %parallel_loop3A_889 = vector.broadcast %parallel_loop3A_888 : i32 to vector<16xi32>
        %parallel_loop3A_890 = arith.addi %iota3A, %parallel_loop3A_889 : vector<16xi32>
        %parallel_loop3A_891 = arith.constant 0 : i32
        %parallel_loop3A_892 = tpu.memref_slice %arg7[%parallel_loop3A_853, %parallel_loop3A_891] : memref<256x64xf32, #tpu.memory_space<vmem>> -> memref<1x64xf32, #tpu.memory_space<vmem>>
        %parallel_loop3A_893 = tpu.memref_squeeze %parallel_loop3A_892 : memref<1x64xf32, #tpu.memory_space<vmem>> -> memref<64xf32, #tpu.memory_space<vmem>>
        %parallel_loop3A_894 = tpu.vector_load_idx %parallel_loop3A_893[%parallel_loop3A_890] : memref<64xf32, #tpu.memory_space<vmem>>[vector<16xi32>], vector<16xf32>,
        %parallel_loop3A_895 = arith.constant 48 : i32
        %parallel_loop3A_896 = vector.broadcast %parallel_loop3A_895 : i32 to vector<16xi32>
        %parallel_loop3A_897 = arith.addi %iota3A, %parallel_loop3A_896 : vector<16xi32>
        tpu.vector_store_idx %arg9[%parallel_loop3A_897, %parallel_loop3A_857], %parallel_loop3A_894 : memref<64x257xf32, #tpu.memory_space<vmem>>[vector<16xi32>, vector<16xi32>], vector<16xf32>,
      } {sc.loop_unroll_factor = 1 : i64, sc.parallel_access}
      %shift_right_arithmetic3A_68 = arith.constant 4 : i32
      %shift_right_arithmetic3A_69 = arith.shrsi %add3A_60, %shift_right_arithmetic3A_68 : i32
      %and3A_70 = arith.constant 15 : i32
      %and3A_71 = arith.andi %add3A_60, %and3A_70 : i32
      %mul3A_72 = arith.constant 256 : i32
      %mul3A_73 = arith.muli %and3A_71, %mul3A_72 : i32
      %mul3A_74 = arith.constant 64 : i32
      %mul3A_75 = arith.muli %shift_right_arithmetic3A_69, %mul3A_74 : i32
      %dma_start3A_76 = arith.constant 0 : i32
      %dma_start3A_77 = arith.constant 0 : i32
      %dma_start3A_78 = tpu.memref_slice %arg9[%dma_start3A_76, %dma_start3A_77] : memref<64x257xf32, #tpu.memory_space<vmem>> -> memref<64x256xf32, #tpu.memory_space<vmem>>
      %dma_start3A_79 = tpu.memref_slice %arg4[%mul3A_75, %mul3A_73] : memref<12800x4096xf32, #tpu.memory_space<hbm>> -> memref<64x256xf32, #tpu.memory_space<hbm>>
      %dma_start3A_80 = tpu.memref_slice %arg4[%mul3A_75, %mul3A_73] : memref<12800x4096xf32, #tpu.memory_space<hbm>> -> memref<64x256xf32, #tpu.memory_space<hbm>>
      %dma_start3A_81 = arith.constant 0 : i32
      %dma_start3A_82 = arith.constant 0 : i32
      %dma_start3A_83 = tpu.memref_slice %arg9[%dma_start3A_81, %dma_start3A_82] : memref<64x257xf32, #tpu.memory_space<vmem>> -> memref<64x256xf32, #tpu.memory_space<vmem>>
      tpu.enqueue_dma source(%dma_start3A_83 : memref<64x256xf32, #tpu.memory_space<vmem>>) target(%dma_start3A_80 : memref<64x256xf32, #tpu.memory_space<hbm>>) target_semaphore(%arg13 : memref<!tpu.dma_semaphore, #tpu.memory_space<semaphore_mem>>)
      %add3A_84 = arith.constant 2 : i32
      %add3A_85 = arith.addi %add3A_59, %add3A_84 : i32
      %lt3A = arith.constant 100 : i32
      %lt3A_86 = arith.cmpi slt, %add3A_85, %lt3A : i32
      %convert_element_type3A_87 = arith.extui %lt3A_86 : i1 to i32
      %cond3A_88 = arith.constant 0 : i32
      %cond3A_89 = arith.cmpi ne, %convert_element_type3A_87, %cond3A_88 : i32
      scf.if %cond3A_89 {
        %add3A_129 = arith.constant 2 : i32
        %add3A_130 = arith.addi %add3A_60, %add3A_129 : i32
        %mul3A_131 = arith.constant 256 : i32
        %mul3A_132 = arith.muli %add3A_130, %mul3A_131 : i32
        "tpu.region"() ({
          %run_scoped3A = tpu.sem_alloc : memref<!tpu.dma_semaphore, #tpu.memory_space<semaphore_mem>>
          %dma_start3A_136 = tpu.memref_slice %arg3[%mul3A_132] : memref<819200xi32, #tpu.memory_space<hbm>> -> memref<256xi32, #tpu.memory_space<hbm>>
          %dma_start3A_137 = tpu.memref_slice %arg3[%mul3A_132] : memref<819200xi32, #tpu.memory_space<hbm>> -> memref<256xi32, #tpu.memory_space<hbm>>
          tpu.enqueue_dma source(%dma_start3A_137 : memref<256xi32, #tpu.memory_space<hbm>>) target(%arg5 : memref<256xi32, #tpu.memory_space<vmem>>) target_semaphore(%run_scoped3A : memref<!tpu.dma_semaphore, #tpu.memory_space<semaphore_mem>>)
          %dma_wait3A_138 = tpu.memref_slice %arg3[%mul3A_132] : memref<819200xi32, #tpu.memory_space<hbm>> -> memref<256xi32, #tpu.memory_space<hbm>>
          %dma_wait3A_139 = tpu.memref_slice %arg3[%mul3A_132] : memref<819200xi32, #tpu.memory_space<hbm>> -> memref<256xi32, #tpu.memory_space<hbm>>
          tpu.wait_dma2 semaphore(%run_scoped3A : memref<!tpu.dma_semaphore, #tpu.memory_space<semaphore_mem>>) src(%dma_wait3A_139 : memref<256xi32, #tpu.memory_space<hbm>>) dst(%arg5 : memref<256xi32, #tpu.memory_space<vmem>>)
          tpu.yield
        }) : () -> ()
        %dma_start3A_133 = arith.constant 0 : i32
        %dma_start3A_134 = arith.constant 0 : i32
        %dma_start3A_135 = tpu.memref_slice %arg2[%dma_start3A_133, %dma_start3A_134] : memref<1000000x64xf32, #tpu.memory_space<hbm>> -> memref<1000000x64xf32, #tpu.memory_space<hbm>>
        tpu.enqueue_indirect_dma source(%dma_start3A_135 : memref<1000000x64xf32, #tpu.memory_space<hbm>>) target(%arg7 : memref<256x64xf32, #tpu.memory_space<vmem>>) offsets(%arg5 : memref<256xi32, #tpu.memory_space<vmem>>) semaphore(%arg11 : memref<!tpu.dma_semaphore, #tpu.memory_space<semaphore_mem>>)
      } else {
      }
      %mul3A_90 = arith.constant 2 : i32
      %mul3A_91 = arith.muli %mul3A_90, %scan3A_55 : i32
      %add3A_92 = arith.constant 1 : i32
      %add3A_93 = arith.addi %mul3A_91, %add3A_92 : i32
      %add3A_94 = arith.addi %mul3A_2, %add3A_93 : i32
      %dma_wait3A_95 = arith.constant 0 : i32
      %dma_wait3A_96 = arith.constant 0 : i32
      %dma_wait3A_97 = tpu.memref_slice %arg2[%dma_wait3A_95, %dma_wait3A_96] : memref<1000000x64xf32, #tpu.memory_space<hbm>> -> memref<1000000x64xf32, #tpu.memory_space<hbm>>
      tpu.wait_indirect_dma semaphore(%arg12 : memref<!tpu.dma_semaphore, #tpu.memory_space<semaphore_mem>>) src(%dma_wait3A_97 : memref<1000000x64xf32, #tpu.memory_space<hbm>>) dst(%arg8 : memref<256x64xf32, #tpu.memory_space<vmem>>)
      %ge3A_98 = arith.constant 2 : i32
      %ge3A_99 = arith.cmpi sge, %add3A_93, %ge3A_98 : i32
      %convert_element_type3A_100 = arith.extui %ge3A_99 : i1 to i32
      %cond3A_101 = arith.constant 0 : i32
      %cond3A_102 = arith.cmpi ne, %convert_element_type3A_100, %cond3A_101 : i32
      scf.if %cond3A_102 {
        %sub3A_129 = arith.constant 2 : i32
        %sub3A_130 = arith.subi %add3A_94, %sub3A_129 : i32
        %shift_right_arithmetic3A_131 = arith.constant 4 : i32
        %shift_right_arithmetic3A_132 = arith.shrsi %sub3A_130, %shift_right_arithmetic3A_131 : i32
        %and3A_133 = arith.constant 15 : i32
        %and3A_134 = arith.andi %sub3A_130, %and3A_133 : i32
        %mul3A_135 = arith.constant 256 : i32
        %mul3A_136 = arith.muli %and3A_134, %mul3A_135 : i32
        %mul3A_137 = arith.constant 64 : i32
        %mul3A_138 = arith.muli %shift_right_arithmetic3A_132, %mul3A_137 : i32
        %dma_wait3A_139 = arith.constant 0 : i32
        %dma_wait3A_140 = arith.constant 0 : i32
        %dma_wait3A_141 = tpu.memref_slice %arg10[%dma_wait3A_139, %dma_wait3A_140] : memref<64x257xf32, #tpu.memory_space<vmem>> -> memref<64x256xf32, #tpu.memory_space<vmem>>
        %dma_wait3A_142 = tpu.memref_slice %arg4[%mul3A_138, %mul3A_136] : memref<12800x4096xf32, #tpu.memory_space<hbm>> -> memref<64x256xf32, #tpu.memory_space<hbm>>
        %dma_wait3A_143 = tpu.memref_slice %arg4[%mul3A_138, %mul3A_136] : memref<12800x4096xf32, #tpu.memory_space<hbm>> -> memref<64x256xf32, #tpu.memory_space<hbm>>
        %dma_wait3A_144 = arith.constant 0 : i32
        %dma_wait3A_145 = arith.constant 0 : i32
        %dma_wait3A_146 = tpu.memref_slice %arg10[%dma_wait3A_144, %dma_wait3A_145] : memref<64x257xf32, #tpu.memory_space<vmem>> -> memref<64x256xf32, #tpu.memory_space<vmem>>
        tpu.wait_dma2 semaphore(%arg14 : memref<!tpu.dma_semaphore, #tpu.memory_space<semaphore_mem>>) src(%dma_wait3A_146 : memref<64x256xf32, #tpu.memory_space<vmem>>) dst(%dma_wait3A_143 : memref<64x256xf32, #tpu.memory_space<hbm>>)
      } else {
      }
      %parallel_loop3A_103 = arith.constant 0 : i32
      %parallel_loop3A_104 = arith.constant 16 : i32
      %parallel_loop3A_105 = arith.constant 1 : i32
      scf.for %parallel_loop3A_129 = %parallel_loop3A_103 to %parallel_loop3A_104 step %parallel_loop3A_105  : i32 {
        %parallel_loop3A_130 = arith.constant 16 : i32
        %parallel_loop3A_131 = arith.muli %parallel_loop3A_129, %parallel_loop3A_130 : i32
        %parallel_loop3A_132 = arith.constant 0 : i32
        %parallel_loop3A_133 = arith.addi %parallel_loop3A_131, %parallel_loop3A_132 : i32
        %parallel_loop3A_134 = arith.constant 0 : i32
        %parallel_loop3A_135 = vector.broadcast %parallel_loop3A_134 : i32 to vector<16xi32>
        %parallel_loop3A_136 = vector.broadcast %parallel_loop3A_133 : i32 to vector<16xi32>
        %parallel_loop3A_137 = arith.addi %parallel_loop3A_135, %parallel_loop3A_136 : vector<16xi32>
        %parallel_loop3A_138 = arith.constant 0 : i32
        %parallel_loop3A_139 = vector.broadcast %parallel_loop3A_138 : i32 to vector<16xi32>
        %parallel_loop3A_140 = arith.addi %iota3A, %parallel_loop3A_139 : vector<16xi32>
        %parallel_loop3A_141 = arith.constant 0 : i32
        %parallel_loop3A_142 = tpu.memref_slice %arg8[%parallel_loop3A_133, %parallel_loop3A_141] : memref<256x64xf32, #tpu.memory_space<vmem>> -> memref<1x64xf32, #tpu.memory_space<vmem>>
        %parallel_loop3A_143 = tpu.memref_squeeze %parallel_loop3A_142 : memref<1x64xf32, #tpu.memory_space<vmem>> -> memref<64xf32, #tpu.memory_space<vmem>>
        %parallel_loop3A_144 = tpu.vector_load_idx %parallel_loop3A_143[%parallel_loop3A_140] : memref<64xf32, #tpu.memory_space<vmem>>[vector<16xi32>], vector<16xf32>,
        %parallel_loop3A_145 = arith.constant 0 : i32
        %parallel_loop3A_146 = vector.broadcast %parallel_loop3A_145 : i32 to vector<16xi32>
        %parallel_loop3A_147 = arith.addi %iota3A, %parallel_loop3A_146 : vector<16xi32>
        tpu.vector_store_idx %arg10[%parallel_loop3A_147, %parallel_loop3A_137], %parallel_loop3A_144 : memref<64x257xf32, #tpu.memory_space<vmem>>[vector<16xi32>, vector<16xi32>], vector<16xf32>,
        %parallel_loop3A_148 = arith.constant 16 : i32
        %parallel_loop3A_149 = vector.broadcast %parallel_loop3A_148 : i32 to vector<16xi32>
        %parallel_loop3A_150 = arith.addi %iota3A, %parallel_loop3A_149 : vector<16xi32>
        %parallel_loop3A_151 = arith.constant 0 : i32
        %parallel_loop3A_152 = tpu.memref_slice %arg8[%parallel_loop3A_133, %parallel_loop3A_151] : memref<256x64xf32, #tpu.memory_space<vmem>> -> memref<1x64xf32, #tpu.memory_space<vmem>>
        %parallel_loop3A_153 = tpu.memref_squeeze %parallel_loop3A_152 : memref<1x64xf32, #tpu.memory_space<vmem>> -> memref<64xf32, #tpu.memory_space<vmem>>
        %parallel_loop3A_154 = tpu.vector_load_idx %parallel_loop3A_153[%parallel_loop3A_150] : memref<64xf32, #tpu.memory_space<vmem>>[vector<16xi32>], vector<16xf32>,
        %parallel_loop3A_155 = arith.constant 16 : i32
        %parallel_loop3A_156 = vector.broadcast %parallel_loop3A_155 : i32 to vector<16xi32>
        %parallel_loop3A_157 = arith.addi %iota3A, %parallel_loop3A_156 : vector<16xi32>
        tpu.vector_store_idx %arg10[%parallel_loop3A_157, %parallel_loop3A_137], %parallel_loop3A_154 : memref<64x257xf32, #tpu.memory_space<vmem>>[vector<16xi32>, vector<16xi32>], vector<16xf32>,
        %parallel_loop3A_158 = arith.constant 32 : i32
        %parallel_loop3A_159 = vector.broadcast %parallel_loop3A_158 : i32 to vector<16xi32>
        %parallel_loop3A_160 = arith.addi %iota3A, %parallel_loop3A_159 : vector<16xi32>
        %parallel_loop3A_161 = arith.constant 0 : i32
        %parallel_loop3A_162 = tpu.memref_slice %arg8[%parallel_loop3A_133, %parallel_loop3A_161] : memref<256x64xf32, #tpu.memory_space<vmem>> -> memref<1x64xf32, #tpu.memory_space<vmem>>
        %parallel_loop3A_163 = tpu.memref_squeeze %parallel_loop3A_162 : memref<1x64xf32, #tpu.memory_space<vmem>> -> memref<64xf32, #tpu.memory_space<vmem>>
        %parallel_loop3A_164 = tpu.vector_load_idx %parallel_loop3A_163[%parallel_loop3A_160] : memref<64xf32, #tpu.memory_space<vmem>>[vector<16xi32>], vector<16xf32>,
        %parallel_loop3A_165 = arith.constant 32 : i32
        %parallel_loop3A_166 = vector.broadcast %parallel_loop3A_165 : i32 to vector<16xi32>
        %parallel_loop3A_167 = arith.addi %iota3A, %parallel_loop3A_166 : vector<16xi32>
        tpu.vector_store_idx %arg10[%parallel_loop3A_167, %parallel_loop3A_137], %parallel_loop3A_164 : memref<64x257xf32, #tpu.memory_space<vmem>>[vector<16xi32>, vector<16xi32>], vector<16xf32>,
        %parallel_loop3A_168 = arith.constant 48 : i32
        %parallel_loop3A_169 = vector.broadcast %parallel_loop3A_168 : i32 to vector<16xi32>
        %parallel_loop3A_170 = arith.addi %iota3A, %parallel_loop3A_169 : vector<16xi32>
        %parallel_loop3A_171 = arith.constant 0 : i32
        %parallel_loop3A_172 = tpu.memref_slice %arg8[%parallel_loop3A_133, %parallel_loop3A_171] : memref<256x64xf32, #tpu.memory_space<vmem>> -> memref<1x64xf32, #tpu.memory_space<vmem>>
        %parallel_loop3A_173 = tpu.memref_squeeze %parallel_loop3A_172 : memref<1x64xf32, #tpu.memory_space<vmem>> -> memref<64xf32, #tpu.memory_space<vmem>>
        %parallel_loop3A_174 = tpu.vector_load_idx %parallel_loop3A_173[%parallel_loop3A_170] : memref<64xf32, #tpu.memory_space<vmem>>[vector<16xi32>], vector<16xf32>,
        %parallel_loop3A_175 = arith.constant 48 : i32
        %parallel_loop3A_176 = vector.broadcast %parallel_loop3A_175 : i32 to vector<16xi32>
        %parallel_loop3A_177 = arith.addi %iota3A, %parallel_loop3A_176 : vector<16xi32>
        tpu.vector_store_idx %arg10[%parallel_loop3A_177, %parallel_loop3A_137], %parallel_loop3A_174 : memref<64x257xf32, #tpu.memory_space<vmem>>[vector<16xi32>, vector<16xi32>], vector<16xf32>,
        %parallel_loop3A_178 = arith.constant 16 : i32
        %parallel_loop3A_179 = arith.muli %parallel_loop3A_129, %parallel_loop3A_178 : i32
        %parallel_loop3A_180 = arith.constant 1 : i32
        %parallel_loop3A_181 = arith.addi %parallel_loop3A_179, %parallel_loop3A_180 : i32
        %parallel_loop3A_182 = arith.constant 0 : i32
        %parallel_loop3A_183 = vector.broadcast %parallel_loop3A_182 : i32 to vector<16xi32>
        %parallel_loop3A_184 = vector.broadcast %parallel_loop3A_181 : i32 to vector<16xi32>
        %parallel_loop3A_185 = arith.addi %parallel_loop3A_183, %parallel_loop3A_184 : vector<16xi32>
        %parallel_loop3A_186 = arith.constant 0 : i32
        %parallel_loop3A_187 = vector.broadcast %parallel_loop3A_186 : i32 to vector<16xi32>
        %parallel_loop3A_188 = arith.addi %iota3A, %parallel_loop3A_187 : vector<16xi32>
        %parallel_loop3A_189 = arith.constant 0 : i32
        %parallel_loop3A_190 = tpu.memref_slice %arg8[%parallel_loop3A_181, %parallel_loop3A_189] : memref<256x64xf32, #tpu.memory_space<vmem>> -> memref<1x64xf32, #tpu.memory_space<vmem>>
        %parallel_loop3A_191 = tpu.memref_squeeze %parallel_loop3A_190 : memref<1x64xf32, #tpu.memory_space<vmem>> -> memref<64xf32, #tpu.memory_space<vmem>>
        %parallel_loop3A_192 = tpu.vector_load_idx %parallel_loop3A_191[%parallel_loop3A_188] : memref<64xf32, #tpu.memory_space<vmem>>[vector<16xi32>], vector<16xf32>,
        %parallel_loop3A_193 = arith.constant 0 : i32
        %parallel_loop3A_194 = vector.broadcast %parallel_loop3A_193 : i32 to vector<16xi32>
        %parallel_loop3A_195 = arith.addi %iota3A, %parallel_loop3A_194 : vector<16xi32>
        tpu.vector_store_idx %arg10[%parallel_loop3A_195, %parallel_loop3A_185], %parallel_loop3A_192 : memref<64x257xf32, #tpu.memory_space<vmem>>[vector<16xi32>, vector<16xi32>], vector<16xf32>,
        %parallel_loop3A_196 = arith.constant 16 : i32
        %parallel_loop3A_197 = vector.broadcast %parallel_loop3A_196 : i32 to vector<16xi32>
        %parallel_loop3A_198 = arith.addi %iota3A, %parallel_loop3A_197 : vector<16xi32>
        %parallel_loop3A_199 = arith.constant 0 : i32
        %parallel_loop3A_200 = tpu.memref_slice %arg8[%parallel_loop3A_181, %parallel_loop3A_199] : memref<256x64xf32, #tpu.memory_space<vmem>> -> memref<1x64xf32, #tpu.memory_space<vmem>>
        %parallel_loop3A_201 = tpu.memref_squeeze %parallel_loop3A_200 : memref<1x64xf32, #tpu.memory_space<vmem>> -> memref<64xf32, #tpu.memory_space<vmem>>
        %parallel_loop3A_202 = tpu.vector_load_idx %parallel_loop3A_201[%parallel_loop3A_198] : memref<64xf32, #tpu.memory_space<vmem>>[vector<16xi32>], vector<16xf32>,
        %parallel_loop3A_203 = arith.constant 16 : i32
        %parallel_loop3A_204 = vector.broadcast %parallel_loop3A_203 : i32 to vector<16xi32>
        %parallel_loop3A_205 = arith.addi %iota3A, %parallel_loop3A_204 : vector<16xi32>
        tpu.vector_store_idx %arg10[%parallel_loop3A_205, %parallel_loop3A_185], %parallel_loop3A_202 : memref<64x257xf32, #tpu.memory_space<vmem>>[vector<16xi32>, vector<16xi32>], vector<16xf32>,
        %parallel_loop3A_206 = arith.constant 32 : i32
        %parallel_loop3A_207 = vector.broadcast %parallel_loop3A_206 : i32 to vector<16xi32>
        %parallel_loop3A_208 = arith.addi %iota3A, %parallel_loop3A_207 : vector<16xi32>
        %parallel_loop3A_209 = arith.constant 0 : i32
        %parallel_loop3A_210 = tpu.memref_slice %arg8[%parallel_loop3A_181, %parallel_loop3A_209] : memref<256x64xf32, #tpu.memory_space<vmem>> -> memref<1x64xf32, #tpu.memory_space<vmem>>
        %parallel_loop3A_211 = tpu.memref_squeeze %parallel_loop3A_210 : memref<1x64xf32, #tpu.memory_space<vmem>> -> memref<64xf32, #tpu.memory_space<vmem>>
        %parallel_loop3A_212 = tpu.vector_load_idx %parallel_loop3A_211[%parallel_loop3A_208] : memref<64xf32, #tpu.memory_space<vmem>>[vector<16xi32>], vector<16xf32>,
        %parallel_loop3A_213 = arith.constant 32 : i32
        %parallel_loop3A_214 = vector.broadcast %parallel_loop3A_213 : i32 to vector<16xi32>
        %parallel_loop3A_215 = arith.addi %iota3A, %parallel_loop3A_214 : vector<16xi32>
        tpu.vector_store_idx %arg10[%parallel_loop3A_215, %parallel_loop3A_185], %parallel_loop3A_212 : memref<64x257xf32, #tpu.memory_space<vmem>>[vector<16xi32>, vector<16xi32>], vector<16xf32>,
        %parallel_loop3A_216 = arith.constant 48 : i32
        %parallel_loop3A_217 = vector.broadcast %parallel_loop3A_216 : i32 to vector<16xi32>
        %parallel_loop3A_218 = arith.addi %iota3A, %parallel_loop3A_217 : vector<16xi32>
        %parallel_loop3A_219 = arith.constant 0 : i32
        %parallel_loop3A_220 = tpu.memref_slice %arg8[%parallel_loop3A_181, %parallel_loop3A_219] : memref<256x64xf32, #tpu.memory_space<vmem>> -> memref<1x64xf32, #tpu.memory_space<vmem>>
        %parallel_loop3A_221 = tpu.memref_squeeze %parallel_loop3A_220 : memref<1x64xf32, #tpu.memory_space<vmem>> -> memref<64xf32, #tpu.memory_space<vmem>>
        %parallel_loop3A_222 = tpu.vector_load_idx %parallel_loop3A_221[%parallel_loop3A_218] : memref<64xf32, #tpu.memory_space<vmem>>[vector<16xi32>], vector<16xf32>,
        %parallel_loop3A_223 = arith.constant 48 : i32
        %parallel_loop3A_224 = vector.broadcast %parallel_loop3A_223 : i32 to vector<16xi32>
        %parallel_loop3A_225 = arith.addi %iota3A, %parallel_loop3A_224 : vector<16xi32>
        tpu.vector_store_idx %arg10[%parallel_loop3A_225, %parallel_loop3A_185], %parallel_loop3A_222 : memref<64x257xf32, #tpu.memory_space<vmem>>[vector<16xi32>, vector<16xi32>], vector<16xf32>,
        %parallel_loop3A_226 = arith.constant 16 : i32
        %parallel_loop3A_227 = arith.muli %parallel_loop3A_129, %parallel_loop3A_226 : i32
        %parallel_loop3A_228 = arith.constant 2 : i32
        %parallel_loop3A_229 = arith.addi %parallel_loop3A_227, %parallel_loop3A_228 : i32
        %parallel_loop3A_230 = arith.constant 0 : i32
        %parallel_loop3A_231 = vector.broadcast %parallel_loop3A_230 : i32 to vector<16xi32>
        %parallel_loop3A_232 = vector.broadcast %parallel_loop3A_229 : i32 to vector<16xi32>
        %parallel_loop3A_233 = arith.addi %parallel_loop3A_231, %parallel_loop3A_232 : vector<16xi32>
        %parallel_loop3A_234 = arith.constant 0 : i32
        %parallel_loop3A_235 = vector.broadcast %parallel_loop3A_234 : i32 to vector<16xi32>
        %parallel_loop3A_236 = arith.addi %iota3A, %parallel_loop3A_235 : vector<16xi32>
        %parallel_loop3A_237 = arith.constant 0 : i32
        %parallel_loop3A_238 = tpu.memref_slice %arg8[%parallel_loop3A_229, %parallel_loop3A_237] : memref<256x64xf32, #tpu.memory_space<vmem>> -> memref<1x64xf32, #tpu.memory_space<vmem>>
        %parallel_loop3A_239 = tpu.memref_squeeze %parallel_loop3A_238 : memref<1x64xf32, #tpu.memory_space<vmem>> -> memref<64xf32, #tpu.memory_space<vmem>>
        %parallel_loop3A_240 = tpu.vector_load_idx %parallel_loop3A_239[%parallel_loop3A_236] : memref<64xf32, #tpu.memory_space<vmem>>[vector<16xi32>], vector<16xf32>,
        %parallel_loop3A_241 = arith.constant 0 : i32
        %parallel_loop3A_242 = vector.broadcast %parallel_loop3A_241 : i32 to vector<16xi32>
        %parallel_loop3A_243 = arith.addi %iota3A, %parallel_loop3A_242 : vector<16xi32>
        tpu.vector_store_idx %arg10[%parallel_loop3A_243, %parallel_loop3A_233], %parallel_loop3A_240 : memref<64x257xf32, #tpu.memory_space<vmem>>[vector<16xi32>, vector<16xi32>], vector<16xf32>,
        %parallel_loop3A_244 = arith.constant 16 : i32
        %parallel_loop3A_245 = vector.broadcast %parallel_loop3A_244 : i32 to vector<16xi32>
        %parallel_loop3A_246 = arith.addi %iota3A, %parallel_loop3A_245 : vector<16xi32>
        %parallel_loop3A_247 = arith.constant 0 : i32
        %parallel_loop3A_248 = tpu.memref_slice %arg8[%parallel_loop3A_229, %parallel_loop3A_247] : memref<256x64xf32, #tpu.memory_space<vmem>> -> memref<1x64xf32, #tpu.memory_space<vmem>>
        %parallel_loop3A_249 = tpu.memref_squeeze %parallel_loop3A_248 : memref<1x64xf32, #tpu.memory_space<vmem>> -> memref<64xf32, #tpu.memory_space<vmem>>
        %parallel_loop3A_250 = tpu.vector_load_idx %parallel_loop3A_249[%parallel_loop3A_246] : memref<64xf32, #tpu.memory_space<vmem>>[vector<16xi32>], vector<16xf32>,
        %parallel_loop3A_251 = arith.constant 16 : i32
        %parallel_loop3A_252 = vector.broadcast %parallel_loop3A_251 : i32 to vector<16xi32>
        %parallel_loop3A_253 = arith.addi %iota3A, %parallel_loop3A_252 : vector<16xi32>
        tpu.vector_store_idx %arg10[%parallel_loop3A_253, %parallel_loop3A_233], %parallel_loop3A_250 : memref<64x257xf32, #tpu.memory_space<vmem>>[vector<16xi32>, vector<16xi32>], vector<16xf32>,
        %parallel_loop3A_254 = arith.constant 32 : i32
        %parallel_loop3A_255 = vector.broadcast %parallel_loop3A_254 : i32 to vector<16xi32>
        %parallel_loop3A_256 = arith.addi %iota3A, %parallel_loop3A_255 : vector<16xi32>
        %parallel_loop3A_257 = arith.constant 0 : i32
        %parallel_loop3A_258 = tpu.memref_slice %arg8[%parallel_loop3A_229, %parallel_loop3A_257] : memref<256x64xf32, #tpu.memory_space<vmem>> -> memref<1x64xf32, #tpu.memory_space<vmem>>
        %parallel_loop3A_259 = tpu.memref_squeeze %parallel_loop3A_258 : memref<1x64xf32, #tpu.memory_space<vmem>> -> memref<64xf32, #tpu.memory_space<vmem>>
        %parallel_loop3A_260 = tpu.vector_load_idx %parallel_loop3A_259[%parallel_loop3A_256] : memref<64xf32, #tpu.memory_space<vmem>>[vector<16xi32>], vector<16xf32>,
        %parallel_loop3A_261 = arith.constant 32 : i32
        %parallel_loop3A_262 = vector.broadcast %parallel_loop3A_261 : i32 to vector<16xi32>
        %parallel_loop3A_263 = arith.addi %iota3A, %parallel_loop3A_262 : vector<16xi32>
        tpu.vector_store_idx %arg10[%parallel_loop3A_263, %parallel_loop3A_233], %parallel_loop3A_260 : memref<64x257xf32, #tpu.memory_space<vmem>>[vector<16xi32>, vector<16xi32>], vector<16xf32>,
        %parallel_loop3A_264 = arith.constant 48 : i32
        %parallel_loop3A_265 = vector.broadcast %parallel_loop3A_264 : i32 to vector<16xi32>
        %parallel_loop3A_266 = arith.addi %iota3A, %parallel_loop3A_265 : vector<16xi32>
        %parallel_loop3A_267 = arith.constant 0 : i32
        %parallel_loop3A_268 = tpu.memref_slice %arg8[%parallel_loop3A_229, %parallel_loop3A_267] : memref<256x64xf32, #tpu.memory_space<vmem>> -> memref<1x64xf32, #tpu.memory_space<vmem>>
        %parallel_loop3A_269 = tpu.memref_squeeze %parallel_loop3A_268 : memref<1x64xf32, #tpu.memory_space<vmem>> -> memref<64xf32, #tpu.memory_space<vmem>>
        %parallel_loop3A_270 = tpu.vector_load_idx %parallel_loop3A_269[%parallel_loop3A_266] : memref<64xf32, #tpu.memory_space<vmem>>[vector<16xi32>], vector<16xf32>,
        %parallel_loop3A_271 = arith.constant 48 : i32
        %parallel_loop3A_272 = vector.broadcast %parallel_loop3A_271 : i32 to vector<16xi32>
        %parallel_loop3A_273 = arith.addi %iota3A, %parallel_loop3A_272 : vector<16xi32>
        tpu.vector_store_idx %arg10[%parallel_loop3A_273, %parallel_loop3A_233], %parallel_loop3A_270 : memref<64x257xf32, #tpu.memory_space<vmem>>[vector<16xi32>, vector<16xi32>], vector<16xf32>,
        %parallel_loop3A_274 = arith.constant 16 : i32
        %parallel_loop3A_275 = arith.muli %parallel_loop3A_129, %parallel_loop3A_274 : i32
        %parallel_loop3A_276 = arith.constant 3 : i32
        %parallel_loop3A_277 = arith.addi %parallel_loop3A_275, %parallel_loop3A_276 : i32
        %parallel_loop3A_278 = arith.constant 0 : i32
        %parallel_loop3A_279 = vector.broadcast %parallel_loop3A_278 : i32 to vector<16xi32>
        %parallel_loop3A_280 = vector.broadcast %parallel_loop3A_277 : i32 to vector<16xi32>
        %parallel_loop3A_281 = arith.addi %parallel_loop3A_279, %parallel_loop3A_280 : vector<16xi32>
        %parallel_loop3A_282 = arith.constant 0 : i32
        %parallel_loop3A_283 = vector.broadcast %parallel_loop3A_282 : i32 to vector<16xi32>
        %parallel_loop3A_284 = arith.addi %iota3A, %parallel_loop3A_283 : vector<16xi32>
        %parallel_loop3A_285 = arith.constant 0 : i32
        %parallel_loop3A_286 = tpu.memref_slice %arg8[%parallel_loop3A_277, %parallel_loop3A_285] : memref<256x64xf32, #tpu.memory_space<vmem>> -> memref<1x64xf32, #tpu.memory_space<vmem>>
        %parallel_loop3A_287 = tpu.memref_squeeze %parallel_loop3A_286 : memref<1x64xf32, #tpu.memory_space<vmem>> -> memref<64xf32, #tpu.memory_space<vmem>>
        %parallel_loop3A_288 = tpu.vector_load_idx %parallel_loop3A_287[%parallel_loop3A_284] : memref<64xf32, #tpu.memory_space<vmem>>[vector<16xi32>], vector<16xf32>,
        %parallel_loop3A_289 = arith.constant 0 : i32
        %parallel_loop3A_290 = vector.broadcast %parallel_loop3A_289 : i32 to vector<16xi32>
        %parallel_loop3A_291 = arith.addi %iota3A, %parallel_loop3A_290 : vector<16xi32>
        tpu.vector_store_idx %arg10[%parallel_loop3A_291, %parallel_loop3A_281], %parallel_loop3A_288 : memref<64x257xf32, #tpu.memory_space<vmem>>[vector<16xi32>, vector<16xi32>], vector<16xf32>,
        %parallel_loop3A_292 = arith.constant 16 : i32
        %parallel_loop3A_293 = vector.broadcast %parallel_loop3A_292 : i32 to vector<16xi32>
        %parallel_loop3A_294 = arith.addi %iota3A, %parallel_loop3A_293 : vector<16xi32>
        %parallel_loop3A_295 = arith.constant 0 : i32
        %parallel_loop3A_296 = tpu.memref_slice %arg8[%parallel_loop3A_277, %parallel_loop3A_295] : memref<256x64xf32, #tpu.memory_space<vmem>> -> memref<1x64xf32, #tpu.memory_space<vmem>>
        %parallel_loop3A_297 = tpu.memref_squeeze %parallel_loop3A_296 : memref<1x64xf32, #tpu.memory_space<vmem>> -> memref<64xf32, #tpu.memory_space<vmem>>
        %parallel_loop3A_298 = tpu.vector_load_idx %parallel_loop3A_297[%parallel_loop3A_294] : memref<64xf32, #tpu.memory_space<vmem>>[vector<16xi32>], vector<16xf32>,
        %parallel_loop3A_299 = arith.constant 16 : i32
        %parallel_loop3A_300 = vector.broadcast %parallel_loop3A_299 : i32 to vector<16xi32>
        %parallel_loop3A_301 = arith.addi %iota3A, %parallel_loop3A_300 : vector<16xi32>
        tpu.vector_store_idx %arg10[%parallel_loop3A_301, %parallel_loop3A_281], %parallel_loop3A_298 : memref<64x257xf32, #tpu.memory_space<vmem>>[vector<16xi32>, vector<16xi32>], vector<16xf32>,
        %parallel_loop3A_302 = arith.constant 32 : i32
        %parallel_loop3A_303 = vector.broadcast %parallel_loop3A_302 : i32 to vector<16xi32>
        %parallel_loop3A_304 = arith.addi %iota3A, %parallel_loop3A_303 : vector<16xi32>
        %parallel_loop3A_305 = arith.constant 0 : i32
        %parallel_loop3A_306 = tpu.memref_slice %arg8[%parallel_loop3A_277, %parallel_loop3A_305] : memref<256x64xf32, #tpu.memory_space<vmem>> -> memref<1x64xf32, #tpu.memory_space<vmem>>
        %parallel_loop3A_307 = tpu.memref_squeeze %parallel_loop3A_306 : memref<1x64xf32, #tpu.memory_space<vmem>> -> memref<64xf32, #tpu.memory_space<vmem>>
        %parallel_loop3A_308 = tpu.vector_load_idx %parallel_loop3A_307[%parallel_loop3A_304] : memref<64xf32, #tpu.memory_space<vmem>>[vector<16xi32>], vector<16xf32>,
        %parallel_loop3A_309 = arith.constant 32 : i32
        %parallel_loop3A_310 = vector.broadcast %parallel_loop3A_309 : i32 to vector<16xi32>
        %parallel_loop3A_311 = arith.addi %iota3A, %parallel_loop3A_310 : vector<16xi32>
        tpu.vector_store_idx %arg10[%parallel_loop3A_311, %parallel_loop3A_281], %parallel_loop3A_308 : memref<64x257xf32, #tpu.memory_space<vmem>>[vector<16xi32>, vector<16xi32>], vector<16xf32>,
        %parallel_loop3A_312 = arith.constant 48 : i32
        %parallel_loop3A_313 = vector.broadcast %parallel_loop3A_312 : i32 to vector<16xi32>
        %parallel_loop3A_314 = arith.addi %iota3A, %parallel_loop3A_313 : vector<16xi32>
        %parallel_loop3A_315 = arith.constant 0 : i32
        %parallel_loop3A_316 = tpu.memref_slice %arg8[%parallel_loop3A_277, %parallel_loop3A_315] : memref<256x64xf32, #tpu.memory_space<vmem>> -> memref<1x64xf32, #tpu.memory_space<vmem>>
        %parallel_loop3A_317 = tpu.memref_squeeze %parallel_loop3A_316 : memref<1x64xf32, #tpu.memory_space<vmem>> -> memref<64xf32, #tpu.memory_space<vmem>>
        %parallel_loop3A_318 = tpu.vector_load_idx %parallel_loop3A_317[%parallel_loop3A_314] : memref<64xf32, #tpu.memory_space<vmem>>[vector<16xi32>], vector<16xf32>,
        %parallel_loop3A_319 = arith.constant 48 : i32
        %parallel_loop3A_320 = vector.broadcast %parallel_loop3A_319 : i32 to vector<16xi32>
        %parallel_loop3A_321 = arith.addi %iota3A, %parallel_loop3A_320 : vector<16xi32>
        tpu.vector_store_idx %arg10[%parallel_loop3A_321, %parallel_loop3A_281], %parallel_loop3A_318 : memref<64x257xf32, #tpu.memory_space<vmem>>[vector<16xi32>, vector<16xi32>], vector<16xf32>,
        %parallel_loop3A_322 = arith.constant 16 : i32
        %parallel_loop3A_323 = arith.muli %parallel_loop3A_129, %parallel_loop3A_322 : i32
        %parallel_loop3A_324 = arith.constant 4 : i32
        %parallel_loop3A_325 = arith.addi %parallel_loop3A_323, %parallel_loop3A_324 : i32
        %parallel_loop3A_326 = arith.constant 0 : i32
        %parallel_loop3A_327 = vector.broadcast %parallel_loop3A_326 : i32 to vector<16xi32>
        %parallel_loop3A_328 = vector.broadcast %parallel_loop3A_325 : i32 to vector<16xi32>
        %parallel_loop3A_329 = arith.addi %parallel_loop3A_327, %parallel_loop3A_328 : vector<16xi32>
        %parallel_loop3A_330 = arith.constant 0 : i32
        %parallel_loop3A_331 = vector.broadcast %parallel_loop3A_330 : i32 to vector<16xi32>
        %parallel_loop3A_332 = arith.addi %iota3A, %parallel_loop3A_331 : vector<16xi32>
        %parallel_loop3A_333 = arith.constant 0 : i32
        %parallel_loop3A_334 = tpu.memref_slice %arg8[%parallel_loop3A_325, %parallel_loop3A_333] : memref<256x64xf32, #tpu.memory_space<vmem>> -> memref<1x64xf32, #tpu.memory_space<vmem>>
        %parallel_loop3A_335 = tpu.memref_squeeze %parallel_loop3A_334 : memref<1x64xf32, #tpu.memory_space<vmem>> -> memref<64xf32, #tpu.memory_space<vmem>>
        %parallel_loop3A_336 = tpu.vector_load_idx %parallel_loop3A_335[%parallel_loop3A_332] : memref<64xf32, #tpu.memory_space<vmem>>[vector<16xi32>], vector<16xf32>,
        %parallel_loop3A_337 = arith.constant 0 : i32
        %parallel_loop3A_338 = vector.broadcast %parallel_loop3A_337 : i32 to vector<16xi32>
        %parallel_loop3A_339 = arith.addi %iota3A, %parallel_loop3A_338 : vector<16xi32>
        tpu.vector_store_idx %arg10[%parallel_loop3A_339, %parallel_loop3A_329], %parallel_loop3A_336 : memref<64x257xf32, #tpu.memory_space<vmem>>[vector<16xi32>, vector<16xi32>], vector<16xf32>,
        %parallel_loop3A_340 = arith.constant 16 : i32
        %parallel_loop3A_341 = vector.broadcast %parallel_loop3A_340 : i32 to vector<16xi32>
        %parallel_loop3A_342 = arith.addi %iota3A, %parallel_loop3A_341 : vector<16xi32>
        %parallel_loop3A_343 = arith.constant 0 : i32
        %parallel_loop3A_344 = tpu.memref_slice %arg8[%parallel_loop3A_325, %parallel_loop3A_343] : memref<256x64xf32, #tpu.memory_space<vmem>> -> memref<1x64xf32, #tpu.memory_space<vmem>>
        %parallel_loop3A_345 = tpu.memref_squeeze %parallel_loop3A_344 : memref<1x64xf32, #tpu.memory_space<vmem>> -> memref<64xf32, #tpu.memory_space<vmem>>
        %parallel_loop3A_346 = tpu.vector_load_idx %parallel_loop3A_345[%parallel_loop3A_342] : memref<64xf32, #tpu.memory_space<vmem>>[vector<16xi32>], vector<16xf32>,
        %parallel_loop3A_347 = arith.constant 16 : i32
        %parallel_loop3A_348 = vector.broadcast %parallel_loop3A_347 : i32 to vector<16xi32>
        %parallel_loop3A_349 = arith.addi %iota3A, %parallel_loop3A_348 : vector<16xi32>
        tpu.vector_store_idx %arg10[%parallel_loop3A_349, %parallel_loop3A_329], %parallel_loop3A_346 : memref<64x257xf32, #tpu.memory_space<vmem>>[vector<16xi32>, vector<16xi32>], vector<16xf32>,
        %parallel_loop3A_350 = arith.constant 32 : i32
        %parallel_loop3A_351 = vector.broadcast %parallel_loop3A_350 : i32 to vector<16xi32>
        %parallel_loop3A_352 = arith.addi %iota3A, %parallel_loop3A_351 : vector<16xi32>
        %parallel_loop3A_353 = arith.constant 0 : i32
        %parallel_loop3A_354 = tpu.memref_slice %arg8[%parallel_loop3A_325, %parallel_loop3A_353] : memref<256x64xf32, #tpu.memory_space<vmem>> -> memref<1x64xf32, #tpu.memory_space<vmem>>
        %parallel_loop3A_355 = tpu.memref_squeeze %parallel_loop3A_354 : memref<1x64xf32, #tpu.memory_space<vmem>> -> memref<64xf32, #tpu.memory_space<vmem>>
        %parallel_loop3A_356 = tpu.vector_load_idx %parallel_loop3A_355[%parallel_loop3A_352] : memref<64xf32, #tpu.memory_space<vmem>>[vector<16xi32>], vector<16xf32>,
        %parallel_loop3A_357 = arith.constant 32 : i32
        %parallel_loop3A_358 = vector.broadcast %parallel_loop3A_357 : i32 to vector<16xi32>
        %parallel_loop3A_359 = arith.addi %iota3A, %parallel_loop3A_358 : vector<16xi32>
        tpu.vector_store_idx %arg10[%parallel_loop3A_359, %parallel_loop3A_329], %parallel_loop3A_356 : memref<64x257xf32, #tpu.memory_space<vmem>>[vector<16xi32>, vector<16xi32>], vector<16xf32>,
        %parallel_loop3A_360 = arith.constant 48 : i32
        %parallel_loop3A_361 = vector.broadcast %parallel_loop3A_360 : i32 to vector<16xi32>
        %parallel_loop3A_362 = arith.addi %iota3A, %parallel_loop3A_361 : vector<16xi32>
        %parallel_loop3A_363 = arith.constant 0 : i32
        %parallel_loop3A_364 = tpu.memref_slice %arg8[%parallel_loop3A_325, %parallel_loop3A_363] : memref<256x64xf32, #tpu.memory_space<vmem>> -> memref<1x64xf32, #tpu.memory_space<vmem>>
        %parallel_loop3A_365 = tpu.memref_squeeze %parallel_loop3A_364 : memref<1x64xf32, #tpu.memory_space<vmem>> -> memref<64xf32, #tpu.memory_space<vmem>>
        %parallel_loop3A_366 = tpu.vector_load_idx %parallel_loop3A_365[%parallel_loop3A_362] : memref<64xf32, #tpu.memory_space<vmem>>[vector<16xi32>], vector<16xf32>,
        %parallel_loop3A_367 = arith.constant 48 : i32
        %parallel_loop3A_368 = vector.broadcast %parallel_loop3A_367 : i32 to vector<16xi32>
        %parallel_loop3A_369 = arith.addi %iota3A, %parallel_loop3A_368 : vector<16xi32>
        tpu.vector_store_idx %arg10[%parallel_loop3A_369, %parallel_loop3A_329], %parallel_loop3A_366 : memref<64x257xf32, #tpu.memory_space<vmem>>[vector<16xi32>, vector<16xi32>], vector<16xf32>,
        %parallel_loop3A_370 = arith.constant 16 : i32
        %parallel_loop3A_371 = arith.muli %parallel_loop3A_129, %parallel_loop3A_370 : i32
        %parallel_loop3A_372 = arith.constant 5 : i32
        %parallel_loop3A_373 = arith.addi %parallel_loop3A_371, %parallel_loop3A_372 : i32
        %parallel_loop3A_374 = arith.constant 0 : i32
        %parallel_loop3A_375 = vector.broadcast %parallel_loop3A_374 : i32 to vector<16xi32>
        %parallel_loop3A_376 = vector.broadcast %parallel_loop3A_373 : i32 to vector<16xi32>
        %parallel_loop3A_377 = arith.addi %parallel_loop3A_375, %parallel_loop3A_376 : vector<16xi32>
        %parallel_loop3A_378 = arith.constant 0 : i32
        %parallel_loop3A_379 = vector.broadcast %parallel_loop3A_378 : i32 to vector<16xi32>
        %parallel_loop3A_380 = arith.addi %iota3A, %parallel_loop3A_379 : vector<16xi32>
        %parallel_loop3A_381 = arith.constant 0 : i32
        %parallel_loop3A_382 = tpu.memref_slice %arg8[%parallel_loop3A_373, %parallel_loop3A_381] : memref<256x64xf32, #tpu.memory_space<vmem>> -> memref<1x64xf32, #tpu.memory_space<vmem>>
        %parallel_loop3A_383 = tpu.memref_squeeze %parallel_loop3A_382 : memref<1x64xf32, #tpu.memory_space<vmem>> -> memref<64xf32, #tpu.memory_space<vmem>>
        %parallel_loop3A_384 = tpu.vector_load_idx %parallel_loop3A_383[%parallel_loop3A_380] : memref<64xf32, #tpu.memory_space<vmem>>[vector<16xi32>], vector<16xf32>,
        %parallel_loop3A_385 = arith.constant 0 : i32
        %parallel_loop3A_386 = vector.broadcast %parallel_loop3A_385 : i32 to vector<16xi32>
        %parallel_loop3A_387 = arith.addi %iota3A, %parallel_loop3A_386 : vector<16xi32>
        tpu.vector_store_idx %arg10[%parallel_loop3A_387, %parallel_loop3A_377], %parallel_loop3A_384 : memref<64x257xf32, #tpu.memory_space<vmem>>[vector<16xi32>, vector<16xi32>], vector<16xf32>,
        %parallel_loop3A_388 = arith.constant 16 : i32
        %parallel_loop3A_389 = vector.broadcast %parallel_loop3A_388 : i32 to vector<16xi32>
        %parallel_loop3A_390 = arith.addi %iota3A, %parallel_loop3A_389 : vector<16xi32>
        %parallel_loop3A_391 = arith.constant 0 : i32
        %parallel_loop3A_392 = tpu.memref_slice %arg8[%parallel_loop3A_373, %parallel_loop3A_391] : memref<256x64xf32, #tpu.memory_space<vmem>> -> memref<1x64xf32, #tpu.memory_space<vmem>>
        %parallel_loop3A_393 = tpu.memref_squeeze %parallel_loop3A_392 : memref<1x64xf32, #tpu.memory_space<vmem>> -> memref<64xf32, #tpu.memory_space<vmem>>
        %parallel_loop3A_394 = tpu.vector_load_idx %parallel_loop3A_393[%parallel_loop3A_390] : memref<64xf32, #tpu.memory_space<vmem>>[vector<16xi32>], vector<16xf32>,
        %parallel_loop3A_395 = arith.constant 16 : i32
        %parallel_loop3A_396 = vector.broadcast %parallel_loop3A_395 : i32 to vector<16xi32>
        %parallel_loop3A_397 = arith.addi %iota3A, %parallel_loop3A_396 : vector<16xi32>
        tpu.vector_store_idx %arg10[%parallel_loop3A_397, %parallel_loop3A_377], %parallel_loop3A_394 : memref<64x257xf32, #tpu.memory_space<vmem>>[vector<16xi32>, vector<16xi32>], vector<16xf32>,
        %parallel_loop3A_398 = arith.constant 32 : i32
        %parallel_loop3A_399 = vector.broadcast %parallel_loop3A_398 : i32 to vector<16xi32>
        %parallel_loop3A_400 = arith.addi %iota3A, %parallel_loop3A_399 : vector<16xi32>
        %parallel_loop3A_401 = arith.constant 0 : i32
        %parallel_loop3A_402 = tpu.memref_slice %arg8[%parallel_loop3A_373, %parallel_loop3A_401] : memref<256x64xf32, #tpu.memory_space<vmem>> -> memref<1x64xf32, #tpu.memory_space<vmem>>
        %parallel_loop3A_403 = tpu.memref_squeeze %parallel_loop3A_402 : memref<1x64xf32, #tpu.memory_space<vmem>> -> memref<64xf32, #tpu.memory_space<vmem>>
        %parallel_loop3A_404 = tpu.vector_load_idx %parallel_loop3A_403[%parallel_loop3A_400] : memref<64xf32, #tpu.memory_space<vmem>>[vector<16xi32>], vector<16xf32>,
        %parallel_loop3A_405 = arith.constant 32 : i32
        %parallel_loop3A_406 = vector.broadcast %parallel_loop3A_405 : i32 to vector<16xi32>
        %parallel_loop3A_407 = arith.addi %iota3A, %parallel_loop3A_406 : vector<16xi32>
        tpu.vector_store_idx %arg10[%parallel_loop3A_407, %parallel_loop3A_377], %parallel_loop3A_404 : memref<64x257xf32, #tpu.memory_space<vmem>>[vector<16xi32>, vector<16xi32>], vector<16xf32>,
        %parallel_loop3A_408 = arith.constant 48 : i32
        %parallel_loop3A_409 = vector.broadcast %parallel_loop3A_408 : i32 to vector<16xi32>
        %parallel_loop3A_410 = arith.addi %iota3A, %parallel_loop3A_409 : vector<16xi32>
        %parallel_loop3A_411 = arith.constant 0 : i32
        %parallel_loop3A_412 = tpu.memref_slice %arg8[%parallel_loop3A_373, %parallel_loop3A_411] : memref<256x64xf32, #tpu.memory_space<vmem>> -> memref<1x64xf32, #tpu.memory_space<vmem>>
        %parallel_loop3A_413 = tpu.memref_squeeze %parallel_loop3A_412 : memref<1x64xf32, #tpu.memory_space<vmem>> -> memref<64xf32, #tpu.memory_space<vmem>>
        %parallel_loop3A_414 = tpu.vector_load_idx %parallel_loop3A_413[%parallel_loop3A_410] : memref<64xf32, #tpu.memory_space<vmem>>[vector<16xi32>], vector<16xf32>,
        %parallel_loop3A_415 = arith.constant 48 : i32
        %parallel_loop3A_416 = vector.broadcast %parallel_loop3A_415 : i32 to vector<16xi32>
        %parallel_loop3A_417 = arith.addi %iota3A, %parallel_loop3A_416 : vector<16xi32>
        tpu.vector_store_idx %arg10[%parallel_loop3A_417, %parallel_loop3A_377], %parallel_loop3A_414 : memref<64x257xf32, #tpu.memory_space<vmem>>[vector<16xi32>, vector<16xi32>], vector<16xf32>,
        %parallel_loop3A_418 = arith.constant 16 : i32
        %parallel_loop3A_419 = arith.muli %parallel_loop3A_129, %parallel_loop3A_418 : i32
        %parallel_loop3A_420 = arith.constant 6 : i32
        %parallel_loop3A_421 = arith.addi %parallel_loop3A_419, %parallel_loop3A_420 : i32
        %parallel_loop3A_422 = arith.constant 0 : i32
        %parallel_loop3A_423 = vector.broadcast %parallel_loop3A_422 : i32 to vector<16xi32>
        %parallel_loop3A_424 = vector.broadcast %parallel_loop3A_421 : i32 to vector<16xi32>
        %parallel_loop3A_425 = arith.addi %parallel_loop3A_423, %parallel_loop3A_424 : vector<16xi32>
        %parallel_loop3A_426 = arith.constant 0 : i32
        %parallel_loop3A_427 = vector.broadcast %parallel_loop3A_426 : i32 to vector<16xi32>
        %parallel_loop3A_428 = arith.addi %iota3A, %parallel_loop3A_427 : vector<16xi32>
        %parallel_loop3A_429 = arith.constant 0 : i32
        %parallel_loop3A_430 = tpu.memref_slice %arg8[%parallel_loop3A_421, %parallel_loop3A_429] : memref<256x64xf32, #tpu.memory_space<vmem>> -> memref<1x64xf32, #tpu.memory_space<vmem>>
        %parallel_loop3A_431 = tpu.memref_squeeze %parallel_loop3A_430 : memref<1x64xf32, #tpu.memory_space<vmem>> -> memref<64xf32, #tpu.memory_space<vmem>>
        %parallel_loop3A_432 = tpu.vector_load_idx %parallel_loop3A_431[%parallel_loop3A_428] : memref<64xf32, #tpu.memory_space<vmem>>[vector<16xi32>], vector<16xf32>,
        %parallel_loop3A_433 = arith.constant 0 : i32
        %parallel_loop3A_434 = vector.broadcast %parallel_loop3A_433 : i32 to vector<16xi32>
        %parallel_loop3A_435 = arith.addi %iota3A, %parallel_loop3A_434 : vector<16xi32>
        tpu.vector_store_idx %arg10[%parallel_loop3A_435, %parallel_loop3A_425], %parallel_loop3A_432 : memref<64x257xf32, #tpu.memory_space<vmem>>[vector<16xi32>, vector<16xi32>], vector<16xf32>,
        %parallel_loop3A_436 = arith.constant 16 : i32
        %parallel_loop3A_437 = vector.broadcast %parallel_loop3A_436 : i32 to vector<16xi32>
        %parallel_loop3A_438 = arith.addi %iota3A, %parallel_loop3A_437 : vector<16xi32>
        %parallel_loop3A_439 = arith.constant 0 : i32
        %parallel_loop3A_440 = tpu.memref_slice %arg8[%parallel_loop3A_421, %parallel_loop3A_439] : memref<256x64xf32, #tpu.memory_space<vmem>> -> memref<1x64xf32, #tpu.memory_space<vmem>>
        %parallel_loop3A_441 = tpu.memref_squeeze %parallel_loop3A_440 : memref<1x64xf32, #tpu.memory_space<vmem>> -> memref<64xf32, #tpu.memory_space<vmem>>
        %parallel_loop3A_442 = tpu.vector_load_idx %parallel_loop3A_441[%parallel_loop3A_438] : memref<64xf32, #tpu.memory_space<vmem>>[vector<16xi32>], vector<16xf32>,
        %parallel_loop3A_443 = arith.constant 16 : i32
        %parallel_loop3A_444 = vector.broadcast %parallel_loop3A_443 : i32 to vector<16xi32>
        %parallel_loop3A_445 = arith.addi %iota3A, %parallel_loop3A_444 : vector<16xi32>
        tpu.vector_store_idx %arg10[%parallel_loop3A_445, %parallel_loop3A_425], %parallel_loop3A_442 : memref<64x257xf32, #tpu.memory_space<vmem>>[vector<16xi32>, vector<16xi32>], vector<16xf32>,
        %parallel_loop3A_446 = arith.constant 32 : i32
        %parallel_loop3A_447 = vector.broadcast %parallel_loop3A_446 : i32 to vector<16xi32>
        %parallel_loop3A_448 = arith.addi %iota3A, %parallel_loop3A_447 : vector<16xi32>
        %parallel_loop3A_449 = arith.constant 0 : i32
        %parallel_loop3A_450 = tpu.memref_slice %arg8[%parallel_loop3A_421, %parallel_loop3A_449] : memref<256x64xf32, #tpu.memory_space<vmem>> -> memref<1x64xf32, #tpu.memory_space<vmem>>
        %parallel_loop3A_451 = tpu.memref_squeeze %parallel_loop3A_450 : memref<1x64xf32, #tpu.memory_space<vmem>> -> memref<64xf32, #tpu.memory_space<vmem>>
        %parallel_loop3A_452 = tpu.vector_load_idx %parallel_loop3A_451[%parallel_loop3A_448] : memref<64xf32, #tpu.memory_space<vmem>>[vector<16xi32>], vector<16xf32>,
        %parallel_loop3A_453 = arith.constant 32 : i32
        %parallel_loop3A_454 = vector.broadcast %parallel_loop3A_453 : i32 to vector<16xi32>
        %parallel_loop3A_455 = arith.addi %iota3A, %parallel_loop3A_454 : vector<16xi32>
        tpu.vector_store_idx %arg10[%parallel_loop3A_455, %parallel_loop3A_425], %parallel_loop3A_452 : memref<64x257xf32, #tpu.memory_space<vmem>>[vector<16xi32>, vector<16xi32>], vector<16xf32>,
        %parallel_loop3A_456 = arith.constant 48 : i32
        %parallel_loop3A_457 = vector.broadcast %parallel_loop3A_456 : i32 to vector<16xi32>
        %parallel_loop3A_458 = arith.addi %iota3A, %parallel_loop3A_457 : vector<16xi32>
        %parallel_loop3A_459 = arith.constant 0 : i32
        %parallel_loop3A_460 = tpu.memref_slice %arg8[%parallel_loop3A_421, %parallel_loop3A_459] : memref<256x64xf32, #tpu.memory_space<vmem>> -> memref<1x64xf32, #tpu.memory_space<vmem>>
        %parallel_loop3A_461 = tpu.memref_squeeze %parallel_loop3A_460 : memref<1x64xf32, #tpu.memory_space<vmem>> -> memref<64xf32, #tpu.memory_space<vmem>>
        %parallel_loop3A_462 = tpu.vector_load_idx %parallel_loop3A_461[%parallel_loop3A_458] : memref<64xf32, #tpu.memory_space<vmem>>[vector<16xi32>], vector<16xf32>,
        %parallel_loop3A_463 = arith.constant 48 : i32
        %parallel_loop3A_464 = vector.broadcast %parallel_loop3A_463 : i32 to vector<16xi32>
        %parallel_loop3A_465 = arith.addi %iota3A, %parallel_loop3A_464 : vector<16xi32>
        tpu.vector_store_idx %arg10[%parallel_loop3A_465, %parallel_loop3A_425], %parallel_loop3A_462 : memref<64x257xf32, #tpu.memory_space<vmem>>[vector<16xi32>, vector<16xi32>], vector<16xf32>,
        %parallel_loop3A_466 = arith.constant 16 : i32
        %parallel_loop3A_467 = arith.muli %parallel_loop3A_129, %parallel_loop3A_466 : i32
        %parallel_loop3A_468 = arith.constant 7 : i32
        %parallel_loop3A_469 = arith.addi %parallel_loop3A_467, %parallel_loop3A_468 : i32
        %parallel_loop3A_470 = arith.constant 0 : i32
        %parallel_loop3A_471 = vector.broadcast %parallel_loop3A_470 : i32 to vector<16xi32>
        %parallel_loop3A_472 = vector.broadcast %parallel_loop3A_469 : i32 to vector<16xi32>
        %parallel_loop3A_473 = arith.addi %parallel_loop3A_471, %parallel_loop3A_472 : vector<16xi32>
        %parallel_loop3A_474 = arith.constant 0 : i32
        %parallel_loop3A_475 = vector.broadcast %parallel_loop3A_474 : i32 to vector<16xi32>
        %parallel_loop3A_476 = arith.addi %iota3A, %parallel_loop3A_475 : vector<16xi32>
        %parallel_loop3A_477 = arith.constant 0 : i32
        %parallel_loop3A_478 = tpu.memref_slice %arg8[%parallel_loop3A_469, %parallel_loop3A_477] : memref<256x64xf32, #tpu.memory_space<vmem>> -> memref<1x64xf32, #tpu.memory_space<vmem>>
        %parallel_loop3A_479 = tpu.memref_squeeze %parallel_loop3A_478 : memref<1x64xf32, #tpu.memory_space<vmem>> -> memref<64xf32, #tpu.memory_space<vmem>>
        %parallel_loop3A_480 = tpu.vector_load_idx %parallel_loop3A_479[%parallel_loop3A_476] : memref<64xf32, #tpu.memory_space<vmem>>[vector<16xi32>], vector<16xf32>,
        %parallel_loop3A_481 = arith.constant 0 : i32
        %parallel_loop3A_482 = vector.broadcast %parallel_loop3A_481 : i32 to vector<16xi32>
        %parallel_loop3A_483 = arith.addi %iota3A, %parallel_loop3A_482 : vector<16xi32>
        tpu.vector_store_idx %arg10[%parallel_loop3A_483, %parallel_loop3A_473], %parallel_loop3A_480 : memref<64x257xf32, #tpu.memory_space<vmem>>[vector<16xi32>, vector<16xi32>], vector<16xf32>,
        %parallel_loop3A_484 = arith.constant 16 : i32
        %parallel_loop3A_485 = vector.broadcast %parallel_loop3A_484 : i32 to vector<16xi32>
        %parallel_loop3A_486 = arith.addi %iota3A, %parallel_loop3A_485 : vector<16xi32>
        %parallel_loop3A_487 = arith.constant 0 : i32
        %parallel_loop3A_488 = tpu.memref_slice %arg8[%parallel_loop3A_469, %parallel_loop3A_487] : memref<256x64xf32, #tpu.memory_space<vmem>> -> memref<1x64xf32, #tpu.memory_space<vmem>>
        %parallel_loop3A_489 = tpu.memref_squeeze %parallel_loop3A_488 : memref<1x64xf32, #tpu.memory_space<vmem>> -> memref<64xf32, #tpu.memory_space<vmem>>
        %parallel_loop3A_490 = tpu.vector_load_idx %parallel_loop3A_489[%parallel_loop3A_486] : memref<64xf32, #tpu.memory_space<vmem>>[vector<16xi32>], vector<16xf32>,
        %parallel_loop3A_491 = arith.constant 16 : i32
        %parallel_loop3A_492 = vector.broadcast %parallel_loop3A_491 : i32 to vector<16xi32>
        %parallel_loop3A_493 = arith.addi %iota3A, %parallel_loop3A_492 : vector<16xi32>
        tpu.vector_store_idx %arg10[%parallel_loop3A_493, %parallel_loop3A_473], %parallel_loop3A_490 : memref<64x257xf32, #tpu.memory_space<vmem>>[vector<16xi32>, vector<16xi32>], vector<16xf32>,
        %parallel_loop3A_494 = arith.constant 32 : i32
        %parallel_loop3A_495 = vector.broadcast %parallel_loop3A_494 : i32 to vector<16xi32>
        %parallel_loop3A_496 = arith.addi %iota3A, %parallel_loop3A_495 : vector<16xi32>
        %parallel_loop3A_497 = arith.constant 0 : i32
        %parallel_loop3A_498 = tpu.memref_slice %arg8[%parallel_loop3A_469, %parallel_loop3A_497] : memref<256x64xf32, #tpu.memory_space<vmem>> -> memref<1x64xf32, #tpu.memory_space<vmem>>
        %parallel_loop3A_499 = tpu.memref_squeeze %parallel_loop3A_498 : memref<1x64xf32, #tpu.memory_space<vmem>> -> memref<64xf32, #tpu.memory_space<vmem>>
        %parallel_loop3A_500 = tpu.vector_load_idx %parallel_loop3A_499[%parallel_loop3A_496] : memref<64xf32, #tpu.memory_space<vmem>>[vector<16xi32>], vector<16xf32>,
        %parallel_loop3A_501 = arith.constant 32 : i32
        %parallel_loop3A_502 = vector.broadcast %parallel_loop3A_501 : i32 to vector<16xi32>
        %parallel_loop3A_503 = arith.addi %iota3A, %parallel_loop3A_502 : vector<16xi32>
        tpu.vector_store_idx %arg10[%parallel_loop3A_503, %parallel_loop3A_473], %parallel_loop3A_500 : memref<64x257xf32, #tpu.memory_space<vmem>>[vector<16xi32>, vector<16xi32>], vector<16xf32>,
        %parallel_loop3A_504 = arith.constant 48 : i32
        %parallel_loop3A_505 = vector.broadcast %parallel_loop3A_504 : i32 to vector<16xi32>
        %parallel_loop3A_506 = arith.addi %iota3A, %parallel_loop3A_505 : vector<16xi32>
        %parallel_loop3A_507 = arith.constant 0 : i32
        %parallel_loop3A_508 = tpu.memref_slice %arg8[%parallel_loop3A_469, %parallel_loop3A_507] : memref<256x64xf32, #tpu.memory_space<vmem>> -> memref<1x64xf32, #tpu.memory_space<vmem>>
        %parallel_loop3A_509 = tpu.memref_squeeze %parallel_loop3A_508 : memref<1x64xf32, #tpu.memory_space<vmem>> -> memref<64xf32, #tpu.memory_space<vmem>>
        %parallel_loop3A_510 = tpu.vector_load_idx %parallel_loop3A_509[%parallel_loop3A_506] : memref<64xf32, #tpu.memory_space<vmem>>[vector<16xi32>], vector<16xf32>,
        %parallel_loop3A_511 = arith.constant 48 : i32
        %parallel_loop3A_512 = vector.broadcast %parallel_loop3A_511 : i32 to vector<16xi32>
        %parallel_loop3A_513 = arith.addi %iota3A, %parallel_loop3A_512 : vector<16xi32>
        tpu.vector_store_idx %arg10[%parallel_loop3A_513, %parallel_loop3A_473], %parallel_loop3A_510 : memref<64x257xf32, #tpu.memory_space<vmem>>[vector<16xi32>, vector<16xi32>], vector<16xf32>,
        %parallel_loop3A_514 = arith.constant 16 : i32
        %parallel_loop3A_515 = arith.muli %parallel_loop3A_129, %parallel_loop3A_514 : i32
        %parallel_loop3A_516 = arith.constant 8 : i32
        %parallel_loop3A_517 = arith.addi %parallel_loop3A_515, %parallel_loop3A_516 : i32
        %parallel_loop3A_518 = arith.constant 0 : i32
        %parallel_loop3A_519 = vector.broadcast %parallel_loop3A_518 : i32 to vector<16xi32>
        %parallel_loop3A_520 = vector.broadcast %parallel_loop3A_517 : i32 to vector<16xi32>
        %parallel_loop3A_521 = arith.addi %parallel_loop3A_519, %parallel_loop3A_520 : vector<16xi32>
        %parallel_loop3A_522 = arith.constant 0 : i32
        %parallel_loop3A_523 = vector.broadcast %parallel_loop3A_522 : i32 to vector<16xi32>
        %parallel_loop3A_524 = arith.addi %iota3A, %parallel_loop3A_523 : vector<16xi32>
        %parallel_loop3A_525 = arith.constant 0 : i32
        %parallel_loop3A_526 = tpu.memref_slice %arg8[%parallel_loop3A_517, %parallel_loop3A_525] : memref<256x64xf32, #tpu.memory_space<vmem>> -> memref<1x64xf32, #tpu.memory_space<vmem>>
        %parallel_loop3A_527 = tpu.memref_squeeze %parallel_loop3A_526 : memref<1x64xf32, #tpu.memory_space<vmem>> -> memref<64xf32, #tpu.memory_space<vmem>>
        %parallel_loop3A_528 = tpu.vector_load_idx %parallel_loop3A_527[%parallel_loop3A_524] : memref<64xf32, #tpu.memory_space<vmem>>[vector<16xi32>], vector<16xf32>,
        %parallel_loop3A_529 = arith.constant 0 : i32
        %parallel_loop3A_530 = vector.broadcast %parallel_loop3A_529 : i32 to vector<16xi32>
        %parallel_loop3A_531 = arith.addi %iota3A, %parallel_loop3A_530 : vector<16xi32>
        tpu.vector_store_idx %arg10[%parallel_loop3A_531, %parallel_loop3A_521], %parallel_loop3A_528 : memref<64x257xf32, #tpu.memory_space<vmem>>[vector<16xi32>, vector<16xi32>], vector<16xf32>,
        %parallel_loop3A_532 = arith.constant 16 : i32
        %parallel_loop3A_533 = vector.broadcast %parallel_loop3A_532 : i32 to vector<16xi32>
        %parallel_loop3A_534 = arith.addi %iota3A, %parallel_loop3A_533 : vector<16xi32>
        %parallel_loop3A_535 = arith.constant 0 : i32
        %parallel_loop3A_536 = tpu.memref_slice %arg8[%parallel_loop3A_517, %parallel_loop3A_535] : memref<256x64xf32, #tpu.memory_space<vmem>> -> memref<1x64xf32, #tpu.memory_space<vmem>>
        %parallel_loop3A_537 = tpu.memref_squeeze %parallel_loop3A_536 : memref<1x64xf32, #tpu.memory_space<vmem>> -> memref<64xf32, #tpu.memory_space<vmem>>
        %parallel_loop3A_538 = tpu.vector_load_idx %parallel_loop3A_537[%parallel_loop3A_534] : memref<64xf32, #tpu.memory_space<vmem>>[vector<16xi32>], vector<16xf32>,
        %parallel_loop3A_539 = arith.constant 16 : i32
        %parallel_loop3A_540 = vector.broadcast %parallel_loop3A_539 : i32 to vector<16xi32>
        %parallel_loop3A_541 = arith.addi %iota3A, %parallel_loop3A_540 : vector<16xi32>
        tpu.vector_store_idx %arg10[%parallel_loop3A_541, %parallel_loop3A_521], %parallel_loop3A_538 : memref<64x257xf32, #tpu.memory_space<vmem>>[vector<16xi32>, vector<16xi32>], vector<16xf32>,
        %parallel_loop3A_542 = arith.constant 32 : i32
        %parallel_loop3A_543 = vector.broadcast %parallel_loop3A_542 : i32 to vector<16xi32>
        %parallel_loop3A_544 = arith.addi %iota3A, %parallel_loop3A_543 : vector<16xi32>
        %parallel_loop3A_545 = arith.constant 0 : i32
        %parallel_loop3A_546 = tpu.memref_slice %arg8[%parallel_loop3A_517, %parallel_loop3A_545] : memref<256x64xf32, #tpu.memory_space<vmem>> -> memref<1x64xf32, #tpu.memory_space<vmem>>
        %parallel_loop3A_547 = tpu.memref_squeeze %parallel_loop3A_546 : memref<1x64xf32, #tpu.memory_space<vmem>> -> memref<64xf32, #tpu.memory_space<vmem>>
        %parallel_loop3A_548 = tpu.vector_load_idx %parallel_loop3A_547[%parallel_loop3A_544] : memref<64xf32, #tpu.memory_space<vmem>>[vector<16xi32>], vector<16xf32>,
        %parallel_loop3A_549 = arith.constant 32 : i32
        %parallel_loop3A_550 = vector.broadcast %parallel_loop3A_549 : i32 to vector<16xi32>
        %parallel_loop3A_551 = arith.addi %iota3A, %parallel_loop3A_550 : vector<16xi32>
        tpu.vector_store_idx %arg10[%parallel_loop3A_551, %parallel_loop3A_521], %parallel_loop3A_548 : memref<64x257xf32, #tpu.memory_space<vmem>>[vector<16xi32>, vector<16xi32>], vector<16xf32>,
        %parallel_loop3A_552 = arith.constant 48 : i32
        %parallel_loop3A_553 = vector.broadcast %parallel_loop3A_552 : i32 to vector<16xi32>
        %parallel_loop3A_554 = arith.addi %iota3A, %parallel_loop3A_553 : vector<16xi32>
        %parallel_loop3A_555 = arith.constant 0 : i32
        %parallel_loop3A_556 = tpu.memref_slice %arg8[%parallel_loop3A_517, %parallel_loop3A_555] : memref<256x64xf32, #tpu.memory_space<vmem>> -> memref<1x64xf32, #tpu.memory_space<vmem>>
        %parallel_loop3A_557 = tpu.memref_squeeze %parallel_loop3A_556 : memref<1x64xf32, #tpu.memory_space<vmem>> -> memref<64xf32, #tpu.memory_space<vmem>>
        %parallel_loop3A_558 = tpu.vector_load_idx %parallel_loop3A_557[%parallel_loop3A_554] : memref<64xf32, #tpu.memory_space<vmem>>[vector<16xi32>], vector<16xf32>,
        %parallel_loop3A_559 = arith.constant 48 : i32
        %parallel_loop3A_560 = vector.broadcast %parallel_loop3A_559 : i32 to vector<16xi32>
        %parallel_loop3A_561 = arith.addi %iota3A, %parallel_loop3A_560 : vector<16xi32>
        tpu.vector_store_idx %arg10[%parallel_loop3A_561, %parallel_loop3A_521], %parallel_loop3A_558 : memref<64x257xf32, #tpu.memory_space<vmem>>[vector<16xi32>, vector<16xi32>], vector<16xf32>,
        %parallel_loop3A_562 = arith.constant 16 : i32
        %parallel_loop3A_563 = arith.muli %parallel_loop3A_129, %parallel_loop3A_562 : i32
        %parallel_loop3A_564 = arith.constant 9 : i32
        %parallel_loop3A_565 = arith.addi %parallel_loop3A_563, %parallel_loop3A_564 : i32
        %parallel_loop3A_566 = arith.constant 0 : i32
        %parallel_loop3A_567 = vector.broadcast %parallel_loop3A_566 : i32 to vector<16xi32>
        %parallel_loop3A_568 = vector.broadcast %parallel_loop3A_565 : i32 to vector<16xi32>
        %parallel_loop3A_569 = arith.addi %parallel_loop3A_567, %parallel_loop3A_568 : vector<16xi32>
        %parallel_loop3A_570 = arith.constant 0 : i32
        %parallel_loop3A_571 = vector.broadcast %parallel_loop3A_570 : i32 to vector<16xi32>
        %parallel_loop3A_572 = arith.addi %iota3A, %parallel_loop3A_571 : vector<16xi32>
        %parallel_loop3A_573 = arith.constant 0 : i32
        %parallel_loop3A_574 = tpu.memref_slice %arg8[%parallel_loop3A_565, %parallel_loop3A_573] : memref<256x64xf32, #tpu.memory_space<vmem>> -> memref<1x64xf32, #tpu.memory_space<vmem>>
        %parallel_loop3A_575 = tpu.memref_squeeze %parallel_loop3A_574 : memref<1x64xf32, #tpu.memory_space<vmem>> -> memref<64xf32, #tpu.memory_space<vmem>>
        %parallel_loop3A_576 = tpu.vector_load_idx %parallel_loop3A_575[%parallel_loop3A_572] : memref<64xf32, #tpu.memory_space<vmem>>[vector<16xi32>], vector<16xf32>,
        %parallel_loop3A_577 = arith.constant 0 : i32
        %parallel_loop3A_578 = vector.broadcast %parallel_loop3A_577 : i32 to vector<16xi32>
        %parallel_loop3A_579 = arith.addi %iota3A, %parallel_loop3A_578 : vector<16xi32>
        tpu.vector_store_idx %arg10[%parallel_loop3A_579, %parallel_loop3A_569], %parallel_loop3A_576 : memref<64x257xf32, #tpu.memory_space<vmem>>[vector<16xi32>, vector<16xi32>], vector<16xf32>,
        %parallel_loop3A_580 = arith.constant 16 : i32
        %parallel_loop3A_581 = vector.broadcast %parallel_loop3A_580 : i32 to vector<16xi32>
        %parallel_loop3A_582 = arith.addi %iota3A, %parallel_loop3A_581 : vector<16xi32>
        %parallel_loop3A_583 = arith.constant 0 : i32
        %parallel_loop3A_584 = tpu.memref_slice %arg8[%parallel_loop3A_565, %parallel_loop3A_583] : memref<256x64xf32, #tpu.memory_space<vmem>> -> memref<1x64xf32, #tpu.memory_space<vmem>>
        %parallel_loop3A_585 = tpu.memref_squeeze %parallel_loop3A_584 : memref<1x64xf32, #tpu.memory_space<vmem>> -> memref<64xf32, #tpu.memory_space<vmem>>
        %parallel_loop3A_586 = tpu.vector_load_idx %parallel_loop3A_585[%parallel_loop3A_582] : memref<64xf32, #tpu.memory_space<vmem>>[vector<16xi32>], vector<16xf32>,
        %parallel_loop3A_587 = arith.constant 16 : i32
        %parallel_loop3A_588 = vector.broadcast %parallel_loop3A_587 : i32 to vector<16xi32>
        %parallel_loop3A_589 = arith.addi %iota3A, %parallel_loop3A_588 : vector<16xi32>
        tpu.vector_store_idx %arg10[%parallel_loop3A_589, %parallel_loop3A_569], %parallel_loop3A_586 : memref<64x257xf32, #tpu.memory_space<vmem>>[vector<16xi32>, vector<16xi32>], vector<16xf32>,
        %parallel_loop3A_590 = arith.constant 32 : i32
        %parallel_loop3A_591 = vector.broadcast %parallel_loop3A_590 : i32 to vector<16xi32>
        %parallel_loop3A_592 = arith.addi %iota3A, %parallel_loop3A_591 : vector<16xi32>
        %parallel_loop3A_593 = arith.constant 0 : i32
        %parallel_loop3A_594 = tpu.memref_slice %arg8[%parallel_loop3A_565, %parallel_loop3A_593] : memref<256x64xf32, #tpu.memory_space<vmem>> -> memref<1x64xf32, #tpu.memory_space<vmem>>
        %parallel_loop3A_595 = tpu.memref_squeeze %parallel_loop3A_594 : memref<1x64xf32, #tpu.memory_space<vmem>> -> memref<64xf32, #tpu.memory_space<vmem>>
        %parallel_loop3A_596 = tpu.vector_load_idx %parallel_loop3A_595[%parallel_loop3A_592] : memref<64xf32, #tpu.memory_space<vmem>>[vector<16xi32>], vector<16xf32>,
        %parallel_loop3A_597 = arith.constant 32 : i32
        %parallel_loop3A_598 = vector.broadcast %parallel_loop3A_597 : i32 to vector<16xi32>
        %parallel_loop3A_599 = arith.addi %iota3A, %parallel_loop3A_598 : vector<16xi32>
        tpu.vector_store_idx %arg10[%parallel_loop3A_599, %parallel_loop3A_569], %parallel_loop3A_596 : memref<64x257xf32, #tpu.memory_space<vmem>>[vector<16xi32>, vector<16xi32>], vector<16xf32>,
        %parallel_loop3A_600 = arith.constant 48 : i32
        %parallel_loop3A_601 = vector.broadcast %parallel_loop3A_600 : i32 to vector<16xi32>
        %parallel_loop3A_602 = arith.addi %iota3A, %parallel_loop3A_601 : vector<16xi32>
        %parallel_loop3A_603 = arith.constant 0 : i32
        %parallel_loop3A_604 = tpu.memref_slice %arg8[%parallel_loop3A_565, %parallel_loop3A_603] : memref<256x64xf32, #tpu.memory_space<vmem>> -> memref<1x64xf32, #tpu.memory_space<vmem>>
        %parallel_loop3A_605 = tpu.memref_squeeze %parallel_loop3A_604 : memref<1x64xf32, #tpu.memory_space<vmem>> -> memref<64xf32, #tpu.memory_space<vmem>>
        %parallel_loop3A_606 = tpu.vector_load_idx %parallel_loop3A_605[%parallel_loop3A_602] : memref<64xf32, #tpu.memory_space<vmem>>[vector<16xi32>], vector<16xf32>,
        %parallel_loop3A_607 = arith.constant 48 : i32
        %parallel_loop3A_608 = vector.broadcast %parallel_loop3A_607 : i32 to vector<16xi32>
        %parallel_loop3A_609 = arith.addi %iota3A, %parallel_loop3A_608 : vector<16xi32>
        tpu.vector_store_idx %arg10[%parallel_loop3A_609, %parallel_loop3A_569], %parallel_loop3A_606 : memref<64x257xf32, #tpu.memory_space<vmem>>[vector<16xi32>, vector<16xi32>], vector<16xf32>,
        %parallel_loop3A_610 = arith.constant 16 : i32
        %parallel_loop3A_611 = arith.muli %parallel_loop3A_129, %parallel_loop3A_610 : i32
        %parallel_loop3A_612 = arith.constant 10 : i32
        %parallel_loop3A_613 = arith.addi %parallel_loop3A_611, %parallel_loop3A_612 : i32
        %parallel_loop3A_614 = arith.constant 0 : i32
        %parallel_loop3A_615 = vector.broadcast %parallel_loop3A_614 : i32 to vector<16xi32>
        %parallel_loop3A_616 = vector.broadcast %parallel_loop3A_613 : i32 to vector<16xi32>
        %parallel_loop3A_617 = arith.addi %parallel_loop3A_615, %parallel_loop3A_616 : vector<16xi32>
        %parallel_loop3A_618 = arith.constant 0 : i32
        %parallel_loop3A_619 = vector.broadcast %parallel_loop3A_618 : i32 to vector<16xi32>
        %parallel_loop3A_620 = arith.addi %iota3A, %parallel_loop3A_619 : vector<16xi32>
        %parallel_loop3A_621 = arith.constant 0 : i32
        %parallel_loop3A_622 = tpu.memref_slice %arg8[%parallel_loop3A_613, %parallel_loop3A_621] : memref<256x64xf32, #tpu.memory_space<vmem>> -> memref<1x64xf32, #tpu.memory_space<vmem>>
        %parallel_loop3A_623 = tpu.memref_squeeze %parallel_loop3A_622 : memref<1x64xf32, #tpu.memory_space<vmem>> -> memref<64xf32, #tpu.memory_space<vmem>>
        %parallel_loop3A_624 = tpu.vector_load_idx %parallel_loop3A_623[%parallel_loop3A_620] : memref<64xf32, #tpu.memory_space<vmem>>[vector<16xi32>], vector<16xf32>,
        %parallel_loop3A_625 = arith.constant 0 : i32
        %parallel_loop3A_626 = vector.broadcast %parallel_loop3A_625 : i32 to vector<16xi32>
        %parallel_loop3A_627 = arith.addi %iota3A, %parallel_loop3A_626 : vector<16xi32>
        tpu.vector_store_idx %arg10[%parallel_loop3A_627, %parallel_loop3A_617], %parallel_loop3A_624 : memref<64x257xf32, #tpu.memory_space<vmem>>[vector<16xi32>, vector<16xi32>], vector<16xf32>,
        %parallel_loop3A_628 = arith.constant 16 : i32
        %parallel_loop3A_629 = vector.broadcast %parallel_loop3A_628 : i32 to vector<16xi32>
        %parallel_loop3A_630 = arith.addi %iota3A, %parallel_loop3A_629 : vector<16xi32>
        %parallel_loop3A_631 = arith.constant 0 : i32
        %parallel_loop3A_632 = tpu.memref_slice %arg8[%parallel_loop3A_613, %parallel_loop3A_631] : memref<256x64xf32, #tpu.memory_space<vmem>> -> memref<1x64xf32, #tpu.memory_space<vmem>>
        %parallel_loop3A_633 = tpu.memref_squeeze %parallel_loop3A_632 : memref<1x64xf32, #tpu.memory_space<vmem>> -> memref<64xf32, #tpu.memory_space<vmem>>
        %parallel_loop3A_634 = tpu.vector_load_idx %parallel_loop3A_633[%parallel_loop3A_630] : memref<64xf32, #tpu.memory_space<vmem>>[vector<16xi32>], vector<16xf32>,
        %parallel_loop3A_635 = arith.constant 16 : i32
        %parallel_loop3A_636 = vector.broadcast %parallel_loop3A_635 : i32 to vector<16xi32>
        %parallel_loop3A_637 = arith.addi %iota3A, %parallel_loop3A_636 : vector<16xi32>
        tpu.vector_store_idx %arg10[%parallel_loop3A_637, %parallel_loop3A_617], %parallel_loop3A_634 : memref<64x257xf32, #tpu.memory_space<vmem>>[vector<16xi32>, vector<16xi32>], vector<16xf32>,
        %parallel_loop3A_638 = arith.constant 32 : i32
        %parallel_loop3A_639 = vector.broadcast %parallel_loop3A_638 : i32 to vector<16xi32>
        %parallel_loop3A_640 = arith.addi %iota3A, %parallel_loop3A_639 : vector<16xi32>
        %parallel_loop3A_641 = arith.constant 0 : i32
        %parallel_loop3A_642 = tpu.memref_slice %arg8[%parallel_loop3A_613, %parallel_loop3A_641] : memref<256x64xf32, #tpu.memory_space<vmem>> -> memref<1x64xf32, #tpu.memory_space<vmem>>
        %parallel_loop3A_643 = tpu.memref_squeeze %parallel_loop3A_642 : memref<1x64xf32, #tpu.memory_space<vmem>> -> memref<64xf32, #tpu.memory_space<vmem>>
        %parallel_loop3A_644 = tpu.vector_load_idx %parallel_loop3A_643[%parallel_loop3A_640] : memref<64xf32, #tpu.memory_space<vmem>>[vector<16xi32>], vector<16xf32>,
        %parallel_loop3A_645 = arith.constant 32 : i32
        %parallel_loop3A_646 = vector.broadcast %parallel_loop3A_645 : i32 to vector<16xi32>
        %parallel_loop3A_647 = arith.addi %iota3A, %parallel_loop3A_646 : vector<16xi32>
        tpu.vector_store_idx %arg10[%parallel_loop3A_647, %parallel_loop3A_617], %parallel_loop3A_644 : memref<64x257xf32, #tpu.memory_space<vmem>>[vector<16xi32>, vector<16xi32>], vector<16xf32>,
        %parallel_loop3A_648 = arith.constant 48 : i32
        %parallel_loop3A_649 = vector.broadcast %parallel_loop3A_648 : i32 to vector<16xi32>
        %parallel_loop3A_650 = arith.addi %iota3A, %parallel_loop3A_649 : vector<16xi32>
        %parallel_loop3A_651 = arith.constant 0 : i32
        %parallel_loop3A_652 = tpu.memref_slice %arg8[%parallel_loop3A_613, %parallel_loop3A_651] : memref<256x64xf32, #tpu.memory_space<vmem>> -> memref<1x64xf32, #tpu.memory_space<vmem>>
        %parallel_loop3A_653 = tpu.memref_squeeze %parallel_loop3A_652 : memref<1x64xf32, #tpu.memory_space<vmem>> -> memref<64xf32, #tpu.memory_space<vmem>>
        %parallel_loop3A_654 = tpu.vector_load_idx %parallel_loop3A_653[%parallel_loop3A_650] : memref<64xf32, #tpu.memory_space<vmem>>[vector<16xi32>], vector<16xf32>,
        %parallel_loop3A_655 = arith.constant 48 : i32
        %parallel_loop3A_656 = vector.broadcast %parallel_loop3A_655 : i32 to vector<16xi32>
        %parallel_loop3A_657 = arith.addi %iota3A, %parallel_loop3A_656 : vector<16xi32>
        tpu.vector_store_idx %arg10[%parallel_loop3A_657, %parallel_loop3A_617], %parallel_loop3A_654 : memref<64x257xf32, #tpu.memory_space<vmem>>[vector<16xi32>, vector<16xi32>], vector<16xf32>,
        %parallel_loop3A_658 = arith.constant 16 : i32
        %parallel_loop3A_659 = arith.muli %parallel_loop3A_129, %parallel_loop3A_658 : i32
        %parallel_loop3A_660 = arith.constant 11 : i32
        %parallel_loop3A_661 = arith.addi %parallel_loop3A_659, %parallel_loop3A_660 : i32
        %parallel_loop3A_662 = arith.constant 0 : i32
        %parallel_loop3A_663 = vector.broadcast %parallel_loop3A_662 : i32 to vector<16xi32>
        %parallel_loop3A_664 = vector.broadcast %parallel_loop3A_661 : i32 to vector<16xi32>
        %parallel_loop3A_665 = arith.addi %parallel_loop3A_663, %parallel_loop3A_664 : vector<16xi32>
        %parallel_loop3A_666 = arith.constant 0 : i32
        %parallel_loop3A_667 = vector.broadcast %parallel_loop3A_666 : i32 to vector<16xi32>
        %parallel_loop3A_668 = arith.addi %iota3A, %parallel_loop3A_667 : vector<16xi32>
        %parallel_loop3A_669 = arith.constant 0 : i32
        %parallel_loop3A_670 = tpu.memref_slice %arg8[%parallel_loop3A_661, %parallel_loop3A_669] : memref<256x64xf32, #tpu.memory_space<vmem>> -> memref<1x64xf32, #tpu.memory_space<vmem>>
        %parallel_loop3A_671 = tpu.memref_squeeze %parallel_loop3A_670 : memref<1x64xf32, #tpu.memory_space<vmem>> -> memref<64xf32, #tpu.memory_space<vmem>>
        %parallel_loop3A_672 = tpu.vector_load_idx %parallel_loop3A_671[%parallel_loop3A_668] : memref<64xf32, #tpu.memory_space<vmem>>[vector<16xi32>], vector<16xf32>,
        %parallel_loop3A_673 = arith.constant 0 : i32
        %parallel_loop3A_674 = vector.broadcast %parallel_loop3A_673 : i32 to vector<16xi32>
        %parallel_loop3A_675 = arith.addi %iota3A, %parallel_loop3A_674 : vector<16xi32>
        tpu.vector_store_idx %arg10[%parallel_loop3A_675, %parallel_loop3A_665], %parallel_loop3A_672 : memref<64x257xf32, #tpu.memory_space<vmem>>[vector<16xi32>, vector<16xi32>], vector<16xf32>,
        %parallel_loop3A_676 = arith.constant 16 : i32
        %parallel_loop3A_677 = vector.broadcast %parallel_loop3A_676 : i32 to vector<16xi32>
        %parallel_loop3A_678 = arith.addi %iota3A, %parallel_loop3A_677 : vector<16xi32>
        %parallel_loop3A_679 = arith.constant 0 : i32
        %parallel_loop3A_680 = tpu.memref_slice %arg8[%parallel_loop3A_661, %parallel_loop3A_679] : memref<256x64xf32, #tpu.memory_space<vmem>> -> memref<1x64xf32, #tpu.memory_space<vmem>>
        %parallel_loop3A_681 = tpu.memref_squeeze %parallel_loop3A_680 : memref<1x64xf32, #tpu.memory_space<vmem>> -> memref<64xf32, #tpu.memory_space<vmem>>
        %parallel_loop3A_682 = tpu.vector_load_idx %parallel_loop3A_681[%parallel_loop3A_678] : memref<64xf32, #tpu.memory_space<vmem>>[vector<16xi32>], vector<16xf32>,
        %parallel_loop3A_683 = arith.constant 16 : i32
        %parallel_loop3A_684 = vector.broadcast %parallel_loop3A_683 : i32 to vector<16xi32>
        %parallel_loop3A_685 = arith.addi %iota3A, %parallel_loop3A_684 : vector<16xi32>
        tpu.vector_store_idx %arg10[%parallel_loop3A_685, %parallel_loop3A_665], %parallel_loop3A_682 : memref<64x257xf32, #tpu.memory_space<vmem>>[vector<16xi32>, vector<16xi32>], vector<16xf32>,
        %parallel_loop3A_686 = arith.constant 32 : i32
        %parallel_loop3A_687 = vector.broadcast %parallel_loop3A_686 : i32 to vector<16xi32>
        %parallel_loop3A_688 = arith.addi %iota3A, %parallel_loop3A_687 : vector<16xi32>
        %parallel_loop3A_689 = arith.constant 0 : i32
        %parallel_loop3A_690 = tpu.memref_slice %arg8[%parallel_loop3A_661, %parallel_loop3A_689] : memref<256x64xf32, #tpu.memory_space<vmem>> -> memref<1x64xf32, #tpu.memory_space<vmem>>
        %parallel_loop3A_691 = tpu.memref_squeeze %parallel_loop3A_690 : memref<1x64xf32, #tpu.memory_space<vmem>> -> memref<64xf32, #tpu.memory_space<vmem>>
        %parallel_loop3A_692 = tpu.vector_load_idx %parallel_loop3A_691[%parallel_loop3A_688] : memref<64xf32, #tpu.memory_space<vmem>>[vector<16xi32>], vector<16xf32>,
        %parallel_loop3A_693 = arith.constant 32 : i32
        %parallel_loop3A_694 = vector.broadcast %parallel_loop3A_693 : i32 to vector<16xi32>
        %parallel_loop3A_695 = arith.addi %iota3A, %parallel_loop3A_694 : vector<16xi32>
        tpu.vector_store_idx %arg10[%parallel_loop3A_695, %parallel_loop3A_665], %parallel_loop3A_692 : memref<64x257xf32, #tpu.memory_space<vmem>>[vector<16xi32>, vector<16xi32>], vector<16xf32>,
        %parallel_loop3A_696 = arith.constant 48 : i32
        %parallel_loop3A_697 = vector.broadcast %parallel_loop3A_696 : i32 to vector<16xi32>
        %parallel_loop3A_698 = arith.addi %iota3A, %parallel_loop3A_697 : vector<16xi32>
        %parallel_loop3A_699 = arith.constant 0 : i32
        %parallel_loop3A_700 = tpu.memref_slice %arg8[%parallel_loop3A_661, %parallel_loop3A_699] : memref<256x64xf32, #tpu.memory_space<vmem>> -> memref<1x64xf32, #tpu.memory_space<vmem>>
        %parallel_loop3A_701 = tpu.memref_squeeze %parallel_loop3A_700 : memref<1x64xf32, #tpu.memory_space<vmem>> -> memref<64xf32, #tpu.memory_space<vmem>>
        %parallel_loop3A_702 = tpu.vector_load_idx %parallel_loop3A_701[%parallel_loop3A_698] : memref<64xf32, #tpu.memory_space<vmem>>[vector<16xi32>], vector<16xf32>,
        %parallel_loop3A_703 = arith.constant 48 : i32
        %parallel_loop3A_704 = vector.broadcast %parallel_loop3A_703 : i32 to vector<16xi32>
        %parallel_loop3A_705 = arith.addi %iota3A, %parallel_loop3A_704 : vector<16xi32>
        tpu.vector_store_idx %arg10[%parallel_loop3A_705, %parallel_loop3A_665], %parallel_loop3A_702 : memref<64x257xf32, #tpu.memory_space<vmem>>[vector<16xi32>, vector<16xi32>], vector<16xf32>,
        %parallel_loop3A_706 = arith.constant 16 : i32
        %parallel_loop3A_707 = arith.muli %parallel_loop3A_129, %parallel_loop3A_706 : i32
        %parallel_loop3A_708 = arith.constant 12 : i32
        %parallel_loop3A_709 = arith.addi %parallel_loop3A_707, %parallel_loop3A_708 : i32
        %parallel_loop3A_710 = arith.constant 0 : i32
        %parallel_loop3A_711 = vector.broadcast %parallel_loop3A_710 : i32 to vector<16xi32>
        %parallel_loop3A_712 = vector.broadcast %parallel_loop3A_709 : i32 to vector<16xi32>
        %parallel_loop3A_713 = arith.addi %parallel_loop3A_711, %parallel_loop3A_712 : vector<16xi32>
        %parallel_loop3A_714 = arith.constant 0 : i32
        %parallel_loop3A_715 = vector.broadcast %parallel_loop3A_714 : i32 to vector<16xi32>
        %parallel_loop3A_716 = arith.addi %iota3A, %parallel_loop3A_715 : vector<16xi32>
        %parallel_loop3A_717 = arith.constant 0 : i32
        %parallel_loop3A_718 = tpu.memref_slice %arg8[%parallel_loop3A_709, %parallel_loop3A_717] : memref<256x64xf32, #tpu.memory_space<vmem>> -> memref<1x64xf32, #tpu.memory_space<vmem>>
        %parallel_loop3A_719 = tpu.memref_squeeze %parallel_loop3A_718 : memref<1x64xf32, #tpu.memory_space<vmem>> -> memref<64xf32, #tpu.memory_space<vmem>>
        %parallel_loop3A_720 = tpu.vector_load_idx %parallel_loop3A_719[%parallel_loop3A_716] : memref<64xf32, #tpu.memory_space<vmem>>[vector<16xi32>], vector<16xf32>,
        %parallel_loop3A_721 = arith.constant 0 : i32
        %parallel_loop3A_722 = vector.broadcast %parallel_loop3A_721 : i32 to vector<16xi32>
        %parallel_loop3A_723 = arith.addi %iota3A, %parallel_loop3A_722 : vector<16xi32>
        tpu.vector_store_idx %arg10[%parallel_loop3A_723, %parallel_loop3A_713], %parallel_loop3A_720 : memref<64x257xf32, #tpu.memory_space<vmem>>[vector<16xi32>, vector<16xi32>], vector<16xf32>,
        %parallel_loop3A_724 = arith.constant 16 : i32
        %parallel_loop3A_725 = vector.broadcast %parallel_loop3A_724 : i32 to vector<16xi32>
        %parallel_loop3A_726 = arith.addi %iota3A, %parallel_loop3A_725 : vector<16xi32>
        %parallel_loop3A_727 = arith.constant 0 : i32
        %parallel_loop3A_728 = tpu.memref_slice %arg8[%parallel_loop3A_709, %parallel_loop3A_727] : memref<256x64xf32, #tpu.memory_space<vmem>> -> memref<1x64xf32, #tpu.memory_space<vmem>>
        %parallel_loop3A_729 = tpu.memref_squeeze %parallel_loop3A_728 : memref<1x64xf32, #tpu.memory_space<vmem>> -> memref<64xf32, #tpu.memory_space<vmem>>
        %parallel_loop3A_730 = tpu.vector_load_idx %parallel_loop3A_729[%parallel_loop3A_726] : memref<64xf32, #tpu.memory_space<vmem>>[vector<16xi32>], vector<16xf32>,
        %parallel_loop3A_731 = arith.constant 16 : i32
        %parallel_loop3A_732 = vector.broadcast %parallel_loop3A_731 : i32 to vector<16xi32>
        %parallel_loop3A_733 = arith.addi %iota3A, %parallel_loop3A_732 : vector<16xi32>
        tpu.vector_store_idx %arg10[%parallel_loop3A_733, %parallel_loop3A_713], %parallel_loop3A_730 : memref<64x257xf32, #tpu.memory_space<vmem>>[vector<16xi32>, vector<16xi32>], vector<16xf32>,
        %parallel_loop3A_734 = arith.constant 32 : i32
        %parallel_loop3A_735 = vector.broadcast %parallel_loop3A_734 : i32 to vector<16xi32>
        %parallel_loop3A_736 = arith.addi %iota3A, %parallel_loop3A_735 : vector<16xi32>
        %parallel_loop3A_737 = arith.constant 0 : i32
        %parallel_loop3A_738 = tpu.memref_slice %arg8[%parallel_loop3A_709, %parallel_loop3A_737] : memref<256x64xf32, #tpu.memory_space<vmem>> -> memref<1x64xf32, #tpu.memory_space<vmem>>
        %parallel_loop3A_739 = tpu.memref_squeeze %parallel_loop3A_738 : memref<1x64xf32, #tpu.memory_space<vmem>> -> memref<64xf32, #tpu.memory_space<vmem>>
        %parallel_loop3A_740 = tpu.vector_load_idx %parallel_loop3A_739[%parallel_loop3A_736] : memref<64xf32, #tpu.memory_space<vmem>>[vector<16xi32>], vector<16xf32>,
        %parallel_loop3A_741 = arith.constant 32 : i32
        %parallel_loop3A_742 = vector.broadcast %parallel_loop3A_741 : i32 to vector<16xi32>
        %parallel_loop3A_743 = arith.addi %iota3A, %parallel_loop3A_742 : vector<16xi32>
        tpu.vector_store_idx %arg10[%parallel_loop3A_743, %parallel_loop3A_713], %parallel_loop3A_740 : memref<64x257xf32, #tpu.memory_space<vmem>>[vector<16xi32>, vector<16xi32>], vector<16xf32>,
        %parallel_loop3A_744 = arith.constant 48 : i32
        %parallel_loop3A_745 = vector.broadcast %parallel_loop3A_744 : i32 to vector<16xi32>
        %parallel_loop3A_746 = arith.addi %iota3A, %parallel_loop3A_745 : vector<16xi32>
        %parallel_loop3A_747 = arith.constant 0 : i32
        %parallel_loop3A_748 = tpu.memref_slice %arg8[%parallel_loop3A_709, %parallel_loop3A_747] : memref<256x64xf32, #tpu.memory_space<vmem>> -> memref<1x64xf32, #tpu.memory_space<vmem>>
        %parallel_loop3A_749 = tpu.memref_squeeze %parallel_loop3A_748 : memref<1x64xf32, #tpu.memory_space<vmem>> -> memref<64xf32, #tpu.memory_space<vmem>>
        %parallel_loop3A_750 = tpu.vector_load_idx %parallel_loop3A_749[%parallel_loop3A_746] : memref<64xf32, #tpu.memory_space<vmem>>[vector<16xi32>], vector<16xf32>,
        %parallel_loop3A_751 = arith.constant 48 : i32
        %parallel_loop3A_752 = vector.broadcast %parallel_loop3A_751 : i32 to vector<16xi32>
        %parallel_loop3A_753 = arith.addi %iota3A, %parallel_loop3A_752 : vector<16xi32>
        tpu.vector_store_idx %arg10[%parallel_loop3A_753, %parallel_loop3A_713], %parallel_loop3A_750 : memref<64x257xf32, #tpu.memory_space<vmem>>[vector<16xi32>, vector<16xi32>], vector<16xf32>,
        %parallel_loop3A_754 = arith.constant 16 : i32
        %parallel_loop3A_755 = arith.muli %parallel_loop3A_129, %parallel_loop3A_754 : i32
        %parallel_loop3A_756 = arith.constant 13 : i32
        %parallel_loop3A_757 = arith.addi %parallel_loop3A_755, %parallel_loop3A_756 : i32
        %parallel_loop3A_758 = arith.constant 0 : i32
        %parallel_loop3A_759 = vector.broadcast %parallel_loop3A_758 : i32 to vector<16xi32>
        %parallel_loop3A_760 = vector.broadcast %parallel_loop3A_757 : i32 to vector<16xi32>
        %parallel_loop3A_761 = arith.addi %parallel_loop3A_759, %parallel_loop3A_760 : vector<16xi32>
        %parallel_loop3A_762 = arith.constant 0 : i32
        %parallel_loop3A_763 = vector.broadcast %parallel_loop3A_762 : i32 to vector<16xi32>
        %parallel_loop3A_764 = arith.addi %iota3A, %parallel_loop3A_763 : vector<16xi32>
        %parallel_loop3A_765 = arith.constant 0 : i32
        %parallel_loop3A_766 = tpu.memref_slice %arg8[%parallel_loop3A_757, %parallel_loop3A_765] : memref<256x64xf32, #tpu.memory_space<vmem>> -> memref<1x64xf32, #tpu.memory_space<vmem>>
        %parallel_loop3A_767 = tpu.memref_squeeze %parallel_loop3A_766 : memref<1x64xf32, #tpu.memory_space<vmem>> -> memref<64xf32, #tpu.memory_space<vmem>>
        %parallel_loop3A_768 = tpu.vector_load_idx %parallel_loop3A_767[%parallel_loop3A_764] : memref<64xf32, #tpu.memory_space<vmem>>[vector<16xi32>], vector<16xf32>,
        %parallel_loop3A_769 = arith.constant 0 : i32
        %parallel_loop3A_770 = vector.broadcast %parallel_loop3A_769 : i32 to vector<16xi32>
        %parallel_loop3A_771 = arith.addi %iota3A, %parallel_loop3A_770 : vector<16xi32>
        tpu.vector_store_idx %arg10[%parallel_loop3A_771, %parallel_loop3A_761], %parallel_loop3A_768 : memref<64x257xf32, #tpu.memory_space<vmem>>[vector<16xi32>, vector<16xi32>], vector<16xf32>,
        %parallel_loop3A_772 = arith.constant 16 : i32
        %parallel_loop3A_773 = vector.broadcast %parallel_loop3A_772 : i32 to vector<16xi32>
        %parallel_loop3A_774 = arith.addi %iota3A, %parallel_loop3A_773 : vector<16xi32>
        %parallel_loop3A_775 = arith.constant 0 : i32
        %parallel_loop3A_776 = tpu.memref_slice %arg8[%parallel_loop3A_757, %parallel_loop3A_775] : memref<256x64xf32, #tpu.memory_space<vmem>> -> memref<1x64xf32, #tpu.memory_space<vmem>>
        %parallel_loop3A_777 = tpu.memref_squeeze %parallel_loop3A_776 : memref<1x64xf32, #tpu.memory_space<vmem>> -> memref<64xf32, #tpu.memory_space<vmem>>
        %parallel_loop3A_778 = tpu.vector_load_idx %parallel_loop3A_777[%parallel_loop3A_774] : memref<64xf32, #tpu.memory_space<vmem>>[vector<16xi32>], vector<16xf32>,
        %parallel_loop3A_779 = arith.constant 16 : i32
        %parallel_loop3A_780 = vector.broadcast %parallel_loop3A_779 : i32 to vector<16xi32>
        %parallel_loop3A_781 = arith.addi %iota3A, %parallel_loop3A_780 : vector<16xi32>
        tpu.vector_store_idx %arg10[%parallel_loop3A_781, %parallel_loop3A_761], %parallel_loop3A_778 : memref<64x257xf32, #tpu.memory_space<vmem>>[vector<16xi32>, vector<16xi32>], vector<16xf32>,
        %parallel_loop3A_782 = arith.constant 32 : i32
        %parallel_loop3A_783 = vector.broadcast %parallel_loop3A_782 : i32 to vector<16xi32>
        %parallel_loop3A_784 = arith.addi %iota3A, %parallel_loop3A_783 : vector<16xi32>
        %parallel_loop3A_785 = arith.constant 0 : i32
        %parallel_loop3A_786 = tpu.memref_slice %arg8[%parallel_loop3A_757, %parallel_loop3A_785] : memref<256x64xf32, #tpu.memory_space<vmem>> -> memref<1x64xf32, #tpu.memory_space<vmem>>
        %parallel_loop3A_787 = tpu.memref_squeeze %parallel_loop3A_786 : memref<1x64xf32, #tpu.memory_space<vmem>> -> memref<64xf32, #tpu.memory_space<vmem>>
        %parallel_loop3A_788 = tpu.vector_load_idx %parallel_loop3A_787[%parallel_loop3A_784] : memref<64xf32, #tpu.memory_space<vmem>>[vector<16xi32>], vector<16xf32>,
        %parallel_loop3A_789 = arith.constant 32 : i32
        %parallel_loop3A_790 = vector.broadcast %parallel_loop3A_789 : i32 to vector<16xi32>
        %parallel_loop3A_791 = arith.addi %iota3A, %parallel_loop3A_790 : vector<16xi32>
        tpu.vector_store_idx %arg10[%parallel_loop3A_791, %parallel_loop3A_761], %parallel_loop3A_788 : memref<64x257xf32, #tpu.memory_space<vmem>>[vector<16xi32>, vector<16xi32>], vector<16xf32>,
        %parallel_loop3A_792 = arith.constant 48 : i32
        %parallel_loop3A_793 = vector.broadcast %parallel_loop3A_792 : i32 to vector<16xi32>
        %parallel_loop3A_794 = arith.addi %iota3A, %parallel_loop3A_793 : vector<16xi32>
        %parallel_loop3A_795 = arith.constant 0 : i32
        %parallel_loop3A_796 = tpu.memref_slice %arg8[%parallel_loop3A_757, %parallel_loop3A_795] : memref<256x64xf32, #tpu.memory_space<vmem>> -> memref<1x64xf32, #tpu.memory_space<vmem>>
        %parallel_loop3A_797 = tpu.memref_squeeze %parallel_loop3A_796 : memref<1x64xf32, #tpu.memory_space<vmem>> -> memref<64xf32, #tpu.memory_space<vmem>>
        %parallel_loop3A_798 = tpu.vector_load_idx %parallel_loop3A_797[%parallel_loop3A_794] : memref<64xf32, #tpu.memory_space<vmem>>[vector<16xi32>], vector<16xf32>,
        %parallel_loop3A_799 = arith.constant 48 : i32
        %parallel_loop3A_800 = vector.broadcast %parallel_loop3A_799 : i32 to vector<16xi32>
        %parallel_loop3A_801 = arith.addi %iota3A, %parallel_loop3A_800 : vector<16xi32>
        tpu.vector_store_idx %arg10[%parallel_loop3A_801, %parallel_loop3A_761], %parallel_loop3A_798 : memref<64x257xf32, #tpu.memory_space<vmem>>[vector<16xi32>, vector<16xi32>], vector<16xf32>,
        %parallel_loop3A_802 = arith.constant 16 : i32
        %parallel_loop3A_803 = arith.muli %parallel_loop3A_129, %parallel_loop3A_802 : i32
        %parallel_loop3A_804 = arith.constant 14 : i32
        %parallel_loop3A_805 = arith.addi %parallel_loop3A_803, %parallel_loop3A_804 : i32
        %parallel_loop3A_806 = arith.constant 0 : i32
        %parallel_loop3A_807 = vector.broadcast %parallel_loop3A_806 : i32 to vector<16xi32>
        %parallel_loop3A_808 = vector.broadcast %parallel_loop3A_805 : i32 to vector<16xi32>
        %parallel_loop3A_809 = arith.addi %parallel_loop3A_807, %parallel_loop3A_808 : vector<16xi32>
        %parallel_loop3A_810 = arith.constant 0 : i32
        %parallel_loop3A_811 = vector.broadcast %parallel_loop3A_810 : i32 to vector<16xi32>
        %parallel_loop3A_812 = arith.addi %iota3A, %parallel_loop3A_811 : vector<16xi32>
        %parallel_loop3A_813 = arith.constant 0 : i32
        %parallel_loop3A_814 = tpu.memref_slice %arg8[%parallel_loop3A_805, %parallel_loop3A_813] : memref<256x64xf32, #tpu.memory_space<vmem>> -> memref<1x64xf32, #tpu.memory_space<vmem>>
        %parallel_loop3A_815 = tpu.memref_squeeze %parallel_loop3A_814 : memref<1x64xf32, #tpu.memory_space<vmem>> -> memref<64xf32, #tpu.memory_space<vmem>>
        %parallel_loop3A_816 = tpu.vector_load_idx %parallel_loop3A_815[%parallel_loop3A_812] : memref<64xf32, #tpu.memory_space<vmem>>[vector<16xi32>], vector<16xf32>,
        %parallel_loop3A_817 = arith.constant 0 : i32
        %parallel_loop3A_818 = vector.broadcast %parallel_loop3A_817 : i32 to vector<16xi32>
        %parallel_loop3A_819 = arith.addi %iota3A, %parallel_loop3A_818 : vector<16xi32>
        tpu.vector_store_idx %arg10[%parallel_loop3A_819, %parallel_loop3A_809], %parallel_loop3A_816 : memref<64x257xf32, #tpu.memory_space<vmem>>[vector<16xi32>, vector<16xi32>], vector<16xf32>,
        %parallel_loop3A_820 = arith.constant 16 : i32
        %parallel_loop3A_821 = vector.broadcast %parallel_loop3A_820 : i32 to vector<16xi32>
        %parallel_loop3A_822 = arith.addi %iota3A, %parallel_loop3A_821 : vector<16xi32>
        %parallel_loop3A_823 = arith.constant 0 : i32
        %parallel_loop3A_824 = tpu.memref_slice %arg8[%parallel_loop3A_805, %parallel_loop3A_823] : memref<256x64xf32, #tpu.memory_space<vmem>> -> memref<1x64xf32, #tpu.memory_space<vmem>>
        %parallel_loop3A_825 = tpu.memref_squeeze %parallel_loop3A_824 : memref<1x64xf32, #tpu.memory_space<vmem>> -> memref<64xf32, #tpu.memory_space<vmem>>
        %parallel_loop3A_826 = tpu.vector_load_idx %parallel_loop3A_825[%parallel_loop3A_822] : memref<64xf32, #tpu.memory_space<vmem>>[vector<16xi32>], vector<16xf32>,
        %parallel_loop3A_827 = arith.constant 16 : i32
        %parallel_loop3A_828 = vector.broadcast %parallel_loop3A_827 : i32 to vector<16xi32>
        %parallel_loop3A_829 = arith.addi %iota3A, %parallel_loop3A_828 : vector<16xi32>
        tpu.vector_store_idx %arg10[%parallel_loop3A_829, %parallel_loop3A_809], %parallel_loop3A_826 : memref<64x257xf32, #tpu.memory_space<vmem>>[vector<16xi32>, vector<16xi32>], vector<16xf32>,
        %parallel_loop3A_830 = arith.constant 32 : i32
        %parallel_loop3A_831 = vector.broadcast %parallel_loop3A_830 : i32 to vector<16xi32>
        %parallel_loop3A_832 = arith.addi %iota3A, %parallel_loop3A_831 : vector<16xi32>
        %parallel_loop3A_833 = arith.constant 0 : i32
        %parallel_loop3A_834 = tpu.memref_slice %arg8[%parallel_loop3A_805, %parallel_loop3A_833] : memref<256x64xf32, #tpu.memory_space<vmem>> -> memref<1x64xf32, #tpu.memory_space<vmem>>
        %parallel_loop3A_835 = tpu.memref_squeeze %parallel_loop3A_834 : memref<1x64xf32, #tpu.memory_space<vmem>> -> memref<64xf32, #tpu.memory_space<vmem>>
        %parallel_loop3A_836 = tpu.vector_load_idx %parallel_loop3A_835[%parallel_loop3A_832] : memref<64xf32, #tpu.memory_space<vmem>>[vector<16xi32>], vector<16xf32>,
        %parallel_loop3A_837 = arith.constant 32 : i32
        %parallel_loop3A_838 = vector.broadcast %parallel_loop3A_837 : i32 to vector<16xi32>
        %parallel_loop3A_839 = arith.addi %iota3A, %parallel_loop3A_838 : vector<16xi32>
        tpu.vector_store_idx %arg10[%parallel_loop3A_839, %parallel_loop3A_809], %parallel_loop3A_836 : memref<64x257xf32, #tpu.memory_space<vmem>>[vector<16xi32>, vector<16xi32>], vector<16xf32>,
        %parallel_loop3A_840 = arith.constant 48 : i32
        %parallel_loop3A_841 = vector.broadcast %parallel_loop3A_840 : i32 to vector<16xi32>
        %parallel_loop3A_842 = arith.addi %iota3A, %parallel_loop3A_841 : vector<16xi32>
        %parallel_loop3A_843 = arith.constant 0 : i32
        %parallel_loop3A_844 = tpu.memref_slice %arg8[%parallel_loop3A_805, %parallel_loop3A_843] : memref<256x64xf32, #tpu.memory_space<vmem>> -> memref<1x64xf32, #tpu.memory_space<vmem>>
        %parallel_loop3A_845 = tpu.memref_squeeze %parallel_loop3A_844 : memref<1x64xf32, #tpu.memory_space<vmem>> -> memref<64xf32, #tpu.memory_space<vmem>>
        %parallel_loop3A_846 = tpu.vector_load_idx %parallel_loop3A_845[%parallel_loop3A_842] : memref<64xf32, #tpu.memory_space<vmem>>[vector<16xi32>], vector<16xf32>,
        %parallel_loop3A_847 = arith.constant 48 : i32
        %parallel_loop3A_848 = vector.broadcast %parallel_loop3A_847 : i32 to vector<16xi32>
        %parallel_loop3A_849 = arith.addi %iota3A, %parallel_loop3A_848 : vector<16xi32>
        tpu.vector_store_idx %arg10[%parallel_loop3A_849, %parallel_loop3A_809], %parallel_loop3A_846 : memref<64x257xf32, #tpu.memory_space<vmem>>[vector<16xi32>, vector<16xi32>], vector<16xf32>,
        %parallel_loop3A_850 = arith.constant 16 : i32
        %parallel_loop3A_851 = arith.muli %parallel_loop3A_129, %parallel_loop3A_850 : i32
        %parallel_loop3A_852 = arith.constant 15 : i32
        %parallel_loop3A_853 = arith.addi %parallel_loop3A_851, %parallel_loop3A_852 : i32
        %parallel_loop3A_854 = arith.constant 0 : i32
        %parallel_loop3A_855 = vector.broadcast %parallel_loop3A_854 : i32 to vector<16xi32>
        %parallel_loop3A_856 = vector.broadcast %parallel_loop3A_853 : i32 to vector<16xi32>
        %parallel_loop3A_857 = arith.addi %parallel_loop3A_855, %parallel_loop3A_856 : vector<16xi32>
        %parallel_loop3A_858 = arith.constant 0 : i32
        %parallel_loop3A_859 = vector.broadcast %parallel_loop3A_858 : i32 to vector<16xi32>
        %parallel_loop3A_860 = arith.addi %iota3A, %parallel_loop3A_859 : vector<16xi32>
        %parallel_loop3A_861 = arith.constant 0 : i32
        %parallel_loop3A_862 = tpu.memref_slice %arg8[%parallel_loop3A_853, %parallel_loop3A_861] : memref<256x64xf32, #tpu.memory_space<vmem>> -> memref<1x64xf32, #tpu.memory_space<vmem>>
        %parallel_loop3A_863 = tpu.memref_squeeze %parallel_loop3A_862 : memref<1x64xf32, #tpu.memory_space<vmem>> -> memref<64xf32, #tpu.memory_space<vmem>>
        %parallel_loop3A_864 = tpu.vector_load_idx %parallel_loop3A_863[%parallel_loop3A_860] : memref<64xf32, #tpu.memory_space<vmem>>[vector<16xi32>], vector<16xf32>,
        %parallel_loop3A_865 = arith.constant 0 : i32
        %parallel_loop3A_866 = vector.broadcast %parallel_loop3A_865 : i32 to vector<16xi32>
        %parallel_loop3A_867 = arith.addi %iota3A, %parallel_loop3A_866 : vector<16xi32>
        tpu.vector_store_idx %arg10[%parallel_loop3A_867, %parallel_loop3A_857], %parallel_loop3A_864 : memref<64x257xf32, #tpu.memory_space<vmem>>[vector<16xi32>, vector<16xi32>], vector<16xf32>,
        %parallel_loop3A_868 = arith.constant 16 : i32
        %parallel_loop3A_869 = vector.broadcast %parallel_loop3A_868 : i32 to vector<16xi32>
        %parallel_loop3A_870 = arith.addi %iota3A, %parallel_loop3A_869 : vector<16xi32>
        %parallel_loop3A_871 = arith.constant 0 : i32
        %parallel_loop3A_872 = tpu.memref_slice %arg8[%parallel_loop3A_853, %parallel_loop3A_871] : memref<256x64xf32, #tpu.memory_space<vmem>> -> memref<1x64xf32, #tpu.memory_space<vmem>>
        %parallel_loop3A_873 = tpu.memref_squeeze %parallel_loop3A_872 : memref<1x64xf32, #tpu.memory_space<vmem>> -> memref<64xf32, #tpu.memory_space<vmem>>
        %parallel_loop3A_874 = tpu.vector_load_idx %parallel_loop3A_873[%parallel_loop3A_870] : memref<64xf32, #tpu.memory_space<vmem>>[vector<16xi32>], vector<16xf32>,
        %parallel_loop3A_875 = arith.constant 16 : i32
        %parallel_loop3A_876 = vector.broadcast %parallel_loop3A_875 : i32 to vector<16xi32>
        %parallel_loop3A_877 = arith.addi %iota3A, %parallel_loop3A_876 : vector<16xi32>
        tpu.vector_store_idx %arg10[%parallel_loop3A_877, %parallel_loop3A_857], %parallel_loop3A_874 : memref<64x257xf32, #tpu.memory_space<vmem>>[vector<16xi32>, vector<16xi32>], vector<16xf32>,
        %parallel_loop3A_878 = arith.constant 32 : i32
        %parallel_loop3A_879 = vector.broadcast %parallel_loop3A_878 : i32 to vector<16xi32>
        %parallel_loop3A_880 = arith.addi %iota3A, %parallel_loop3A_879 : vector<16xi32>
        %parallel_loop3A_881 = arith.constant 0 : i32
        %parallel_loop3A_882 = tpu.memref_slice %arg8[%parallel_loop3A_853, %parallel_loop3A_881] : memref<256x64xf32, #tpu.memory_space<vmem>> -> memref<1x64xf32, #tpu.memory_space<vmem>>
        %parallel_loop3A_883 = tpu.memref_squeeze %parallel_loop3A_882 : memref<1x64xf32, #tpu.memory_space<vmem>> -> memref<64xf32, #tpu.memory_space<vmem>>
        %parallel_loop3A_884 = tpu.vector_load_idx %parallel_loop3A_883[%parallel_loop3A_880] : memref<64xf32, #tpu.memory_space<vmem>>[vector<16xi32>], vector<16xf32>,
        %parallel_loop3A_885 = arith.constant 32 : i32
        %parallel_loop3A_886 = vector.broadcast %parallel_loop3A_885 : i32 to vector<16xi32>
        %parallel_loop3A_887 = arith.addi %iota3A, %parallel_loop3A_886 : vector<16xi32>
        tpu.vector_store_idx %arg10[%parallel_loop3A_887, %parallel_loop3A_857], %parallel_loop3A_884 : memref<64x257xf32, #tpu.memory_space<vmem>>[vector<16xi32>, vector<16xi32>], vector<16xf32>,
        %parallel_loop3A_888 = arith.constant 48 : i32
        %parallel_loop3A_889 = vector.broadcast %parallel_loop3A_888 : i32 to vector<16xi32>
        %parallel_loop3A_890 = arith.addi %iota3A, %parallel_loop3A_889 : vector<16xi32>
        %parallel_loop3A_891 = arith.constant 0 : i32
        %parallel_loop3A_892 = tpu.memref_slice %arg8[%parallel_loop3A_853, %parallel_loop3A_891] : memref<256x64xf32, #tpu.memory_space<vmem>> -> memref<1x64xf32, #tpu.memory_space<vmem>>
        %parallel_loop3A_893 = tpu.memref_squeeze %parallel_loop3A_892 : memref<1x64xf32, #tpu.memory_space<vmem>> -> memref<64xf32, #tpu.memory_space<vmem>>
        %parallel_loop3A_894 = tpu.vector_load_idx %parallel_loop3A_893[%parallel_loop3A_890] : memref<64xf32, #tpu.memory_space<vmem>>[vector<16xi32>], vector<16xf32>,
        %parallel_loop3A_895 = arith.constant 48 : i32
        %parallel_loop3A_896 = vector.broadcast %parallel_loop3A_895 : i32 to vector<16xi32>
        %parallel_loop3A_897 = arith.addi %iota3A, %parallel_loop3A_896 : vector<16xi32>
        tpu.vector_store_idx %arg10[%parallel_loop3A_897, %parallel_loop3A_857], %parallel_loop3A_894 : memref<64x257xf32, #tpu.memory_space<vmem>>[vector<16xi32>, vector<16xi32>], vector<16xf32>,
      } {sc.loop_unroll_factor = 1 : i64, sc.parallel_access}
      %shift_right_arithmetic3A_106 = arith.constant 4 : i32
      %shift_right_arithmetic3A_107 = arith.shrsi %add3A_94, %shift_right_arithmetic3A_106 : i32
      %and3A_108 = arith.constant 15 : i32
      %and3A_109 = arith.andi %add3A_94, %and3A_108 : i32
      %mul3A_110 = arith.constant 256 : i32
      %mul3A_111 = arith.muli %and3A_109, %mul3A_110 : i32
      %mul3A_112 = arith.constant 64 : i32
      %mul3A_113 = arith.muli %shift_right_arithmetic3A_107, %mul3A_112 : i32
      %dma_start3A_114 = arith.constant 0 : i32
      %dma_start3A_115 = arith.constant 0 : i32
      %dma_start3A_116 = tpu.memref_slice %arg10[%dma_start3A_114, %dma_start3A_115] : memref<64x257xf32, #tpu.memory_space<vmem>> -> memref<64x256xf32, #tpu.memory_space<vmem>>
      %dma_start3A_117 = tpu.memref_slice %arg4[%mul3A_113, %mul3A_111] : memref<12800x4096xf32, #tpu.memory_space<hbm>> -> memref<64x256xf32, #tpu.memory_space<hbm>>
      %dma_start3A_118 = tpu.memref_slice %arg4[%mul3A_113, %mul3A_111] : memref<12800x4096xf32, #tpu.memory_space<hbm>> -> memref<64x256xf32, #tpu.memory_space<hbm>>
      %dma_start3A_119 = arith.constant 0 : i32
      %dma_start3A_120 = arith.constant 0 : i32
      %dma_start3A_121 = tpu.memref_slice %arg10[%dma_start3A_119, %dma_start3A_120] : memref<64x257xf32, #tpu.memory_space<vmem>> -> memref<64x256xf32, #tpu.memory_space<vmem>>
      tpu.enqueue_dma source(%dma_start3A_121 : memref<64x256xf32, #tpu.memory_space<vmem>>) target(%dma_start3A_118 : memref<64x256xf32, #tpu.memory_space<hbm>>) target_semaphore(%arg14 : memref<!tpu.dma_semaphore, #tpu.memory_space<semaphore_mem>>)
      %add3A_122 = arith.constant 2 : i32
      %add3A_123 = arith.addi %add3A_93, %add3A_122 : i32
      %lt3A_124 = arith.constant 100 : i32
      %lt3A_125 = arith.cmpi slt, %add3A_123, %lt3A_124 : i32
      %convert_element_type3A_126 = arith.extui %lt3A_125 : i1 to i32
      %cond3A_127 = arith.constant 0 : i32
      %cond3A_128 = arith.cmpi ne, %convert_element_type3A_126, %cond3A_127 : i32
      scf.if %cond3A_128 {
        %add3A_129 = arith.constant 2 : i32
        %add3A_130 = arith.addi %add3A_94, %add3A_129 : i32
        %mul3A_131 = arith.constant 256 : i32
        %mul3A_132 = arith.muli %add3A_130, %mul3A_131 : i32
        "tpu.region"() ({
          %run_scoped3A = tpu.sem_alloc : memref<!tpu.dma_semaphore, #tpu.memory_space<semaphore_mem>>
          %dma_start3A_136 = tpu.memref_slice %arg3[%mul3A_132] : memref<819200xi32, #tpu.memory_space<hbm>> -> memref<256xi32, #tpu.memory_space<hbm>>
          %dma_start3A_137 = tpu.memref_slice %arg3[%mul3A_132] : memref<819200xi32, #tpu.memory_space<hbm>> -> memref<256xi32, #tpu.memory_space<hbm>>
          tpu.enqueue_dma source(%dma_start3A_137 : memref<256xi32, #tpu.memory_space<hbm>>) target(%arg6 : memref<256xi32, #tpu.memory_space<vmem>>) target_semaphore(%run_scoped3A : memref<!tpu.dma_semaphore, #tpu.memory_space<semaphore_mem>>)
          %dma_wait3A_138 = tpu.memref_slice %arg3[%mul3A_132] : memref<819200xi32, #tpu.memory_space<hbm>> -> memref<256xi32, #tpu.memory_space<hbm>>
          %dma_wait3A_139 = tpu.memref_slice %arg3[%mul3A_132] : memref<819200xi32, #tpu.memory_space<hbm>> -> memref<256xi32, #tpu.memory_space<hbm>>
          tpu.wait_dma2 semaphore(%run_scoped3A : memref<!tpu.dma_semaphore, #tpu.memory_space<semaphore_mem>>) src(%dma_wait3A_139 : memref<256xi32, #tpu.memory_space<hbm>>) dst(%arg6 : memref<256xi32, #tpu.memory_space<vmem>>)
          tpu.yield
        }) : () -> ()
        %dma_start3A_133 = arith.constant 0 : i32
        %dma_start3A_134 = arith.constant 0 : i32
        %dma_start3A_135 = tpu.memref_slice %arg2[%dma_start3A_133, %dma_start3A_134] : memref<1000000x64xf32, #tpu.memory_space<hbm>> -> memref<1000000x64xf32, #tpu.memory_space<hbm>>
        tpu.enqueue_indirect_dma source(%dma_start3A_135 : memref<1000000x64xf32, #tpu.memory_space<hbm>>) target(%arg8 : memref<256x64xf32, #tpu.memory_space<vmem>>) offsets(%arg6 : memref<256xi32, #tpu.memory_space<vmem>>) semaphore(%arg12 : memref<!tpu.dma_semaphore, #tpu.memory_space<semaphore_mem>>)
      } else {
      }
    }
    %scan3A_18 = arith.constant 50 : i32
    %add3A_19 = arith.constant 100 : i32
    %add3A_20 = arith.addi %mul3A_2, %add3A_19 : i32
    %sub3A = arith.constant 2 : i32
    %sub3A_21 = arith.subi %add3A_20, %sub3A : i32
    %shift_right_arithmetic3A = arith.constant 4 : i32
    %shift_right_arithmetic3A_22 = arith.shrsi %sub3A_21, %shift_right_arithmetic3A : i32
    %and3A = arith.constant 15 : i32
    %and3A_23 = arith.andi %sub3A_21, %and3A : i32
    %mul3A_24 = arith.constant 256 : i32
    %mul3A_25 = arith.muli %and3A_23, %mul3A_24 : i32
    %mul3A_26 = arith.constant 64 : i32
    %mul3A_27 = arith.muli %shift_right_arithmetic3A_22, %mul3A_26 : i32
    %dma_wait3A = arith.constant 0 : i32
    %dma_wait3A_28 = arith.constant 0 : i32
    %dma_wait3A_29 = tpu.memref_slice %arg9[%dma_wait3A, %dma_wait3A_28] : memref<64x257xf32, #tpu.memory_space<vmem>> -> memref<64x256xf32, #tpu.memory_space<vmem>>
    %dma_wait3A_30 = tpu.memref_slice %arg4[%mul3A_27, %mul3A_25] : memref<12800x4096xf32, #tpu.memory_space<hbm>> -> memref<64x256xf32, #tpu.memory_space<hbm>>
    %dma_wait3A_31 = tpu.memref_slice %arg4[%mul3A_27, %mul3A_25] : memref<12800x4096xf32, #tpu.memory_space<hbm>> -> memref<64x256xf32, #tpu.memory_space<hbm>>
    %dma_wait3A_32 = arith.constant 0 : i32
    %dma_wait3A_33 = arith.constant 0 : i32
    %dma_wait3A_34 = tpu.memref_slice %arg9[%dma_wait3A_32, %dma_wait3A_33] : memref<64x257xf32, #tpu.memory_space<vmem>> -> memref<64x256xf32, #tpu.memory_space<vmem>>
    tpu.wait_dma2 semaphore(%arg13 : memref<!tpu.dma_semaphore, #tpu.memory_space<semaphore_mem>>) src(%dma_wait3A_34 : memref<64x256xf32, #tpu.memory_space<vmem>>) dst(%dma_wait3A_31 : memref<64x256xf32, #tpu.memory_space<hbm>>)
    %add3A_35 = arith.constant 100 : i32
    %add3A_36 = arith.addi %mul3A_2, %add3A_35 : i32
    %sub3A_37 = arith.constant 1 : i32
    %sub3A_38 = arith.subi %add3A_36, %sub3A_37 : i32
    %shift_right_arithmetic3A_39 = arith.constant 4 : i32
    %shift_right_arithmetic3A_40 = arith.shrsi %sub3A_38, %shift_right_arithmetic3A_39 : i32
    %and3A_41 = arith.constant 15 : i32
    %and3A_42 = arith.andi %sub3A_38, %and3A_41 : i32
    %mul3A_43 = arith.constant 256 : i32
    %mul3A_44 = arith.muli %and3A_42, %mul3A_43 : i32
    %mul3A_45 = arith.constant 64 : i32
    %mul3A_46 = arith.muli %shift_right_arithmetic3A_40, %mul3A_45 : i32
    %dma_wait3A_47 = arith.constant 0 : i32
    %dma_wait3A_48 = arith.constant 0 : i32
    %dma_wait3A_49 = tpu.memref_slice %arg10[%dma_wait3A_47, %dma_wait3A_48] : memref<64x257xf32, #tpu.memory_space<vmem>> -> memref<64x256xf32, #tpu.memory_space<vmem>>
    %dma_wait3A_50 = tpu.memref_slice %arg4[%mul3A_46, %mul3A_44] : memref<12800x4096xf32, #tpu.memory_space<hbm>> -> memref<64x256xf32, #tpu.memory_space<hbm>>
    %dma_wait3A_51 = tpu.memref_slice %arg4[%mul3A_46, %mul3A_44] : memref<12800x4096xf32, #tpu.memory_space<hbm>> -> memref<64x256xf32, #tpu.memory_space<hbm>>
    %dma_wait3A_52 = arith.constant 0 : i32
    %dma_wait3A_53 = arith.constant 0 : i32
    %dma_wait3A_54 = tpu.memref_slice %arg10[%dma_wait3A_52, %dma_wait3A_53] : memref<64x257xf32, #tpu.memory_space<vmem>> -> memref<64x256xf32, #tpu.memory_space<vmem>>
    tpu.wait_dma2 semaphore(%arg14 : memref<!tpu.dma_semaphore, #tpu.memory_space<semaphore_mem>>) src(%dma_wait3A_54 : memref<64x256xf32, #tpu.memory_space<vmem>>) dst(%dma_wait3A_51 : memref<64x256xf32, #tpu.memory_space<hbm>>)
    return
  }
}

</mosaic_0001>

<sc_bundles>
// kernel: kernel.3.cloned.1.call-start
scs
__scs_entry_jumppad:
0x0: {  	(pc) =	sbr.rel $0x88, $3  }
0x1: {  	(tag) =	ssettag $0x0;
	lr =	simm.s32 $0x1  }
0x2: {  	[smem:$0x3F9F] =	sst lr;
	_ =	strace $0xD0000000  }
0x3: {  	_ = 	snop  }
0x4: {  	_ = 	snop  }
0x5: {  	_ = 	snop  }
0x6: {  	_ = 	snop  }
0x7: {  	_ = 	snop  }
__scs_overlays_trampoline_lowered:
0x8: {  	[smem:$0x3FAE] =	sst s0  }
0x9: {  	[smem:$0x3FAF] =	sst s1  }
0xa: {  	[smem:$0x3FB0] =	sst s2  }
0xb: {  	[smem:$0x3FB1] =	sst s3  }
0xc: {  	[smem:$0x3FB2] =	sst s4  }
0xd: {  	[smem:$0x3FB3] =	sst s5  }
0xe: {  	[smem:$0x3FB4] =	sst s6  }
0xf: {  	[smem:$0x3FB5] =	sst s7  }
0x10: {  	[smem:$0x3FB6] =	sst s8  }
0x11: {  	[smem:$0x3FB7] =	sst s9;
	s0 =	simm.s32 @!p0 $0x0  }
0x12: {  	s1 =	sld [smem:$0x3F9D];
	s0 =	simm.s32 @p0 $0x1  }
0x13: {  	[smem:$0x3FB8] =	sst s0;
	s0 =	simm.s32 @!p1 $0x0  }
0x14: {  	s2 =	sld [smem:$0x3F9C];
	s0 =	simm.s32 @p1 $0x1  }
0x15: {  	[smem:$0x3FB9] =	sst s0;
	s0 =	simm.s32 @!p2 $0x0  }
0x16: {  	s3 =	sld [smem:$0x3FDB];
	s0 =	simm.s32 @p2 $0x1  }
0x17: {  	s4 =	simm.s32 $0x1BF5;
	[smem:$0x3FBB] =	sst s0  }
0x18: {  	s0 =	sld [smem:$0x3F9E];
	_ =	swait.ge [sflag:s4], $0x0  }
0x19: {  	s7 =	sld [smem:$0x3F9F]  }
0x1a: {  	s8 =	sadd.s32 $0xFFFFE003, lr  }
0x1b: {  	s9 =	sadd.s32 $0xFFFFFEF7, lr;
	s5 =	simm.s32 $0xFFFFFFFF;
	p2 =	slt.u32 s8, $0xFFFFF086  }
0x1c: {  	p1 =	slt.u32 s9, $0xF7A;
	s5 =	simm.s32 @!p2 $0x0  }
0x1d: {  	s5 =	simm.s32 @p1 $0x1;
	p0 =	seq.s32 s7, s2  }
0x1e: {  	s7 =	smul.u32 @!p0 $0xF7A, s2;
	p2 =	seq.s32 @!p0 s5, $0x0  }
0x1f: {  	s9 =	smul.u32 $0xF7A, s1;
	s8 =	simm.s32 @!p0 $0x1BF5;
	p2 =	por !p2, p0  }
0x20: {  	[sflag:s8] =	ssyncset.s32 @!p0 $0xFFFFF086;
	s6 =	sadd.s32 @!p0 s3, s7;
	s7 =	simm.s32 @!p0 $0x108  }
0x21: {  	s3 =	sadd.s32 s3, s9;
	s6 =	sadd.s32 @!p0 $0x88, s6;
	s7 =	simm.s32 @p2 $0x1082  }
0x22: {  	[simem:s7], [sflag:s8] =	dma.local @!p0 [hbm:s6], $0xF7A  }
0x23: {  	s9 =	sor.u32 $0xD0000000, s2;
	s6 =	simm.s32 $0x108;
	_ =	swait.ge @!p0 [sflag:s8], $0x0  }
0x24: {  	s3 =	sadd.s32 $0x88, s3;
	s6 =	simm.s32 @!p1 $0x1082;
	[sflag:s4] =	ssyncset.s32 $0xFFFFF086  }
0x25: {  	[simem:s6], [sflag:s4] =	dma.local [hbm:s3], $0xF7A  }
0x26: {  	[smem:$0x3F9F] =	sst s1;
	(tag) =	ssettag s2;
	_ =	strace s9  }
0x27: {  	s1 =	sld [smem:$0x3FAF]  }
0x28: {  	s2 =	sld [smem:$0x3FB0]  }
0x29: {  	s4 =	sld [smem:$0x3FB2]  }
0x2a: {  	p0 =	seq.s32 s5, $0x0;
	s5 =	sld [smem:$0x3FB3]  }
0x2b: {  	s6 =	sld [smem:$0x3FB4]  }
0x2c: {  	s7 =	sld [smem:$0x3FB5]  }
0x2d: {  	s3 =	simm.s32 $0x108;
	s8 =	sld [smem:$0x3FB6]  }
0x2e: {  	s3 =	simm.s32 @!p0 $0x1082;
	s9 =	sld [smem:$0x3FB7]  }
0x2f: {  	lr =	sadd.s32 s0, s3;
	s0 =	sld [smem:$0x3FAE]  }
0x30: {  	s3 =	sld [smem:$0x3FB1]  }
0x31: {  	[smem:$0x3FBA] =	sst s10  }
0x32: {  	s10 =	sld [smem:$0x3FB8];
	_ =	sdelay $0x3  }
0x33: {  	p0 =	seq.s32 s10, $0x1;
	s10 =	sld [smem:$0x3FBA];
	_ =	sdelay $0x3  }
0x34: {  	[smem:$0x3FBA] =	sst s10  }
0x35: {  	s10 =	sld [smem:$0x3FB9];
	_ =	sdelay $0x3  }
0x36: {  	p1 =	seq.s32 s10, $0x1;
	s10 =	sld [smem:$0x3FBA];
	_ =	sdelay $0x3  }
0x37: {  	[smem:$0x3FBA] =	sst s10  }
0x38: {  	s10 =	sld [smem:$0x3FBB]  }
0x39: {  	_ = 	snop;
	(pc) =	sbr.ind lr, $3  }
0x3a: {  	_ = 	snop  }
0x3b: {  	_ = 	snop  }
0x3c: {  	p2 =	seq.s32 s10, $0x1;
	s10 =	sld [smem:$0x3FBA]  }
0x3d: {  	_ =	shalt  }
0x3e: {  	_ =	shalt  }
0x3f: {  	_ =	shalt  }
0x40: {  	_ =	shalt  }
0x41: {  	_ =	shalt  }
0x42: {  	_ =	shalt  }
0x43: {  	_ =	shalt  }
0x44: {  	_ =	shalt  }
0x45: {  	_ =	shalt  }
0x46: {  	_ =	shalt  }
0x47: {  	_ =	shalt  }
0x48: {  	_ =	shalt  }
0x49: {  	_ =	shalt  }
0x4a: {  	_ =	shalt  }
0x4b: {  	_ =	shalt  }
0x4c: {  	_ =	shalt  }
0x4d: {  	_ =	shalt  }
0x4e: {  	_ =	shalt  }
0x4f: {  	_ =	shalt  }
0x50: {  	_ =	shalt  }
0x51: {  	_ =	shalt  }
0x52: {  	_ =	shalt  }
0x53: {  	_ =	shalt  }
0x54: {  	_ =	shalt  }
0x55: {  	_ =	shalt  }
0x56: {  	_ =	shalt  }
0x57: {  	_ =	shalt  }
0x58: {  	_ =	shalt  }
0x59: {  	_ =	shalt  }
0x5a: {  	_ =	shalt  }
0x5b: {  	_ =	shalt  }
0x5c: {  	_ =	shalt  }
0x5d: {  	_ =	shalt  }
0x5e: {  	_ =	shalt  }
0x5f: {  	_ =	shalt  }
0x60: {  	_ =	shalt  }
0x61: {  	_ =	shalt  }
0x62: {  	_ =	shalt  }
0x63: {  	_ =	shalt  }
0x64: {  	_ =	shalt  }
0x65: {  	_ =	shalt  }
0x66: {  	_ =	shalt  }
0x67: {  	_ =	shalt  }
0x68: {  	_ =	shalt  }
0x69: {  	_ =	shalt  }
0x6a: {  	_ =	shalt  }
0x6b: {  	_ =	shalt  }
0x6c: {  	_ =	shalt  }
0x6d: {  	_ =	shalt  }
0x6e: {  	_ =	shalt  }
0x6f: {  	_ =	shalt  }
0x70: {  	_ =	shalt  }
0x71: {  	_ =	shalt  }
0x72: {  	_ =	shalt  }
0x73: {  	_ =	shalt  }
0x74: {  	_ =	shalt  }
0x75: {  	_ =	shalt  }
0x76: {  	_ =	shalt  }
0x77: {  	_ =	shalt  }
0x78: {  	_ =	shalt  }
0x79: {  	_ =	shalt  }
0x7a: {  	_ =	shalt  }
0x7b: {  	_ =	shalt  }
0x7c: {  	_ =	shalt  }
0x7d: {  	_ =	shalt  }
0x7e: {  	_ =	shalt  }
0x7f: {  	_ =	shalt  }
0x80: {  	_ =	shalt  }
0x81: {  	_ =	shalt  }
0x82: {  	_ =	shalt  }
0x83: {  	_ =	shalt  }
0x84: {  	_ =	shalt  }
0x85: {  	_ =	shalt  }
0x86: {  	_ =	shalt  }
0x87: {  	_ =	shalt  }
.Lfunc_end0:
.L_simem_size_0:
called_computation_lowered:
.L_overlay_start_0:
0x88: {  	s2 =	sld [smem:$0x3FD9]  }
0x89: {  	s3 =	sld [smem:$0x3FFE];
	_ =	sdelay $0x1  }
0x8a: {  	s1 =	srdreg.scid  }
0x8b: {  	s0 =	sand.u32 $0x1, s1  }
0x8c: {  	s17 =	sshll.u32 s0, $0xA;
	s2 =	sadd.s32 s3, s2  }
0x8d: {  	s2 =	sadd.s32 s2, s17  }
0x8e: {  	[smem:$0x3FC6] =	sst s2  }
0x8f: {  	_ = 	snop  }
0x90: {  	s2 =	sld [smem:$0x3FD0];
	(tm) =	ssettm $0x1  }
0x91: {  	s18 =	sld [smem:$0x3FFB];
	_ =	sdelay $0x3  }
0x92: {  	_ =	strace s18  }
0x93: {  	s3 =	sld [smem:$0x3FFC];
	_ =	sdelay $0x3  }
0x94: {  	_ =	strace s3  }
0x95: {  	s3 =	sld [smem:$0x3FFD];
	_ =	sdelay $0x3  }
0x96: {  	_ =	strace s3  }
0x97: {  	_ =	strace $0x8FFFFFFF  }
0x98: {  	s19 =	sld [smem:$0x3FDB];
	_ =	sdelay $0x1  }
0x99: {  	s4 =	simm.s32 $_scs_section_size  }
0x9a: {  	s5 =	simm.s32 $_size__tile_overlayer_lowered;
	s6 =	simm.s32 $_tile_overlayer_lowered  }
0x9b: {  	s22 =	simm.s32 $0x1BFF;
	s21 =	sshll.u32 s6, $0x1;
	s3 =	sadd.s32 s4, s19  }
0x9c: {  	s7 =	simm.s32 $0x0;
	s20 =	sshll.u32 s5, $0x1;
	s5 =	sadd.s32 s21, s3  }
0x9d: {  	[timem:s7], [sflag:s22] =	dma.local [hbm:s5], s20  }
0x9e: {  	_ =	swait.ge [sflag:s22], s20  }
0x9f: {  	s4 =	ssub.s32 $0x0, s20;
	[sflag:s22] =	ssyncset.done $0x0  }
0xa0: {  	[sflag:s22] =	ssyncadd.s32 s4;
	_ =	sdelay $0x1  }
0xa1: {  	s23 =	simm.s32 $0x1B8B  }
0xa2: {  	_ =	swait.ge [sflag:s23], $0x1  }
0xa3: {  	[sflag:s23] =	ssyncset.done $0x0  }
0xa4: {  	s25 =	simm.s32 $0x1B8E;
	s24 =	sld [smem:$0x3FFE];
	[sflag:s23] =	ssyncadd.s32 $0xFFFFFFFF  }
0xa5: {  	s26 =	simm.s32 $execute0_lowered;
	[smem:$0x3FD2] =	sst s25  }
0xa6: {  	s5 =	sshll.u32 s26, $0x1;
	_ =	strace $0x80000046;
	[dreg:$0x1] =	wrdreg $0xFFFFFFFF  }
0xa7: {  	s28 =	simm.s32 $_size_execute0_lowered;
	s3 =	sadd.s32 s3, s5;
	[dreg:$0x0] =	wrdreg $0x0  }
0xa8: {  	s5 =	sshll.u32 s28, $0x1;
	[dreg:$0x2] =	wrdreg s3  }
0xa9: {  	[dreg:$0x3] =	wrdreg s5  }
0xaa: {  	[dreg:$0x4] =	wrdreg $0xC0  }
0xab: {  	_ =	task [dreg:s7], $0x5FFFF  }
0xac: {  	[dreg:$0x1] =	wrdreg $0xFFFFFFFF  }
0xad: {  	[dreg:$0x0] =	wrdreg $0x60  }
0xae: {  	[dreg:$0x2] =	wrdreg s24  }
0xaf: {  	[dreg:$0x3] =	wrdreg s2  }
0xb0: {  	[dreg:$0x4] =	wrdreg $0x9  }
0xb1: {  	_ =	task.clear_ibuf [dreg:s7], $0x5FFFF;
	_ =	strace $0x90000046  }
0xb2: {  	s29 =	simm.s32 $0x9;
	_ =	strace $0x80000048  }
0xb3: {  	_ =	swait.ge [sflag:s29], $0x1  }
0xb4: {  	[sflag:s29] =	ssyncadd.s32 $0xFFFFFFFF  }
0xb5: {  	_ =	strace $0x90000048  }
0xb6: {  	_ =	sfence  }
0xb7: {  	s30 =	sld [smem:$0x0];
	_ =	sdelay $0x2  }
0xb8: {  	s31 =	sshll.u32 s1, $0xD;
	s1 =	sshrl.u32 s1, $0x2  }
0xb9: {  	s3 =	sand.u32 $0x4000, s31;
	s1 =	sadd.s32 s1, s30  }
0xba: {  	s0 =	sor.u32 s3, s0;
	s1 =	sshll.u32 s1, $0x11  }
0xbb: {  	s0 =	sor.u32 s1, s0  }
0xbc: {  	s0 =	sadd.s32 $0x8F2B, s0  }
0xbd: {  	[sflag:s0] =	ssyncadd.remote.s32 $0x1  }
0xbe: {  	_ =	sfence.sel $0xFFFF  }
0xbf: {  	[dreg:$0x0] =	wrdreg $0xFFFFFFFF;
	(pc) =	sbr.abs _section_cstart, $3  }
0xc0: {  	[dreg:$0x1] =	wrdreg $0xFFFFFFFF  }
0xc1: {  	_ =	task.clear_ibuf [dreg:s7], $0x2FFFF;
	_ =	strace $0x9FFFFFFF  }
0xc2: {  	(tm) =	ssettm $0x7FFFFFFF  }
0xc3: {  	_ =	shalt  }
tec
execute0_lowered:
.L_overlay_start_1:
0x0: {  	(tag) =	ssettag $0x1  }
0x1: {  	v0 =	vlaneseq.u32  }
0x2: {  	v2 =	vimm.s32 $0x0;
	vm0 =	vcmask $0x300;
	v1 =	vmul.u32 $0x108, v0  }
0x3: {  	s0 =	rddreg [dreg:$0x0];
	v2 =	vsel vm0, $0x3, v2;
	v3 =	vor.u32 $0x10, v0  }
0x4: {  	s1 =	srdreg.scid;
	s2 =	stileid.u32;
	v5 =	vor.u32 $0x20, v0;
	v7 =	vor.u32 $0x30, v0;
	v4 =	vadd.s32 $0x1080, v1  }
0x5: {  	s5 =	rddreg [dreg:$0x1];
	s10 =	simm.s32 $0x5;
	s11 =	simm.s32 $0x100;
	v6 =	vadd.s32 $0x2100, v1;
	v8 =	vadd.s32 $0x3180, v1;
	v9 =	vor.u32 $0x1, v1  }
0x6: {  	s13 =	simm.s32 $0x4200;
	s14 =	simm.s32 $0x1;
	s15 =	simm.s32 $0x8200;
	v10 =	vadd.s32 $0x1081, v1;
	v11 =	vadd.s32 $0x2101, v1;
	v12 =	vadd.s32 $0x3181, v1  }
0x7: {  	s16 =	simm.s32 $0x2;
	s1 =	sand.u32 $0x1, s1;
	s3 =	sshll.u32 s2, $0x1;
	v13 =	vor.u32 $0x2, v1;
	v14 =	vadd.s32 $0x1082, v1;
	v15 =	vadd.s32 $0x2102, v1  }
0x8: {  	s17 =	simm.s32 $0xC400;
	s2 =	simm.s32 $0x0;
	s6 =	sor.u32 s1, s3;
	v16 =	vadd.s32 $0x3182, v1;
	v17 =	vor.u32 $0x3, v1;
	v18 =	vadd.s32 $0x1083, v1  }
0x9: {  	s4 =	sadd.s32 $0x600, s0;
	s1 =	ssub.s32 $0x2, s1;
	s7 =	smul.u32 $0xC80, s6;
	v19 =	vadd.s32 $0x2103, v1;
	v20 =	vadd.s32 $0x3183, v1;
	v21 =	vor.u32 $0x4, v1  }
.Ltmp0:
0xa: {  	[smem:$0x7FF] =	sst s2;
	s8 =	sshrl.u32 s1, $0x1;
	v22 =	vadd.s32 $0x1084, v1;
	v23 =	vadd.s32 $0x2104, v1;
	v24 =	vadd.s32 $0x3184, v1;
	(pc) =	sbr.rel .LBB2_1-.Ltmp0, $4  }
0xb: {  	s3 =	sadd.s32 $0xF42A00, s0;
	v25 =	vor.u32 $0x5, v1;
	v26 =	vadd.s32 $0x1085, v1;
	v27 =	vadd.s32 $0x2105, v1;
	s30 =	ssub.s32 s1, s8;
	s31 =	sadd.s32 s5, s7  }
0xc: {  	_ =	strace $0x80000047;
	v28 =	vadd.s32 $0x3185, v1;
	v29 =	vor.u32 $0x6, v1;
	v30 =	vadd.s32 $0x1086, v1;
	s0 =	smax.u32 s30, $0x1;
	[dreg:$0x3] =	wrdreg s31  }
0xd: {  	s6 =	smul.u32 $0x64, s6;
	v31 =	vadd.s32 $0x2106, v1;
	v32 =	vadd.s32 $0x3186, v1;
	v33 =	vor.u32 $0x7, v1;
	s1 =	sadd.s32 $0x20, s31;
	[dreg:$0x5] =	wrdreg s0  }
0xe: {  	v34 =	vadd.s32 $0x1087, v1;
	v35 =	vadd.s32 $0x2107, v1;
	v36 =	vadd.s32 $0x3187, v1;
	s8 =	sadd.s32 $0x40, s5;
	s5 =	simm.s32 $0x0;
	[dreg:$0x4] =	wrdreg s1  }
.LBB2_12:
0xf: {  	s0 =	simm.s32 $0x3  }
0x10: {  	_ =	swait.ge [sflag:s0], $0x4000  }
0x11: {  	[sflag:s0] =	ssyncset.done $0x0  }
0x12: {  	s1 =	simm.s32 $0x4;
	[sflag:s0] =	ssyncadd.s32 $0xFFFFC000  }
0x13: {  	_ =	swait.ge [sflag:s1], $0x4000  }
0x14: {  	s5 =	rddreg [dreg:$0x6]  }
0x15: {  	s31 =	rddreg [dreg:$0x5];
	s5 =	sadd.s32 $0x1, s5  }
0x16: {  	p0 =	sne.s32 s5, s31  }
.Ltmp1:
0x17: {  	_ = 	snop;
	(pc) =	sbr.rel @!p0 .LBB2_13-.Ltmp1, $3  }
0x18: {  	_ =	sdelay $0x1  }
0x19: {  	[sflag:s1] =	ssyncset.done $0x0  }
0x1a: {  	[sflag:s1] =	ssyncadd.s32 $0xFFFFC000  }
.LBB2_1:
0x1b: {  	[dreg:$0x6] =	wrdreg s5  }
0x1c: {  	s0 =	rddreg [dreg:$0x3]  }
0x1d: {  	[tilespmem:s2], [sflag:$0x5] =	stream.linear.gather [hbm4b:s0+s2], $0x100, $0x38;
	[tilespmem:$0x10600] =	vst v63  }
0x1e: {  	_ =	swait.ge [sflag:s10], $0x100  }
0x1f: {  	[sflag:s10] =	ssyncset.done $0x0  }
0x20: {  	s30 =	simm.s32 $0x200;
	[sflag:s10] =	ssyncadd.s32 $0xFFFFFF00  }
0x21: {  	[tilespmem:s30], [sflag:$0x1] =	stream.indirect.gather [hbm4b:s3+s11], $0x40, s2, s11, $0xb8;
	[tilespmem:$0x10600] =	vst v63  }
0x22: {  	s31 =	rddreg [dreg:$0x4]  }
0x23: {  	[tilespmem:s11], [sflag:$0x5] =	stream.linear.gather [hbm4b:s31+s2], $0x100, $0x38;
	[tilespmem:$0x10600] =	vst v63  }
0x24: {  	_ =	swait.ge [sflag:s10], $0x100  }
0x25: {  	[sflag:s10] =	ssyncset.done $0x0  }
0x26: {  	s21 =	simm.s32 $0x0;
	[sflag:s10] =	ssyncadd.s32 $0xFFFFFF00  }
0x27: {  	[tilespmem:s13], [sflag:$0x2] =	stream.indirect.gather [hbm4b:s3+s11], $0x40, s11, s11, $0xb8;
	[tilespmem:$0x10600] =	vst v63  }
.LBB2_2:
0x28: {  	_ =	swait.ge [sflag:s14], $0x4000;
	s0 =	simm.s32 $0x0  }
0x29: {  	p0 =	seq.s32 s21, $0x0;
	[sflag:s14] =	ssyncset.done $0x0;
	v37 =	vmov s0  }
0x2a: {  	s0 =	simm.s32 @!p0 $0x3;
	[sflag:s14] =	ssyncadd.s32 $0xFFFFC000;
	v37 =	vshrl.u32 v37, $0x3  }
0x2b: {  	_ =	swait.ge @!p0 [sflag:s0], $0x4000;
	v37 =	vshll.u32 v37, v2  }
0x2c: {  	[sflag:s0] =	ssyncset.done @!p0 $0x0;
	v37 =	vbroadcast v37, $0x0  }
0x2d: {  	[sflag:s0] =	ssyncadd.s32 @!p0 $0xFFFFC000;
	s0 =	simm.s32 $0x200  }
0x2e: {  	v38 =	vld.idx.msk [tilespmem:v0+s0+$0x0], $0xffff;
	v39 =	vadd.s32 v1, v37;
	_ =	sdelay $0x4  }
0x2f: {  	[tilespmem:v39+s15+$0x0] =	vst.idx.msk $0xffff, v38  }
0x30: {  	v50 =	vadd.s32 v4, v37;
	v38 =	vld.idx.msk [tilespmem:v3+s0+$0x0], $0xffff;
	_ =	sdelay $0x4  }
0x31: {  	[tilespmem:v50+s15+$0x0] =	vst.idx.msk $0xffff, v38  }
0x32: {  	v51 =	vadd.s32 v6, v37;
	v38 =	vld.idx.msk [tilespmem:v5+s0+$0x0], $0xffff;
	_ =	sdelay $0x4  }
0x33: {  	[tilespmem:v51+s15+$0x0] =	vst.idx.msk $0xffff, v38  }
0x34: {  	s1 =	simm.s32 $0x1;
	v37 =	vadd.s32 v8, v37;
	v38 =	vld.idx.msk [tilespmem:v7+s0+$0x0], $0xffff  }
0x35: {  	v52 =	vmov s1  }
0x36: {  	v39 =	vshrl.u32 v52, $0x3  }
0x37: {  	v39 =	vshll.u32 v39, v2  }
0x38: {  	v39 =	vbroadcast v39, $0x0  }
0x39: {  	[tilespmem:v37+s15+$0x0] =	vst.idx.msk $0xffff, v38  }
0x3a: {  	v53 =	vadd.s32 v9, v39;
	v37 =	vld.idx.msk [tilespmem:v0+s0+$0x40], $0xffff;
	_ =	sdelay $0x4  }
0x3b: {  	[tilespmem:v53+s15+$0x0] =	vst.idx.msk $0xffff, v37  }
0x3c: {  	v54 =	vadd.s32 v10, v39;
	v37 =	vld.idx.msk [tilespmem:v3+s0+$0x40], $0xffff;
	_ =	sdelay $0x4  }
0x3d: {  	[tilespmem:v54+s15+$0x0] =	vst.idx.msk $0xffff, v37  }
0x3e: {  	v55 =	vadd.s32 v11, v39;
	v37 =	vld.idx.msk [tilespmem:v5+s0+$0x40], $0xffff;
	_ =	sdelay $0x4  }
0x3f: {  	[tilespmem:v55+s15+$0x0] =	vst.idx.msk $0xffff, v37  }
0x40: {  	s9 =	simm.s32 $0x2;
	v56 =	vadd.s32 v12, v39;
	v37 =	vld.idx.msk [tilespmem:v7+s0+$0x40], $0xffff  }
0x41: {  	v57 =	vmov s9  }
0x42: {  	v39 =	vshrl.u32 v57, $0x3  }
0x43: {  	v39 =	vshll.u32 v39, v2  }
0x44: {  	v39 =	vbroadcast v39, $0x0  }
0x45: {  	[tilespmem:v56+s15+$0x0] =	vst.idx.msk $0xffff, v37  }
0x46: {  	v58 =	vadd.s32 v13, v39;
	v37 =	vld.idx.msk [tilespmem:v0+s0+$0x80], $0xffff  }
0x47: {  	s12 =	simm.s32 $0x10  }
0x48: {  	v40 =	vmov s12  }
0x49: {  	v40 =	vshrl.u32 v40, $0x3  }
0x4a: {  	v40 =	vshll.u32 v40, v2  }
0x4b: {  	v59 =	vbroadcast v40, $0x0;
	[tilespmem:v58+s15+$0x0] =	vst.idx.msk $0xffff, v37  }
0x4c: {  	s25 =	simm.s32 $0x600;
	v60 =	vadd.s32 v14, v39;
	v38 =	vld.idx.msk [tilespmem:v3+s0+$0x80], $0xffff  }
0x4d: {  	v42 =	vadd.s32 v1, v59;
	v41 =	vld.idx.msk [tilespmem:v0+s25+$0x0], $0xffff;
	_ =	sdelay $0x3  }
0x4e: {  	[tilespmem:v60+s15+$0x0] =	vst.idx.msk $0xffff, v38  }
0x4f: {  	v61 =	vadd.s32 v15, v39;
	[tilespmem:v42+s15+$0x0] =	vst.idx.msk $0xffff, v41;
	v38 =	vld.idx.msk [tilespmem:v5+s0+$0x80], $0xffff  }
0x50: {  	v62 =	vadd.s32 v4, v59;
	v41 =	vld.idx.msk [tilespmem:v3+s25+$0x0], $0xffff;
	_ =	sdelay $0x3  }
0x51: {  	[tilespmem:v61+s15+$0x0] =	vst.idx.msk $0xffff, v38  }
0x52: {  	s18 =	simm.s32 $0x3;
	v39 =	vadd.s32 v16, v39;
	[tilespmem:v62+s15+$0x0] =	vst.idx.msk $0xffff, v41;
	v38 =	vld.idx.msk [tilespmem:v7+s0+$0x80], $0xffff  }
0x53: {  	v46 =	vmov s18;
	v45 =	vadd.s32 v6, v59;
	v63 =	vld.idx.msk [tilespmem:v5+s25+$0x0], $0xffff  }
0x54: {  	v42 =	vshrl.u32 v46, $0x3  }
0x55: {  	v42 =	vshll.u32 v42, v2  }
0x56: {  	v42 =	vbroadcast v42, $0x0  }
0x57: {  	[tilespmem:v39+s15+$0x0] =	vst.idx.msk $0xffff, v38  }
0x58: {  	v47 =	vadd.s32 v17, v42;
	[tilespmem:v45+s15+$0x0] =	vst.idx.msk $0xffff, v63;
	v38 =	vld.idx.msk [tilespmem:v0+s0+$0xC0], $0xffff  }
0x59: {  	s19 =	simm.s32 $0x11;
	v40 =	vld.idx.msk [tilespmem:v7+s25+$0x0], $0xffff;
	v37 =	vadd.s32 v8, v59  }
0x5a: {  	v48 =	vmov s19  }
0x5b: {  	v41 =	vshrl.u32 v48, $0x3  }
0x5c: {  	v41 =	vshll.u32 v41, v2  }
0x5d: {  	v49 =	vbroadcast v41, $0x0;
	[tilespmem:v47+s15+$0x0] =	vst.idx.msk $0xffff, v38  }
0x5e: {  	v51 =	vadd.s32 v18, v42;
	[tilespmem:v37+s15+$0x0] =	vst.idx.msk $0xffff, v40;
	v50 =	vld.idx.msk [tilespmem:v3+s0+$0xC0], $0xffff  }
0x5f: {  	v41 =	vadd.s32 v9, v49;
	v40 =	vld.idx.msk [tilespmem:v0+s25+$0x40], $0xffff;
	_ =	sdelay $0x3  }
0x60: {  	[tilespmem:v51+s15+$0x0] =	vst.idx.msk $0xffff, v50  }
0x61: {  	v52 =	vadd.s32 v19, v42;
	[tilespmem:v41+s15+$0x0] =	vst.idx.msk $0xffff, v40;
	v37 =	vld.idx.msk [tilespmem:v5+s0+$0xC0], $0xffff  }
0x62: {  	v53 =	vadd.s32 v10, v49;
	v40 =	vld.idx.msk [tilespmem:v3+s25+$0x40], $0xffff;
	_ =	sdelay $0x3  }
0x63: {  	[tilespmem:v52+s15+$0x0] =	vst.idx.msk $0xffff, v37  }
0x64: {  	s20 =	simm.s32 $0x4;
	v54 =	vadd.s32 v20, v42;
	[tilespmem:v53+s15+$0x0] =	vst.idx.msk $0xffff, v40;
	v37 =	vld.idx.msk [tilespmem:v7+s0+$0xC0], $0xffff  }
0x65: {  	v55 =	vadd.s32 v11, v49;
	v56 =	vmov s20;
	v40 =	vld.idx.msk [tilespmem:v5+s25+$0x40], $0xffff  }
0x66: {  	v42 =	vshrl.u32 v56, $0x3  }
0x67: {  	v42 =	vshll.u32 v42, v2  }
0x68: {  	v42 =	vbroadcast v42, $0x0  }
0x69: {  	[tilespmem:v54+s15+$0x0] =	vst.idx.msk $0xffff, v37  }
0x6a: {  	v57 =	vadd.s32 v21, v42;
	[tilespmem:v55+s15+$0x0] =	vst.idx.msk $0xffff, v40;
	v37 =	vld.idx.msk [tilespmem:v0+s0+$0x100], $0xffff  }
0x6b: {  	s22 =	simm.s32 $0x12;
	v40 =	vld.idx.msk [tilespmem:v7+s25+$0x40], $0xffff;
	v38 =	vadd.s32 v12, v49  }
0x6c: {  	v58 =	vmov s22  }
0x6d: {  	v41 =	vshrl.u32 v58, $0x3  }
0x6e: {  	v41 =	vshll.u32 v41, v2  }
0x6f: {  	v59 =	vbroadcast v41, $0x0;
	[tilespmem:v57+s15+$0x0] =	vst.idx.msk $0xffff, v37  }
0x70: {  	v61 =	vadd.s32 v22, v42;
	[tilespmem:v38+s15+$0x0] =	vst.idx.msk $0xffff, v40;
	v60 =	vld.idx.msk [tilespmem:v3+s0+$0x100], $0xffff  }
0x71: {  	v41 =	vadd.s32 v13, v59;
	v40 =	vld.idx.msk [tilespmem:v0+s25+$0x80], $0xffff  }
0x72: {  	s23 =	simm.s32 $0x20  }
0x73: {  	v43 =	vmov s23  }
0x74: {  	v43 =	vshrl.u32 v43, $0x3  }
0x75: {  	v62 =	vshll.u32 v43, v2;
	[tilespmem:v61+s15+$0x0] =	vst.idx.msk $0xffff, v60  }
0x76: {  	v63 =	vadd.s32 v23, v42;
	v38 =	vbroadcast v62, $0x0;
	[tilespmem:v41+s15+$0x0] =	vst.idx.msk $0xffff, v40;
	v39 =	vld.idx.msk [tilespmem:v5+s0+$0x100], $0xffff  }
0x77: {  	s23 =	simm.s32 $0xA00;
	v48 =	vadd.s32 v14, v59;
	v41 =	vld.idx.msk [tilespmem:v3+s25+$0x80], $0xffff  }
0x78: {  	v44 =	vld.idx.msk [tilespmem:v0+s23+$0x0], $0xffff;
	v45 =	vadd.s32 v1, v38;
	_ =	sdelay $0x2  }
0x79: {  	[tilespmem:v63+s15+$0x0] =	vst.idx.msk $0xffff, v39  }
0x7a: {  	s24 =	simm.s32 $0x5;
	v49 =	vadd.s32 v24, v42;
	[tilespmem:v48+s15+$0x0] =	vst.idx.msk $0xffff, v41;
	v39 =	vld.idx.msk [tilespmem:v7+s0+$0x100], $0xffff  }
0x7b: {  	v50 =	vadd.s32 v15, v59;
	v51 =	vmov s24;
	[tilespmem:v45+s15+$0x0] =	vst.idx.msk $0xffff, v44;
	v41 =	vld.idx.msk [tilespmem:v5+s25+$0x80], $0xffff  }
0x7c: {  	v43 =	vshrl.u32 v51, $0x3;
	v52 =	vadd.s32 v4, v38;
	v44 =	vld.idx.msk [tilespmem:v3+s23+$0x0], $0xffff  }
0x7d: {  	v43 =	vshll.u32 v43, v2  }
0x7e: {  	v43 =	vbroadcast v43, $0x0  }
0x7f: {  	[tilespmem:v49+s15+$0x0] =	vst.idx.msk $0xffff, v39  }
0x80: {  	v53 =	vadd.s32 v25, v43;
	[tilespmem:v50+s15+$0x0] =	vst.idx.msk $0xffff, v41;
	v39 =	vld.idx.msk [tilespmem:v0+s0+$0x140], $0xffff  }
0x81: {  	s26 =	simm.s32 $0x13;
	[tilespmem:v52+s15+$0x0] =	vst.idx.msk $0xffff, v44;
	v41 =	vld.idx.msk [tilespmem:v7+s25+$0x80], $0xffff;
	v37 =	vadd.s32 v16, v59  }
0x82: {  	v56 =	vmov s26;
	v55 =	vadd.s32 v6, v38;
	v54 =	vld.idx.msk [tilespmem:v5+s23+$0x0], $0xffff  }
0x83: {  	v45 =	vshrl.u32 v56, $0x3  }
0x84: {  	v45 =	vshll.u32 v45, v2  }
0x85: {  	[tilespmem:v53+s15+$0x0] =	vst.idx.msk $0xffff, v39;
	v39 =	vbroadcast v45, $0x0  }
0x86: {  	v58 =	vadd.s32 v26, v43;
	[tilespmem:v37+s15+$0x0] =	vst.idx.msk $0xffff, v41;
	v57 =	vld.idx.msk [tilespmem:v3+s0+$0x140], $0xffff  }
0x87: {  	[tilespmem:v55+s15+$0x0] =	vst.idx.msk $0xffff, v54;
	v41 =	vld.idx.msk [tilespmem:v0+s25+$0xC0], $0xffff;
	v59 =	vadd.s32 v17, v39  }
0x88: {  	s5 =	simm.s32 $0x21;
	v38 =	vadd.s32 v8, v38;
	v44 =	vld.idx.msk [tilespmem:v7+s23+$0x0], $0xffff  }
0x89: {  	v60 =	vmov s5  }
0x8a: {  	v45 =	vshrl.u32 v60, $0x3  }
0x8b: {  	v61 =	vshll.u32 v45, v2;
	[tilespmem:v58+s15+$0x0] =	vst.idx.msk $0xffff, v57  }
0x8c: {  	v62 =	vadd.s32 v27, v43;
	v37 =	vbroadcast v61, $0x0;
	[tilespmem:v59+s15+$0x0] =	vst.idx.msk $0xffff, v41;
	v40 =	vld.idx.msk [tilespmem:v5+s0+$0x140], $0xffff  }
0x8d: {  	[tilespmem:v38+s15+$0x0] =	vst.idx.msk $0xffff, v44;
	v48 =	vadd.s32 v18, v39;
	v63 =	vld.idx.msk [tilespmem:v3+s25+$0xC0], $0xffff  }
0x8e: {  	v44 =	vld.idx.msk [tilespmem:v0+s23+$0x40], $0xffff;
	v49 =	vadd.s32 v9, v37;
	_ =	sdelay $0x2  }
0x8f: {  	[tilespmem:v62+s15+$0x0] =	vst.idx.msk $0xffff, v40  }
0x90: {  	s7 =	simm.s32 $0x6;
	v51 =	vadd.s32 v28, v43;
	[tilespmem:v48+s15+$0x0] =	vst.idx.msk $0xffff, v63;
	v50 =	vld.idx.msk [tilespmem:v7+s0+$0x140], $0xffff  }
0x91: {  	v54 =	vmov s7;
	v53 =	vadd.s32 v19, v39;
	[tilespmem:v49+s15+$0x0] =	vst.idx.msk $0xffff, v44;
	v52 =	vld.idx.msk [tilespmem:v5+s25+$0xC0], $0xffff  }
0x92: {  	v43 =	vshrl.u32 v54, $0x3;
	v55 =	vadd.s32 v10, v37;
	v44 =	vld.idx.msk [tilespmem:v3+s23+$0x40], $0xffff  }
0x93: {  	v43 =	vshll.u32 v43, v2  }
0x94: {  	v43 =	vbroadcast v43, $0x0  }
0x95: {  	[tilespmem:v51+s15+$0x0] =	vst.idx.msk $0xffff, v50  }
0x96: {  	v56 =	vadd.s32 v29, v43;
	[tilespmem:v53+s15+$0x0] =	vst.idx.msk $0xffff, v52;
	v38 =	vld.idx.msk [tilespmem:v0+s0+$0x180], $0xffff  }
0x97: {  	s9 =	simm.s32 $0x14;
	v39 =	vadd.s32 v20, v39;
	[tilespmem:v55+s15+$0x0] =	vst.idx.msk $0xffff, v44;
	v41 =	vld.idx.msk [tilespmem:v7+s25+$0xC0], $0xffff  }
0x98: {  	v58 =	vadd.s32 v11, v37;
	v59 =	vmov s9;
	v57 =	vld.idx.msk [tilespmem:v5+s23+$0x40], $0xffff  }
0x99: {  	v45 =	vshrl.u32 v59, $0x3  }
0x9a: {  	v45 =	vshll.u32 v45, v2  }
0x9b: {  	[tilespmem:v56+s15+$0x0] =	vst.idx.msk $0xffff, v38;
	v38 =	vbroadcast v45, $0x0  }
0x9c: {  	v61 =	vadd.s32 v30, v43;
	[tilespmem:v39+s15+$0x0] =	vst.idx.msk $0xffff, v41;
	v60 =	vld.idx.msk [tilespmem:v3+s0+$0x180], $0xffff  }
0x9d: {  	[tilespmem:v58+s15+$0x0] =	vst.idx.msk $0xffff, v57;
	v41 =	vld.idx.msk [tilespmem:v0+s25+$0x100], $0xffff;
	v62 =	vadd.s32 v21, v38  }
0x9e: {  	s12 =	simm.s32 $0x22;
	v37 =	vadd.s32 v12, v37;
	v44 =	vld.idx.msk [tilespmem:v7+s23+$0x40], $0xffff  }
0x9f: {  	v63 =	vmov s12  }
0xa0: {  	v45 =	vshrl.u32 v63, $0x3  }
0xa1: {  	v48 =	vshll.u32 v45, v2;
	[tilespmem:v61+s15+$0x0] =	vst.idx.msk $0xffff, v60  }
0xa2: {  	v49 =	vadd.s32 v31, v43;
	v39 =	vbroadcast v48, $0x0;
	[tilespmem:v62+s15+$0x0] =	vst.idx.msk $0xffff, v41;
	v40 =	vld.idx.msk [tilespmem:v5+s0+$0x180], $0xffff  }
0xa3: {  	v51 =	vadd.s32 v22, v38;
	[tilespmem:v37+s15+$0x0] =	vst.idx.msk $0xffff, v44;
	v50 =	vld.idx.msk [tilespmem:v3+s25+$0x100], $0xffff  }
0xa4: {  	v44 =	vld.idx.msk [tilespmem:v0+s23+$0x80], $0xffff;
	v52 =	vadd.s32 v13, v39  }
0xa5: {  	s18 =	simm.s32 $0x30  }
0xa6: {  	v46 =	vmov s18  }
0xa7: {  	v53 =	vshrl.u32 v46, $0x3;
	[tilespmem:v49+s15+$0x0] =	vst.idx.msk $0xffff, v40  }
0xa8: {  	s19 =	simm.s32 $0x7;
	v55 =	vadd.s32 v32, v43;
	v40 =	vshll.u32 v53, v2;
	[tilespmem:v51+s15+$0x0] =	vst.idx.msk $0xffff, v50;
	v54 =	vld.idx.msk [tilespmem:v7+s0+$0x180], $0xffff  }
0xa9: {  	v57 =	vmov s19;
	v56 =	vadd.s32 v23, v38;
	[tilespmem:v52+s15+$0x0] =	vst.idx.msk $0xffff, v44;
	v40 =	vbroadcast v40, $0x0;
	v42 =	vld.idx.msk [tilespmem:v5+s25+$0x100], $0xffff  }
0xaa: {  	s24 =	simm.s32 $0xE00;
	v58 =	vadd.s32 v14, v39;
	v44 =	vshrl.u32 v57, $0x3;
	v45 =	vld.idx.msk [tilespmem:v3+s23+$0x80], $0xffff  }
0xab: {  	v47 =	vld.idx.msk [tilespmem:v0+s24+$0x0], $0xffff;
	v44 =	vshll.u32 v44, v2;
	v48 =	vadd.s32 v1, v40  }
0xac: {  	v44 =	vbroadcast v44, $0x0  }
0xad: {  	[tilespmem:v55+s15+$0x0] =	vst.idx.msk $0xffff, v54  }
0xae: {  	v59 =	vadd.s32 v33, v44;
	[tilespmem:v56+s15+$0x0] =	vst.idx.msk $0xffff, v42;
	v37 =	vld.idx.msk [tilespmem:v0+s0+$0x1C0], $0xffff  }
0xaf: {  	s20 =	simm.s32 $0x15;
	v38 =	vadd.s32 v24, v38;
	[tilespmem:v58+s15+$0x0] =	vst.idx.msk $0xffff, v45;
	v42 =	vld.idx.msk [tilespmem:v7+s25+$0x100], $0xffff  }
0xb0: {  	v61 =	vadd.s32 v15, v39;
	v62 =	vmov s20;
	v60 =	vld.idx.msk [tilespmem:v5+s23+$0x80], $0xffff;
	[tilespmem:v48+s15+$0x0] =	vst.idx.msk $0xffff, v47  }
0xb1: {  	v46 =	vshrl.u32 v62, $0x3;
	v63 =	vadd.s32 v4, v40;
	v47 =	vld.idx.msk [tilespmem:v3+s24+$0x0], $0xffff  }
0xb2: {  	v46 =	vshll.u32 v46, v2  }
0xb3: {  	[tilespmem:v59+s15+$0x0] =	vst.idx.msk $0xffff, v37;
	v37 =	vbroadcast v46, $0x0  }
0xb4: {  	v53 =	vadd.s32 v34, v44;
	[tilespmem:v38+s15+$0x0] =	vst.idx.msk $0xffff, v42;
	v52 =	vld.idx.msk [tilespmem:v3+s0+$0x1C0], $0xffff  }
0xb5: {  	[tilespmem:v61+s15+$0x0] =	vst.idx.msk $0xffff, v60;
	v42 =	vld.idx.msk [tilespmem:v0+s25+$0x140], $0xffff;
	v54 =	vadd.s32 v25, v37  }
0xb6: {  	s22 =	simm.s32 $0x23;
	v39 =	vadd.s32 v16, v39;
	v45 =	vld.idx.msk [tilespmem:v7+s23+$0x80], $0xffff;
	[tilespmem:v63+s15+$0x0] =	vst.idx.msk $0xffff, v47  }
0xb7: {  	v57 =	vmov s22;
	v56 =	vadd.s32 v6, v40;
	v55 =	vld.idx.msk [tilespmem:v5+s24+$0x0], $0xffff  }
0xb8: {  	v48 =	vshrl.u32 v57, $0x3  }
0xb9: {  	v58 =	vshll.u32 v48, v2;
	[tilespmem:v53+s15+$0x0] =	vst.idx.msk $0xffff, v52  }
0xba: {  	v59 =	vadd.s32 v35, v44;
	v38 =	vbroadcast v58, $0x0;
	[tilespmem:v54+s15+$0x0] =	vst.idx.msk $0xffff, v42;
	v41 =	vld.idx.msk [tilespmem:v5+s0+$0x1C0], $0xffff  }
0xbb: {  	v61 =	vadd.s32 v26, v37;
	[tilespmem:v39+s15+$0x0] =	vst.idx.msk $0xffff, v45;
	v60 =	vld.idx.msk [tilespmem:v3+s25+$0x140], $0xffff  }
0xbc: {  	v62 =	vadd.s32 v17, v38;
	v45 =	vld.idx.msk [tilespmem:v0+s23+$0xC0], $0xffff;
	[tilespmem:v56+s15+$0x0] =	vst.idx.msk $0xffff, v55  }
0xbd: {  	s26 =	simm.s32 $0x31;
	v40 =	vadd.s32 v8, v40;
	v47 =	vld.idx.msk [tilespmem:v7+s24+$0x0], $0xffff  }
0xbe: {  	v63 =	vmov s26  }
0xbf: {  	v51 =	vshrl.u32 v63, $0x3;
	[tilespmem:v59+s15+$0x0] =	vst.idx.msk $0xffff, v41  }
0xc0: {  	s5 =	simm.s32 $0x8;
	v53 =	vadd.s32 v36, v44;
	v41 =	vshll.u32 v51, v2;
	[tilespmem:v61+s15+$0x0] =	vst.idx.msk $0xffff, v60;
	v52 =	vld.idx.msk [tilespmem:v7+s0+$0x1C0], $0xffff  }
0xc1: {  	v54 =	vadd.s32 v27, v37;
	v55 =	vmov s5;
	[tilespmem:v62+s15+$0x0] =	vst.idx.msk $0xffff, v45;
	v41 =	vbroadcast v41, $0x0;
	v43 =	vld.idx.msk [tilespmem:v5+s25+$0x140], $0xffff  }
0xc2: {  	v57 =	vadd.s32 v18, v38;
	v45 =	vshrl.u32 v55, $0x3;
	v56 =	vld.idx.msk [tilespmem:v3+s23+$0xC0], $0xffff;
	[tilespmem:v40+s15+$0x0] =	vst.idx.msk $0xffff, v47  }
0xc3: {  	v45 =	vshll.u32 v45, v2;
	v47 =	vld.idx.msk [tilespmem:v0+s24+$0x40], $0xffff;
	v58 =	vadd.s32 v9, v41  }
0xc4: {  	v45 =	vbroadcast v45, $0x0  }
0xc5: {  	[tilespmem:v53+s15+$0x0] =	vst.idx.msk $0xffff, v52  }
0xc6: {  	v59 =	vadd.s32 v1, v45;
	[tilespmem:v54+s15+$0x0] =	vst.idx.msk $0xffff, v43;
	v39 =	vld.idx.msk [tilespmem:v0+s0+$0x200], $0xffff  }
0xc7: {  	s7 =	simm.s32 $0x16;
	v37 =	vadd.s32 v28, v37;
	[tilespmem:v57+s15+$0x0] =	vst.idx.msk $0xffff, v56;
	v60 =	vld.idx.msk [tilespmem:v7+s25+$0x140], $0xffff  }
0xc8: {  	v63 =	vmov s7;
	v62 =	vadd.s32 v19, v38;
	v61 =	vld.idx.msk [tilespmem:v5+s23+$0xC0], $0xffff;
	[tilespmem:v58+s15+$0x0] =	vst.idx.msk $0xffff, v47  }
0xc9: {  	v46 =	vshrl.u32 v63, $0x3;
	v52 =	vadd.s32 v10, v41;
	v47 =	vld.idx.msk [tilespmem:v3+s24+$0x40], $0xffff  }
0xca: {  	v46 =	vshll.u32 v46, v2  }
0xcb: {  	[tilespmem:v59+s15+$0x0] =	vst.idx.msk $0xffff, v39;
	v39 =	vbroadcast v46, $0x0  }
0xcc: {  	v54 =	vadd.s32 v4, v45;
	[tilespmem:v37+s15+$0x0] =	vst.idx.msk $0xffff, v60;
	v53 =	vld.idx.msk [tilespmem:v3+s0+$0x200], $0xffff  }
0xcd: {  	[tilespmem:v62+s15+$0x0] =	vst.idx.msk $0xffff, v61;
	v55 =	vld.idx.msk [tilespmem:v0+s25+$0x180], $0xffff;
	v56 =	vadd.s32 v29, v39  }
0xce: {  	s9 =	simm.s32 $0x24;
	v38 =	vadd.s32 v20, v38;
	v44 =	vld.idx.msk [tilespmem:v7+s23+$0xC0], $0xffff;
	[tilespmem:v52+s15+$0x0] =	vst.idx.msk $0xffff, v47  }
0xcf: {  	v58 =	vadd.s32 v11, v41;
	v59 =	vmov s9;
	v57 =	vld.idx.msk [tilespmem:v5+s24+$0x40], $0xffff  }
0xd0: {  	v48 =	vshrl.u32 v59, $0x3  }
0xd1: {  	v60 =	vshll.u32 v48, v2;
	[tilespmem:v54+s15+$0x0] =	vst.idx.msk $0xffff, v53  }
0xd2: {  	v61 =	vadd.s32 v6, v45;
	v37 =	vbroadcast v60, $0x0;
	[tilespmem:v56+s15+$0x0] =	vst.idx.msk $0xffff, v55;
	v40 =	vld.idx.msk [tilespmem:v5+s0+$0x200], $0xffff  }
0xd3: {  	v63 =	vadd.s32 v30, v39;
	[tilespmem:v38+s15+$0x0] =	vst.idx.msk $0xffff, v44;
	v62 =	vld.idx.msk [tilespmem:v3+s25+$0x180], $0xffff  }
0xd4: {  	v44 =	vld.idx.msk [tilespmem:v0+s23+$0x100], $0xffff;
	v52 =	vadd.s32 v21, v37;
	[tilespmem:v58+s15+$0x0] =	vst.idx.msk $0xffff, v57  }
0xd5: {  	s12 =	simm.s32 $0x32;
	v41 =	vadd.s32 v12, v41;
	v47 =	vld.idx.msk [tilespmem:v7+s24+$0x40], $0xffff  }
0xd6: {  	v53 =	vmov s12  }
0xd7: {  	v54 =	vshrl.u32 v53, $0x3;
	[tilespmem:v61+s15+$0x0] =	vst.idx.msk $0xffff, v40  }
0xd8: {  	s18 =	simm.s32 $0x9;
	v56 =	vadd.s32 v8, v45;
	v40 =	vshll.u32 v54, v2;
	[tilespmem:v63+s15+$0x0] =	vst.idx.msk $0xffff, v62;
	v55 =	vld.idx.msk [tilespmem:v7+s0+$0x200], $0xffff  }
0xd9: {  	v57 =	vadd.s32 v31, v39;
	v58 =	vmov s18;
	[tilespmem:v52+s15+$0x0] =	vst.idx.msk $0xffff, v44;
	v40 =	vbroadcast v40, $0x0;
	v43 =	vld.idx.msk [tilespmem:v5+s25+$0x180], $0xffff  }
0xda: {  	v60 =	vadd.s32 v22, v37;
	v45 =	vshrl.u32 v58, $0x3;
	v59 =	vld.idx.msk [tilespmem:v3+s23+$0x100], $0xffff;
	[tilespmem:v41+s15+$0x0] =	vst.idx.msk $0xffff, v47  }
0xdb: {  	v45 =	vshll.u32 v45, v2;
	v47 =	vld.idx.msk [tilespmem:v0+s24+$0x80], $0xffff;
	v61 =	vadd.s32 v13, v40  }
0xdc: {  	s19 =	simm.s32 $0x40;
	v45 =	vbroadcast v45, $0x0  }
0xdd: {  	v62 =	vmov s19;
	[tilespmem:v56+s15+$0x0] =	vst.idx.msk $0xffff, v55  }
0xde: {  	v63 =	vadd.s32 v9, v45;
	v38 =	vshrl.u32 v62, $0x3;
	[tilespmem:v57+s15+$0x0] =	vst.idx.msk $0xffff, v43;
	v42 =	vld.idx.msk [tilespmem:v0+s0+$0x240], $0xffff  }
0xdf: {  	s20 =	simm.s32 $0x17;
	v39 =	vadd.s32 v32, v39;
	v38 =	vshll.u32 v38, v2;
	[tilespmem:v60+s15+$0x0] =	vst.idx.msk $0xffff, v59;
	v54 =	vld.idx.msk [tilespmem:v7+s25+$0x180], $0xffff  }
0xe0: {  	v38 =	vbroadcast v38, $0x0;
	v55 =	vld.idx.msk [tilespmem:v5+s23+$0x100], $0xffff;
	v56 =	vadd.s32 v23, v37;
	v57 =	vmov s20;
	[tilespmem:v61+s15+$0x0] =	vst.idx.msk $0xffff, v47  }
0xe1: {  	s26 =	simm.s32 $0x1200;
	v49 =	vadd.s32 v14, v40;
	v47 =	vshrl.u32 v57, $0x3;
	v48 =	vld.idx.msk [tilespmem:v3+s24+$0x80], $0xffff  }
0xe2: {  	v50 =	vld.idx.msk [tilespmem:v0+s26+$0x0], $0xffff;
	v51 =	vadd.s32 v1, v38;
	v47 =	vshll.u32 v47, v2  }
0xe3: {  	[tilespmem:v63+s15+$0x0] =	vst.idx.msk $0xffff, v42;
	v42 =	vbroadcast v47, $0x0  }
0xe4: {  	v59 =	vadd.s32 v10, v45;
	[tilespmem:v39+s15+$0x0] =	vst.idx.msk $0xffff, v54;
	v58 =	vld.idx.msk [tilespmem:v3+s0+$0x240], $0xffff  }
0xe5: {  	[tilespmem:v56+s15+$0x0] =	vst.idx.msk $0xffff, v55;
	v60 =	vld.idx.msk [tilespmem:v0+s25+$0x1C0], $0xffff;
	v61 =	vadd.s32 v33, v42  }
0xe6: {  	s22 =	simm.s32 $0x25;
	v37 =	vadd.s32 v24, v37;
	v46 =	vld.idx.msk [tilespmem:v7+s23+$0x100], $0xffff;
	[tilespmem:v49+s15+$0x0] =	vst.idx.msk $0xffff, v48  }
0xe7: {  	[tilespmem:v51+s15+$0x0] =	vst.idx.msk $0xffff, v50;
	v63 =	vadd.s32 v15, v40;
	v54 =	vmov s22;
	v62 =	vld.idx.msk [tilespmem:v5+s24+$0x80], $0xffff  }
0xe8: {  	v55 =	vadd.s32 v4, v38;
	v50 =	vld.idx.msk [tilespmem:v3+s26+$0x0], $0xffff;
	v49 =	vshrl.u32 v54, $0x3  }
0xe9: {  	v56 =	vshll.u32 v49, v2;
	[tilespmem:v59+s15+$0x0] =	vst.idx.msk $0xffff, v58  }
0xea: {  	v57 =	vadd.s32 v11, v45;
	v39 =	vbroadcast v56, $0x0;
	[tilespmem:v61+s15+$0x0] =	vst.idx.msk $0xffff, v60;
	v41 =	vld.idx.msk [tilespmem:v5+s0+$0x240], $0xffff  }
0xeb: {  	[tilespmem:v37+s15+$0x0] =	vst.idx.msk $0xffff, v46;
	v59 =	vadd.s32 v34, v42;
	v58 =	vld.idx.msk [tilespmem:v3+s25+$0x1C0], $0xffff  }
0xec: {  	v46 =	vld.idx.msk [tilespmem:v0+s23+$0x140], $0xffff;
	v60 =	vadd.s32 v25, v39;
	[tilespmem:v63+s15+$0x0] =	vst.idx.msk $0xffff, v62  }
0xed: {  	s5 =	simm.s32 $0x33;
	v40 =	vadd.s32 v16, v40;
	[tilespmem:v55+s15+$0x0] =	vst.idx.msk $0xffff, v50;
	v48 =	vld.idx.msk [tilespmem:v7+s24+$0x80], $0xffff  }
0xee: {  	v61 =	vld.idx.msk [tilespmem:v5+s26+$0x0], $0xffff;
	v62 =	vadd.s32 v6, v38;
	v63 =	vmov s5  }
0xef: {  	v54 =	vshrl.u32 v63, $0x3;
	[tilespmem:v57+s15+$0x0] =	vst.idx.msk $0xffff, v41  }
0xf0: {  	s7 =	simm.s32 $0xA;
	v56 =	vadd.s32 v12, v45;
	v41 =	vshll.u32 v54, v2;
	[tilespmem:v59+s15+$0x0] =	vst.idx.msk $0xffff, v58;
	v55 =	vld.idx.msk [tilespmem:v7+s0+$0x240], $0xffff  }
0xf1: {  	[tilespmem:v60+s15+$0x0] =	vst.idx.msk $0xffff, v46;
	v57 =	vadd.s32 v35, v42;
	v41 =	vbroadcast v41, $0x0;
	v58 =	vmov s7;
	v44 =	vld.idx.msk [tilespmem:v5+s25+$0x1C0], $0xffff  }
0xf2: {  	v60 =	vadd.s32 v26, v39;
	v59 =	vld.idx.msk [tilespmem:v3+s23+$0x140], $0xffff;
	[tilespmem:v40+s15+$0x0] =	vst.idx.msk $0xffff, v48;
	v46 =	vshrl.u32 v58, $0x3  }
0xf3: {  	[tilespmem:v62+s15+$0x0] =	vst.idx.msk $0xffff, v61;
	v48 =	vld.idx.msk [tilespmem:v0+s24+$0xC0], $0xffff;
	v61 =	vadd.s32 v17, v41;
	v46 =	vshll.u32 v46, v2  }
0xf4: {  	s9 =	simm.s32 $0x41;
	v38 =	vadd.s32 v8, v38;
	v50 =	vld.idx.msk [tilespmem:v7+s26+$0x0], $0xffff;
	v46 =	vbroadcast v46, $0x0  }
0xf5: {  	v62 =	vmov s9;
	[tilespmem:v56+s15+$0x0] =	vst.idx.msk $0xffff, v55  }
0xf6: {  	v37 =	vshrl.u32 v62, $0x3;
	v63 =	vadd.s32 v13, v46;
	[tilespmem:v57+s15+$0x0] =	vst.idx.msk $0xffff, v44;
	v43 =	vld.idx.msk [tilespmem:v0+s0+$0x280], $0xffff  }
0xf7: {  	s12 =	simm.s32 $0x18;
	v42 =	vadd.s32 v36, v42;
	v37 =	vshll.u32 v37, v2;
	[tilespmem:v60+s15+$0x0] =	vst.idx.msk $0xffff, v59;
	v54 =	vld.idx.msk [tilespmem:v7+s25+$0x1C0], $0xffff  }
0xf8: {  	v37 =	vbroadcast v37, $0x0;
	v56 =	vadd.s32 v27, v39;
	v55 =	vld.idx.msk [tilespmem:v5+s23+$0x140], $0xffff;
	v57 =	vmov s12;
	[tilespmem:v61+s15+$0x0] =	vst.idx.msk $0xffff, v48  }
0xf9: {  	v59 =	vadd.s32 v18, v41;
	[tilespmem:v38+s15+$0x0] =	vst.idx.msk $0xffff, v50;
	v48 =	vshrl.u32 v57, $0x3;
	v58 =	vld.idx.msk [tilespmem:v3+s24+$0xC0], $0xffff  }
0xfa: {  	v60 =	vadd.s32 v9, v37;
	v50 =	vld.idx.msk [tilespmem:v0+s26+$0x40], $0xffff;
	v48 =	vshll.u32 v48, v2  }
0xfb: {  	[tilespmem:v63+s15+$0x0] =	vst.idx.msk $0xffff, v43;
	v43 =	vbroadcast v48, $0x0  }
0xfc: {  	v62 =	vadd.s32 v14, v46;
	[tilespmem:v42+s15+$0x0] =	vst.idx.msk $0xffff, v54;
	v61 =	vld.idx.msk [tilespmem:v3+s0+$0x280], $0xffff  }
0xfd: {  	[tilespmem:v56+s15+$0x0] =	vst.idx.msk $0xffff, v55;
	v63 =	vld.idx.msk [tilespmem:v0+s25+$0x200], $0xffff;
	v54 =	vadd.s32 v1, v43  }
0xfe: {  	s18 =	simm.s32 $0x26;
	v39 =	vadd.s32 v28, v39;
	v55 =	vld.idx.msk [tilespmem:v7+s23+$0x140], $0xffff;
	[tilespmem:v59+s15+$0x0] =	vst.idx.msk $0xffff, v58  }
0xff: {  	v57 =	vadd.s32 v19, v41;
	[tilespmem:v60+s15+$0x0] =	vst.idx.msk $0xffff, v50;
	v58 =	vmov s18;
	v56 =	vld.idx.msk [tilespmem:v5+s24+$0xC0], $0xffff  }
0x100: {  	v50 =	vld.idx.msk [tilespmem:v3+s26+$0x40], $0xffff;
	v59 =	vadd.s32 v10, v37;
	v49 =	vshrl.u32 v58, $0x3  }
0x101: {  	v60 =	vshll.u32 v49, v2;
	[tilespmem:v62+s15+$0x0] =	vst.idx.msk $0xffff, v61  }
0x102: {  	v40 =	vbroadcast v60, $0x0;
	v61 =	vadd.s32 v15, v46;
	[tilespmem:v54+s15+$0x0] =	vst.idx.msk $0xffff, v63;
	v42 =	vld.idx.msk [tilespmem:v5+s0+$0x280], $0xffff  }
0x103: {  	[tilespmem:v39+s15+$0x0] =	vst.idx.msk $0xffff, v55;
	v63 =	vadd.s32 v4, v43;
	v62 =	vld.idx.msk [tilespmem:v3+s25+$0x200], $0xffff  }
0x104: {  	v54 =	vld.idx.msk [tilespmem:v0+s23+$0x180], $0xffff;
	v55 =	vadd.s32 v29, v40;
	[tilespmem:v57+s15+$0x0] =	vst.idx.msk $0xffff, v56  }
0x105: {  	s19 =	simm.s32 $0x34;
	v41 =	vadd.s32 v20, v41;
	[tilespmem:v59+s15+$0x0] =	vst.idx.msk $0xffff, v50;
	v48 =	vld.idx.msk [tilespmem:v7+s24+$0xC0], $0xffff  }
0x106: {  	v58 =	vmov s19;
	v56 =	vld.idx.msk [tilespmem:v5+s26+$0x40], $0xffff;
	v57 =	vadd.s32 v11, v37  }
0x107: {  	v59 =	vshrl.u32 v58, $0x3;
	[tilespmem:v61+s15+$0x0] =	vst.idx.msk $0xffff, v42  }
0x108: {  	s20 =	simm.s32 $0xB;
	v61 =	vshll.u32 v59, v2;
	[tilespmem:v63+s15+$0x0] =	vst.idx.msk $0xffff, v62;
	v60 =	vld.idx.msk [tilespmem:v7+s0+$0x280], $0xffff;
	v62 =	vadd.s32 v16, v46  }
0x109: {  	v53 =	vmov s20;
	v52 =	vadd.s32 v6, v43;
	[tilespmem:v55+s15+$0x0] =	vst.idx.msk $0xffff, v54;
	v39 =	vbroadcast v61, $0x0;
	v63 =	vld.idx.msk [tilespmem:v5+s25+$0x200], $0xffff  }
0x10a: {  	v55 =	vadd.s32 v30, v40;
	v54 =	vld.idx.msk [tilespmem:v3+s23+$0x180], $0xffff;
	v46 =	vshrl.u32 v53, $0x3;
	[tilespmem:v41+s15+$0x0] =	vst.idx.msk $0xffff, v48  }
0x10b: {  	[tilespmem:v57+s15+$0x0] =	vst.idx.msk $0xffff, v56;
	v46 =	vshll.u32 v46, v2;
	v48 =	vld.idx.msk [tilespmem:v0+s24+$0x100], $0xffff;
	v56 =	vadd.s32 v21, v39  }
0x10c: {  	s22 =	simm.s32 $0x42;
	v37 =	vadd.s32 v12, v37;
	v50 =	vld.idx.msk [tilespmem:v7+s26+$0x40], $0xffff;
	v46 =	vbroadcast v46, $0x0  }
0x10d: {  	v57 =	vmov s22;
	[tilespmem:v62+s15+$0x0] =	vst.idx.msk $0xffff, v60  }
0x10e: {  	v38 =	vshrl.u32 v57, $0x3;
	v58 =	vadd.s32 v17, v46;
	[tilespmem:v52+s15+$0x0] =	vst.idx.msk $0xffff, v63;
	v42 =	vld.idx.msk [tilespmem:v0+s0+$0x2C0], $0xffff  }
0x10f: {  	s5 =	simm.s32 $0x19;
	v43 =	vadd.s32 v8, v43;
	v38 =	vshll.u32 v38, v2;
	[tilespmem:v55+s15+$0x0] =	vst.idx.msk $0xffff, v54;
	v59 =	vld.idx.msk [tilespmem:v7+s25+$0x200], $0xffff  }
0x110: {  	v61 =	vadd.s32 v31, v40;
	v38 =	vbroadcast v38, $0x0;
	v62 =	vmov s5;
	v60 =	vld.idx.msk [tilespmem:v5+s23+$0x180], $0xffff;
	[tilespmem:v56+s15+$0x0] =	vst.idx.msk $0xffff, v48  }
0x111: {  	v54 =	vadd.s32 v22, v39;
	[tilespmem:v37+s15+$0x0] =	vst.idx.msk $0xffff, v50;
	v48 =	vshrl.u32 v62, $0x3;
	v63 =	vld.idx.msk [tilespmem:v3+s24+$0x100], $0xffff  }
0x112: {  	v55 =	vadd.s32 v13, v38;
	v50 =	vld.idx.msk [tilespmem:v0+s26+$0x80], $0xffff;
	v48 =	vshll.u32 v48, v2  }
0x113: {  	s7 =	simm.s32 $0x50;
	[tilespmem:v58+s15+$0x0] =	vst.idx.msk $0xffff, v42;
	v42 =	vbroadcast v48, $0x0  }
0x114: {  	v57 =	vadd.s32 v18, v46;
	v56 =	vmov s7;
	[tilespmem:v43+s15+$0x0] =	vst.idx.msk $0xffff, v59;
	v41 =	vld.idx.msk [tilespmem:v3+s0+$0x2C0], $0xffff  }
0x115: {  	[tilespmem:v61+s15+$0x0] =	vst.idx.msk $0xffff, v60;
	v43 =	vshrl.u32 v56, $0x3;
	v58 =	vld.idx.msk [tilespmem:v0+s25+$0x240], $0xffff;
	v59 =	vadd.s32 v9, v42  }
0x116: {  	s9 =	simm.s32 $0x27;
	v40 =	vadd.s32 v32, v40;
	v60 =	vld.idx.msk [tilespmem:v7+s23+$0x180], $0xffff;
	[tilespmem:v54+s15+$0x0] =	vst.idx.msk $0xffff, v63;
	v43 =	vshll.u32 v43, v2  }
0x117: {  	v62 =	vadd.s32 v23, v39;
	[tilespmem:v55+s15+$0x0] =	vst.idx.msk $0xffff, v50;
	v63 =	vmov s9;
	v61 =	vld.idx.msk [tilespmem:v5+s24+$0x100], $0xffff;
	v43 =	vbroadcast v43, $0x0  }
0x118: {  	s28 =	simm.s32 $0x1600;
	v52 =	vadd.s32 v14, v38;
	v51 =	vld.idx.msk [tilespmem:v3+s26+$0x80], $0xffff;
	v50 =	vshrl.u32 v63, $0x3  }
0x119: {  	v53 =	vld.idx.msk [tilespmem:v0+s28+$0x0], $0xffff;
	v56 =	vshll.u32 v50, v2;
	v54 =	vadd.s32 v1, v43;
	[tilespmem:v57+s15+$0x0] =	vst.idx.msk $0xffff, v41  }
0x11a: {  	v41 =	vbroadcast v56, $0x0;
	v57 =	vadd.s32 v19, v46;
	[tilespmem:v59+s15+$0x0] =	vst.idx.msk $0xffff, v58;
	v44 =	vld.idx.msk [tilespmem:v5+s0+$0x2C0], $0xffff  }
0x11b: {  	[tilespmem:v40+s15+$0x0] =	vst.idx.msk $0xffff, v60;
	v59 =	vadd.s32 v10, v42;
	v58 =	vld.idx.msk [tilespmem:v3+s25+$0x240], $0xffff  }
0x11c: {  	v60 =	vld.idx.msk [tilespmem:v0+s23+$0x1C0], $0xffff;
	[tilespmem:v62+s15+$0x0] =	vst.idx.msk $0xffff, v61;
	v61 =	vadd.s32 v33, v41  }
0x11d: {  	s12 =	simm.s32 $0x35;
	v39 =	vadd.s32 v24, v39;
	[tilespmem:v52+s15+$0x0] =	vst.idx.msk $0xffff, v51;
	v49 =	vld.idx.msk [tilespmem:v7+s24+$0x100], $0xffff  }
0x11e: {  	v51 =	vadd.s32 v15, v38;
	v50 =	vld.idx.msk [tilespmem:v5+s26+$0x80], $0xffff;
	v62 =	vmov s12;
	[tilespmem:v54+s15+$0x0] =	vst.idx.msk $0xffff, v53  }
0x11f: {  	v63 =	vadd.s32 v4, v43;
	v52 =	vshrl.u32 v62, $0x3;
	v53 =	vld.idx.msk [tilespmem:v3+s28+$0x0], $0xffff;
	[tilespmem:v57+s15+$0x0] =	vst.idx.msk $0xffff, v44  }
0x120: {  	s18 =	simm.s32 $0xC;
	v56 =	vadd.s32 v20, v46;
	v55 =	vshll.u32 v52, v2;
	[tilespmem:v59+s15+$0x0] =	vst.idx.msk $0xffff, v58;
	v37 =	vld.idx.msk [tilespmem:v7+s0+$0x2C0], $0xffff  }
0x121: {  	v40 =	vbroadcast v55, $0x0;
	[tilespmem:v61+s15+$0x0] =	vst.idx.msk $0xffff, v60;
	v58 =	vadd.s32 v11, v42;
	v59 =	vmov s18;
	v57 =	vld.idx.msk [tilespmem:v5+s25+$0x240], $0xffff  }
0x122: {  	v61 =	vadd.s32 v34, v41;
	[tilespmem:v39+s15+$0x0] =	vst.idx.msk $0xffff, v49;
	v60 =	vld.idx.msk [tilespmem:v3+s23+$0x1C0], $0xffff;
	v47 =	vshrl.u32 v59, $0x3  }
0x123: {  	[tilespmem:v51+s15+$0x0] =	vst.idx.msk $0xffff, v50;
	v62 =	vadd.s32 v25, v40;
	v49 =	vld.idx.msk [tilespmem:v0+s24+$0x140], $0xffff;
	v47 =	vshll.u32 v47, v2  }
0x124: {  	s19 =	simm.s32 $0x43;
	v38 =	vadd.s32 v16, v38;
	v51 =	vld.idx.msk [tilespmem:v7+s26+$0x80], $0xffff;
	[tilespmem:v63+s15+$0x0] =	vst.idx.msk $0xffff, v53;
	v47 =	vbroadcast v47, $0x0  }
0x125: {  	v55 =	vmov s19;
	v63 =	vadd.s32 v6, v43;
	v52 =	vld.idx.msk [tilespmem:v5+s28+$0x0], $0xffff;
	[tilespmem:v56+s15+$0x0] =	vst.idx.msk $0xffff, v37  }
0x126: {  	v37 =	vshrl.u32 v55, $0x3;
	v56 =	vadd.s32 v21, v47;
	[tilespmem:v58+s15+$0x0] =	vst.idx.msk $0xffff, v57;
	v44 =	vld.idx.msk [tilespmem:v0+s0+$0x300], $0xffff  }
0x127: {  	s20 =	simm.s32 $0x1A;
	v42 =	vadd.s32 v12, v42;
	[tilespmem:v61+s15+$0x0] =	vst.idx.msk $0xffff, v60;
	v37 =	vshll.u32 v37, v2;
	v57 =	vld.idx.msk [tilespmem:v7+s25+$0x240], $0xffff  }
0x128: {  	v59 =	vadd.s32 v35, v41;
	v60 =	vmov s20;
	[tilespmem:v62+s15+$0x0] =	vst.idx.msk $0xffff, v49;
	v58 =	vld.idx.msk [tilespmem:v5+s23+$0x1C0], $0xffff;
	v37 =	vbroadcast v37, $0x0  }
0x129: {  	[tilespmem:v38+s15+$0x0] =	vst.idx.msk $0xffff, v51;
	v62 =	vadd.s32 v26, v40;
	v49 =	vshrl.u32 v60, $0x3;
	v61 =	vld.idx.msk [tilespmem:v3+s24+$0x140], $0xffff  }
0x12a: {  	v51 =	vld.idx.msk [tilespmem:v0+s26+$0xC0], $0xffff;
	v49 =	vshll.u32 v49, v2;
	[tilespmem:v63+s15+$0x0] =	vst.idx.msk $0xffff, v52;
	v63 =	vadd.s32 v17, v37  }
0x12b: {  	s22 =	simm.s32 $0x51;
	v43 =	vadd.s32 v8, v43;
	v53 =	vld.idx.msk [tilespmem:v7+s28+$0x0], $0xffff;
	[tilespmem:v56+s15+$0x0] =	vst.idx.msk $0xffff, v44;
	v44 =	vbroadcast v49, $0x0  }
0x12c: {  	v45 =	vadd.s32 v22, v47;
	v56 =	vmov s22;
	[tilespmem:v42+s15+$0x0] =	vst.idx.msk $0xffff, v57;
	v39 =	vld.idx.msk [tilespmem:v3+s0+$0x300], $0xffff  }
0x12d: {  	[tilespmem:v59+s15+$0x0] =	vst.idx.msk $0xffff, v58;
	v42 =	vshrl.u32 v56, $0x3;
	v46 =	vld.idx.msk [tilespmem:v0+s25+$0x280], $0xffff;
	v57 =	vadd.s32 v13, v44  }
0x12e: {  	s5 =	simm.s32 $0x28;
	v41 =	vadd.s32 v36, v41;
	[tilespmem:v62+s15+$0x0] =	vst.idx.msk $0xffff, v61;
	v58 =	vld.idx.msk [tilespmem:v7+s23+$0x1C0], $0xffff;
	v42 =	vshll.u32 v42, v2  }
0x12f: {  	v60 =	vmov s5;
	v59 =	vadd.s32 v27, v40;
	[tilespmem:v63+s15+$0x0] =	vst.idx.msk $0xffff, v51;
	v49 =	vld.idx.msk [tilespmem:v5+s24+$0x140], $0xffff;
	v42 =	vbroadcast v42, $0x0  }
0x130: {  	v62 =	vadd.s32 v18, v37;
	v51 =	vshrl.u32 v60, $0x3;
	[tilespmem:v43+s15+$0x0] =	vst.idx.msk $0xffff, v53;
	v61 =	vld.idx.msk [tilespmem:v3+s26+$0xC0], $0xffff  }
0x131: {  	v56 =	vshll.u32 v51, v2;
	v53 =	vld.idx.msk [tilespmem:v0+s28+$0x40], $0xffff;
	v63 =	vadd.s32 v9, v42;
	[tilespmem:v45+s15+$0x0] =	vst.idx.msk $0xffff, v39  }
0x132: {  	v39 =	vbroadcast v56, $0x0;
	[tilespmem:v57+s15+$0x0] =	vst.idx.msk $0xffff, v46;
	v45 =	vld.idx.msk [tilespmem:v5+s0+$0x300], $0xffff;
	v46 =	vadd.s32 v23, v47  }
0x133: {  	[tilespmem:v41+s15+$0x0] =	vst.idx.msk $0xffff, v58;
	v58 =	vadd.s32 v14, v44;
	v57 =	vld.idx.msk [tilespmem:v3+s25+$0x280], $0xffff  }
0x134: {  	[tilespmem:v59+s15+$0x0] =	vst.idx.msk $0xffff, v49;
	v59 =	vld.idx.msk [tilespmem:v0+s23+$0x200], $0xffff;
	v60 =	vadd.s32 v1, v39  }
0x135: {  	s7 =	simm.s32 $0x36;
	v40 =	vadd.s32 v28, v40;
	[tilespmem:v62+s15+$0x0] =	vst.idx.msk $0xffff, v61;
	v61 =	vld.idx.msk [tilespmem:v7+s24+$0x140], $0xffff  }
0x136: {  	v62 =	vadd.s32 v19, v37;
	[tilespmem:v63+s15+$0x0] =	vst.idx.msk $0xffff, v53;
	v50 =	vld.idx.msk [tilespmem:v5+s26+$0xC0], $0xffff;
	v63 =	vmov s7  }
0x137: {  	v54 =	vadd.s32 v10, v42;
	v53 =	vld.idx.msk [tilespmem:v3+s28+$0x40], $0xffff;
	v52 =	vshrl.u32 v63, $0x3;
	[tilespmem:v46+s15+$0x0] =	vst.idx.msk $0xffff, v45  }
0x138: {  	s9 =	simm.s32 $0xD;
	v56 =	vadd.s32 v24, v47;
	v55 =	vshll.u32 v52, v2;
	[tilespmem:v58+s15+$0x0] =	vst.idx.msk $0xffff, v57;
	v38 =	vld.idx.msk [tilespmem:v7+s0+$0x300], $0xffff  }
0x139: {  	[tilespmem:v60+s15+$0x0] =	vst.idx.msk $0xffff, v59;
	v41 =	vbroadcast v55, $0x0;
	v58 =	vadd.s32 v15, v44;
	v59 =	vmov s9;
	v57 =	vld.idx.msk [tilespmem:v5+s25+$0x280], $0xffff  }
0x13a: {  	[tilespmem:v40+s15+$0x0] =	vst.idx.msk $0xffff, v61;
	v60 =	vld.idx.msk [tilespmem:v3+s23+$0x200], $0xffff;
	v61 =	vadd.s32 v4, v39;
	v48 =	vshrl.u32 v59, $0x3  }
0x13b: {  	[tilespmem:v62+s15+$0x0] =	vst.idx.msk $0xffff, v50;
	v62 =	vld.idx.msk [tilespmem:v0+s24+$0x180], $0xffff;
	v63 =	vadd.s32 v29, v41;
	v48 =	vshll.u32 v48, v2  }
0x13c: {  	s12 =	simm.s32 $0x44;
	v37 =	vadd.s32 v20, v37;
	[tilespmem:v54+s15+$0x0] =	vst.idx.msk $0xffff, v53;
	v51 =	vld.idx.msk [tilespmem:v7+s26+$0xC0], $0xffff;
	v48 =	vbroadcast v48, $0x0  }
0x13d: {  	v53 =	vadd.s32 v11, v42;
	v52 =	vld.idx.msk [tilespmem:v5+s28+$0x40], $0xffff;
	[tilespmem:v56+s15+$0x0] =	vst.idx.msk $0xffff, v38;
	v56 =	vmov s12  }
0x13e: {  	v46 =	vadd.s32 v25, v48;
	[tilespmem:v58+s15+$0x0] =	vst.idx.msk $0xffff, v57;
	v45 =	vld.idx.msk [tilespmem:v0+s0+$0x340], $0xffff;
	v38 =	vshrl.u32 v56, $0x3  }
0x13f: {  	s18 =	simm.s32 $0x1B;
	[tilespmem:v61+s15+$0x0] =	vst.idx.msk $0xffff, v60;
	v58 =	vadd.s32 v16, v44;
	v57 =	vld.idx.msk [tilespmem:v7+s25+$0x280], $0xffff;
	v38 =	vshll.u32 v38, v2  }
0x140: {  	v60 =	vadd.s32 v6, v39;
	v61 =	vmov s18;
	[tilespmem:v63+s15+$0x0] =	vst.idx.msk $0xffff, v62;
	v59 =	vld.idx.msk [tilespmem:v5+s23+$0x200], $0xffff;
	v38 =	vbroadcast v38, $0x0  }
0x141: {  	v63 =	vadd.s32 v30, v41;
	v49 =	vshrl.u32 v61, $0x3;
	[tilespmem:v37+s15+$0x0] =	vst.idx.msk $0xffff, v51;
	v62 =	vld.idx.msk [tilespmem:v3+s24+$0x180], $0xffff  }
0x142: {  	v49 =	vshll.u32 v49, v2;
	[tilespmem:v53+s15+$0x0] =	vst.idx.msk $0xffff, v52;
	v51 =	vld.idx.msk [tilespmem:v0+s26+$0x100], $0xffff;
	v56 =	vadd.s32 v21, v38  }
0x143: {  	v42 =	vadd.s32 v12, v42;
	v53 =	vld.idx.msk [tilespmem:v7+s28+$0x40], $0xffff;
	[tilespmem:v46+s15+$0x0] =	vst.idx.msk $0xffff, v45;
	v45 =	vbroadcast v49, $0x0  }
0x144: {  	s19 =	simm.s32 $0x52;
	[tilespmem:v58+s15+$0x0] =	vst.idx.msk $0xffff, v57;
	v40 =	vld.idx.msk [tilespmem:v3+s0+$0x340], $0xffff;
	v58 =	vadd.s32 v26, v48  }
0x145: {  	v57 =	vmov s19;
	[tilespmem:v60+s15+$0x0] =	vst.idx.msk $0xffff, v59;
	v44 =	vld.idx.msk [tilespmem:v0+s25+$0x2C0], $0xffff;
	v47 =	vadd.s32 v17, v45  }
0x146: {  	v39 =	vadd.s32 v8, v39;
	v43 =	vshrl.u32 v57, $0x3;
	[tilespmem:v63+s15+$0x0] =	vst.idx.msk $0xffff, v62;
	v59 =	vld.idx.msk [tilespmem:v7+s23+$0x200], $0xffff  }
0x147: {  	v60 =	vadd.s32 v31, v41;
	v43 =	vshll.u32 v43, v2;
	v49 =	vld.idx.msk [tilespmem:v5+s24+$0x180], $0xffff;
	[tilespmem:v56+s15+$0x0] =	vst.idx.msk $0xffff, v51  }
0x148: {  	s20 =	simm.s32 $0x29;
	v43 =	vbroadcast v43, $0x0;
	[tilespmem:v42+s15+$0x0] =	vst.idx.msk $0xffff, v53  }
0x149: {  	v62 =	vadd.s32 v22, v38;
	v63 =	vmov s20;
	v61 =	vld.idx.msk [tilespmem:v3+s26+$0x100], $0xffff;
	[tilespmem:v58+s15+$0x0] =	vst.idx.msk $0xffff, v40  }
0x14a: {  	v52 =	vshrl.u32 v63, $0x3;
	v53 =	vld.idx.msk [tilespmem:v0+s28+$0x80], $0xffff;
	v57 =	vadd.s32 v13, v43;
	[tilespmem:v47+s15+$0x0] =	vst.idx.msk $0xffff, v44  }
0x14b: {  	s22 =	simm.s32 $0x60;
	v58 =	vshll.u32 v52, v2;
	v40 =	vadd.s32 v27, v48;
	v44 =	vld.idx.msk [tilespmem:v5+s0+$0x340], $0xffff;
	[tilespmem:v39+s15+$0x0] =	vst.idx.msk $0xffff, v59  }
0x14c: {  	v37 =	vbroadcast v58, $0x0;
	v59 =	vmov s22;
	v39 =	vld.idx.msk [tilespmem:v3+s25+$0x2C0], $0xffff;
	[tilespmem:v60+s15+$0x0] =	vst.idx.msk $0xffff, v49;
	v49 =	vadd.s32 v18, v45  }
0x14d: {  	v41 =	vadd.s32 v32, v41;
	v46 =	vshrl.u32 v59, $0x3;
	v60 =	vld.idx.msk [tilespmem:v7+s24+$0x180], $0xffff  }
0x14e: {  	v47 =	vld.idx.msk [tilespmem:v0+s23+$0x240], $0xffff;
	v46 =	vshll.u32 v46, v2;
	[tilespmem:v62+s15+$0x0] =	vst.idx.msk $0xffff, v61;
	v61 =	vadd.s32 v9, v37  }
0x14f: {  	s5 =	simm.s32 $0x37;
	v46 =	vbroadcast v46, $0x0;
	v62 =	vadd.s32 v23, v38;
	[tilespmem:v57+s15+$0x0] =	vst.idx.msk $0xffff, v53;
	v51 =	vld.idx.msk [tilespmem:v5+s26+$0x100], $0xffff  }
0x150: {  	s29 =	simm.s32 $0x1A00;
	v56 =	vmov s5;
	v55 =	vadd.s32 v14, v43;
	v52 =	vld.idx.msk [tilespmem:v3+s28+$0x80], $0xffff;
	[tilespmem:v40+s15+$0x0] =	vst.idx.msk $0xffff, v44  }
0x151: {  	v63 =	vld.idx.msk [tilespmem:v0+s29+$0x0], $0xffff;
	v58 =	vshrl.u32 v56, $0x3;
	v57 =	vadd.s32 v1, v46;
	[tilespmem:v49+s15+$0x0] =	vst.idx.msk $0xffff, v39  }
0x152: {  	v48 =	vadd.s32 v28, v48;
	v44 =	vshll.u32 v58, v2;
	v59 =	vld.idx.msk [tilespmem:v7+s0+$0x340], $0xffff;
	[tilespmem:v41+s15+$0x0] =	vst.idx.msk $0xffff, v60  }
0x153: {  	s7 =	simm.s32 $0xE;
	v41 =	vbroadcast v44, $0x0;
	v60 =	vadd.s32 v19, v45;
	[tilespmem:v61+s15+$0x0] =	vst.idx.msk $0xffff, v47;
	v47 =	vld.idx.msk [tilespmem:v5+s25+$0x2C0], $0xffff  }
0x154: {  	v50 =	vadd.s32 v10, v37;
	v61 =	vmov s7;
	v42 =	vld.idx.msk [tilespmem:v3+s23+$0x240], $0xffff;
	[tilespmem:v62+s15+$0x0] =	vst.idx.msk $0xffff, v51  }
0x155: {  	v49 =	vld.idx.msk [tilespmem:v0+s24+$0x1C0], $0xffff;
	v62 =	vadd.s32 v33, v41;
	v51 =	vshrl.u32 v61, $0x3;
	[tilespmem:v55+s15+$0x0] =	vst.idx.msk $0xffff, v52  }
0x156: {  	v38 =	vadd.s32 v24, v38;
	v52 =	vld.idx.msk [tilespmem:v7+s26+$0x100], $0xffff;
	[tilespmem:v57+s15+$0x0] =	vst.idx.msk $0xffff, v63;
	v51 =	vshll.u32 v51, v2  }
0x157: {  	s9 =	simm.s32 $0x45;
	v57 =	vadd.s32 v15, v43;
	v63 =	vld.idx.msk [tilespmem:v5+s28+$0x80], $0xffff;
	[tilespmem:v48+s15+$0x0] =	vst.idx.msk $0xffff, v59;
	v39 =	vbroadcast v51, $0x0  }
0x158: {  	v58 =	vadd.s32 v4, v46;
	v54 =	vld.idx.msk [tilespmem:v3+s29+$0x0], $0xffff;
	v59 =	vmov s9;
	[tilespmem:v60+s15+$0x0] =	vst.idx.msk $0xffff, v47  }
0x159: {  	v44 =	vld.idx.msk [tilespmem:v0+s0+$0x380], $0xffff;
	v60 =	vshrl.u32 v59, $0x3;
	v61 =	vadd.s32 v29, v39;
	[tilespmem:v50+s15+$0x0] =	vst.idx.msk $0xffff, v42  }
0x15a: {  	v45 =	vadd.s32 v20, v45;
	v42 =	vld.idx.msk [tilespmem:v7+s25+$0x2C0], $0xffff;
	v47 =	vshll.u32 v60, v2;
	[tilespmem:v62+s15+$0x0] =	vst.idx.msk $0xffff, v49  }
0x15b: {  	s12 =	simm.s32 $0x1C;
	v62 =	vadd.s32 v11, v37;
	v49 =	vld.idx.msk [tilespmem:v5+s23+$0x240], $0xffff;
	[tilespmem:v38+s15+$0x0] =	vst.idx.msk $0xffff, v52;
	v38 =	vbroadcast v47, $0x0  }
0x15c: {  	v47 =	vld.idx.msk [tilespmem:v3+s24+$0x1C0], $0xffff;
	v52 =	vadd.s32 v34, v41;
	[tilespmem:v57+s15+$0x0] =	vst.idx.msk $0xffff, v63;
	v63 =	vmov s12  }
0x15d: {  	v40 =	vld.idx.msk [tilespmem:v0+s26+$0x140], $0xffff;
	[tilespmem:v58+s15+$0x0] =	vst.idx.msk $0xffff, v54;
	v58 =	vadd.s32 v25, v38;
	v53 =	vshrl.u32 v63, $0x3  }
0x15e: {  	v43 =	vadd.s32 v16, v43;
	v57 =	vld.idx.msk [tilespmem:v7+s28+$0x80], $0xffff;
	v53 =	vshll.u32 v53, v2;
	[tilespmem:v61+s15+$0x0] =	vst.idx.msk $0xffff, v44  }
0x15f: {  	s18 =	simm.s32 $0x53;
	v60 =	vadd.s32 v6, v46;
	v59 =	vld.idx.msk [tilespmem:v5+s29+$0x0], $0xffff;
	[tilespmem:v45+s15+$0x0] =	vst.idx.msk $0xffff, v42;
	v42 =	vbroadcast v53, $0x0  }
0x160: {  	v61 =	vmov s18;
	v45 =	vld.idx.msk [tilespmem:v3+s0+$0x380], $0xffff;
	[tilespmem:v62+s15+$0x0] =	vst.idx.msk $0xffff, v49;
	v62 =	vadd.s32 v30, v39  }
0x161: {  	v50 =	vshrl.u32 v61, $0x3;
	v49 =	vld.idx.msk [tilespmem:v0+s25+$0x300], $0xffff;
	[tilespmem:v52+s15+$0x0] =	vst.idx.msk $0xffff, v47;
	v52 =	vadd.s32 v21, v42  }
0x162: {  	v37 =	vadd.s32 v12, v37;
	v50 =	vshll.u32 v50, v2;
	v47 =	vld.idx.msk [tilespmem:v7+s23+$0x240], $0xffff;
	[tilespmem:v58+s15+$0x0] =	vst.idx.msk $0xffff, v40  }
0x163: {  	v40 =	vld.idx.msk [tilespmem:v5+s24+$0x1C0], $0xffff;
	[tilespmem:v43+s15+$0x0] =	vst.idx.msk $0xffff, v57;
	v43 =	vbroadcast v50, $0x0;
	v50 =	vadd.s32 v35, v41  }
0x164: {  	s19 =	simm.s32 $0x2A;
	v53 =	vadd.s32 v26, v38;
	[tilespmem:v60+s15+$0x0] =	vst.idx.msk $0xffff, v59;
	v48 =	vld.idx.msk [tilespmem:v3+s26+$0x140], $0xffff  }
0x165: {  	v63 =	vmov s19;
	v61 =	vadd.s32 v8, v46;
	v55 =	vld.idx.msk [tilespmem:v7+s29+$0x0], $0xffff;
	[tilespmem:v62+s15+$0x0] =	vst.idx.msk $0xffff, v45  }
0x166: {  	v54 =	vshrl.u32 v63, $0x3;
	v44 =	vld.idx.msk [tilespmem:v0+s28+$0xC0], $0xffff;
	v60 =	vadd.s32 v17, v43;
	[tilespmem:v52+s15+$0x0] =	vst.idx.msk $0xffff, v49  }
0x167: {  	v62 =	vshll.u32 v54, v2;
	v49 =	vld.idx.msk [tilespmem:v5+s0+$0x380], $0xffff;
	[tilespmem:v37+s15+$0x0] =	vst.idx.msk $0xffff, v47  }
0x168: {  	s20 =	simm.s32 $0x61;
	v63 =	vadd.s32 v31, v39;
	v37 =	vbroadcast v62, $0x0;
	v46 =	vld.idx.msk [tilespmem:v3+s25+$0x300], $0xffff;
	[tilespmem:v50+s15+$0x0] =	vst.idx.msk $0xffff, v40  }
0x169: {  	v59 =	vmov s20;
	v40 =	vld.idx.msk [tilespmem:v0+s23+$0x280], $0xffff;
	v50 =	vadd.s32 v22, v42;
	[tilespmem:v53+s15+$0x0] =	vst.idx.msk $0xffff, v48  }
0x16a: {  	v51 =	vshrl.u32 v59, $0x3;
	v48 =	vld.idx.msk [tilespmem:v7+s24+$0x1C0], $0xffff;
	v52 =	vadd.s32 v13, v37;
	[tilespmem:v61+s15+$0x0] =	vst.idx.msk $0xffff, v55  }
0x16b: {  	v41 =	vadd.s32 v36, v41;
	v51 =	vshll.u32 v51, v2;
	[tilespmem:v60+s15+$0x0] =	vst.idx.msk $0xffff, v44;
	v44 =	vld.idx.msk [tilespmem:v5+s26+$0x140], $0xffff  }
0x16c: {  	s22 =	simm.s32 $0x38;
	v45 =	vbroadcast v51, $0x0;
	v60 =	vadd.s32 v27, v38;
	v54 =	vld.idx.msk [tilespmem:v0+s29+$0x40], $0xffff  }
0x16d: {  	v62 =	vmov s22;
	v61 =	vadd.s32 v18, v43;
	v51 =	vld.idx.msk [tilespmem:v3+s28+$0xC0], $0xffff;
	[tilespmem:v63+s15+$0x0] =	vst.idx.msk $0xffff, v49  }
0x16e: {  	v57 =	vshrl.u32 v62, $0x3;
	v63 =	vadd.s32 v9, v45;
	[tilespmem:v50+s15+$0x0] =	vst.idx.msk $0xffff, v46;
	v58 =	vld.idx.msk [tilespmem:v7+s0+$0x380], $0xffff  }
0x16f: {  	v39 =	vadd.s32 v32, v39;
	v49 =	vshll.u32 v57, v2;
	[tilespmem:v52+s15+$0x0] =	vst.idx.msk $0xffff, v40;
	v40 =	vld.idx.msk [tilespmem:v5+s25+$0x300], $0xffff  }
0x170: {  	s5 =	simm.s32 $0xF;
	v59 =	vadd.s32 v23, v42;
	[tilespmem:v41+s15+$0x0] =	vst.idx.msk $0xffff, v48;
	v48 =	vbroadcast v49, $0x0;
	v41 =	vld.idx.msk [tilespmem:v3+s23+$0x280], $0xffff  }
0x171: {  	v50 =	vadd.s32 v14, v37;
	[tilespmem:v60+s15+$0x0] =	vst.idx.msk $0xffff, v44;
	v44 =	vld.idx.msk [tilespmem:v0+s24+$0x200], $0xffff;
	v60 =	vmov s5  }
0x172: {  	[tilespmem:v61+s15+$0x0] =	vst.idx.msk $0xffff, v51;
	v51 =	vld.idx.msk [tilespmem:v7+s26+$0x140], $0xffff;
	v61 =	vadd.s32 v1, v48;
	v52 =	vshrl.u32 v60, $0x3  }
0x173: {  	v38 =	vadd.s32 v28, v38;
	[tilespmem:v63+s15+$0x0] =	vst.idx.msk $0xffff, v54;
	v62 =	vld.idx.msk [tilespmem:v5+s28+$0xC0], $0xffff;
	v52 =	vshll.u32 v52, v2  }
0x174: {  	s7 =	simm.s32 $0x46;
	v63 =	vadd.s32 v19, v43;
	v54 =	vld.idx.msk [tilespmem:v3+s29+$0x40], $0xffff;
	[tilespmem:v39+s15+$0x0] =	vst.idx.msk $0xffff, v58;
	v52 =	vbroadcast v52, $0x0  }
0x175: {  	v57 =	vadd.s32 v10, v45;
	v58 =	vmov s7;
	[tilespmem:v59+s15+$0x0] =	vst.idx.msk $0xffff, v40;
	v49 =	vld.idx.msk [tilespmem:v0+s0+$0x3C0], $0xffff  }
0x176: {  	v59 =	vshrl.u32 v58, $0x3;
	[tilespmem:v50+s15+$0x0] =	vst.idx.msk $0xffff, v41;
	v41 =	vld.idx.msk [tilespmem:v7+s25+$0x300], $0xffff;
	v60 =	vadd.s32 v33, v52  }
0x177: {  	v42 =	vadd.s32 v24, v42;
	v40 =	vshll.u32 v59, v2;
	[tilespmem:v61+s15+$0x0] =	vst.idx.msk $0xffff, v44;
	v44 =	vld.idx.msk [tilespmem:v5+s23+$0x280], $0xffff  }
0x178: {  	s9 =	simm.s32 $0x1D;
	[tilespmem:v38+s15+$0x0] =	vst.idx.msk $0xffff, v51;
	v40 =	vbroadcast v40, $0x0;
	v61 =	vadd.s32 v15, v37;
	v38 =	vld.idx.msk [tilespmem:v3+s24+$0x200], $0xffff  }
0x179: {  	v51 =	vadd.s32 v4, v48;
	[tilespmem:v63+s15+$0x0] =	vst.idx.msk $0xffff, v62;
	v47 =	vld.idx.msk [tilespmem:v0+s26+$0x180], $0xffff;
	v62 =	vmov s9  }
0x17a: {  	[tilespmem:v57+s15+$0x0] =	vst.idx.msk $0xffff, v54;
	v54 =	vld.idx.msk [tilespmem:v7+s28+$0xC0], $0xffff;
	v63 =	vadd.s32 v29, v40;
	v57 =	vshrl.u32 v62, $0x3  }
0x17b: {  	v43 =	vadd.s32 v20, v43;
	v58 =	vld.idx.msk [tilespmem:v5+s29+$0x40], $0xffff;
	v39 =	vshll.u32 v57, v2;
	[tilespmem:v60+s15+$0x0] =	vst.idx.msk $0xffff, v49  }
0x17c: {  	s12 =	simm.s32 $0x54;
	v59 =	vadd.s32 v11, v45;
	[tilespmem:v42+s15+$0x0] =	vst.idx.msk $0xffff, v41;
	v39 =	vbroadcast v39, $0x0;
	v41 =	vld.idx.msk [tilespmem:v3+s0+$0x3C0], $0xffff  }
0x17d: {  	v60 =	vmov s12;
	[tilespmem:v61+s15+$0x0] =	vst.idx.msk $0xffff, v44;
	v44 =	vld.idx.msk [tilespmem:v0+s25+$0x340], $0xffff;
	v61 =	vadd.s32 v34, v52  }
0x17e: {  	v42 =	vshrl.u32 v60, $0x3;
	[tilespmem:v51+s15+$0x0] =	vst.idx.msk $0xffff, v38;
	v38 =	vld.idx.msk [tilespmem:v7+s23+$0x280], $0xffff;
	v62 =	vadd.s32 v25, v39  }
0x17f: {  	v37 =	vadd.s32 v16, v37;
	v42 =	vshll.u32 v42, v2;
	[tilespmem:v63+s15+$0x0] =	vst.idx.msk $0xffff, v47;
	v47 =	vld.idx.msk [tilespmem:v5+s24+$0x200], $0xffff  }
0x180: {  	s18 =	simm.s32 $0x2B;
	v51 =	vadd.s32 v6, v48;
	[tilespmem:v43+s15+$0x0] =	vst.idx.msk $0xffff, v54;
	v43 =	vbroadcast v42, $0x0;
	v42 =	vld.idx.msk [tilespmem:v3+s26+$0x180], $0xffff  }
0x181: {  	v53 =	vadd.s32 v30, v40;
	v63 =	vmov s18;
	[tilespmem:v59+s15+$0x0] =	vst.idx.msk $0xffff, v58;
	v46 =	vld.idx.msk [tilespmem:v0+s28+$0x100], $0xffff  }
0x182: {  	v54 =	vshrl.u32 v63, $0x3;
	v55 =	vld.idx.msk [tilespmem:v7+s29+$0x40], $0xffff;
	v60 =	vadd.s32 v21, v43;
	[tilespmem:v61+s15+$0x0] =	vst.idx.msk $0xffff, v41  }
0x183: {  	v45 =	vadd.s32 v12, v45;
	v61 =	vshll.u32 v54, v2;
	[tilespmem:v62+s15+$0x0] =	vst.idx.msk $0xffff, v44;
	v49 =	vld.idx.msk [tilespmem:v5+s0+$0x3C0], $0xffff  }
0x184: {  	s19 =	simm.s32 $0x62;
	v54 =	vadd.s32 v35, v52;
	[tilespmem:v37+s15+$0x0] =	vst.idx.msk $0xffff, v38;
	v38 =	vbroadcast v61, $0x0;
	v37 =	vld.idx.msk [tilespmem:v3+s25+$0x340], $0xffff  }
0x185: {  	v63 =	vadd.s32 v26, v39;
	v62 =	vmov s19;
	[tilespmem:v51+s15+$0x0] =	vst.idx.msk $0xffff, v47;
	v47 =	vld.idx.msk [tilespmem:v0+s23+$0x2C0], $0xffff  }
0x186: {  	v41 =	vshrl.u32 v62, $0x3;
	[tilespmem:v53+s15+$0x0] =	vst.idx.msk $0xffff, v42;
	v53 =	vld.idx.msk [tilespmem:v7+s24+$0x200], $0xffff;
	v57 =	vadd.s32 v17, v38  }
0x187: {  	v50 =	vshll.u32 v41, v2;
	[tilespmem:v60+s15+$0x0] =	vst.idx.msk $0xffff, v46;
	v41 =	vld.idx.msk [tilespmem:v5+s26+$0x180], $0xffff;
	v60 =	vadd.s32 v8, v48  }
0x188: {  	s20 =	simm.s32 $0x39;
	[tilespmem:v45+s15+$0x0] =	vst.idx.msk $0xffff, v55;
	v45 =	vbroadcast v50, $0x0;
	v50 =	vadd.s32 v31, v40;
	v42 =	vld.idx.msk [tilespmem:v3+s28+$0x100], $0xffff  }
0x189: {  	s31 =	simm.s32 $0x7F;
	s1 =	simm.s32 $0x6F;
	s22 =	sshll.u32 s21, $0x1;
	v61 =	vmov s20;
	v48 =	vadd.s32 v22, v43;
	v44 =	vld.idx.msk [tilespmem:v0+s29+$0x80], $0xffff;
	[tilespmem:v54+s15+$0x0] =	vst.idx.msk $0xffff, v49  }
0x18a: {  	s30 =	sadd.s32 s6, s22;
	s5 =	simm.s32 $0x1A00;
	s7 =	simm.s32 $0x3F;
	v62 =	vshrl.u32 v61, $0x3;
	v49 =	vadd.s32 v13, v45;
	[tilespmem:v63+s15+$0x0] =	vst.idx.msk $0xffff, v37;
	v46 =	vld.idx.msk [tilespmem:v7+s0+$0x3C0], $0xffff  }
0x18b: {  	s9 =	simm.s32 $0x2F;
	s12 =	simm.s32 $0x4F;
	s18 =	simm.s32 $0x1F;
	v51 =	vadd.s32 v36, v52;
	v63 =	vshll.u32 v62, v2;
	[tilespmem:v57+s15+$0x0] =	vst.idx.msk $0xffff, v47;
	v47 =	vld.idx.msk [tilespmem:v5+s25+$0x340], $0xffff  }
0x18c: {  	s20 =	simm.s32 $0x70;
	s19 =	simm.s32 $0x8F;
	s0 =	simm.s32 $0x5F;
	v37 =	vbroadcast v63, $0x0;
	[tilespmem:v60+s15+$0x0] =	vst.idx.msk $0xffff, v53;
	v52 =	vld.idx.msk [tilespmem:v3+s23+$0x2C0], $0xffff;
	v53 =	vadd.s32 v27, v39  }
.LBB2_3:
0x18d: {  	p1 =	sne.s32 s19, $0xFF;
	v54 =	vmov s20;
	[tilespmem:v50+s15+$0x0] =	vst.idx.msk $0xffff, v41;
	v41 =	vld.idx.msk [tilespmem:v0+s24+$0x240], $0xffff;
	v50 =	vadd.s32 v18, v38  }
0x18e: {  	v54 =	vshrl.u32 v54, $0x3;
	[tilespmem:v48+s15+$0x0] =	vst.idx.msk $0xffff, v42;
	v42 =	vld.idx.msk [tilespmem:v7+s26+$0x180], $0xffff;
	v48 =	vadd.s32 v9, v37  }
0x18f: {  	v40 =	vadd.s32 v32, v40;
	v54 =	vshll.u32 v54, v2;
	[tilespmem:v49+s15+$0x0] =	vst.idx.msk $0xffff, v44;
	v44 =	vld.idx.msk [tilespmem:v5+s28+$0x100], $0xffff  }
0x190: {  	s5 =	sadd.s32 $0x400, s5;
	v55 =	vadd.s32 v23, v43;
	s20 =	sadd.s32 $0xFFFFFFF8, s12;
	v49 =	vbroadcast v54, $0x0;
	v54 =	vld.idx.msk [tilespmem:v3+s29+$0x80], $0xffff;
	[tilespmem:v51+s15+$0x0] =	vst.idx.msk $0xffff, v46  }
0x191: {  	v56 =	vmov s20;
	v51 =	vadd.s32 v14, v45;
	v46 =	vld.idx.msk [tilespmem:v0+s5+$0x0], $0xffff;
	[tilespmem:v53+s15+$0x0] =	vst.idx.msk $0xffff, v47  }
0x192: {  	v53 =	vshrl.u32 v56, $0x3;
	v47 =	vadd.s32 v1, v49;
	[tilespmem:v50+s15+$0x0] =	vst.idx.msk $0xffff, v52;
	v50 =	vld.idx.msk [tilespmem:v7+s25+$0x340], $0xffff  }
0x193: {  	v39 =	vadd.s32 v28, v39;
	v52 =	vshll.u32 v53, v2;
	[tilespmem:v48+s15+$0x0] =	vst.idx.msk $0xffff, v41;
	v41 =	vld.idx.msk [tilespmem:v5+s23+$0x2C0], $0xffff  }
0x194: {  	s20 =	sadd.s32 $0xFFFFFFFF, s18;
	v48 =	vadd.s32 v19, v38;
	[tilespmem:v40+s15+$0x0] =	vst.idx.msk $0xffff, v42;
	v40 =	vbroadcast v52, $0x0;
	v42 =	vld.idx.msk [tilespmem:v3+s24+$0x240], $0xffff  }
0x195: {  	v53 =	vmov s20;
	v52 =	vadd.s32 v10, v37;
	[tilespmem:v55+s15+$0x0] =	vst.idx.msk $0xffff, v44;
	v44 =	vld.idx.msk [tilespmem:v0+s26+$0x1C0], $0xffff  }
0x196: {  	v53 =	vshrl.u32 v53, $0x3;
	[tilespmem:v51+s15+$0x0] =	vst.idx.msk $0xffff, v54;
	v51 =	vld.idx.msk [tilespmem:v7+s28+$0x100], $0xffff;
	v54 =	vadd.s32 v33, v40  }
0x197: {  	v43 =	vadd.s32 v24, v43;
	[tilespmem:v47+s15+$0x0] =	vst.idx.msk $0xffff, v46;
	v46 =	vld.idx.msk [tilespmem:v5+s29+$0x80], $0xffff;
	v47 =	vshll.u32 v53, v2  }
0x198: {  	s20 =	sadd.s32 $0xFFFFFFF6, s0;
	v55 =	vadd.s32 v15, v45;
	v53 =	vld.idx.msk [tilespmem:v3+s5+$0x0], $0xffff;
	[tilespmem:v39+s15+$0x0] =	vst.idx.msk $0xffff, v50;
	v39 =	vbroadcast v47, $0x0  }
0x199: {  	v47 =	vadd.s32 v4, v49;
	v50 =	vmov s20;
	[tilespmem:v48+s15+$0x0] =	vst.idx.msk $0xffff, v41;
	v41 =	vld.idx.msk [tilespmem:v0+s25+$0x380], $0xffff  }
0x19a: {  	v48 =	vshrl.u32 v50, $0x3;
	[tilespmem:v52+s15+$0x0] =	vst.idx.msk $0xffff, v42;
	v42 =	vld.idx.msk [tilespmem:v7+s23+$0x2C0], $0xffff;
	v50 =	vadd.s32 v29, v39  }
0x19b: {  	v38 =	vadd.s32 v20, v38;
	v48 =	vshll.u32 v48, v2;
	[tilespmem:v54+s15+$0x0] =	vst.idx.msk $0xffff, v44;
	v44 =	vld.idx.msk [tilespmem:v5+s24+$0x240], $0xffff  }
0x19c: {  	s20 =	sadd.s32 $0xFFFFFFFD, s9;
	[tilespmem:v43+s15+$0x0] =	vst.idx.msk $0xffff, v51;
	v43 =	vbroadcast v48, $0x0;
	v48 =	vld.idx.msk [tilespmem:v3+s26+$0x1C0], $0xffff;
	v51 =	vadd.s32 v11, v37  }
0x19d: {  	v52 =	vadd.s32 v34, v40;
	v54 =	vmov s20;
	[tilespmem:v55+s15+$0x0] =	vst.idx.msk $0xffff, v46;
	v46 =	vld.idx.msk [tilespmem:v0+s28+$0x140], $0xffff  }
0x19e: {  	v54 =	vshrl.u32 v54, $0x3;
	[tilespmem:v47+s15+$0x0] =	vst.idx.msk $0xffff, v53;
	v47 =	vld.idx.msk [tilespmem:v7+s29+$0x80], $0xffff;
	v53 =	vadd.s32 v25, v43  }
0x19f: {  	v45 =	vadd.s32 v16, v45;
	v54 =	vshll.u32 v54, v2;
	v55 =	vld.idx.msk [tilespmem:v5+s5+$0x0], $0xffff;
	[tilespmem:v50+s15+$0x0] =	vst.idx.msk $0xffff, v41  }
0x1a0: {  	s20 =	sadd.s32 $0xFFFFFFF4, s1;
	v41 =	vadd.s32 v6, v49;
	[tilespmem:v38+s15+$0x0] =	vst.idx.msk $0xffff, v42;
	v38 =	vbroadcast v54, $0x0;
	v42 =	vld.idx.msk [tilespmem:v3+s25+$0x380], $0xffff  }
0x1a1: {  	v50 =	vmov s20;
	[tilespmem:v51+s15+$0x0] =	vst.idx.msk $0xffff, v44;
	v44 =	vld.idx.msk [tilespmem:v0+s23+$0x300], $0xffff;
	v51 =	vadd.s32 v30, v39  }
0x1a2: {  	v50 =	vshrl.u32 v50, $0x3;
	[tilespmem:v52+s15+$0x0] =	vst.idx.msk $0xffff, v48;
	v48 =	vld.idx.msk [tilespmem:v7+s24+$0x240], $0xffff;
	v52 =	vadd.s32 v21, v38  }
0x1a3: {  	v37 =	vadd.s32 v12, v37;
	v50 =	vshll.u32 v50, v2;
	[tilespmem:v53+s15+$0x0] =	vst.idx.msk $0xffff, v46;
	v46 =	vld.idx.msk [tilespmem:v5+s26+$0x1C0], $0xffff  }
0x1a4: {  	s20 =	sadd.s32 $0xFFFFFFFB, s7;
	[tilespmem:v45+s15+$0x0] =	vst.idx.msk $0xffff, v47;
	v45 =	vbroadcast v50, $0x0;
	v47 =	vld.idx.msk [tilespmem:v3+s28+$0x140], $0xffff;
	v50 =	vadd.s32 v35, v40  }
0x1a5: {  	v54 =	vmov s20;
	v53 =	vadd.s32 v26, v43;
	[tilespmem:v41+s15+$0x0] =	vst.idx.msk $0xffff, v55;
	v41 =	vld.idx.msk [tilespmem:v0+s29+$0xC0], $0xffff  }
0x1a6: {  	v54 =	vshrl.u32 v54, $0x3;
	v55 =	vld.idx.msk [tilespmem:v7+s5+$0x0], $0xffff;
	v56 =	vadd.s32 v17, v45;
	[tilespmem:v51+s15+$0x0] =	vst.idx.msk $0xffff, v42  }
0x1a7: {  	v42 =	vadd.s32 v8, v49;
	v49 =	vshll.u32 v54, v2;
	[tilespmem:v52+s15+$0x0] =	vst.idx.msk $0xffff, v44;
	v44 =	vld.idx.msk [tilespmem:v5+s25+$0x380], $0xffff  }
0x1a8: {  	s20 =	sadd.s32 $0xFFFFFFF2, s31;
	[tilespmem:v37+s15+$0x0] =	vst.idx.msk $0xffff, v48;
	v48 =	vbroadcast v49, $0x0;
	v37 =	vld.idx.msk [tilespmem:v3+s23+$0x300], $0xffff;
	v49 =	vadd.s32 v31, v39  }
0x1a9: {  	v51 =	vmov s20;
	[tilespmem:v50+s15+$0x0] =	vst.idx.msk $0xffff, v46;
	v46 =	vld.idx.msk [tilespmem:v0+s24+$0x280], $0xffff;
	v50 =	vadd.s32 v22, v38  }
0x1aa: {  	v51 =	vshrl.u32 v51, $0x3;
	[tilespmem:v53+s15+$0x0] =	vst.idx.msk $0xffff, v47;
	v47 =	vld.idx.msk [tilespmem:v7+s26+$0x1C0], $0xffff;
	v52 =	vadd.s32 v13, v48  }
0x1ab: {  	v40 =	vadd.s32 v36, v40;
	v51 =	vshll.u32 v51, v2;
	[tilespmem:v56+s15+$0x0] =	vst.idx.msk $0xffff, v41;
	v41 =	vld.idx.msk [tilespmem:v5+s28+$0x140], $0xffff  }
0x1ac: {  	s20 =	sadd.s32 $0xFFFFFFF9, s12;
	v53 =	vadd.s32 v27, v43;
	[tilespmem:v42+s15+$0x0] =	vst.idx.msk $0xffff, v55;
	v42 =	vbroadcast v51, $0x0;
	v51 =	vld.idx.msk [tilespmem:v3+s29+$0xC0], $0xffff  }
0x1ad: {  	v56 =	vmov s20;
	v55 =	vadd.s32 v18, v45;
	v54 =	vld.idx.msk [tilespmem:v0+s5+$0x40], $0xffff;
	[tilespmem:v49+s15+$0x0] =	vst.idx.msk $0xffff, v44  }
0x1ae: {  	v49 =	vshrl.u32 v56, $0x3;
	v44 =	vadd.s32 v9, v42;
	[tilespmem:v50+s15+$0x0] =	vst.idx.msk $0xffff, v37;
	v50 =	vld.idx.msk [tilespmem:v7+s25+$0x380], $0xffff  }
0x1af: {  	v39 =	vadd.s32 v32, v39;
	v37 =	vshll.u32 v49, v2;
	[tilespmem:v52+s15+$0x0] =	vst.idx.msk $0xffff, v46;
	v46 =	vld.idx.msk [tilespmem:v5+s23+$0x300], $0xffff  }
0x1b0: {  	v37 =	vbroadcast v37, $0x0;
	[tilespmem:v40+s15+$0x0] =	vst.idx.msk $0xffff, v47;
	v40 =	vld.idx.msk [tilespmem:v3+s24+$0x280], $0xffff;
	v47 =	vadd.s32 v23, v38  }
0x1b1: {  	v49 =	vadd.s32 v14, v48;
	v52 =	vmov s18;
	s18 =	smov.u32 s9;
	s9 =	smov.u32 s7;
	s7 =	smov.u32 s12;
	[tilespmem:v53+s15+$0x0] =	vst.idx.msk $0xffff, v41;
	v41 =	vld.idx.msk [tilespmem:v0+s26+$0x200], $0xffff  }
0x1b2: {  	s12 =	smov.u32 s0;
	s0 =	smov.u32 s1;
	s1 =	smov.u32 s31;
	v52 =	vshrl.u32 v52, $0x3;
	v53 =	vadd.s32 v1, v37;
	[tilespmem:v55+s15+$0x0] =	vst.idx.msk $0xffff, v51;
	v51 =	vld.idx.msk [tilespmem:v7+s28+$0x140], $0xffff  }
0x1b3: {  	v43 =	vadd.s32 v28, v43;
	s31 =	smov.u32 s19;
	v52 =	vshll.u32 v52, v2;
	[tilespmem:v44+s15+$0x0] =	vst.idx.msk $0xffff, v54;
	v44 =	vld.idx.msk [tilespmem:v5+s29+$0xC0], $0xffff  }
0x1b4: {  	s20 =	sadd.s32 $0xFFFFFFF7, s12;
	v55 =	vadd.s32 v19, v45;
	v52 =	vbroadcast v52, $0x0;
	v54 =	vld.idx.msk [tilespmem:v3+s5+$0x40], $0xffff;
	[tilespmem:v39+s15+$0x0] =	vst.idx.msk $0xffff, v50  }
0x1b5: {  	v39 =	vadd.s32 v10, v42;
	v50 =	vmov s20;
	[tilespmem:v47+s15+$0x0] =	vst.idx.msk $0xffff, v46;
	v46 =	vld.idx.msk [tilespmem:v0+s25+$0x3C0], $0xffff  }
0x1b6: {  	v47 =	vshrl.u32 v50, $0x3;
	v50 =	vadd.s32 v33, v52;
	[tilespmem:v49+s15+$0x0] =	vst.idx.msk $0xffff, v40;
	v49 =	vld.idx.msk [tilespmem:v7+s23+$0x300], $0xffff  }
0x1b7: {  	v38 =	vadd.s32 v24, v38;
	v40 =	vshll.u32 v47, v2;
	[tilespmem:v53+s15+$0x0] =	vst.idx.msk $0xffff, v41;
	v41 =	vld.idx.msk [tilespmem:v5+s24+$0x280], $0xffff  }
0x1b8: {  	s20 =	sadd.s32 $0xFFFFFFFE, s18;
	v47 =	vadd.s32 v15, v48;
	v40 =	vbroadcast v40, $0x0;
	[tilespmem:v43+s15+$0x0] =	vst.idx.msk $0xffff, v51;
	v43 =	vld.idx.msk [tilespmem:v3+s26+$0x200], $0xffff  }
0x1b9: {  	v53 =	vmov s20;
	v51 =	vadd.s32 v4, v37;
	[tilespmem:v55+s15+$0x0] =	vst.idx.msk $0xffff, v44;
	v44 =	vld.idx.msk [tilespmem:v0+s28+$0x180], $0xffff  }
0x1ba: {  	v55 =	vadd.s32 v29, v40;
	[tilespmem:v39+s15+$0x0] =	vst.idx.msk $0xffff, v54;
	v54 =	vld.idx.msk [tilespmem:v7+s29+$0xC0], $0xffff;
	v39 =	vshrl.u32 v53, $0x3  }
0x1bb: {  	v45 =	vadd.s32 v20, v45;
	v53 =	vld.idx.msk [tilespmem:v5+s5+$0x40], $0xffff;
	v39 =	vshll.u32 v39, v2;
	[tilespmem:v50+s15+$0x0] =	vst.idx.msk $0xffff, v46  }
0x1bc: {  	s20 =	sadd.s32 $0xFFFFFFF5, s0;
	v46 =	vadd.s32 v11, v42;
	[tilespmem:v38+s15+$0x0] =	vst.idx.msk $0xffff, v49;
	v39 =	vbroadcast v39, $0x0;
	v38 =	vld.idx.msk [tilespmem:v3+s25+$0x3C0], $0xffff  }
0x1bd: {  	v49 =	vmov s20;
	[tilespmem:v47+s15+$0x0] =	vst.idx.msk $0xffff, v41;
	v41 =	vld.idx.msk [tilespmem:v0+s23+$0x340], $0xffff;
	v47 =	vadd.s32 v34, v52  }
0x1be: {  	v49 =	vshrl.u32 v49, $0x3;
	[tilespmem:v51+s15+$0x0] =	vst.idx.msk $0xffff, v43;
	v50 =	vld.idx.msk [tilespmem:v7+s24+$0x280], $0xffff;
	v51 =	vadd.s32 v25, v39  }
0x1bf: {  	v48 =	vadd.s32 v16, v48;
	v43 =	vshll.u32 v49, v2;
	[tilespmem:v55+s15+$0x0] =	vst.idx.msk $0xffff, v44;
	v44 =	vld.idx.msk [tilespmem:v5+s26+$0x200], $0xffff  }
0x1c0: {  	s20 =	sadd.s32 $0xFFFFFFFC, s9;
	v49 =	vadd.s32 v6, v37;
	v43 =	vbroadcast v43, $0x0;
	[tilespmem:v45+s15+$0x0] =	vst.idx.msk $0xffff, v54;
	v45 =	vld.idx.msk [tilespmem:v3+s28+$0x180], $0xffff  }
0x1c1: {  	v54 =	vmov s20;
	[tilespmem:v46+s15+$0x0] =	vst.idx.msk $0xffff, v53;
	v46 =	vld.idx.msk [tilespmem:v0+s29+$0x100], $0xffff;
	v53 =	vadd.s32 v30, v40  }
0x1c2: {  	v56 =	vadd.s32 v21, v43;
	v54 =	vshrl.u32 v54, $0x3;
	v55 =	vld.idx.msk [tilespmem:v7+s5+$0x40], $0xffff;
	[tilespmem:v47+s15+$0x0] =	vst.idx.msk $0xffff, v38  }
0x1c3: {  	v42 =	vadd.s32 v12, v42;
	v38 =	vshll.u32 v54, v2;
	[tilespmem:v51+s15+$0x0] =	vst.idx.msk $0xffff, v41;
	v47 =	vld.idx.msk [tilespmem:v5+s25+$0x3C0], $0xffff  }
0x1c4: {  	s20 =	sadd.s32 $0xFFFFFFF3, s1;
	v54 =	vadd.s32 v35, v52;
	v38 =	vbroadcast v38, $0x0;
	[tilespmem:v48+s15+$0x0] =	vst.idx.msk $0xffff, v50;
	v51 =	vld.idx.msk [tilespmem:v3+s23+$0x340], $0xffff  }
0x1c5: {  	v58 =	vadd.s32 v26, v39;
	v41 =	vmov s20;
	[tilespmem:v49+s15+$0x0] =	vst.idx.msk $0xffff, v44;
	v57 =	vld.idx.msk [tilespmem:v0+s24+$0x2C0], $0xffff  }
0x1c6: {  	v41 =	vshrl.u32 v41, $0x3;
	v59 =	vadd.s32 v17, v38;
	[tilespmem:v53+s15+$0x0] =	vst.idx.msk $0xffff, v45;
	v53 =	vld.idx.msk [tilespmem:v7+s26+$0x200], $0xffff  }
0x1c7: {  	v37 =	vadd.s32 v8, v37;
	v44 =	vshll.u32 v41, v2;
	[tilespmem:v56+s15+$0x0] =	vst.idx.msk $0xffff, v46;
	v41 =	vld.idx.msk [tilespmem:v5+s28+$0x180], $0xffff  }
.Ltmp2:
0x1c8: {  	s20 =	sadd.s32 $0xFFFFFFFA, s7;
	v50 =	vadd.s32 v31, v40;
	v45 =	vbroadcast v44, $0x0;
	[tilespmem:v42+s15+$0x0] =	vst.idx.msk $0xffff, v55;
	v42 =	vld.idx.msk [tilespmem:v3+s29+$0x100], $0xffff;
	(pc) =	sbr.rel @p1 .LBB2_3-.Ltmp2, $4  }
0x1c9: {  	v48 =	vadd.s32 v22, v43;
	v46 =	vmov s20;
	v44 =	vld.idx.msk [tilespmem:v0+s5+$0x80], $0xffff;
	[tilespmem:v54+s15+$0x0] =	vst.idx.msk $0xffff, v47  }
0x1ca: {  	v49 =	vadd.s32 v13, v45;
	v47 =	vshrl.u32 v46, $0x3;
	[tilespmem:v58+s15+$0x0] =	vst.idx.msk $0xffff, v51;
	v46 =	vld.idx.msk [tilespmem:v7+s25+$0x3C0], $0xffff;
	s25 =	smov.u32 s23;
	s23 =	smov.u32 s24;
	s24 =	smov.u32 s26  }
0x1cb: {  	v54 =	vshll.u32 v47, v2;
	v51 =	vadd.s32 v36, v52;
	s26 =	smov.u32 s28;
	s28 =	smov.u32 s29;
	s29 =	smov.u32 s5;
	[tilespmem:v59+s15+$0x0] =	vst.idx.msk $0xffff, v57;
	v47 =	vld.idx.msk [tilespmem:v5+s25+$0x340], $0xffff  }
0x1cc: {  	s19 =	sadd.s32 $0x10, s19;
	s20 =	sadd.s32 $0xFFFFFFF1, s31;
	[tilespmem:v37+s15+$0x0] =	vst.idx.msk $0xffff, v53;
	v37 =	vbroadcast v54, $0x0;
	v52 =	vld.idx.msk [tilespmem:v3+s23+$0x2C0], $0xffff;
	v53 =	vadd.s32 v27, v39  }
0x1cd: {  	_ =	sdelay $0x3  }
0x1ce: {  	v54 =	vmov s20;
	[tilespmem:v50+s15+$0x0] =	vst.idx.msk $0xffff, v41;
	v50 =	vadd.s32 v18, v38  }
0x1cf: {  	v41 =	vld.idx.msk [tilespmem:v0+s24+$0x240], $0xffff;
	[tilespmem:v48+s15+$0x0] =	vst.idx.msk $0xffff, v42;
	v54 =	vshrl.u32 v54, $0x3;
	v55 =	vadd.s32 v9, v37  }
0x1d0: {  	v40 =	vadd.s32 v32, v40;
	v48 =	vld.idx.msk [tilespmem:v7+s26+$0x180], $0xffff;
	[tilespmem:v49+s15+$0x0] =	vst.idx.msk $0xffff, v44;
	v61 =	vshll.u32 v54, v2  }
0x1d1: {  	v56 =	vadd.s32 v23, v43;
	v62 =	vld.idx.msk [tilespmem:v5+s28+$0x100], $0xffff;
	[tilespmem:v51+s15+$0x0] =	vst.idx.msk $0xffff, v46;
	v49 =	vbroadcast v61, $0x0  }
0x1d2: {  	s5 =	sadd.s32 $0x400, s5;
	v59 =	vadd.s32 v14, v45;
	v63 =	vld.idx.msk [tilespmem:v3+s29+$0x80], $0xffff;
	[tilespmem:v53+s15+$0x0] =	vst.idx.msk $0xffff, v47  }
0x1d3: {  	v58 =	vld.idx.msk [tilespmem:v0+s5+$0x0], $0xffff;
	v60 =	vadd.s32 v1, v49;
	[tilespmem:v50+s15+$0x0] =	vst.idx.msk $0xffff, v52  }
0x1d4: {  	v42 =	vld.idx.msk [tilespmem:v7+s25+$0x340], $0xffff;
	[tilespmem:v55+s15+$0x0] =	vst.idx.msk $0xffff, v41  }
0x1d5: {  	v41 =	vld.idx.msk [tilespmem:v5+s23+$0x2C0], $0xffff;
	[tilespmem:v40+s15+$0x0] =	vst.idx.msk $0xffff, v48  }
0x1d6: {  	[tilespmem:v56+s15+$0x0] =	vst.idx.msk $0xffff, v62;
	v40 =	vld.idx.msk [tilespmem:v3+s24+$0x240], $0xffff  }
0x1d7: {  	v44 =	vld.idx.msk [tilespmem:v0+s26+$0x1C0], $0xffff;
	[tilespmem:v59+s15+$0x0] =	vst.idx.msk $0xffff, v63  }
0x1d8: {  	v46 =	vld.idx.msk [tilespmem:v7+s28+$0x100], $0xffff;
	[tilespmem:v60+s15+$0x0] =	vst.idx.msk $0xffff, v58  }
0x1d9: {  	v61 =	vadd.s32 v4, v49;
	v47 =	vld.idx.msk [tilespmem:v3+s5+$0x0], $0xffff;
	_ =	sdelay $0x4  }
0x1da: {  	[tilespmem:v61+s15+$0x0] =	vst.idx.msk $0xffff, v47  }
0x1db: {  	v62 =	vadd.s32 v6, v49;
	v47 =	vld.idx.msk [tilespmem:v5+s5+$0x0], $0xffff;
	_ =	sdelay $0x4  }
0x1dc: {  	[tilespmem:v62+s15+$0x0] =	vst.idx.msk $0xffff, v47  }
0x1dd: {  	s19 =	sadd.s32 $0xFFFFFFF2, s31;
	v63 =	vadd.s32 v8, v49;
	v47 =	vld.idx.msk [tilespmem:v7+s5+$0x0], $0xffff  }
0x1de: {  	v52 =	vmov s19  }
0x1df: {  	v49 =	vshrl.u32 v52, $0x3  }
0x1e0: {  	v49 =	vshll.u32 v49, v2  }
0x1e1: {  	v49 =	vbroadcast v49, $0x0  }
0x1e2: {  	[tilespmem:v63+s15+$0x0] =	vst.idx.msk $0xffff, v47  }
0x1e3: {  	v53 =	vadd.s32 v9, v49;
	v47 =	vld.idx.msk [tilespmem:v0+s5+$0x40], $0xffff;
	_ =	sdelay $0x4  }
0x1e4: {  	[tilespmem:v53+s15+$0x0] =	vst.idx.msk $0xffff, v47  }
0x1e5: {  	v54 =	vadd.s32 v10, v49;
	v47 =	vld.idx.msk [tilespmem:v3+s5+$0x40], $0xffff;
	_ =	sdelay $0x4  }
0x1e6: {  	[tilespmem:v54+s15+$0x0] =	vst.idx.msk $0xffff, v47  }
0x1e7: {  	v55 =	vadd.s32 v11, v49;
	v47 =	vld.idx.msk [tilespmem:v5+s5+$0x40], $0xffff;
	_ =	sdelay $0x4  }
0x1e8: {  	[tilespmem:v55+s15+$0x0] =	vst.idx.msk $0xffff, v47  }
0x1e9: {  	s20 =	sadd.s32 $0xFFFFFFF3, s31;
	v56 =	vadd.s32 v12, v49;
	v47 =	vld.idx.msk [tilespmem:v7+s5+$0x40], $0xffff  }
0x1ea: {  	v57 =	vmov s20  }
0x1eb: {  	v49 =	vshrl.u32 v57, $0x3  }
0x1ec: {  	v49 =	vshll.u32 v49, v2  }
0x1ed: {  	v49 =	vbroadcast v49, $0x0  }
0x1ee: {  	[tilespmem:v56+s15+$0x0] =	vst.idx.msk $0xffff, v47  }
0x1ef: {  	v58 =	vadd.s32 v13, v49;
	v47 =	vld.idx.msk [tilespmem:v0+s5+$0x80], $0xffff;
	_ =	sdelay $0x4  }
0x1f0: {  	[tilespmem:v58+s15+$0x0] =	vst.idx.msk $0xffff, v47  }
0x1f1: {  	v59 =	vadd.s32 v14, v49;
	v47 =	vld.idx.msk [tilespmem:v3+s5+$0x80], $0xffff;
	_ =	sdelay $0x4  }
0x1f2: {  	v60 =	vld.idx.msk [tilespmem:v5+s29+$0x80], $0xffff;
	v61 =	vadd.s32 v15, v45;
	[tilespmem:v59+s15+$0x0] =	vst.idx.msk $0xffff, v47  }
0x1f3: {  	v62 =	vadd.s32 v15, v49;
	v47 =	vld.idx.msk [tilespmem:v5+s5+$0x80], $0xffff;
	_ =	sdelay $0x3  }
0x1f4: {  	[tilespmem:v61+s15+$0x0] =	vst.idx.msk $0xffff, v60  }
0x1f5: {  	s20 =	sadd.s32 $0xFFFFFFF4, s1;
	v50 =	vld.idx.msk [tilespmem:v7+s29+$0x80], $0xffff;
	v63 =	vadd.s32 v16, v45;
	[tilespmem:v62+s15+$0x0] =	vst.idx.msk $0xffff, v47  }
0x1f6: {  	v49 =	vadd.s32 v16, v49;
	v53 =	vmov s20;
	s20 =	sadd.s32 $0xFFFFFFF4, s31;
	v48 =	vld.idx.msk [tilespmem:v7+s5+$0x80], $0xffff  }
0x1f7: {  	v54 =	vmov s20;
	v47 =	vshrl.u32 v53, $0x3  }
0x1f8: {  	v51 =	vshrl.u32 v54, $0x3;
	v47 =	vshll.u32 v47, v2  }
0x1f9: {  	v51 =	vshll.u32 v51, v2;
	v47 =	vbroadcast v47, $0x0  }
0x1fa: {  	[tilespmem:v63+s15+$0x0] =	vst.idx.msk $0xffff, v50;
	v55 =	vbroadcast v51, $0x0  }
0x1fb: {  	v50 =	vld.idx.msk [tilespmem:v0+s29+$0xC0], $0xffff;
	v56 =	vadd.s32 v17, v47;
	[tilespmem:v49+s15+$0x0] =	vst.idx.msk $0xffff, v48  }
0x1fc: {  	v57 =	vadd.s32 v17, v55;
	v48 =	vld.idx.msk [tilespmem:v0+s5+$0xC0], $0xffff;
	_ =	sdelay $0x3  }
0x1fd: {  	[tilespmem:v56+s15+$0x0] =	vst.idx.msk $0xffff, v50  }
0x1fe: {  	v58 =	vadd.s32 v18, v47;
	v50 =	vld.idx.msk [tilespmem:v3+s29+$0xC0], $0xffff;
	[tilespmem:v57+s15+$0x0] =	vst.idx.msk $0xffff, v48  }
0x1ff: {  	v59 =	vadd.s32 v18, v55;
	v48 =	vld.idx.msk [tilespmem:v3+s5+$0xC0], $0xffff;
	_ =	sdelay $0x3  }
0x200: {  	[tilespmem:v58+s15+$0x0] =	vst.idx.msk $0xffff, v50  }
0x201: {  	v60 =	vadd.s32 v19, v47;
	v50 =	vld.idx.msk [tilespmem:v5+s29+$0xC0], $0xffff;
	[tilespmem:v59+s15+$0x0] =	vst.idx.msk $0xffff, v48  }
0x202: {  	v61 =	vadd.s32 v19, v55;
	v48 =	vld.idx.msk [tilespmem:v5+s5+$0xC0], $0xffff;
	_ =	sdelay $0x3  }
0x203: {  	[tilespmem:v60+s15+$0x0] =	vst.idx.msk $0xffff, v50  }
0x204: {  	s20 =	sadd.s32 $0xFFFFFFF5, s1;
	v47 =	vadd.s32 v20, v47;
	v50 =	vld.idx.msk [tilespmem:v7+s29+$0xC0], $0xffff;
	[tilespmem:v61+s15+$0x0] =	vst.idx.msk $0xffff, v48  }
0x205: {  	v45 =	vadd.s32 v20, v55;
	v62 =	vmov s20;
	s20 =	sadd.s32 $0xFFFFFFF5, s31;
	v49 =	vld.idx.msk [tilespmem:v7+s5+$0xC0], $0xffff  }
0x206: {  	v63 =	vmov s20;
	v48 =	vshrl.u32 v62, $0x3  }
0x207: {  	v51 =	vshrl.u32 v63, $0x3;
	v48 =	vshll.u32 v48, v2  }
0x208: {  	v51 =	vshll.u32 v51, v2;
	v48 =	vbroadcast v48, $0x0  }
0x209: {  	v54 =	vbroadcast v51, $0x0;
	[tilespmem:v47+s15+$0x0] =	vst.idx.msk $0xffff, v50  }
0x20a: {  	v50 =	vld.idx.msk [tilespmem:v0+s29+$0x100], $0xffff;
	v57 =	vadd.s32 v21, v48;
	[tilespmem:v45+s15+$0x0] =	vst.idx.msk $0xffff, v49  }
0x20b: {  	v58 =	vadd.s32 v21, v54;
	v45 =	vld.idx.msk [tilespmem:v0+s5+$0x100], $0xffff;
	_ =	sdelay $0x3  }
0x20c: {  	[tilespmem:v57+s15+$0x0] =	vst.idx.msk $0xffff, v50  }
0x20d: {  	v59 =	vadd.s32 v22, v48;
	v50 =	vld.idx.msk [tilespmem:v3+s29+$0x100], $0xffff;
	[tilespmem:v58+s15+$0x0] =	vst.idx.msk $0xffff, v45  }
0x20e: {  	v60 =	vadd.s32 v22, v54;
	v45 =	vld.idx.msk [tilespmem:v3+s5+$0x100], $0xffff;
	_ =	sdelay $0x3  }
0x20f: {  	[tilespmem:v59+s15+$0x0] =	vst.idx.msk $0xffff, v50  }
0x210: {  	v61 =	vadd.s32 v23, v48;
	v50 =	vld.idx.msk [tilespmem:v5+s29+$0x100], $0xffff;
	[tilespmem:v60+s15+$0x0] =	vst.idx.msk $0xffff, v45  }
0x211: {  	v62 =	vadd.s32 v23, v54;
	v45 =	vld.idx.msk [tilespmem:v5+s5+$0x100], $0xffff;
	_ =	sdelay $0x2  }
0x212: {  	s20 =	sadd.s32 $0xFFFFFFF6, s0;
	v63 =	vadd.s32 v24, v43  }
0x213: {  	v55 =	vmov s20;
	[tilespmem:v61+s15+$0x0] =	vst.idx.msk $0xffff, v50  }
0x214: {  	s20 =	sadd.s32 $0xFFFFFFF6, s1;
	v56 =	vshrl.u32 v55, $0x3;
	v48 =	vadd.s32 v24, v48;
	v51 =	vld.idx.msk [tilespmem:v7+s29+$0x100], $0xffff;
	[tilespmem:v62+s15+$0x0] =	vst.idx.msk $0xffff, v45  }
0x215: {  	v47 =	vadd.s32 v24, v54;
	v57 =	vmov s20;
	s20 =	sadd.s32 $0xFFFFFFF6, s31;
	v45 =	vshll.u32 v56, v2;
	v58 =	vld.idx.msk [tilespmem:v7+s5+$0x100], $0xffff  }
0x216: {  	v49 =	vshrl.u32 v57, $0x3;
	v59 =	vmov s20;
	v45 =	vbroadcast v45, $0x0  }
0x217: {  	[tilespmem:v63+s15+$0x0] =	vst.idx.msk $0xffff, v46;
	v49 =	vshll.u32 v49, v2;
	v52 =	vshrl.u32 v59, $0x3  }
0x218: {  	v43 =	vbroadcast v49, $0x0;
	v60 =	vshll.u32 v52, v2;
	v61 =	vld.idx.msk [tilespmem:v0+s28+$0x140], $0xffff;
	v62 =	vadd.s32 v25, v45  }
0x219: {  	v46 =	vbroadcast v60, $0x0;
	[tilespmem:v48+s15+$0x0] =	vst.idx.msk $0xffff, v51  }
0x21a: {  	v63 =	vadd.s32 v25, v43;
	v48 =	vld.idx.msk [tilespmem:v0+s29+$0x140], $0xffff;
	[tilespmem:v47+s15+$0x0] =	vst.idx.msk $0xffff, v58  }
0x21b: {  	v56 =	vadd.s32 v25, v46;
	v47 =	vld.idx.msk [tilespmem:v0+s5+$0x140], $0xffff;
	_ =	sdelay $0x1  }
0x21c: {  	[tilespmem:v62+s15+$0x0] =	vst.idx.msk $0xffff, v61  }
0x21d: {  	v57 =	vadd.s32 v26, v45;
	v49 =	vld.idx.msk [tilespmem:v3+s28+$0x140], $0xffff  }
0x21e: {  	[tilespmem:v63+s15+$0x0] =	vst.idx.msk $0xffff, v48  }
0x21f: {  	v58 =	vadd.s32 v26, v43;
	v48 =	vld.idx.msk [tilespmem:v3+s29+$0x140], $0xffff;
	[tilespmem:v56+s15+$0x0] =	vst.idx.msk $0xffff, v47  }
0x220: {  	v59 =	vadd.s32 v26, v46;
	v47 =	vld.idx.msk [tilespmem:v3+s5+$0x140], $0xffff;
	_ =	sdelay $0x1  }
0x221: {  	[tilespmem:v57+s15+$0x0] =	vst.idx.msk $0xffff, v49  }
0x222: {  	v60 =	vadd.s32 v27, v45;
	v49 =	vld.idx.msk [tilespmem:v5+s28+$0x140], $0xffff  }
0x223: {  	[tilespmem:v58+s15+$0x0] =	vst.idx.msk $0xffff, v48  }
0x224: {  	v61 =	vadd.s32 v27, v43;
	v48 =	vld.idx.msk [tilespmem:v5+s29+$0x140], $0xffff;
	[tilespmem:v59+s15+$0x0] =	vst.idx.msk $0xffff, v47  }
0x225: {  	v62 =	vadd.s32 v27, v46;
	v47 =	vld.idx.msk [tilespmem:v5+s5+$0x140], $0xffff;
	_ =	sdelay $0x1  }
0x226: {  	[tilespmem:v60+s15+$0x0] =	vst.idx.msk $0xffff, v49  }
0x227: {  	s20 =	sadd.s32 $0xFFFFFFF7, s0;
	v45 =	vadd.s32 v28, v45;
	v49 =	vld.idx.msk [tilespmem:v7+s28+$0x140], $0xffff  }
0x228: {  	v63 =	vmov s20;
	[tilespmem:v61+s15+$0x0] =	vst.idx.msk $0xffff, v48  }
0x229: {  	v43 =	vadd.s32 v28, v43;
	s20 =	sadd.s32 $0xFFFFFFF7, s1;
	v54 =	vshrl.u32 v63, $0x3;
	v51 =	vld.idx.msk [tilespmem:v7+s29+$0x140], $0xffff;
	[tilespmem:v62+s15+$0x0] =	vst.idx.msk $0xffff, v47  }
0x22a: {  	v46 =	vadd.s32 v28, v46;
	v55 =	vmov s20;
	s20 =	sadd.s32 $0xFFFFFFF7, s31;
	v47 =	vshll.u32 v54, v2;
	v50 =	vld.idx.msk [tilespmem:v7+s5+$0x140], $0xffff  }
0x22b: {  	v56 =	vmov s20;
	v48 =	vshrl.u32 v55, $0x3;
	v47 =	vbroadcast v47, $0x0  }
0x22c: {  	v52 =	vshrl.u32 v56, $0x3;
	v48 =	vshll.u32 v48, v2;
	[tilespmem:v45+s15+$0x0] =	vst.idx.msk $0xffff, v49  }
0x22d: {  	v57 =	vshll.u32 v52, v2;
	v45 =	vbroadcast v48, $0x0;
	v49 =	vld.idx.msk [tilespmem:v0+s28+$0x180], $0xffff;
	v58 =	vadd.s32 v29, v47  }
0x22e: {  	[tilespmem:v43+s15+$0x0] =	vst.idx.msk $0xffff, v51;
	v43 =	vbroadcast v57, $0x0  }
0x22f: {  	v59 =	vld.idx.msk [tilespmem:v0+s29+$0x180], $0xffff;
	v60 =	vadd.s32 v29, v45;
	[tilespmem:v46+s15+$0x0] =	vst.idx.msk $0xffff, v50  }
0x230: {  	v61 =	vadd.s32 v29, v43;
	v46 =	vld.idx.msk [tilespmem:v0+s5+$0x180], $0xffff;
	_ =	sdelay $0x1  }
0x231: {  	[tilespmem:v58+s15+$0x0] =	vst.idx.msk $0xffff, v49  }
0x232: {  	v62 =	vadd.s32 v30, v47;
	v49 =	vld.idx.msk [tilespmem:v3+s28+$0x180], $0xffff  }
0x233: {  	[tilespmem:v60+s15+$0x0] =	vst.idx.msk $0xffff, v59  }
0x234: {  	v63 =	vadd.s32 v30, v45;
	v48 =	vld.idx.msk [tilespmem:v3+s29+$0x180], $0xffff;
	[tilespmem:v61+s15+$0x0] =	vst.idx.msk $0xffff, v46  }
0x235: {  	v56 =	vadd.s32 v30, v43;
	v46 =	vld.idx.msk [tilespmem:v3+s5+$0x180], $0xffff;
	_ =	sdelay $0x1  }
0x236: {  	[tilespmem:v62+s15+$0x0] =	vst.idx.msk $0xffff, v49  }
0x237: {  	v57 =	vadd.s32 v31, v47;
	v49 =	vld.idx.msk [tilespmem:v5+s28+$0x180], $0xffff  }
0x238: {  	[tilespmem:v63+s15+$0x0] =	vst.idx.msk $0xffff, v48  }
0x239: {  	v58 =	vadd.s32 v31, v45;
	v48 =	vld.idx.msk [tilespmem:v5+s29+$0x180], $0xffff;
	[tilespmem:v56+s15+$0x0] =	vst.idx.msk $0xffff, v46  }
0x23a: {  	v60 =	vadd.s32 v31, v43;
	v50 =	vld.idx.msk [tilespmem:v5+s5+$0x180], $0xffff  }
0x23b: {  	s20 =	sadd.s32 $0xFFFFFFF8, s12  }
0x23c: {  	v59 =	vmov s20;
	[tilespmem:v57+s15+$0x0] =	vst.idx.msk $0xffff, v49  }
0x23d: {  	v47 =	vadd.s32 v32, v47;
	s20 =	sadd.s32 $0xFFFFFFF8, s0;
	v46 =	vshrl.u32 v59, $0x3;
	v49 =	vld.idx.msk [tilespmem:v7+s28+$0x180], $0xffff  }
0x23e: {  	v45 =	vadd.s32 v32, v45;
	v61 =	vmov s20;
	s20 =	sadd.s32 $0xFFFFFFF8, s1;
	v46 =	vshll.u32 v46, v2;
	[tilespmem:v58+s15+$0x0] =	vst.idx.msk $0xffff, v48  }
0x23f: {  	v63 =	vshrl.u32 v61, $0x3;
	v56 =	vmov s20;
	v46 =	vbroadcast v46, $0x0;
	v62 =	vld.idx.msk [tilespmem:v7+s29+$0x180], $0xffff;
	[tilespmem:v60+s15+$0x0] =	vst.idx.msk $0xffff, v50  }
0x240: {  	v43 =	vadd.s32 v32, v43;
	s20 =	sadd.s32 $0xFFFFFFF8, s31;
	v51 =	vshrl.u32 v56, $0x3;
	v50 =	vshll.u32 v63, v2;
	v53 =	vld.idx.msk [tilespmem:v7+s5+$0x180], $0xffff  }
0x241: {  	v57 =	vmov s20;
	v48 =	vadd.s32 v33, v46;
	v50 =	vbroadcast v50, $0x0  }
0x242: {  	v51 =	vshll.u32 v51, v2;
	v54 =	vshrl.u32 v57, $0x3;
	[tilespmem:v47+s15+$0x0] =	vst.idx.msk $0xffff, v49  }
0x243: {  	v58 =	vshll.u32 v54, v2;
	v47 =	vbroadcast v51, $0x0;
	v59 =	vld.idx.msk [tilespmem:v0+s28+$0x1C0], $0xffff;
	v60 =	vadd.s32 v33, v50  }
0x244: {  	[tilespmem:v45+s15+$0x0] =	vst.idx.msk $0xffff, v62;
	v45 =	vbroadcast v58, $0x0  }
0x245: {  	v61 =	vld.idx.msk [tilespmem:v0+s29+$0x1C0], $0xffff;
	v62 =	vadd.s32 v33, v47;
	[tilespmem:v43+s15+$0x0] =	vst.idx.msk $0xffff, v53  }
0x246: {  	[tilespmem:v48+s15+$0x0] =	vst.idx.msk $0xffff, v44;
	v63 =	vadd.s32 v33, v45;
	v43 =	vld.idx.msk [tilespmem:v0+s5+$0x1C0], $0xffff  }
0x247: {  	v57 =	vadd.s32 v34, v46;
	v44 =	vld.idx.msk [tilespmem:v3+s26+$0x1C0], $0xffff  }
0x248: {  	[tilespmem:v60+s15+$0x0] =	vst.idx.msk $0xffff, v59  }
0x249: {  	v58 =	vadd.s32 v34, v50;
	v51 =	vld.idx.msk [tilespmem:v3+s28+$0x1C0], $0xffff  }
0x24a: {  	[tilespmem:v62+s15+$0x0] =	vst.idx.msk $0xffff, v61  }
0x24b: {  	v59 =	vadd.s32 v34, v47;
	v49 =	vld.idx.msk [tilespmem:v3+s29+$0x1C0], $0xffff;
	[tilespmem:v63+s15+$0x0] =	vst.idx.msk $0xffff, v43  }
0x24c: {  	v60 =	vadd.s32 v34, v45;
	[tilespmem:v57+s15+$0x0] =	vst.idx.msk $0xffff, v44;
	v43 =	vld.idx.msk [tilespmem:v3+s5+$0x1C0], $0xffff  }
0x24d: {  	v61 =	vadd.s32 v35, v46;
	v44 =	vld.idx.msk [tilespmem:v5+s26+$0x1C0], $0xffff  }
0x24e: {  	[tilespmem:v58+s15+$0x0] =	vst.idx.msk $0xffff, v51  }
0x24f: {  	v62 =	vadd.s32 v35, v50;
	v51 =	vld.idx.msk [tilespmem:v5+s28+$0x1C0], $0xffff  }
0x250: {  	[tilespmem:v59+s15+$0x0] =	vst.idx.msk $0xffff, v49  }
0x251: {  	v63 =	vadd.s32 v35, v47;
	v49 =	vld.idx.msk [tilespmem:v5+s29+$0x1C0], $0xffff;
	[tilespmem:v60+s15+$0x0] =	vst.idx.msk $0xffff, v43  }
0x252: {  	v58 =	vadd.s32 v35, v45;
	[tilespmem:v61+s15+$0x0] =	vst.idx.msk $0xffff, v44;
	v53 =	vld.idx.msk [tilespmem:v5+s5+$0x1C0], $0xffff  }
0x253: {  	s20 =	sadd.s32 $0xFFFFFFF9, s12;
	v46 =	vadd.s32 v36, v46;
	v44 =	vld.idx.msk [tilespmem:v7+s26+$0x1C0], $0xffff  }
0x254: {  	v57 =	vmov s20;
	[tilespmem:v62+s15+$0x0] =	vst.idx.msk $0xffff, v51  }
0x255: {  	v50 =	vadd.s32 v36, v50;
	s20 =	sadd.s32 $0xFFFFFFF9, s0;
	v43 =	vshrl.u32 v57, $0x3;
	v59 =	vld.idx.msk [tilespmem:v7+s28+$0x1C0], $0xffff  }
0x256: {  	v47 =	vadd.s32 v36, v47;
	v60 =	vmov s20;
	s20 =	sadd.s32 $0xFFFFFFF9, s1;
	v43 =	vshll.u32 v43, v2;
	[tilespmem:v63+s15+$0x0] =	vst.idx.msk $0xffff, v49  }
0x257: {  	v61 =	vmov s20;
	s20 =	sadd.s32 $0xFFFFFFF9, s31;
	v43 =	vbroadcast v43, $0x0;
	v51 =	vshrl.u32 v60, $0x3;
	v52 =	vld.idx.msk [tilespmem:v7+s29+$0x1C0], $0xffff;
	[tilespmem:v58+s15+$0x0] =	vst.idx.msk $0xffff, v53  }
0x258: {  	v45 =	vadd.s32 v36, v45;
	v56 =	vmov s20;
	[tilespmem:v46+s15+$0x0] =	vst.idx.msk $0xffff, v44;
	v62 =	vshll.u32 v51, v2;
	v54 =	vld.idx.msk [tilespmem:v7+s5+$0x1C0], $0xffff  }
0x259: {  	v63 =	vshrl.u32 v61, $0x3;
	v49 =	vadd.s32 v1, v43;
	v57 =	vld.idx.msk [tilespmem:v0+s26+$0x200], $0xffff;
	v44 =	vbroadcast v62, $0x0  }
0x25a: {  	v51 =	vshrl.u32 v56, $0x3;
	v46 =	vshll.u32 v63, v2;
	[tilespmem:v50+s15+$0x0] =	vst.idx.msk $0xffff, v59  }
0x25b: {  	v46 =	vbroadcast v46, $0x0;
	v58 =	vshll.u32 v51, v2;
	v59 =	vadd.s32 v1, v44;
	v50 =	vld.idx.msk [tilespmem:v0+s28+$0x200], $0xffff  }
0x25c: {  	v39 =	vadd.s32 v28, v39;
	[tilespmem:v47+s15+$0x0] =	vst.idx.msk $0xffff, v52;
	v47 =	vbroadcast v58, $0x0  }
0x25d: {  	v61 =	vadd.s32 v1, v46;
	v60 =	vld.idx.msk [tilespmem:v0+s29+$0x200], $0xffff;
	[tilespmem:v45+s15+$0x0] =	vst.idx.msk $0xffff, v54  }
0x25e: {  	[tilespmem:v49+s15+$0x0] =	vst.idx.msk $0xffff, v57;
	v62 =	vadd.s32 v1, v47;
	v45 =	vld.idx.msk [tilespmem:v0+s5+$0x200], $0xffff  }
0x25f: {  	v53 =	vadd.s32 v4, v43;
	v49 =	vld.idx.msk [tilespmem:v3+s26+$0x200], $0xffff  }
0x260: {  	v55 =	vadd.s32 v19, v38;
	s20 =	sadd.s32 $0xFFFFFFFF, s18;
	[tilespmem:v59+s15+$0x0] =	vst.idx.msk $0xffff, v50  }
0x261: {  	[tilespmem:v39+s15+$0x0] =	vst.idx.msk $0xffff, v42;
	v63 =	vmov s20;
	v56 =	vadd.s32 v4, v44;
	v51 =	vld.idx.msk [tilespmem:v3+s28+$0x200], $0xffff  }
0x262: {  	[tilespmem:v61+s15+$0x0] =	vst.idx.msk $0xffff, v60;
	v60 =	vshrl.u32 v63, $0x3;
	v63 =	vadd.s32 v10, v37  }
0x263: {  	v52 =	vadd.s32 v4, v46;
	v50 =	vld.idx.msk [tilespmem:v3+s29+$0x200], $0xffff;
	v61 =	vshll.u32 v60, v2;
	[tilespmem:v62+s15+$0x0] =	vst.idx.msk $0xffff, v45  }
0x264: {  	[tilespmem:v53+s15+$0x0] =	vst.idx.msk $0xffff, v49;
	v39 =	vbroadcast v61, $0x0;
	v62 =	vadd.s32 v4, v47;
	v42 =	vld.idx.msk [tilespmem:v3+s5+$0x200], $0xffff  }
0x265: {  	[tilespmem:v55+s15+$0x0] =	vst.idx.msk $0xffff, v41;
	v41 =	vld.idx.msk [tilespmem:v5+s26+$0x200], $0xffff;
	v60 =	vadd.s32 v6, v43  }
0x266: {  	v45 =	vld.idx.msk [tilespmem:v0+s25+$0x380], $0xffff;
	v61 =	vadd.s32 v29, v39;
	[tilespmem:v56+s15+$0x0] =	vst.idx.msk $0xffff, v51  }
0x267: {  	v53 =	vld.idx.msk [tilespmem:v7+s23+$0x2C0], $0xffff;
	[tilespmem:v63+s15+$0x0] =	vst.idx.msk $0xffff, v40;
	v63 =	vadd.s32 v20, v38  }
0x268: {  	v56 =	vadd.s32 v6, v44;
	v51 =	vld.idx.msk [tilespmem:v5+s28+$0x200], $0xffff;
	[tilespmem:v52+s15+$0x0] =	vst.idx.msk $0xffff, v50  }
0x269: {  	v59 =	vadd.s32 v6, v46;
	v50 =	vld.idx.msk [tilespmem:v5+s29+$0x200], $0xffff;
	[tilespmem:v62+s15+$0x0] =	vst.idx.msk $0xffff, v42  }
0x26a: {  	v48 =	vadd.s32 v6, v47;
	[tilespmem:v60+s15+$0x0] =	vst.idx.msk $0xffff, v41;
	v42 =	vld.idx.msk [tilespmem:v5+s5+$0x200], $0xffff  }
0x26b: {  	s20 =	sadd.s32 $0xFFFFFFFA, s12;
	v46 =	vadd.s32 v8, v46;
	[tilespmem:v61+s15+$0x0] =	vst.idx.msk $0xffff, v45  }
0x26c: {  	v49 =	vadd.s32 v11, v37;
	v43 =	vadd.s32 v8, v43;
	v62 =	vmov s20;
	s20 =	sadd.s32 $0xFFFFFFFD, s9;
	v61 =	vld.idx.msk [tilespmem:v7+s26+$0x200], $0xffff;
	[tilespmem:v63+s15+$0x0] =	vst.idx.msk $0xffff, v53  }
0x26d: {  	v47 =	vadd.s32 v8, v47;
	v54 =	vld.idx.msk [tilespmem:v5+s24+$0x240], $0xffff;
	v40 =	vshrl.u32 v62, $0x3;
	v60 =	vmov s20;
	s20 =	sadd.s32 $0xFFFFFFFA, s0;
	[tilespmem:v56+s15+$0x0] =	vst.idx.msk $0xffff, v51  }
0x26e: {  	v44 =	vadd.s32 v8, v44;
	v40 =	vshll.u32 v40, v2;
	v62 =	vmov s20;
	v51 =	vld.idx.msk [tilespmem:v7+s28+$0x200], $0xffff;
	[tilespmem:v59+s15+$0x0] =	vst.idx.msk $0xffff, v50  }
0x26f: {  	v41 =	vshrl.u32 v60, $0x3;
	s20 =	sadd.s32 $0xFFFFFFFA, s1;
	v40 =	vbroadcast v40, $0x0;
	v63 =	vshrl.u32 v62, $0x3;
	v56 =	vld.idx.msk [tilespmem:v7+s29+$0x200], $0xffff;
	[tilespmem:v48+s15+$0x0] =	vst.idx.msk $0xffff, v42  }
0x270: {  	v41 =	vshll.u32 v41, v2;
	v57 =	vmov s20;
	s20 =	sadd.s32 $0xFFFFFFFA, s31;
	v38 =	vshll.u32 v63, v2;
	v48 =	vld.idx.msk [tilespmem:v7+s5+$0x200], $0xffff  }
0x271: {  	v55 =	vld.idx.msk [tilespmem:v3+s25+$0x380], $0xffff;
	v58 =	vmov s20;
	v50 =	vadd.s32 v9, v40;
	[tilespmem:v43+s15+$0x0] =	vst.idx.msk $0xffff, v61;
	v42 =	vshrl.u32 v57, $0x3  }
0x272: {  	v53 =	vbroadcast v38, $0x0;
	v60 =	vshrl.u32 v58, $0x3;
	v45 =	vld.idx.msk [tilespmem:v0+s26+$0x240], $0xffff;
	v59 =	vshll.u32 v42, v2  }
0x273: {  	v61 =	vadd.s32 v30, v39;
	v62 =	vshll.u32 v60, v2;
	[tilespmem:v44+s15+$0x0] =	vst.idx.msk $0xffff, v51;
	v44 =	vbroadcast v59, $0x0  }
0x274: {  	v63 =	vadd.s32 v9, v53;
	v42 =	vld.idx.msk [tilespmem:v0+s28+$0x240], $0xffff;
	[tilespmem:v46+s15+$0x0] =	vst.idx.msk $0xffff, v56;
	v46 =	vbroadcast v62, $0x0  }
0x275: {  	v38 =	vbroadcast v41, $0x0;
	v41 =	vld.idx.msk [tilespmem:v0+s29+$0x240], $0xffff;
	v56 =	vadd.s32 v9, v44;
	[tilespmem:v47+s15+$0x0] =	vst.idx.msk $0xffff, v48  }
0x276: {  	[tilespmem:v49+s15+$0x0] =	vst.idx.msk $0xffff, v54;
	v58 =	vadd.s32 v9, v46;
	v47 =	vld.idx.msk [tilespmem:v0+s5+$0x240], $0xffff  }
0x277: {  	v52 =	vld.idx.msk [tilespmem:v0+s23+$0x300], $0xffff;
	v59 =	vadd.s32 v21, v38;
	[tilespmem:v50+s15+$0x0] =	vst.idx.msk $0xffff, v45  }
0x278: {  	[tilespmem:v61+s15+$0x0] =	vst.idx.msk $0xffff, v55;
	v61 =	vadd.s32 v10, v40;
	v60 =	vld.idx.msk [tilespmem:v3+s26+$0x240], $0xffff  }
0x279: {  	v49 =	vld.idx.msk [tilespmem:v7+s24+$0x240], $0xffff;
	v62 =	vadd.s32 v12, v37;
	[tilespmem:v63+s15+$0x0] =	vst.idx.msk $0xffff, v42  }
0x27a: {  	v63 =	vadd.s32 v10, v53;
	v42 =	vld.idx.msk [tilespmem:v3+s28+$0x240], $0xffff;
	[tilespmem:v56+s15+$0x0] =	vst.idx.msk $0xffff, v41  }
0x27b: {  	v55 =	vadd.s32 v10, v44;
	v41 =	vld.idx.msk [tilespmem:v3+s29+$0x240], $0xffff;
	[tilespmem:v58+s15+$0x0] =	vst.idx.msk $0xffff, v47  }
0x27c: {  	v48 =	vadd.s32 v10, v46;
	[tilespmem:v59+s15+$0x0] =	vst.idx.msk $0xffff, v52;
	v47 =	vld.idx.msk [tilespmem:v3+s5+$0x240], $0xffff  }
0x27d: {  	v54 =	vadd.s32 v31, v39;
	s20 =	sadd.s32 $0xFFFFFFFB, s7;
	v50 =	vld.idx.msk [tilespmem:v5+s25+$0x380], $0xffff;
	[tilespmem:v61+s15+$0x0] =	vst.idx.msk $0xffff, v60  }
0x27e: {  	[tilespmem:v62+s15+$0x0] =	vst.idx.msk $0xffff, v49;
	v60 =	vmov s20;
	v61 =	vadd.s32 v11, v40;
	v37 =	vld.idx.msk [tilespmem:v5+s26+$0x240], $0xffff  }
0x27f: {  	v52 =	vld.idx.msk [tilespmem:v3+s23+$0x300], $0xffff;
	v56 =	vadd.s32 v22, v38;
	v43 =	vshrl.u32 v60, $0x3;
	[tilespmem:v63+s15+$0x0] =	vst.idx.msk $0xffff, v42  }
0x280: {  	v62 =	vshll.u32 v43, v2;
	v63 =	vadd.s32 v11, v53;
	v43 =	vld.idx.msk [tilespmem:v5+s28+$0x240], $0xffff;
	[tilespmem:v55+s15+$0x0] =	vst.idx.msk $0xffff, v41  }
0x281: {  	v58 =	vadd.s32 v11, v44;
	v41 =	vbroadcast v62, $0x0;
	v57 =	vld.idx.msk [tilespmem:v5+s29+$0x240], $0xffff;
	[tilespmem:v48+s15+$0x0] =	vst.idx.msk $0xffff, v47  }
0x282: {  	[tilespmem:v54+s15+$0x0] =	vst.idx.msk $0xffff, v50;
	v50 =	vadd.s32 v11, v46;
	s20 =	sadd.s32 $0xFFFFFFFB, s12;
	v48 =	vld.idx.msk [tilespmem:v5+s5+$0x240], $0xffff  }
0x283: {  	v39 =	vadd.s32 v32, v39;
	v49 =	vld.idx.msk [tilespmem:v0+s24+$0x280], $0xffff;
	v59 =	vmov s20;
	v60 =	vadd.s32 v13, v41;
	[tilespmem:v61+s15+$0x0] =	vst.idx.msk $0xffff, v37  }
0x284: {  	v40 =	vadd.s32 v12, v40;
	[tilespmem:v56+s15+$0x0] =	vst.idx.msk $0xffff, v52;
	v61 =	vshrl.u32 v59, $0x3;
	v62 =	vld.idx.msk [tilespmem:v7+s26+$0x240], $0xffff  }
0x285: {  	v46 =	vadd.s32 v12, v46;
	v45 =	vshll.u32 v61, v2;
	[tilespmem:v63+s15+$0x0] =	vst.idx.msk $0xffff, v43  }
0x286: {  	s20 =	sadd.s32 $0xFFFFFFFB, s0;
	v53 =	vadd.s32 v12, v53;
	v45 =	vbroadcast v45, $0x0;
	v51 =	vld.idx.msk [tilespmem:v7+s28+$0x240], $0xffff;
	[tilespmem:v58+s15+$0x0] =	vst.idx.msk $0xffff, v57  }
0x287: {  	v44 =	vadd.s32 v12, v44;
	v43 =	vadd.s32 v14, v41;
	v63 =	vmov s20;
	s20 =	sadd.s32 $0xFFFFFFFB, s1;
	v56 =	vld.idx.msk [tilespmem:v7+s29+$0x240], $0xffff;
	[tilespmem:v50+s15+$0x0] =	vst.idx.msk $0xffff, v48  }
0x288: {  	v42 =	vadd.s32 v13, v45;
	v61 =	vmov s20;
	s20 =	sadd.s32 $0xFFFFFFFB, s31;
	[tilespmem:v60+s15+$0x0] =	vst.idx.msk $0xffff, v49;
	v60 =	vshrl.u32 v63, $0x3;
	v50 =	vld.idx.msk [tilespmem:v7+s5+$0x240], $0xffff  }
0x289: {  	v63 =	vshrl.u32 v61, $0x3;
	v55 =	vmov s20;
	v54 =	vld.idx.msk [tilespmem:v3+s24+$0x280], $0xffff;
	[tilespmem:v40+s15+$0x0] =	vst.idx.msk $0xffff, v62;
	v62 =	vshll.u32 v60, v2  }
0x28a: {  	v47 =	vshll.u32 v63, v2;
	v57 =	vld.idx.msk [tilespmem:v0+s26+$0x280], $0xffff;
	v40 =	vbroadcast v62, $0x0;
	v48 =	vshrl.u32 v55, $0x3  }
0x28b: {  	v37 =	vld.idx.msk [tilespmem:v7+s25+$0x380], $0xffff;
	v47 =	vbroadcast v47, $0x0;
	v48 =	vshll.u32 v48, v2;
	[tilespmem:v53+s15+$0x0] =	vst.idx.msk $0xffff, v51  }
0x28c: {  	v58 =	vadd.s32 v13, v40;
	v51 =	vld.idx.msk [tilespmem:v0+s28+$0x280], $0xffff;
	[tilespmem:v44+s15+$0x0] =	vst.idx.msk $0xffff, v56;
	v44 =	vbroadcast v48, $0x0  }
0x28d: {  	v59 =	vadd.s32 v13, v47;
	v48 =	vld.idx.msk [tilespmem:v0+s29+$0x280], $0xffff;
	[tilespmem:v46+s15+$0x0] =	vst.idx.msk $0xffff, v50  }
0x28e: {  	[tilespmem:v43+s15+$0x0] =	vst.idx.msk $0xffff, v54;
	v46 =	vadd.s32 v13, v44;
	v43 =	vld.idx.msk [tilespmem:v0+s5+$0x280], $0xffff  }
0x28f: {  	v61 =	vadd.s32 v15, v41;
	v60 =	vld.idx.msk [tilespmem:v5+s24+$0x280], $0xffff;
	[tilespmem:v42+s15+$0x0] =	vst.idx.msk $0xffff, v57  }
0x290: {  	[tilespmem:v39+s15+$0x0] =	vst.idx.msk $0xffff, v37;
	v63 =	vadd.s32 v14, v45;
	v62 =	vld.idx.msk [tilespmem:v3+s26+$0x280], $0xffff  }
0x291: {  	v52 =	vld.idx.msk [tilespmem:v5+s23+$0x300], $0xffff;
	v57 =	vadd.s32 v23, v38;
	[tilespmem:v58+s15+$0x0] =	vst.idx.msk $0xffff, v51  }
0x292: {  	v58 =	vadd.s32 v14, v40;
	v51 =	vld.idx.msk [tilespmem:v3+s28+$0x280], $0xffff;
	[tilespmem:v59+s15+$0x0] =	vst.idx.msk $0xffff, v48  }
0x293: {  	v59 =	vadd.s32 v14, v47;
	v48 =	vld.idx.msk [tilespmem:v3+s29+$0x280], $0xffff;
	[tilespmem:v46+s15+$0x0] =	vst.idx.msk $0xffff, v43  }
0x294: {  	[tilespmem:v61+s15+$0x0] =	vst.idx.msk $0xffff, v60;
	v60 =	vadd.s32 v14, v44;
	v43 =	vld.idx.msk [tilespmem:v3+s5+$0x280], $0xffff  }
0x295: {  	v41 =	vadd.s32 v16, v41;
	s20 =	sadd.s32 $0xFFFFFFFC, s7;
	v50 =	vld.idx.msk [tilespmem:v7+s24+$0x280], $0xffff;
	[tilespmem:v63+s15+$0x0] =	vst.idx.msk $0xffff, v62  }
0x296: {  	v56 =	vadd.s32 v15, v47;
	v42 =	vadd.s32 v15, v45;
	[tilespmem:v57+s15+$0x0] =	vst.idx.msk $0xffff, v52;
	v61 =	vmov s20;
	v39 =	vld.idx.msk [tilespmem:v5+s26+$0x280], $0xffff  }
0x297: {  	v38 =	vadd.s32 v24, v38;
	v52 =	vld.idx.msk [tilespmem:v7+s23+$0x300], $0xffff;
	v37 =	vshrl.u32 v61, $0x3;
	[tilespmem:v58+s15+$0x0] =	vst.idx.msk $0xffff, v51  }
0x298: {  	v54 =	vadd.s32 v15, v40;
	v62 =	vmov s18;
	v37 =	vshll.u32 v37, v2;
	v53 =	vld.idx.msk [tilespmem:v5+s28+$0x280], $0xffff;
	[tilespmem:v59+s15+$0x0] =	vst.idx.msk $0xffff, v48  }
0x299: {  	v40 =	vadd.s32 v16, v40;
	v63 =	vshrl.u32 v62, $0x3;
	v51 =	vbroadcast v37, $0x0;
	v55 =	vld.idx.msk [tilespmem:v5+s29+$0x280], $0xffff;
	[tilespmem:v60+s15+$0x0] =	vst.idx.msk $0xffff, v43  }
0x29a: {  	s20 =	sadd.s32 $0xFFFFFFFC, s12;
	v46 =	vadd.s32 v15, v44;
	[tilespmem:v41+s15+$0x0] =	vst.idx.msk $0xffff, v50;
	v60 =	vshll.u32 v63, v2;
	v43 =	vld.idx.msk [tilespmem:v5+s5+$0x280], $0xffff  }
0x29b: {  	v61 =	vmov s20;
	v62 =	vld.idx.msk [tilespmem:v0+s24+$0x2C0], $0xffff;
	[tilespmem:v42+s15+$0x0] =	vst.idx.msk $0xffff, v39;
	v63 =	vadd.s32 v17, v51;
	v37 =	vbroadcast v60, $0x0  }
0x29c: {  	v59 =	vshrl.u32 v61, $0x3;
	[tilespmem:v38+s15+$0x0] =	vst.idx.msk $0xffff, v52;
	v42 =	vadd.s32 v16, v45;
	v41 =	vld.idx.msk [tilespmem:v7+s26+$0x280], $0xffff  }
0x29d: {  	v49 =	vld.idx.msk [tilespmem:v0+s25+$0x3C0], $0xffff;
	v39 =	vshll.u32 v59, v2;
	[tilespmem:v54+s15+$0x0] =	vst.idx.msk $0xffff, v53;
	v60 =	vadd.s32 v33, v37  }
0x29e: {  	s19 =	sadd.s32 $0xFFFFFFFC, s0;
	v44 =	vadd.s32 v16, v44;
	v57 =	vbroadcast v39, $0x0;
	v53 =	vld.idx.msk [tilespmem:v7+s28+$0x280], $0xffff;
	[tilespmem:v56+s15+$0x0] =	vst.idx.msk $0xffff, v55  }
0x29f: {  	s20 =	sadd.s32 $0xFFFFFFFC, s1;
	v61 =	vmov s19;
	v39 =	vadd.s32 v18, v51;
	[tilespmem:v46+s15+$0x0] =	vst.idx.msk $0xffff, v43;
	v43 =	vld.idx.msk [tilespmem:v7+s29+$0x280], $0xffff;
	v46 =	vadd.s32 v16, v47  }
0x2a0: {  	s19 =	sadd.s32 $0xFFFFFFFC, s31;
	v54 =	vadd.s32 v17, v57;
	[tilespmem:v63+s15+$0x0] =	vst.idx.msk $0xffff, v62;
	v62 =	vshrl.u32 v61, $0x3;
	v63 =	vmov s20;
	v58 =	vld.idx.msk [tilespmem:v7+s5+$0x280], $0xffff  }
0x2a1: {  	v48 =	vmov s19;
	[tilespmem:v42+s15+$0x0] =	vst.idx.msk $0xffff, v41;
	v59 =	vld.idx.msk [tilespmem:v3+s24+$0x2C0], $0xffff;
	v62 =	vshll.u32 v62, v2;
	v63 =	vshrl.u32 v63, $0x3  }
0x2a2: {  	v56 =	vld.idx.msk [tilespmem:v0+s26+$0x2C0], $0xffff;
	v47 =	vshrl.u32 v48, $0x3;
	v41 =	vbroadcast v62, $0x0;
	v42 =	vshll.u32 v63, v2;
	[tilespmem:v60+s15+$0x0] =	vst.idx.msk $0xffff, v49  }
0x2a3: {  	v52 =	vld.idx.msk [tilespmem:v0+s23+$0x340], $0xffff;
	[tilespmem:v40+s15+$0x0] =	vst.idx.msk $0xffff, v53;
	v40 =	vbroadcast v42, $0x0;
	v60 =	vshll.u32 v47, v2  }
0x2a4: {  	v61 =	vld.idx.msk [tilespmem:v0+s28+$0x2C0], $0xffff;
	v62 =	vadd.s32 v17, v41;
	v42 =	vbroadcast v60, $0x0;
	[tilespmem:v46+s15+$0x0] =	vst.idx.msk $0xffff, v43  }
0x2a5: {  	v63 =	vadd.s32 v17, v40;
	v43 =	vld.idx.msk [tilespmem:v0+s29+$0x2C0], $0xffff;
	[tilespmem:v44+s15+$0x0] =	vst.idx.msk $0xffff, v58  }
0x2a6: {  	[tilespmem:v39+s15+$0x0] =	vst.idx.msk $0xffff, v59;
	v58 =	vadd.s32 v17, v42;
	v39 =	vld.idx.msk [tilespmem:v0+s5+$0x2C0], $0xffff  }
0x2a7: {  	v59 =	vadd.s32 v19, v51;
	[tilespmem:v54+s15+$0x0] =	vst.idx.msk $0xffff, v56;
	v50 =	vld.idx.msk [tilespmem:v5+s24+$0x2C0], $0xffff  }
0x2a8: {  	v45 =	vadd.s32 v18, v57;
	v38 =	vld.idx.msk [tilespmem:v3+s26+$0x2C0], $0xffff  }
0x2a9: {  	s20 =	sadd.s32 $0xFFFFFFFE, s9;
	v48 =	vld.idx.msk [tilespmem:v3+s25+$0x3C0], $0xffff;
	v60 =	vadd.s32 v34, v37;
	[tilespmem:v62+s15+$0x0] =	vst.idx.msk $0xffff, v61  }
0x2aa: {  	v55 =	vadd.s32 v18, v41;
	v61 =	vmov s20;
	v49 =	vld.idx.msk [tilespmem:v3+s28+$0x2C0], $0xffff;
	[tilespmem:v63+s15+$0x0] =	vst.idx.msk $0xffff, v43  }
0x2ab: {  	v62 =	vshrl.u32 v61, $0x3;
	v63 =	vadd.s32 v18, v40;
	v46 =	vld.idx.msk [tilespmem:v3+s29+$0x2C0], $0xffff;
	[tilespmem:v58+s15+$0x0] =	vst.idx.msk $0xffff, v39  }
0x2ac: {  	[tilespmem:v59+s15+$0x0] =	vst.idx.msk $0xffff, v50;
	v59 =	vadd.s32 v18, v42;
	v58 =	vshll.u32 v62, v2;
	v43 =	vld.idx.msk [tilespmem:v3+s5+$0x2C0], $0xffff  }
0x2ad: {  	s19 =	sadd.s32 $0xFFFFFFFD, s7;
	v51 =	vadd.s32 v20, v51;
	[tilespmem:v45+s15+$0x0] =	vst.idx.msk $0xffff, v38;
	v50 =	vld.idx.msk [tilespmem:v7+s24+$0x2C0], $0xffff;
	v39 =	vbroadcast v58, $0x0  }
0x2ae: {  	[tilespmem:v60+s15+$0x0] =	vst.idx.msk $0xffff, v48;
	v60 =	vmov s19;
	v61 =	vadd.s32 v19, v57;
	v45 =	vld.idx.msk [tilespmem:v5+s26+$0x2C0], $0xffff  }
0x2af: {  	v54 =	vld.idx.msk [tilespmem:v5+s25+$0x3C0], $0xffff;
	v38 =	vshrl.u32 v60, $0x3;
	[tilespmem:v55+s15+$0x0] =	vst.idx.msk $0xffff, v49;
	v62 =	vadd.s32 v25, v39  }
0x2b0: {  	v38 =	vshll.u32 v38, v2;
	v55 =	vadd.s32 v19, v41;
	v49 =	vld.idx.msk [tilespmem:v5+s28+$0x2C0], $0xffff;
	[tilespmem:v63+s15+$0x0] =	vst.idx.msk $0xffff, v46  }
0x2b1: {  	v58 =	vadd.s32 v19, v40;
	v46 =	vbroadcast v38, $0x0;
	v63 =	vld.idx.msk [tilespmem:v5+s29+$0x2C0], $0xffff;
	[tilespmem:v59+s15+$0x0] =	vst.idx.msk $0xffff, v43  }
0x2b2: {  	s20 =	sadd.s32 $0xFFFFFFFD, s12;
	v60 =	vadd.s32 v19, v42;
	[tilespmem:v51+s15+$0x0] =	vst.idx.msk $0xffff, v50;
	v44 =	vld.idx.msk [tilespmem:v5+s5+$0x2C0], $0xffff  }
0x2b3: {  	[tilespmem:v61+s15+$0x0] =	vst.idx.msk $0xffff, v45;
	v59 =	vmov s20;
	v51 =	vld.idx.msk [tilespmem:v0+s24+$0x300], $0xffff;
	v61 =	vadd.s32 v21, v46  }
0x2b4: {  	v48 =	vld.idx.msk [tilespmem:v7+s26+$0x2C0], $0xffff;
	v43 =	vshrl.u32 v59, $0x3;
	[tilespmem:v62+s15+$0x0] =	vst.idx.msk $0xffff, v52;
	v62 =	vadd.s32 v20, v57  }
0x2b5: {  	v42 =	vadd.s32 v20, v42;
	v43 =	vshll.u32 v43, v2;
	[tilespmem:v55+s15+$0x0] =	vst.idx.msk $0xffff, v49;
	v53 =	vld.idx.msk [tilespmem:v3+s23+$0x340], $0xffff  }
0x2b6: {  	s19 =	sadd.s32 $0xFFFFFFFD, s0;
	v41 =	vadd.s32 v20, v41;
	v43 =	vbroadcast v43, $0x0;
	v55 =	vld.idx.msk [tilespmem:v7+s28+$0x2C0], $0xffff;
	[tilespmem:v58+s15+$0x0] =	vst.idx.msk $0xffff, v63  }
0x2b7: {  	v40 =	vadd.s32 v20, v40;
	s20 =	sadd.s32 $0xFFFFFFFD, s1;
	v49 =	vadd.s32 v22, v46;
	v63 =	vmov s19;
	v56 =	vld.idx.msk [tilespmem:v7+s29+$0x2C0], $0xffff;
	[tilespmem:v60+s15+$0x0] =	vst.idx.msk $0xffff, v44  }
0x2b8: {  	v38 =	vadd.s32 v21, v43;
	v58 =	vmov s20;
	s19 =	sadd.s32 $0xFFFFFFFD, s31;
	[tilespmem:v61+s15+$0x0] =	vst.idx.msk $0xffff, v51;
	v57 =	vshrl.u32 v63, $0x3;
	v47 =	vld.idx.msk [tilespmem:v7+s5+$0x2C0], $0xffff  }
0x2b9: {  	v45 =	vshrl.u32 v58, $0x3;
	v59 =	vmov s19;
	v50 =	vld.idx.msk [tilespmem:v3+s24+$0x300], $0xffff;
	[tilespmem:v62+s15+$0x0] =	vst.idx.msk $0xffff, v48;
	v44 =	vshll.u32 v57, v2  }
0x2ba: {  	v45 =	vshll.u32 v45, v2;
	v48 =	vshrl.u32 v59, $0x3;
	v51 =	vld.idx.msk [tilespmem:v0+s26+$0x300], $0xffff;
	v44 =	vbroadcast v44, $0x0  }
0x2bb: {  	v60 =	vadd.s32 v35, v37;
	[tilespmem:v41+s15+$0x0] =	vst.idx.msk $0xffff, v55;
	v41 =	vbroadcast v45, $0x0;
	v61 =	vshll.u32 v48, v2  }
0x2bc: {  	v48 =	vld.idx.msk [tilespmem:v0+s28+$0x300], $0xffff;
	v62 =	vadd.s32 v21, v44;
	[tilespmem:v40+s15+$0x0] =	vst.idx.msk $0xffff, v56;
	v40 =	vbroadcast v61, $0x0  }
0x2bd: {  	v63 =	vadd.s32 v21, v41;
	v45 =	vld.idx.msk [tilespmem:v0+s29+$0x300], $0xffff;
	[tilespmem:v42+s15+$0x0] =	vst.idx.msk $0xffff, v47  }
0x2be: {  	[tilespmem:v49+s15+$0x0] =	vst.idx.msk $0xffff, v50;
	v42 =	vld.idx.msk [tilespmem:v0+s5+$0x300], $0xffff;
	v47 =	vadd.s32 v21, v40  }
0x2bf: {  	v50 =	vadd.s32 v23, v46;
	v49 =	vld.idx.msk [tilespmem:v5+s24+$0x300], $0xffff;
	[tilespmem:v38+s15+$0x0] =	vst.idx.msk $0xffff, v51  }
0x2c0: {  	[tilespmem:v60+s15+$0x0] =	vst.idx.msk $0xffff, v54;
	v60 =	vadd.s32 v22, v43;
	v51 =	vld.idx.msk [tilespmem:v3+s26+$0x300], $0xffff  }
0x2c1: {  	v61 =	vadd.s32 v26, v39;
	v38 =	vld.idx.msk [tilespmem:v7+s25+$0x3C0], $0xffff;
	[tilespmem:v62+s15+$0x0] =	vst.idx.msk $0xffff, v48  }
0x2c2: {  	v62 =	vadd.s32 v22, v44;
	v48 =	vld.idx.msk [tilespmem:v3+s28+$0x300], $0xffff;
	[tilespmem:v63+s15+$0x0] =	vst.idx.msk $0xffff, v45  }
0x2c3: {  	v63 =	vadd.s32 v22, v41;
	v45 =	vld.idx.msk [tilespmem:v3+s29+$0x300], $0xffff;
	[tilespmem:v47+s15+$0x0] =	vst.idx.msk $0xffff, v42  }
0x2c4: {  	[tilespmem:v50+s15+$0x0] =	vst.idx.msk $0xffff, v49;
	v47 =	vadd.s32 v22, v40;
	v42 =	vld.idx.msk [tilespmem:v3+s5+$0x300], $0xffff  }
0x2c5: {  	s20 =	sadd.s32 $0xFFFFFFFE, s7;
	v46 =	vadd.s32 v24, v46;
	v49 =	vld.idx.msk [tilespmem:v7+s24+$0x300], $0xffff;
	[tilespmem:v60+s15+$0x0] =	vst.idx.msk $0xffff, v51  }
0x2c6: {  	[tilespmem:v61+s15+$0x0] =	vst.idx.msk $0xffff, v53;
	v61 =	vadd.s32 v23, v43;
	v60 =	vmov s20;
	v51 =	vld.idx.msk [tilespmem:v5+s26+$0x300], $0xffff  }
0x2c7: {  	v54 =	vadd.s32 v27, v39;
	v53 =	vld.idx.msk [tilespmem:v5+s23+$0x340], $0xffff;
	v50 =	vshrl.u32 v60, $0x3;
	[tilespmem:v62+s15+$0x0] =	vst.idx.msk $0xffff, v48  }
0x2c8: {  	v55 =	vadd.s32 v23, v44;
	v62 =	vshll.u32 v50, v2;
	v50 =	vld.idx.msk [tilespmem:v5+s28+$0x300], $0xffff;
	[tilespmem:v63+s15+$0x0] =	vst.idx.msk $0xffff, v45  }
0x2c9: {  	v45 =	vbroadcast v62, $0x0;
	v63 =	vadd.s32 v23, v41;
	v48 =	vld.idx.msk [tilespmem:v5+s29+$0x300], $0xffff;
	[tilespmem:v47+s15+$0x0] =	vst.idx.msk $0xffff, v42  }
0x2ca: {  	v39 =	vadd.s32 v28, v39;
	v60 =	vadd.s32 v23, v40;
	[tilespmem:v46+s15+$0x0] =	vst.idx.msk $0xffff, v49;
	v46 =	vld.idx.msk [tilespmem:v5+s5+$0x300], $0xffff  }
0x2cb: {  	s19 =	sadd.s32 $0xFFFFFFFF, s9;
	v44 =	vadd.s32 v24, v44;
	v49 =	vld.idx.msk [tilespmem:v0+s24+$0x340], $0xffff;
	[tilespmem:v61+s15+$0x0] =	vst.idx.msk $0xffff, v51;
	v61 =	vadd.s32 v25, v45  }
0x2cc: {  	s25 =	sadd.s32 $0xFFFFFFFE, s12;
	v43 =	vadd.s32 v24, v43;
	v40 =	vadd.s32 v24, v40;
	[tilespmem:v54+s15+$0x0] =	vst.idx.msk $0xffff, v53;
	v62 =	vmov s19;
	v53 =	vld.idx.msk [tilespmem:v7+s26+$0x300], $0xffff  }
0x2cd: {  	v59 =	vmov s25;
	v54 =	vld.idx.msk [tilespmem:v7+s23+$0x340], $0xffff;
	v41 =	vadd.s32 v24, v41;
	s19 =	sadd.s32 $0xFFFFFFFE, s31;
	v52 =	vshrl.u32 v62, $0x3;
	[tilespmem:v55+s15+$0x0] =	vst.idx.msk $0xffff, v50  }
0x2ce: {  	s20 =	sadd.s32 $0xFFFFFFFE, s0;
	v42 =	vshrl.u32 v59, $0x3;
	v58 =	vmov s19;
	v50 =	vshll.u32 v52, v2;
	v52 =	vld.idx.msk [tilespmem:v7+s28+$0x300], $0xffff;
	[tilespmem:v63+s15+$0x0] =	vst.idx.msk $0xffff, v48  }
0x2cf: {  	s25 =	sadd.s32 $0xFFFFFFFE, s1;
	v42 =	vshll.u32 v42, v2;
	v47 =	vshrl.u32 v58, $0x3;
	v63 =	vmov s20;
	v56 =	vld.idx.msk [tilespmem:v7+s29+$0x300], $0xffff;
	[tilespmem:v60+s15+$0x0] =	vst.idx.msk $0xffff, v46  }
0x2d0: {  	v42 =	vbroadcast v42, $0x0;
	[tilespmem:v61+s15+$0x0] =	vst.idx.msk $0xffff, v49;
	v60 =	vshrl.u32 v63, $0x3;
	v61 =	vmov s25;
	v62 =	vld.idx.msk [tilespmem:v7+s5+$0x300], $0xffff  }
0x2d1: {  	v59 =	vshll.u32 v47, v2;
	[tilespmem:v43+s15+$0x0] =	vst.idx.msk $0xffff, v53;
	v63 =	vshll.u32 v60, v2;
	v57 =	vshrl.u32 v61, $0x3  }
0x2d2: {  	v48 =	vadd.s32 v25, v42;
	v53 =	vld.idx.msk [tilespmem:v0+s26+$0x340], $0xffff;
	v43 =	vbroadcast v63, $0x0;
	v46 =	vshll.u32 v57, v2  }
0x2d3: {  	v55 =	vadd.s32 v26, v45;
	v51 =	vld.idx.msk [tilespmem:v3+s24+$0x340], $0xffff;
	[tilespmem:v44+s15+$0x0] =	vst.idx.msk $0xffff, v52;
	v44 =	vbroadcast v46, $0x0  }
0x2d4: {  	v47 =	vld.idx.msk [tilespmem:v0+s28+$0x340], $0xffff;
	v60 =	vadd.s32 v25, v43;
	[tilespmem:v41+s15+$0x0] =	vst.idx.msk $0xffff, v56;
	v41 =	vbroadcast v59, $0x0  }
0x2d5: {  	v46 =	vbroadcast v50, $0x0;
	v61 =	vadd.s32 v25, v44;
	v50 =	vld.idx.msk [tilespmem:v0+s29+$0x340], $0xffff;
	[tilespmem:v40+s15+$0x0] =	vst.idx.msk $0xffff, v62  }
0x2d6: {  	[tilespmem:v39+s15+$0x0] =	vst.idx.msk $0xffff, v54;
	v39 =	vld.idx.msk [tilespmem:v0+s5+$0x340], $0xffff;
	v40 =	vadd.s32 v25, v41  }
0x2d7: {  	v63 =	vadd.s32 v29, v46;
	v62 =	vld.idx.msk [tilespmem:v0+s23+$0x380], $0xffff;
	[tilespmem:v48+s15+$0x0] =	vst.idx.msk $0xffff, v53  }
0x2d8: {  	[tilespmem:v55+s15+$0x0] =	vst.idx.msk $0xffff, v51;
	v51 =	vadd.s32 v26, v42;
	v48 =	vld.idx.msk [tilespmem:v3+s26+$0x340], $0xffff  }
0x2d9: {  	v55 =	vadd.s32 v27, v45;
	v53 =	vld.idx.msk [tilespmem:v5+s24+$0x340], $0xffff;
	[tilespmem:v60+s15+$0x0] =	vst.idx.msk $0xffff, v47  }
0x2da: {  	v60 =	vadd.s32 v26, v43;
	v47 =	vld.idx.msk [tilespmem:v3+s28+$0x340], $0xffff;
	[tilespmem:v61+s15+$0x0] =	vst.idx.msk $0xffff, v50  }
0x2db: {  	v61 =	vadd.s32 v26, v44;
	v50 =	vld.idx.msk [tilespmem:v3+s29+$0x340], $0xffff;
	[tilespmem:v40+s15+$0x0] =	vst.idx.msk $0xffff, v39  }
0x2dc: {  	[tilespmem:v63+s15+$0x0] =	vst.idx.msk $0xffff, v62;
	v62 =	vadd.s32 v26, v41;
	v39 =	vld.idx.msk [tilespmem:v3+s5+$0x340], $0xffff  }
0x2dd: {  	v63 =	vadd.s32 v30, v46;
	v49 =	vld.idx.msk [tilespmem:v3+s23+$0x380], $0xffff;
	[tilespmem:v51+s15+$0x0] =	vst.idx.msk $0xffff, v48  }
0x2de: {  	[tilespmem:v55+s15+$0x0] =	vst.idx.msk $0xffff, v53;
	v51 =	vadd.s32 v27, v42;
	v48 =	vld.idx.msk [tilespmem:v5+s26+$0x340], $0xffff  }
0x2df: {  	v37 =	vadd.s32 v36, v37;
	[tilespmem:v60+s15+$0x0] =	vst.idx.msk $0xffff, v47  }
0x2e0: {  	s20 =	sadd.s32 $0xFFFFFFFF, s7;
	v52 =	vadd.s32 v27, v43;
	v47 =	vld.idx.msk [tilespmem:v5+s28+$0x340], $0xffff;
	[tilespmem:v61+s15+$0x0] =	vst.idx.msk $0xffff, v50  }
0x2e1: {  	v56 =	vadd.s32 v27, v44;
	v60 =	vmov s20;
	v55 =	vld.idx.msk [tilespmem:v5+s29+$0x340], $0xffff;
	[tilespmem:v62+s15+$0x0] =	vst.idx.msk $0xffff, v39  }
0x2e2: {  	[tilespmem:v63+s15+$0x0] =	vst.idx.msk $0xffff, v49;
	v61 =	vshrl.u32 v60, $0x3;
	v60 =	vadd.s32 v27, v41;
	v63 =	vld.idx.msk [tilespmem:v5+s5+$0x340], $0xffff  }
0x2e3: {  	s25 =	sadd.s32 $0xFFFFFFFF, s12;
	v45 =	vadd.s32 v28, v45;
	v43 =	vadd.s32 v28, v43;
	v53 =	vld.idx.msk [tilespmem:v7+s24+$0x340], $0xffff;
	[tilespmem:v51+s15+$0x0] =	vst.idx.msk $0xffff, v48  }
0x2e4: {  	[tilespmem:v37+s15+$0x0] =	vst.idx.msk $0xffff, v38;
	v44 =	vadd.s32 v28, v44;
	v42 =	vadd.s32 v28, v42;
	v62 =	vmov s25;
	v48 =	vld.idx.msk [tilespmem:v7+s26+$0x340], $0xffff  }
0x2e5: {  	s19 =	sadd.s32 $0xFFFFFFFF, s0;
	v41 =	vadd.s32 v28, v41;
	v39 =	vshll.u32 v61, v2;
	v40 =	vshrl.u32 v62, $0x3;
	[tilespmem:v52+s15+$0x0] =	vst.idx.msk $0xffff, v47  }
0x2e6: {  	v61 =	vmov s19;
	s25 =	sadd.s32 $0xFFFFFFFF, s31;
	v39 =	vbroadcast v39, $0x0;
	v40 =	vshll.u32 v40, v2;
	v52 =	vld.idx.msk [tilespmem:v7+s28+$0x340], $0xffff;
	[tilespmem:v56+s15+$0x0] =	vst.idx.msk $0xffff, v55  }
0x2e7: {  	s20 =	sadd.s32 $0xFFFFFFFF, s1;
	v62 =	vshrl.u32 v61, $0x3;
	v58 =	vmov s25;
	v40 =	vbroadcast v40, $0x0;
	v56 =	vld.idx.msk [tilespmem:v7+s29+$0x340], $0xffff;
	[tilespmem:v60+s15+$0x0] =	vst.idx.msk $0xffff, v63  }
0x2e8: {  	[tilespmem:v45+s15+$0x0] =	vst.idx.msk $0xffff, v53;
	v47 =	vadd.s32 v29, v39;
	v55 =	vshll.u32 v62, v2;
	v63 =	vmov s20;
	v50 =	vld.idx.msk [tilespmem:v7+s5+$0x340], $0xffff  }
0x2e9: {  	v53 =	vld.idx.msk [tilespmem:v0+s24+$0x380], $0xffff;
	v54 =	vadd.s32 v29, v40;
	[tilespmem:v42+s15+$0x0] =	vst.idx.msk $0xffff, v48;
	v57 =	vshrl.u32 v63, $0x3;
	v42 =	vbroadcast v55, $0x0  }
0x2ea: {  	v51 =	vld.idx.msk [tilespmem:v5+s23+$0x380], $0xffff;
	v48 =	vshrl.u32 v58, $0x3;
	v55 =	vadd.s32 v31, v46;
	v45 =	vshll.u32 v57, v2  }
0x2eb: {  	v49 =	vld.idx.msk [tilespmem:v0+s26+$0x380], $0xffff;
	v59 =	vshll.u32 v48, v2;
	[tilespmem:v43+s15+$0x0] =	vst.idx.msk $0xffff, v52;
	v43 =	vbroadcast v45, $0x0  }
0x2ec: {  	v52 =	vadd.s32 v29, v42;
	v48 =	vld.idx.msk [tilespmem:v0+s28+$0x380], $0xffff;
	[tilespmem:v44+s15+$0x0] =	vst.idx.msk $0xffff, v56;
	v44 =	vbroadcast v59, $0x0  }
0x2ed: {  	v60 =	vadd.s32 v29, v43;
	v45 =	vld.idx.msk [tilespmem:v0+s29+$0x380], $0xffff;
	[tilespmem:v41+s15+$0x0] =	vst.idx.msk $0xffff, v50  }
0x2ee: {  	[tilespmem:v47+s15+$0x0] =	vst.idx.msk $0xffff, v53;
	v41 =	vld.idx.msk [tilespmem:v0+s5+$0x380], $0xffff;
	v61 =	vadd.s32 v29, v44  }
0x2ef: {  	v63 =	vadd.s32 v30, v39;
	v62 =	vld.idx.msk [tilespmem:v3+s24+$0x380], $0xffff;
	[tilespmem:v55+s15+$0x0] =	vst.idx.msk $0xffff, v51  }
0x2f0: {  	v46 =	vadd.s32 v32, v46;
	[tilespmem:v54+s15+$0x0] =	vst.idx.msk $0xffff, v49;
	v58 =	vld.idx.msk [tilespmem:v7+s23+$0x380], $0xffff  }
0x2f1: {  	v57 =	vadd.s32 v30, v40;
	v49 =	vld.idx.msk [tilespmem:v3+s26+$0x380], $0xffff;
	[tilespmem:v52+s15+$0x0] =	vst.idx.msk $0xffff, v48  }
0x2f2: {  	v59 =	vadd.s32 v30, v42;
	v48 =	vld.idx.msk [tilespmem:v3+s28+$0x380], $0xffff;
	[tilespmem:v60+s15+$0x0] =	vst.idx.msk $0xffff, v45  }
0x2f3: {  	v60 =	vadd.s32 v30, v43;
	v45 =	vld.idx.msk [tilespmem:v3+s29+$0x380], $0xffff;
	[tilespmem:v61+s15+$0x0] =	vst.idx.msk $0xffff, v41  }
0x2f4: {  	v47 =	vadd.s32 v30, v44;
	[tilespmem:v63+s15+$0x0] =	vst.idx.msk $0xffff, v62;
	v41 =	vld.idx.msk [tilespmem:v3+s5+$0x380], $0xffff  }
0x2f5: {  	v50 =	vld.idx.msk [tilespmem:v5+s24+$0x380], $0xffff;
	v61 =	vadd.s32 v31, v39;
	[tilespmem:v46+s15+$0x0] =	vst.idx.msk $0xffff, v58  }
0x2f6: {  	[tilespmem:v57+s15+$0x0] =	vst.idx.msk $0xffff, v49  }
0x2f7: {  	v51 =	vadd.s32 v31, v40;
	v62 =	vmov s9;
	v46 =	vld.idx.msk [tilespmem:v5+s26+$0x380], $0xffff;
	[tilespmem:v59+s15+$0x0] =	vst.idx.msk $0xffff, v48  }
0x2f8: {  	v56 =	vadd.s32 v31, v42;
	v49 =	vshrl.u32 v62, $0x3;
	v52 =	vld.idx.msk [tilespmem:v5+s28+$0x380], $0xffff;
	[tilespmem:v60+s15+$0x0] =	vst.idx.msk $0xffff, v45  }
0x2f9: {  	v55 =	vadd.s32 v31, v43;
	v63 =	vmov s7;
	v48 =	vshll.u32 v49, v2;
	v49 =	vld.idx.msk [tilespmem:v5+s29+$0x380], $0xffff;
	[tilespmem:v47+s15+$0x0] =	vst.idx.msk $0xffff, v41  }
0x2fa: {  	v60 =	vshrl.u32 v63, $0x3;
	[tilespmem:v61+s15+$0x0] =	vst.idx.msk $0xffff, v50;
	v63 =	vadd.s32 v31, v44;
	v62 =	vld.idx.msk [tilespmem:v5+s5+$0x380], $0xffff  }
0x2fb: {  	v42 =	vadd.s32 v32, v42;
	v40 =	vadd.s32 v32, v40;
	v39 =	vadd.s32 v32, v39;
	v50 =	vld.idx.msk [tilespmem:v7+s24+$0x380], $0xffff  }
0x2fc: {  	v43 =	vadd.s32 v32, v43;
	v58 =	vmov s31;
	v54 =	vld.idx.msk [tilespmem:v0+s23+$0x3C0], $0xffff;
	v48 =	vbroadcast v48, $0x0;
	[tilespmem:v51+s15+$0x0] =	vst.idx.msk $0xffff, v46  }
0x2fd: {  	v44 =	vadd.s32 v32, v44;
	v61 =	vshll.u32 v60, v2;
	v60 =	vmov s12;
	v46 =	vld.idx.msk [tilespmem:v7+s26+$0x380], $0xffff;
	[tilespmem:v56+s15+$0x0] =	vst.idx.msk $0xffff, v52  }
0x2fe: {  	v53 =	vadd.s32 v33, v48;
	v41 =	vbroadcast v61, $0x0;
	v51 =	vshrl.u32 v60, $0x3;
	v56 =	vld.idx.msk [tilespmem:v7+s28+$0x380], $0xffff;
	[tilespmem:v55+s15+$0x0] =	vst.idx.msk $0xffff, v49  }
0x2ff: {  	v61 =	vmov s0;
	v60 =	vshrl.u32 v58, $0x3;
	v51 =	vshll.u32 v51, v2;
	v55 =	vld.idx.msk [tilespmem:v7+s29+$0x380], $0xffff;
	[tilespmem:v63+s15+$0x0] =	vst.idx.msk $0xffff, v62  }
0x300: {  	v49 =	vbroadcast v51, $0x0;
	[tilespmem:v39+s15+$0x0] =	vst.idx.msk $0xffff, v50;
	v62 =	vshrl.u32 v61, $0x3;
	v63 =	vmov s1;
	v47 =	vld.idx.msk [tilespmem:v7+s5+$0x380], $0xffff  }
0x301: {  	v52 =	vadd.s32 v33, v41;
	v50 =	vld.idx.msk [tilespmem:v0+s24+$0x3C0], $0xffff;
	v39 =	vshll.u32 v62, v2;
	v57 =	vshrl.u32 v63, $0x3  }
0x302: {  	[tilespmem:v40+s15+$0x0] =	vst.idx.msk $0xffff, v46;
	v61 =	vadd.s32 v33, v49;
	v38 =	vbroadcast v39, $0x0;
	v59 =	vshll.u32 v57, v2  }
0x303: {  	v40 =	vshll.u32 v60, v2;
	v37 =	vld.idx.msk [tilespmem:v0+s26+$0x3C0], $0xffff;
	[tilespmem:v42+s15+$0x0] =	vst.idx.msk $0xffff, v56;
	v39 =	vbroadcast v59, $0x0  }
0x304: {  	v40 =	vbroadcast v40, $0x0;
	v42 =	vld.idx.msk [tilespmem:v0+s28+$0x3C0], $0xffff;
	v62 =	vadd.s32 v33, v38;
	[tilespmem:v43+s15+$0x0] =	vst.idx.msk $0xffff, v55  }
0x305: {  	v63 =	vadd.s32 v33, v39;
	v43 =	vld.idx.msk [tilespmem:v0+s29+$0x3C0], $0xffff;
	[tilespmem:v44+s15+$0x0] =	vst.idx.msk $0xffff, v47  }
0x306: {  	[tilespmem:v53+s15+$0x0] =	vst.idx.msk $0xffff, v54;
	v57 =	vadd.s32 v33, v40;
	v44 =	vld.idx.msk [tilespmem:v0+s5+$0x3C0], $0xffff  }
0x307: {  	v58 =	vadd.s32 v34, v48;
	v53 =	vld.idx.msk [tilespmem:v3+s23+$0x3C0], $0xffff;
	[tilespmem:v52+s15+$0x0] =	vst.idx.msk $0xffff, v50  }
0x308: {  	v59 =	vadd.s32 v34, v41;
	v50 =	vld.idx.msk [tilespmem:v3+s24+$0x3C0], $0xffff;
	[tilespmem:v61+s15+$0x0] =	vst.idx.msk $0xffff, v37  }
0x309: {  	v60 =	vadd.s32 v34, v49;
	v37 =	vld.idx.msk [tilespmem:v3+s26+$0x3C0], $0xffff;
	[tilespmem:v62+s15+$0x0] =	vst.idx.msk $0xffff, v42  }
0x30a: {  	v61 =	vadd.s32 v34, v38;
	v42 =	vld.idx.msk [tilespmem:v3+s28+$0x3C0], $0xffff;
	[tilespmem:v63+s15+$0x0] =	vst.idx.msk $0xffff, v43  }
0x30b: {  	v62 =	vadd.s32 v34, v39;
	v43 =	vld.idx.msk [tilespmem:v3+s29+$0x3C0], $0xffff;
	[tilespmem:v57+s15+$0x0] =	vst.idx.msk $0xffff, v44  }
0x30c: {  	[tilespmem:v58+s15+$0x0] =	vst.idx.msk $0xffff, v53;
	v63 =	vadd.s32 v34, v40;
	v44 =	vld.idx.msk [tilespmem:v3+s5+$0x3C0], $0xffff  }
0x30d: {  	v53 =	vld.idx.msk [tilespmem:v5+s23+$0x3C0], $0xffff;
	[tilespmem:v59+s15+$0x0] =	vst.idx.msk $0xffff, v50;
	v57 =	vadd.s32 v35, v48  }
0x30e: {  	v58 =	vadd.s32 v35, v41;
	v50 =	vld.idx.msk [tilespmem:v5+s24+$0x3C0], $0xffff;
	[tilespmem:v60+s15+$0x0] =	vst.idx.msk $0xffff, v37  }
0x30f: {  	v59 =	vadd.s32 v35, v49;
	v37 =	vld.idx.msk [tilespmem:v5+s26+$0x3C0], $0xffff;
	[tilespmem:v61+s15+$0x0] =	vst.idx.msk $0xffff, v42  }
0x310: {  	v60 =	vadd.s32 v35, v38;
	v42 =	vld.idx.msk [tilespmem:v5+s28+$0x3C0], $0xffff;
	[tilespmem:v62+s15+$0x0] =	vst.idx.msk $0xffff, v43  }
0x311: {  	v61 =	vadd.s32 v35, v39;
	v43 =	vld.idx.msk [tilespmem:v5+s29+$0x3C0], $0xffff;
	[tilespmem:v63+s15+$0x0] =	vst.idx.msk $0xffff, v44  }
0x312: {  	[tilespmem:v57+s15+$0x0] =	vst.idx.msk $0xffff, v53;
	v62 =	vadd.s32 v35, v40;
	v44 =	vld.idx.msk [tilespmem:v5+s5+$0x3C0], $0xffff  }
0x313: {  	v48 =	vadd.s32 v36, v48;
	[tilespmem:v58+s15+$0x0] =	vst.idx.msk $0xffff, v50;
	v53 =	vld.idx.msk [tilespmem:v7+s23+$0x3C0], $0xffff  }
0x314: {  	v41 =	vadd.s32 v36, v41;
	v50 =	vld.idx.msk [tilespmem:v7+s24+$0x3C0], $0xffff;
	[tilespmem:v59+s15+$0x0] =	vst.idx.msk $0xffff, v37  }
0x315: {  	v63 =	vadd.s32 v36, v49;
	v37 =	vld.idx.msk [tilespmem:v7+s26+$0x3C0], $0xffff;
	[tilespmem:v60+s15+$0x0] =	vst.idx.msk $0xffff, v42  }
0x316: {  	v38 =	vadd.s32 v36, v38;
	v42 =	vld.idx.msk [tilespmem:v7+s28+$0x3C0], $0xffff;
	[tilespmem:v61+s15+$0x0] =	vst.idx.msk $0xffff, v43  }
0x317: {  	v39 =	vadd.s32 v36, v39;
	v43 =	vld.idx.msk [tilespmem:v7+s29+$0x3C0], $0xffff;
	[tilespmem:v62+s15+$0x0] =	vst.idx.msk $0xffff, v44  }
0x318: {  	v40 =	vadd.s32 v36, v40;
	[tilespmem:v48+s15+$0x0] =	vst.idx.msk $0xffff, v53;
	v44 =	vld.idx.msk [tilespmem:v7+s5+$0x3C0], $0xffff  }
0x319: {  	s0 =	sshll.u32 s30, $0x5;
	[tilespmem:v41+s15+$0x0] =	vst.idx.msk $0xffff, v50  }
0x31a: {  	s30 =	sshll.u32 s30, $0xB;
	s31 =	sand.u32 $0x1C0, s0;
	[tilespmem:v63+s15+$0x0] =	vst.idx.msk $0xffff, v37  }
0x31b: {  	s1 =	sand.u32 $0xFFF8000, s30;
	s5 =	sadd.s32 s4, s31;
	[tilespmem:v38+s15+$0x0] =	vst.idx.msk $0xffff, v42  }
0x31c: {  	s7 =	simm.s32 $0x200;
	s1 =	sadd.s32 s1, s5;
	[tilespmem:v39+s15+$0x0] =	vst.idx.msk $0xffff, v43  }
0x31d: {  	s9 =	simm.s32 $0x8308;
	s5 =	simm.s32 $0x8200;
	s12 =	sadd.s32 $0x0, s1;
	[tilespmem:v40+s15+$0x0] =	vst.idx.msk $0xffff, v44  }
.LBB2_5:
0x31e: {  	[hbm4b:s12+s2] =	stream.linear.scatter [tilespmem:s5], [sflag:$0x3], $0x100, $0x38;
	[tilespmem:$0x10600] =	vst v63  }
0x31f: {  	s12 =	smov.u32 s7;
	s5 =	smov.u32 s9;
	p1 =	sne.s32 s7, $0x7E00  }
.Ltmp3:
0x320: {  	s7 =	sadd.s32 $0x200, s7;
	(pc) =	sbr.rel @p1 .LBB2_5-.Ltmp3, $2  }
0x321: {  	_ =	sdelay $0x2  }
0x322: {  	s9 =	sadd.s32 $0x108, s9;
	s12 =	sadd.s32 s12, s1  }
0x323: {  	[hbm4b:s12+s2] =	stream.linear.scatter [tilespmem:s5], [sflag:$0x3], $0x100, $0x38;
	[tilespmem:$0x10600] =	vst v63  }
0x324: {  	p1 =	seq.s32 s21, $0x31  }
0x325: {  	s0 =	sadd.s32 @!p1 s0, s8;
	s1 =	simm.s32 @!p1 $0x0  }
0x326: {  	[tilespmem:s1], [sflag:$0x5] =	stream.linear.gather @!p1 [hbm4b:s0+s1], $0x100, $0x38;
	[tilespmem:$0x10600] =	vst v63  }
0x327: {  	s0 =	simm.s32 @!p1 $0x5  }
0x328: {  	_ =	swait.ge @!p1 [sflag:s0], $0x100  }
0x329: {  	[sflag:s0] =	ssyncset.done @!p1 $0x0  }
0x32a: {  	s5 =	simm.s32 @!p1 $0x200;
	[sflag:s0] =	ssyncadd.s32 @!p1 $0xFFFFFF00;
	s0 =	simm.s32 @!p1 $0x100  }
0x32b: {  	[tilespmem:s5], [sflag:$0x1] =	stream.indirect.gather @!p1 [hbm4b:s3+s0], $0x40, s1, s0, $0xb8;
	[tilespmem:$0x10600] =	vst v63  }
0x32c: {  	s12 =	simm.s32 $0x0;
	_ =	swait.ge [sflag:s16], $0x4000  }
0x32d: {  	v37 =	vmov s12;
	[sflag:s16] =	ssyncset.done $0x0  }
0x32e: {  	v37 =	vshrl.u32 v37, $0x3;
	s0 =	simm.s32 @!p0 $0x4;
	[sflag:s16] =	ssyncadd.s32 $0xFFFFC000  }
0x32f: {  	v37 =	vshll.u32 v37, v2;
	_ =	swait.ge @!p0 [sflag:s0], $0x4000  }
0x330: {  	v37 =	vbroadcast v37, $0x0;
	[sflag:s0] =	ssyncset.done @!p0 $0x0  }
0x331: {  	[sflag:s0] =	ssyncadd.s32 @!p0 $0xFFFFC000;
	s0 =	simm.s32 $0x4200  }
0x332: {  	v39 =	vadd.s32 v1, v37;
	v38 =	vld.idx.msk [tilespmem:v0+s0+$0x0], $0xffff;
	_ =	sdelay $0x4  }
0x333: {  	[tilespmem:v39+s17+$0x0] =	vst.idx.msk $0xffff, v38  }
0x334: {  	v50 =	vadd.s32 v4, v37;
	v38 =	vld.idx.msk [tilespmem:v3+s0+$0x0], $0xffff;
	_ =	sdelay $0x4  }
0x335: {  	[tilespmem:v50+s17+$0x0] =	vst.idx.msk $0xffff, v38  }
0x336: {  	v51 =	vadd.s32 v6, v37;
	v38 =	vld.idx.msk [tilespmem:v5+s0+$0x0], $0xffff;
	_ =	sdelay $0x4  }
0x337: {  	[tilespmem:v51+s17+$0x0] =	vst.idx.msk $0xffff, v38  }
0x338: {  	s18 =	simm.s32 $0x1;
	v37 =	vadd.s32 v8, v37;
	v38 =	vld.idx.msk [tilespmem:v7+s0+$0x0], $0xffff  }
0x339: {  	v52 =	vmov s18  }
0x33a: {  	v39 =	vshrl.u32 v52, $0x3  }
0x33b: {  	v39 =	vshll.u32 v39, v2  }
0x33c: {  	v39 =	vbroadcast v39, $0x0  }
0x33d: {  	[tilespmem:v37+s17+$0x0] =	vst.idx.msk $0xffff, v38  }
0x33e: {  	v53 =	vadd.s32 v9, v39;
	v37 =	vld.idx.msk [tilespmem:v0+s0+$0x40], $0xffff;
	_ =	sdelay $0x4  }
0x33f: {  	[tilespmem:v53+s17+$0x0] =	vst.idx.msk $0xffff, v37  }
0x340: {  	v54 =	vadd.s32 v10, v39;
	v37 =	vld.idx.msk [tilespmem:v3+s0+$0x40], $0xffff;
	_ =	sdelay $0x4  }
0x341: {  	[tilespmem:v54+s17+$0x0] =	vst.idx.msk $0xffff, v37  }
0x342: {  	v55 =	vadd.s32 v11, v39;
	v37 =	vld.idx.msk [tilespmem:v5+s0+$0x40], $0xffff;
	_ =	sdelay $0x4  }
0x343: {  	[tilespmem:v55+s17+$0x0] =	vst.idx.msk $0xffff, v37  }
0x344: {  	s19 =	simm.s32 $0x2;
	v56 =	vadd.s32 v12, v39;
	v37 =	vld.idx.msk [tilespmem:v7+s0+$0x40], $0xffff  }
0x345: {  	v57 =	vmov s19  }
0x346: {  	v39 =	vshrl.u32 v57, $0x3  }
0x347: {  	v39 =	vshll.u32 v39, v2  }
0x348: {  	v39 =	vbroadcast v39, $0x0  }
0x349: {  	[tilespmem:v56+s17+$0x0] =	vst.idx.msk $0xffff, v37  }
0x34a: {  	v58 =	vadd.s32 v13, v39;
	v37 =	vld.idx.msk [tilespmem:v0+s0+$0x80], $0xffff  }
0x34b: {  	s20 =	simm.s32 $0x10  }
0x34c: {  	v40 =	vmov s20  }
0x34d: {  	v40 =	vshrl.u32 v40, $0x3  }
0x34e: {  	v40 =	vshll.u32 v40, v2  }
0x34f: {  	v59 =	vbroadcast v40, $0x0;
	[tilespmem:v58+s17+$0x0] =	vst.idx.msk $0xffff, v37  }
0x350: {  	s25 =	simm.s32 $0x4600;
	v60 =	vadd.s32 v14, v39;
	v38 =	vld.idx.msk [tilespmem:v3+s0+$0x80], $0xffff  }
0x351: {  	v42 =	vadd.s32 v1, v59;
	v41 =	vld.idx.msk [tilespmem:v0+s25+$0x0], $0xffff;
	_ =	sdelay $0x3  }
0x352: {  	[tilespmem:v60+s17+$0x0] =	vst.idx.msk $0xffff, v38  }
0x353: {  	v61 =	vadd.s32 v15, v39;
	[tilespmem:v42+s17+$0x0] =	vst.idx.msk $0xffff, v41;
	v38 =	vld.idx.msk [tilespmem:v5+s0+$0x80], $0xffff  }
0x354: {  	v62 =	vadd.s32 v4, v59;
	v41 =	vld.idx.msk [tilespmem:v3+s25+$0x0], $0xffff;
	_ =	sdelay $0x3  }
0x355: {  	[tilespmem:v61+s17+$0x0] =	vst.idx.msk $0xffff, v38  }
0x356: {  	s23 =	simm.s32 $0x3;
	v39 =	vadd.s32 v16, v39;
	[tilespmem:v62+s17+$0x0] =	vst.idx.msk $0xffff, v41;
	v38 =	vld.idx.msk [tilespmem:v7+s0+$0x80], $0xffff  }
0x357: {  	v46 =	vmov s23;
	v45 =	vadd.s32 v6, v59;
	v63 =	vld.idx.msk [tilespmem:v5+s25+$0x0], $0xffff  }
0x358: {  	v42 =	vshrl.u32 v46, $0x3  }
0x359: {  	v42 =	vshll.u32 v42, v2  }
0x35a: {  	v42 =	vbroadcast v42, $0x0  }
0x35b: {  	[tilespmem:v39+s17+$0x0] =	vst.idx.msk $0xffff, v38  }
0x35c: {  	v47 =	vadd.s32 v17, v42;
	[tilespmem:v45+s17+$0x0] =	vst.idx.msk $0xffff, v63;
	v38 =	vld.idx.msk [tilespmem:v0+s0+$0xC0], $0xffff  }
0x35d: {  	s24 =	simm.s32 $0x11;
	v40 =	vld.idx.msk [tilespmem:v7+s25+$0x0], $0xffff;
	v37 =	vadd.s32 v8, v59  }
0x35e: {  	v48 =	vmov s24  }
0x35f: {  	v41 =	vshrl.u32 v48, $0x3  }
0x360: {  	v41 =	vshll.u32 v41, v2  }
0x361: {  	v49 =	vbroadcast v41, $0x0;
	[tilespmem:v47+s17+$0x0] =	vst.idx.msk $0xffff, v38  }
0x362: {  	v51 =	vadd.s32 v18, v42;
	[tilespmem:v37+s17+$0x0] =	vst.idx.msk $0xffff, v40;
	v50 =	vld.idx.msk [tilespmem:v3+s0+$0xC0], $0xffff  }
0x363: {  	v41 =	vadd.s32 v9, v49;
	v40 =	vld.idx.msk [tilespmem:v0+s25+$0x40], $0xffff;
	_ =	sdelay $0x3  }
0x364: {  	[tilespmem:v51+s17+$0x0] =	vst.idx.msk $0xffff, v50  }
0x365: {  	v52 =	vadd.s32 v19, v42;
	[tilespmem:v41+s17+$0x0] =	vst.idx.msk $0xffff, v40;
	v37 =	vld.idx.msk [tilespmem:v5+s0+$0xC0], $0xffff  }
0x366: {  	v53 =	vadd.s32 v10, v49;
	v40 =	vld.idx.msk [tilespmem:v3+s25+$0x40], $0xffff;
	_ =	sdelay $0x3  }
0x367: {  	[tilespmem:v52+s17+$0x0] =	vst.idx.msk $0xffff, v37  }
0x368: {  	s26 =	simm.s32 $0x4;
	v54 =	vadd.s32 v20, v42;
	[tilespmem:v53+s17+$0x0] =	vst.idx.msk $0xffff, v40;
	v37 =	vld.idx.msk [tilespmem:v7+s0+$0xC0], $0xffff  }
0x369: {  	v55 =	vadd.s32 v11, v49;
	v56 =	vmov s26;
	v40 =	vld.idx.msk [tilespmem:v5+s25+$0x40], $0xffff  }
0x36a: {  	v42 =	vshrl.u32 v56, $0x3  }
0x36b: {  	v42 =	vshll.u32 v42, v2  }
0x36c: {  	v42 =	vbroadcast v42, $0x0  }
0x36d: {  	[tilespmem:v54+s17+$0x0] =	vst.idx.msk $0xffff, v37  }
0x36e: {  	v57 =	vadd.s32 v21, v42;
	[tilespmem:v55+s17+$0x0] =	vst.idx.msk $0xffff, v40;
	v37 =	vld.idx.msk [tilespmem:v0+s0+$0x100], $0xffff  }
0x36f: {  	s31 =	simm.s32 $0x12;
	v40 =	vld.idx.msk [tilespmem:v7+s25+$0x40], $0xffff;
	v38 =	vadd.s32 v12, v49  }
0x370: {  	v58 =	vmov s31  }
0x371: {  	v41 =	vshrl.u32 v58, $0x3  }
0x372: {  	v41 =	vshll.u32 v41, v2  }
0x373: {  	v59 =	vbroadcast v41, $0x0;
	[tilespmem:v57+s17+$0x0] =	vst.idx.msk $0xffff, v37  }
0x374: {  	v61 =	vadd.s32 v22, v42;
	[tilespmem:v38+s17+$0x0] =	vst.idx.msk $0xffff, v40;
	v60 =	vld.idx.msk [tilespmem:v3+s0+$0x100], $0xffff  }
0x375: {  	v41 =	vadd.s32 v13, v59;
	v40 =	vld.idx.msk [tilespmem:v0+s25+$0x80], $0xffff  }
0x376: {  	s5 =	simm.s32 $0x20  }
0x377: {  	v43 =	vmov s5  }
0x378: {  	v43 =	vshrl.u32 v43, $0x3  }
0x379: {  	v62 =	vshll.u32 v43, v2;
	[tilespmem:v61+s17+$0x0] =	vst.idx.msk $0xffff, v60  }
0x37a: {  	v63 =	vadd.s32 v23, v42;
	v38 =	vbroadcast v62, $0x0;
	[tilespmem:v41+s17+$0x0] =	vst.idx.msk $0xffff, v40;
	v39 =	vld.idx.msk [tilespmem:v5+s0+$0x100], $0xffff  }
0x37b: {  	s23 =	simm.s32 $0x4A00;
	v48 =	vadd.s32 v14, v59;
	v41 =	vld.idx.msk [tilespmem:v3+s25+$0x80], $0xffff  }
0x37c: {  	v44 =	vld.idx.msk [tilespmem:v0+s23+$0x0], $0xffff;
	v45 =	vadd.s32 v1, v38;
	_ =	sdelay $0x2  }
0x37d: {  	[tilespmem:v63+s17+$0x0] =	vst.idx.msk $0xffff, v39  }
0x37e: {  	s7 =	simm.s32 $0x5;
	v49 =	vadd.s32 v24, v42;
	[tilespmem:v48+s17+$0x0] =	vst.idx.msk $0xffff, v41;
	v39 =	vld.idx.msk [tilespmem:v7+s0+$0x100], $0xffff  }
0x37f: {  	v50 =	vadd.s32 v15, v59;
	v51 =	vmov s7;
	[tilespmem:v45+s17+$0x0] =	vst.idx.msk $0xffff, v44;
	v41 =	vld.idx.msk [tilespmem:v5+s25+$0x80], $0xffff  }
0x380: {  	v43 =	vshrl.u32 v51, $0x3;
	v52 =	vadd.s32 v4, v38;
	v44 =	vld.idx.msk [tilespmem:v3+s23+$0x0], $0xffff  }
0x381: {  	v43 =	vshll.u32 v43, v2  }
0x382: {  	v43 =	vbroadcast v43, $0x0  }
0x383: {  	[tilespmem:v49+s17+$0x0] =	vst.idx.msk $0xffff, v39  }
0x384: {  	v53 =	vadd.s32 v25, v43;
	[tilespmem:v50+s17+$0x0] =	vst.idx.msk $0xffff, v41;
	v39 =	vld.idx.msk [tilespmem:v0+s0+$0x140], $0xffff  }
0x385: {  	s9 =	simm.s32 $0x13;
	[tilespmem:v52+s17+$0x0] =	vst.idx.msk $0xffff, v44;
	v41 =	vld.idx.msk [tilespmem:v7+s25+$0x80], $0xffff;
	v37 =	vadd.s32 v16, v59  }
0x386: {  	v56 =	vmov s9;
	v55 =	vadd.s32 v6, v38;
	v54 =	vld.idx.msk [tilespmem:v5+s23+$0x0], $0xffff  }
0x387: {  	v45 =	vshrl.u32 v56, $0x3  }
0x388: {  	v45 =	vshll.u32 v45, v2  }
0x389: {  	[tilespmem:v53+s17+$0x0] =	vst.idx.msk $0xffff, v39;
	v39 =	vbroadcast v45, $0x0  }
0x38a: {  	v58 =	vadd.s32 v26, v43;
	[tilespmem:v37+s17+$0x0] =	vst.idx.msk $0xffff, v41;
	v57 =	vld.idx.msk [tilespmem:v3+s0+$0x140], $0xffff  }
0x38b: {  	[tilespmem:v55+s17+$0x0] =	vst.idx.msk $0xffff, v54;
	v41 =	vld.idx.msk [tilespmem:v0+s25+$0xC0], $0xffff;
	v59 =	vadd.s32 v17, v39  }
0x38c: {  	s12 =	simm.s32 $0x21;
	v38 =	vadd.s32 v8, v38;
	v44 =	vld.idx.msk [tilespmem:v7+s23+$0x0], $0xffff  }
0x38d: {  	v60 =	vmov s12  }
0x38e: {  	v45 =	vshrl.u32 v60, $0x3  }
0x38f: {  	v61 =	vshll.u32 v45, v2;
	[tilespmem:v58+s17+$0x0] =	vst.idx.msk $0xffff, v57  }
0x390: {  	v62 =	vadd.s32 v27, v43;
	v37 =	vbroadcast v61, $0x0;
	[tilespmem:v59+s17+$0x0] =	vst.idx.msk $0xffff, v41;
	v40 =	vld.idx.msk [tilespmem:v5+s0+$0x140], $0xffff  }
0x391: {  	[tilespmem:v38+s17+$0x0] =	vst.idx.msk $0xffff, v44;
	v48 =	vadd.s32 v18, v39;
	v63 =	vld.idx.msk [tilespmem:v3+s25+$0xC0], $0xffff  }
0x392: {  	v44 =	vld.idx.msk [tilespmem:v0+s23+$0x40], $0xffff;
	v49 =	vadd.s32 v9, v37;
	_ =	sdelay $0x2  }
0x393: {  	[tilespmem:v62+s17+$0x0] =	vst.idx.msk $0xffff, v40  }
0x394: {  	s18 =	simm.s32 $0x6;
	v51 =	vadd.s32 v28, v43;
	[tilespmem:v48+s17+$0x0] =	vst.idx.msk $0xffff, v63;
	v50 =	vld.idx.msk [tilespmem:v7+s0+$0x140], $0xffff  }
0x395: {  	v54 =	vmov s18;
	v53 =	vadd.s32 v19, v39;
	[tilespmem:v49+s17+$0x0] =	vst.idx.msk $0xffff, v44;
	v52 =	vld.idx.msk [tilespmem:v5+s25+$0xC0], $0xffff  }
0x396: {  	v43 =	vshrl.u32 v54, $0x3;
	v55 =	vadd.s32 v10, v37;
	v44 =	vld.idx.msk [tilespmem:v3+s23+$0x40], $0xffff  }
0x397: {  	v43 =	vshll.u32 v43, v2  }
0x398: {  	v43 =	vbroadcast v43, $0x0  }
0x399: {  	[tilespmem:v51+s17+$0x0] =	vst.idx.msk $0xffff, v50  }
0x39a: {  	v56 =	vadd.s32 v29, v43;
	[tilespmem:v53+s17+$0x0] =	vst.idx.msk $0xffff, v52;
	v38 =	vld.idx.msk [tilespmem:v0+s0+$0x180], $0xffff  }
0x39b: {  	s19 =	simm.s32 $0x14;
	v39 =	vadd.s32 v20, v39;
	[tilespmem:v55+s17+$0x0] =	vst.idx.msk $0xffff, v44;
	v41 =	vld.idx.msk [tilespmem:v7+s25+$0xC0], $0xffff  }
0x39c: {  	v58 =	vadd.s32 v11, v37;
	v59 =	vmov s19;
	v57 =	vld.idx.msk [tilespmem:v5+s23+$0x40], $0xffff  }
0x39d: {  	v45 =	vshrl.u32 v59, $0x3  }
0x39e: {  	v45 =	vshll.u32 v45, v2  }
0x39f: {  	[tilespmem:v56+s17+$0x0] =	vst.idx.msk $0xffff, v38;
	v38 =	vbroadcast v45, $0x0  }
0x3a0: {  	v61 =	vadd.s32 v30, v43;
	[tilespmem:v39+s17+$0x0] =	vst.idx.msk $0xffff, v41;
	v60 =	vld.idx.msk [tilespmem:v3+s0+$0x180], $0xffff  }
0x3a1: {  	[tilespmem:v58+s17+$0x0] =	vst.idx.msk $0xffff, v57;
	v41 =	vld.idx.msk [tilespmem:v0+s25+$0x100], $0xffff;
	v62 =	vadd.s32 v21, v38  }
0x3a2: {  	s20 =	simm.s32 $0x22;
	v37 =	vadd.s32 v12, v37;
	v44 =	vld.idx.msk [tilespmem:v7+s23+$0x40], $0xffff  }
0x3a3: {  	v63 =	vmov s20  }
0x3a4: {  	v45 =	vshrl.u32 v63, $0x3  }
0x3a5: {  	v48 =	vshll.u32 v45, v2;
	[tilespmem:v61+s17+$0x0] =	vst.idx.msk $0xffff, v60  }
0x3a6: {  	v49 =	vadd.s32 v31, v43;
	v39 =	vbroadcast v48, $0x0;
	[tilespmem:v62+s17+$0x0] =	vst.idx.msk $0xffff, v41;
	v40 =	vld.idx.msk [tilespmem:v5+s0+$0x180], $0xffff  }
0x3a7: {  	v51 =	vadd.s32 v22, v38;
	[tilespmem:v37+s17+$0x0] =	vst.idx.msk $0xffff, v44;
	v50 =	vld.idx.msk [tilespmem:v3+s25+$0x100], $0xffff  }
0x3a8: {  	v44 =	vld.idx.msk [tilespmem:v0+s23+$0x80], $0xffff;
	v52 =	vadd.s32 v13, v39  }
0x3a9: {  	s24 =	simm.s32 $0x30  }
0x3aa: {  	v46 =	vmov s24  }
0x3ab: {  	v53 =	vshrl.u32 v46, $0x3;
	[tilespmem:v49+s17+$0x0] =	vst.idx.msk $0xffff, v40  }
0x3ac: {  	s26 =	simm.s32 $0x7;
	v55 =	vadd.s32 v32, v43;
	v40 =	vshll.u32 v53, v2;
	[tilespmem:v51+s17+$0x0] =	vst.idx.msk $0xffff, v50;
	v54 =	vld.idx.msk [tilespmem:v7+s0+$0x180], $0xffff  }
0x3ad: {  	v57 =	vmov s26;
	v56 =	vadd.s32 v23, v38;
	[tilespmem:v52+s17+$0x0] =	vst.idx.msk $0xffff, v44;
	v40 =	vbroadcast v40, $0x0;
	v42 =	vld.idx.msk [tilespmem:v5+s25+$0x100], $0xffff  }
0x3ae: {  	s24 =	simm.s32 $0x4E00;
	v58 =	vadd.s32 v14, v39;
	v44 =	vshrl.u32 v57, $0x3;
	v45 =	vld.idx.msk [tilespmem:v3+s23+$0x80], $0xffff  }
0x3af: {  	v47 =	vld.idx.msk [tilespmem:v0+s24+$0x0], $0xffff;
	v44 =	vshll.u32 v44, v2;
	v48 =	vadd.s32 v1, v40  }
0x3b0: {  	v44 =	vbroadcast v44, $0x0  }
0x3b1: {  	[tilespmem:v55+s17+$0x0] =	vst.idx.msk $0xffff, v54  }
0x3b2: {  	v59 =	vadd.s32 v33, v44;
	[tilespmem:v56+s17+$0x0] =	vst.idx.msk $0xffff, v42;
	v37 =	vld.idx.msk [tilespmem:v0+s0+$0x1C0], $0xffff  }
0x3b3: {  	s31 =	simm.s32 $0x15;
	v38 =	vadd.s32 v24, v38;
	[tilespmem:v58+s17+$0x0] =	vst.idx.msk $0xffff, v45;
	v42 =	vld.idx.msk [tilespmem:v7+s25+$0x100], $0xffff  }
0x3b4: {  	v61 =	vadd.s32 v15, v39;
	v62 =	vmov s31;
	v60 =	vld.idx.msk [tilespmem:v5+s23+$0x80], $0xffff;
	[tilespmem:v48+s17+$0x0] =	vst.idx.msk $0xffff, v47  }
0x3b5: {  	v46 =	vshrl.u32 v62, $0x3;
	v63 =	vadd.s32 v4, v40;
	v47 =	vld.idx.msk [tilespmem:v3+s24+$0x0], $0xffff  }
0x3b6: {  	v46 =	vshll.u32 v46, v2  }
0x3b7: {  	[tilespmem:v59+s17+$0x0] =	vst.idx.msk $0xffff, v37;
	v37 =	vbroadcast v46, $0x0  }
0x3b8: {  	v53 =	vadd.s32 v34, v44;
	[tilespmem:v38+s17+$0x0] =	vst.idx.msk $0xffff, v42;
	v52 =	vld.idx.msk [tilespmem:v3+s0+$0x1C0], $0xffff  }
0x3b9: {  	[tilespmem:v61+s17+$0x0] =	vst.idx.msk $0xffff, v60;
	v42 =	vld.idx.msk [tilespmem:v0+s25+$0x140], $0xffff;
	v54 =	vadd.s32 v25, v37  }
0x3ba: {  	s5 =	simm.s32 $0x23;
	v39 =	vadd.s32 v16, v39;
	v45 =	vld.idx.msk [tilespmem:v7+s23+$0x80], $0xffff;
	[tilespmem:v63+s17+$0x0] =	vst.idx.msk $0xffff, v47  }
0x3bb: {  	v57 =	vmov s5;
	v56 =	vadd.s32 v6, v40;
	v55 =	vld.idx.msk [tilespmem:v5+s24+$0x0], $0xffff  }
0x3bc: {  	v48 =	vshrl.u32 v57, $0x3  }
0x3bd: {  	v58 =	vshll.u32 v48, v2;
	[tilespmem:v53+s17+$0x0] =	vst.idx.msk $0xffff, v52  }
0x3be: {  	v59 =	vadd.s32 v35, v44;
	v38 =	vbroadcast v58, $0x0;
	[tilespmem:v54+s17+$0x0] =	vst.idx.msk $0xffff, v42;
	v41 =	vld.idx.msk [tilespmem:v5+s0+$0x1C0], $0xffff  }
0x3bf: {  	v61 =	vadd.s32 v26, v37;
	[tilespmem:v39+s17+$0x0] =	vst.idx.msk $0xffff, v45;
	v60 =	vld.idx.msk [tilespmem:v3+s25+$0x140], $0xffff  }
0x3c0: {  	v62 =	vadd.s32 v17, v38;
	v45 =	vld.idx.msk [tilespmem:v0+s23+$0xC0], $0xffff;
	[tilespmem:v56+s17+$0x0] =	vst.idx.msk $0xffff, v55  }
0x3c1: {  	s7 =	simm.s32 $0x31;
	v40 =	vadd.s32 v8, v40;
	v47 =	vld.idx.msk [tilespmem:v7+s24+$0x0], $0xffff  }
0x3c2: {  	v63 =	vmov s7  }
0x3c3: {  	v51 =	vshrl.u32 v63, $0x3;
	[tilespmem:v59+s17+$0x0] =	vst.idx.msk $0xffff, v41  }
0x3c4: {  	s9 =	simm.s32 $0x8;
	v53 =	vadd.s32 v36, v44;
	v41 =	vshll.u32 v51, v2;
	[tilespmem:v61+s17+$0x0] =	vst.idx.msk $0xffff, v60;
	v52 =	vld.idx.msk [tilespmem:v7+s0+$0x1C0], $0xffff  }
0x3c5: {  	v54 =	vadd.s32 v27, v37;
	v55 =	vmov s9;
	[tilespmem:v62+s17+$0x0] =	vst.idx.msk $0xffff, v45;
	v41 =	vbroadcast v41, $0x0;
	v43 =	vld.idx.msk [tilespmem:v5+s25+$0x140], $0xffff  }
0x3c6: {  	v57 =	vadd.s32 v18, v38;
	v45 =	vshrl.u32 v55, $0x3;
	v56 =	vld.idx.msk [tilespmem:v3+s23+$0xC0], $0xffff;
	[tilespmem:v40+s17+$0x0] =	vst.idx.msk $0xffff, v47  }
0x3c7: {  	v45 =	vshll.u32 v45, v2;
	v47 =	vld.idx.msk [tilespmem:v0+s24+$0x40], $0xffff;
	v58 =	vadd.s32 v9, v41  }
0x3c8: {  	v45 =	vbroadcast v45, $0x0  }
0x3c9: {  	[tilespmem:v53+s17+$0x0] =	vst.idx.msk $0xffff, v52  }
0x3ca: {  	v59 =	vadd.s32 v1, v45;
	[tilespmem:v54+s17+$0x0] =	vst.idx.msk $0xffff, v43;
	v39 =	vld.idx.msk [tilespmem:v0+s0+$0x200], $0xffff  }
0x3cb: {  	s12 =	simm.s32 $0x16;
	v37 =	vadd.s32 v28, v37;
	[tilespmem:v57+s17+$0x0] =	vst.idx.msk $0xffff, v56;
	v60 =	vld.idx.msk [tilespmem:v7+s25+$0x140], $0xffff  }
0x3cc: {  	v63 =	vmov s12;
	v62 =	vadd.s32 v19, v38;
	v61 =	vld.idx.msk [tilespmem:v5+s23+$0xC0], $0xffff;
	[tilespmem:v58+s17+$0x0] =	vst.idx.msk $0xffff, v47  }
0x3cd: {  	v46 =	vshrl.u32 v63, $0x3;
	v52 =	vadd.s32 v10, v41;
	v47 =	vld.idx.msk [tilespmem:v3+s24+$0x40], $0xffff  }
0x3ce: {  	v46 =	vshll.u32 v46, v2  }
0x3cf: {  	[tilespmem:v59+s17+$0x0] =	vst.idx.msk $0xffff, v39;
	v39 =	vbroadcast v46, $0x0  }
0x3d0: {  	v54 =	vadd.s32 v4, v45;
	[tilespmem:v37+s17+$0x0] =	vst.idx.msk $0xffff, v60;
	v53 =	vld.idx.msk [tilespmem:v3+s0+$0x200], $0xffff  }
0x3d1: {  	[tilespmem:v62+s17+$0x0] =	vst.idx.msk $0xffff, v61;
	v55 =	vld.idx.msk [tilespmem:v0+s25+$0x180], $0xffff;
	v56 =	vadd.s32 v29, v39  }
0x3d2: {  	s18 =	simm.s32 $0x24;
	v38 =	vadd.s32 v20, v38;
	v44 =	vld.idx.msk [tilespmem:v7+s23+$0xC0], $0xffff;
	[tilespmem:v52+s17+$0x0] =	vst.idx.msk $0xffff, v47  }
0x3d3: {  	v58 =	vadd.s32 v11, v41;
	v59 =	vmov s18;
	v57 =	vld.idx.msk [tilespmem:v5+s24+$0x40], $0xffff  }
0x3d4: {  	v48 =	vshrl.u32 v59, $0x3  }
0x3d5: {  	v60 =	vshll.u32 v48, v2;
	[tilespmem:v54+s17+$0x0] =	vst.idx.msk $0xffff, v53  }
0x3d6: {  	v61 =	vadd.s32 v6, v45;
	v37 =	vbroadcast v60, $0x0;
	[tilespmem:v56+s17+$0x0] =	vst.idx.msk $0xffff, v55;
	v40 =	vld.idx.msk [tilespmem:v5+s0+$0x200], $0xffff  }
0x3d7: {  	v63 =	vadd.s32 v30, v39;
	[tilespmem:v38+s17+$0x0] =	vst.idx.msk $0xffff, v44;
	v62 =	vld.idx.msk [tilespmem:v3+s25+$0x180], $0xffff  }
0x3d8: {  	v44 =	vld.idx.msk [tilespmem:v0+s23+$0x100], $0xffff;
	v52 =	vadd.s32 v21, v37;
	[tilespmem:v58+s17+$0x0] =	vst.idx.msk $0xffff, v57  }
0x3d9: {  	s19 =	simm.s32 $0x32;
	v41 =	vadd.s32 v12, v41;
	v47 =	vld.idx.msk [tilespmem:v7+s24+$0x40], $0xffff  }
0x3da: {  	v53 =	vmov s19  }
0x3db: {  	v54 =	vshrl.u32 v53, $0x3;
	[tilespmem:v61+s17+$0x0] =	vst.idx.msk $0xffff, v40  }
0x3dc: {  	s20 =	simm.s32 $0x9;
	v56 =	vadd.s32 v8, v45;
	v40 =	vshll.u32 v54, v2;
	[tilespmem:v63+s17+$0x0] =	vst.idx.msk $0xffff, v62;
	v55 =	vld.idx.msk [tilespmem:v7+s0+$0x200], $0xffff  }
0x3dd: {  	v57 =	vadd.s32 v31, v39;
	v58 =	vmov s20;
	[tilespmem:v52+s17+$0x0] =	vst.idx.msk $0xffff, v44;
	v40 =	vbroadcast v40, $0x0;
	v43 =	vld.idx.msk [tilespmem:v5+s25+$0x180], $0xffff  }
0x3de: {  	v60 =	vadd.s32 v22, v37;
	v45 =	vshrl.u32 v58, $0x3;
	v59 =	vld.idx.msk [tilespmem:v3+s23+$0x100], $0xffff;
	[tilespmem:v41+s17+$0x0] =	vst.idx.msk $0xffff, v47  }
0x3df: {  	v45 =	vshll.u32 v45, v2;
	v47 =	vld.idx.msk [tilespmem:v0+s24+$0x80], $0xffff;
	v61 =	vadd.s32 v13, v40  }
0x3e0: {  	s26 =	simm.s32 $0x40;
	v45 =	vbroadcast v45, $0x0  }
0x3e1: {  	v62 =	vmov s26;
	[tilespmem:v56+s17+$0x0] =	vst.idx.msk $0xffff, v55  }
0x3e2: {  	v63 =	vadd.s32 v9, v45;
	v38 =	vshrl.u32 v62, $0x3;
	[tilespmem:v57+s17+$0x0] =	vst.idx.msk $0xffff, v43;
	v42 =	vld.idx.msk [tilespmem:v0+s0+$0x240], $0xffff  }
0x3e3: {  	s31 =	simm.s32 $0x17;
	v39 =	vadd.s32 v32, v39;
	v38 =	vshll.u32 v38, v2;
	[tilespmem:v60+s17+$0x0] =	vst.idx.msk $0xffff, v59;
	v54 =	vld.idx.msk [tilespmem:v7+s25+$0x180], $0xffff  }
0x3e4: {  	v38 =	vbroadcast v38, $0x0;
	v55 =	vld.idx.msk [tilespmem:v5+s23+$0x100], $0xffff;
	v56 =	vadd.s32 v23, v37;
	v57 =	vmov s31;
	[tilespmem:v61+s17+$0x0] =	vst.idx.msk $0xffff, v47  }
0x3e5: {  	s26 =	simm.s32 $0x5200;
	v49 =	vadd.s32 v14, v40;
	v47 =	vshrl.u32 v57, $0x3;
	v48 =	vld.idx.msk [tilespmem:v3+s24+$0x80], $0xffff  }
0x3e6: {  	v50 =	vld.idx.msk [tilespmem:v0+s26+$0x0], $0xffff;
	v51 =	vadd.s32 v1, v38;
	v47 =	vshll.u32 v47, v2  }
0x3e7: {  	[tilespmem:v63+s17+$0x0] =	vst.idx.msk $0xffff, v42;
	v42 =	vbroadcast v47, $0x0  }
0x3e8: {  	v59 =	vadd.s32 v10, v45;
	[tilespmem:v39+s17+$0x0] =	vst.idx.msk $0xffff, v54;
	v58 =	vld.idx.msk [tilespmem:v3+s0+$0x240], $0xffff  }
0x3e9: {  	[tilespmem:v56+s17+$0x0] =	vst.idx.msk $0xffff, v55;
	v60 =	vld.idx.msk [tilespmem:v0+s25+$0x1C0], $0xffff;
	v61 =	vadd.s32 v33, v42  }
0x3ea: {  	s5 =	simm.s32 $0x25;
	v37 =	vadd.s32 v24, v37;
	v46 =	vld.idx.msk [tilespmem:v7+s23+$0x100], $0xffff;
	[tilespmem:v49+s17+$0x0] =	vst.idx.msk $0xffff, v48  }
0x3eb: {  	[tilespmem:v51+s17+$0x0] =	vst.idx.msk $0xffff, v50;
	v63 =	vadd.s32 v15, v40;
	v54 =	vmov s5;
	v62 =	vld.idx.msk [tilespmem:v5+s24+$0x80], $0xffff  }
0x3ec: {  	v55 =	vadd.s32 v4, v38;
	v50 =	vld.idx.msk [tilespmem:v3+s26+$0x0], $0xffff;
	v49 =	vshrl.u32 v54, $0x3  }
0x3ed: {  	v56 =	vshll.u32 v49, v2;
	[tilespmem:v59+s17+$0x0] =	vst.idx.msk $0xffff, v58  }
0x3ee: {  	v57 =	vadd.s32 v11, v45;
	v39 =	vbroadcast v56, $0x0;
	[tilespmem:v61+s17+$0x0] =	vst.idx.msk $0xffff, v60;
	v41 =	vld.idx.msk [tilespmem:v5+s0+$0x240], $0xffff  }
0x3ef: {  	[tilespmem:v37+s17+$0x0] =	vst.idx.msk $0xffff, v46;
	v59 =	vadd.s32 v34, v42;
	v58 =	vld.idx.msk [tilespmem:v3+s25+$0x1C0], $0xffff  }
0x3f0: {  	v46 =	vld.idx.msk [tilespmem:v0+s23+$0x140], $0xffff;
	v60 =	vadd.s32 v25, v39;
	[tilespmem:v63+s17+$0x0] =	vst.idx.msk $0xffff, v62  }
0x3f1: {  	s7 =	simm.s32 $0x33;
	v40 =	vadd.s32 v16, v40;
	[tilespmem:v55+s17+$0x0] =	vst.idx.msk $0xffff, v50;
	v48 =	vld.idx.msk [tilespmem:v7+s24+$0x80], $0xffff  }
0x3f2: {  	v61 =	vld.idx.msk [tilespmem:v5+s26+$0x0], $0xffff;
	v62 =	vadd.s32 v6, v38;
	v63 =	vmov s7  }
0x3f3: {  	v54 =	vshrl.u32 v63, $0x3;
	[tilespmem:v57+s17+$0x0] =	vst.idx.msk $0xffff, v41  }
0x3f4: {  	s9 =	simm.s32 $0xA;
	v56 =	vadd.s32 v12, v45;
	v41 =	vshll.u32 v54, v2;
	[tilespmem:v59+s17+$0x0] =	vst.idx.msk $0xffff, v58;
	v55 =	vld.idx.msk [tilespmem:v7+s0+$0x240], $0xffff  }
0x3f5: {  	[tilespmem:v60+s17+$0x0] =	vst.idx.msk $0xffff, v46;
	v57 =	vadd.s32 v35, v42;
	v41 =	vbroadcast v41, $0x0;
	v58 =	vmov s9;
	v44 =	vld.idx.msk [tilespmem:v5+s25+$0x1C0], $0xffff  }
0x3f6: {  	v60 =	vadd.s32 v26, v39;
	v59 =	vld.idx.msk [tilespmem:v3+s23+$0x140], $0xffff;
	[tilespmem:v40+s17+$0x0] =	vst.idx.msk $0xffff, v48;
	v46 =	vshrl.u32 v58, $0x3  }
0x3f7: {  	[tilespmem:v62+s17+$0x0] =	vst.idx.msk $0xffff, v61;
	v48 =	vld.idx.msk [tilespmem:v0+s24+$0xC0], $0xffff;
	v61 =	vadd.s32 v17, v41;
	v46 =	vshll.u32 v46, v2  }
0x3f8: {  	s12 =	simm.s32 $0x41;
	v38 =	vadd.s32 v8, v38;
	v50 =	vld.idx.msk [tilespmem:v7+s26+$0x0], $0xffff;
	v46 =	vbroadcast v46, $0x0  }
0x3f9: {  	v62 =	vmov s12;
	[tilespmem:v56+s17+$0x0] =	vst.idx.msk $0xffff, v55  }
0x3fa: {  	v37 =	vshrl.u32 v62, $0x3;
	v63 =	vadd.s32 v13, v46;
	[tilespmem:v57+s17+$0x0] =	vst.idx.msk $0xffff, v44;
	v43 =	vld.idx.msk [tilespmem:v0+s0+$0x280], $0xffff  }
0x3fb: {  	s18 =	simm.s32 $0x18;
	v42 =	vadd.s32 v36, v42;
	v37 =	vshll.u32 v37, v2;
	[tilespmem:v60+s17+$0x0] =	vst.idx.msk $0xffff, v59;
	v54 =	vld.idx.msk [tilespmem:v7+s25+$0x1C0], $0xffff  }
0x3fc: {  	v37 =	vbroadcast v37, $0x0;
	v56 =	vadd.s32 v27, v39;
	v55 =	vld.idx.msk [tilespmem:v5+s23+$0x140], $0xffff;
	v57 =	vmov s18;
	[tilespmem:v61+s17+$0x0] =	vst.idx.msk $0xffff, v48  }
0x3fd: {  	v59 =	vadd.s32 v18, v41;
	[tilespmem:v38+s17+$0x0] =	vst.idx.msk $0xffff, v50;
	v48 =	vshrl.u32 v57, $0x3;
	v58 =	vld.idx.msk [tilespmem:v3+s24+$0xC0], $0xffff  }
0x3fe: {  	v60 =	vadd.s32 v9, v37;
	v50 =	vld.idx.msk [tilespmem:v0+s26+$0x40], $0xffff;
	v48 =	vshll.u32 v48, v2  }
0x3ff: {  	[tilespmem:v63+s17+$0x0] =	vst.idx.msk $0xffff, v43;
	v43 =	vbroadcast v48, $0x0  }
0x400: {  	v62 =	vadd.s32 v14, v46;
	[tilespmem:v42+s17+$0x0] =	vst.idx.msk $0xffff, v54;
	v61 =	vld.idx.msk [tilespmem:v3+s0+$0x280], $0xffff  }
0x401: {  	[tilespmem:v56+s17+$0x0] =	vst.idx.msk $0xffff, v55;
	v63 =	vld.idx.msk [tilespmem:v0+s25+$0x200], $0xffff;
	v54 =	vadd.s32 v1, v43  }
0x402: {  	s19 =	simm.s32 $0x26;
	v39 =	vadd.s32 v28, v39;
	v55 =	vld.idx.msk [tilespmem:v7+s23+$0x140], $0xffff;
	[tilespmem:v59+s17+$0x0] =	vst.idx.msk $0xffff, v58  }
0x403: {  	v57 =	vadd.s32 v19, v41;
	[tilespmem:v60+s17+$0x0] =	vst.idx.msk $0xffff, v50;
	v58 =	vmov s19;
	v56 =	vld.idx.msk [tilespmem:v5+s24+$0xC0], $0xffff  }
0x404: {  	v50 =	vld.idx.msk [tilespmem:v3+s26+$0x40], $0xffff;
	v59 =	vadd.s32 v10, v37;
	v49 =	vshrl.u32 v58, $0x3  }
0x405: {  	v60 =	vshll.u32 v49, v2;
	[tilespmem:v62+s17+$0x0] =	vst.idx.msk $0xffff, v61  }
0x406: {  	v40 =	vbroadcast v60, $0x0;
	v61 =	vadd.s32 v15, v46;
	[tilespmem:v54+s17+$0x0] =	vst.idx.msk $0xffff, v63;
	v42 =	vld.idx.msk [tilespmem:v5+s0+$0x280], $0xffff  }
0x407: {  	[tilespmem:v39+s17+$0x0] =	vst.idx.msk $0xffff, v55;
	v63 =	vadd.s32 v4, v43;
	v62 =	vld.idx.msk [tilespmem:v3+s25+$0x200], $0xffff  }
0x408: {  	v54 =	vld.idx.msk [tilespmem:v0+s23+$0x180], $0xffff;
	v55 =	vadd.s32 v29, v40;
	[tilespmem:v57+s17+$0x0] =	vst.idx.msk $0xffff, v56  }
0x409: {  	s20 =	simm.s32 $0x34;
	v41 =	vadd.s32 v20, v41;
	[tilespmem:v59+s17+$0x0] =	vst.idx.msk $0xffff, v50;
	v48 =	vld.idx.msk [tilespmem:v7+s24+$0xC0], $0xffff  }
0x40a: {  	v58 =	vmov s20;
	v56 =	vld.idx.msk [tilespmem:v5+s26+$0x40], $0xffff;
	v57 =	vadd.s32 v11, v37  }
0x40b: {  	v59 =	vshrl.u32 v58, $0x3;
	[tilespmem:v61+s17+$0x0] =	vst.idx.msk $0xffff, v42  }
0x40c: {  	s31 =	simm.s32 $0xB;
	v61 =	vshll.u32 v59, v2;
	[tilespmem:v63+s17+$0x0] =	vst.idx.msk $0xffff, v62;
	v60 =	vld.idx.msk [tilespmem:v7+s0+$0x280], $0xffff;
	v62 =	vadd.s32 v16, v46  }
0x40d: {  	v53 =	vmov s31;
	v52 =	vadd.s32 v6, v43;
	[tilespmem:v55+s17+$0x0] =	vst.idx.msk $0xffff, v54;
	v39 =	vbroadcast v61, $0x0;
	v63 =	vld.idx.msk [tilespmem:v5+s25+$0x200], $0xffff  }
0x40e: {  	v55 =	vadd.s32 v30, v40;
	v54 =	vld.idx.msk [tilespmem:v3+s23+$0x180], $0xffff;
	v46 =	vshrl.u32 v53, $0x3;
	[tilespmem:v41+s17+$0x0] =	vst.idx.msk $0xffff, v48  }
0x40f: {  	[tilespmem:v57+s17+$0x0] =	vst.idx.msk $0xffff, v56;
	v46 =	vshll.u32 v46, v2;
	v48 =	vld.idx.msk [tilespmem:v0+s24+$0x100], $0xffff;
	v56 =	vadd.s32 v21, v39  }
0x410: {  	s5 =	simm.s32 $0x42;
	v37 =	vadd.s32 v12, v37;
	v50 =	vld.idx.msk [tilespmem:v7+s26+$0x40], $0xffff;
	v46 =	vbroadcast v46, $0x0  }
0x411: {  	v57 =	vmov s5;
	[tilespmem:v62+s17+$0x0] =	vst.idx.msk $0xffff, v60  }
0x412: {  	v38 =	vshrl.u32 v57, $0x3;
	v58 =	vadd.s32 v17, v46;
	[tilespmem:v52+s17+$0x0] =	vst.idx.msk $0xffff, v63;
	v42 =	vld.idx.msk [tilespmem:v0+s0+$0x2C0], $0xffff  }
0x413: {  	s7 =	simm.s32 $0x19;
	v43 =	vadd.s32 v8, v43;
	v38 =	vshll.u32 v38, v2;
	[tilespmem:v55+s17+$0x0] =	vst.idx.msk $0xffff, v54;
	v59 =	vld.idx.msk [tilespmem:v7+s25+$0x200], $0xffff  }
0x414: {  	v61 =	vadd.s32 v31, v40;
	v38 =	vbroadcast v38, $0x0;
	v62 =	vmov s7;
	v60 =	vld.idx.msk [tilespmem:v5+s23+$0x180], $0xffff;
	[tilespmem:v56+s17+$0x0] =	vst.idx.msk $0xffff, v48  }
0x415: {  	v54 =	vadd.s32 v22, v39;
	[tilespmem:v37+s17+$0x0] =	vst.idx.msk $0xffff, v50;
	v48 =	vshrl.u32 v62, $0x3;
	v63 =	vld.idx.msk [tilespmem:v3+s24+$0x100], $0xffff  }
0x416: {  	v55 =	vadd.s32 v13, v38;
	v50 =	vld.idx.msk [tilespmem:v0+s26+$0x80], $0xffff;
	v48 =	vshll.u32 v48, v2  }
0x417: {  	s9 =	simm.s32 $0x50;
	[tilespmem:v58+s17+$0x0] =	vst.idx.msk $0xffff, v42;
	v42 =	vbroadcast v48, $0x0  }
0x418: {  	v57 =	vadd.s32 v18, v46;
	v56 =	vmov s9;
	[tilespmem:v43+s17+$0x0] =	vst.idx.msk $0xffff, v59;
	v41 =	vld.idx.msk [tilespmem:v3+s0+$0x2C0], $0xffff  }
0x419: {  	[tilespmem:v61+s17+$0x0] =	vst.idx.msk $0xffff, v60;
	v43 =	vshrl.u32 v56, $0x3;
	v58 =	vld.idx.msk [tilespmem:v0+s25+$0x240], $0xffff;
	v59 =	vadd.s32 v9, v42  }
0x41a: {  	s12 =	simm.s32 $0x27;
	v40 =	vadd.s32 v32, v40;
	v60 =	vld.idx.msk [tilespmem:v7+s23+$0x180], $0xffff;
	[tilespmem:v54+s17+$0x0] =	vst.idx.msk $0xffff, v63;
	v43 =	vshll.u32 v43, v2  }
0x41b: {  	v62 =	vadd.s32 v23, v39;
	[tilespmem:v55+s17+$0x0] =	vst.idx.msk $0xffff, v50;
	v63 =	vmov s12;
	v61 =	vld.idx.msk [tilespmem:v5+s24+$0x100], $0xffff;
	v43 =	vbroadcast v43, $0x0  }
0x41c: {  	s28 =	simm.s32 $0x5600;
	v52 =	vadd.s32 v14, v38;
	v51 =	vld.idx.msk [tilespmem:v3+s26+$0x80], $0xffff;
	v50 =	vshrl.u32 v63, $0x3  }
0x41d: {  	v53 =	vld.idx.msk [tilespmem:v0+s28+$0x0], $0xffff;
	v56 =	vshll.u32 v50, v2;
	v54 =	vadd.s32 v1, v43;
	[tilespmem:v57+s17+$0x0] =	vst.idx.msk $0xffff, v41  }
0x41e: {  	v41 =	vbroadcast v56, $0x0;
	v57 =	vadd.s32 v19, v46;
	[tilespmem:v59+s17+$0x0] =	vst.idx.msk $0xffff, v58;
	v44 =	vld.idx.msk [tilespmem:v5+s0+$0x2C0], $0xffff  }
0x41f: {  	[tilespmem:v40+s17+$0x0] =	vst.idx.msk $0xffff, v60;
	v59 =	vadd.s32 v10, v42;
	v58 =	vld.idx.msk [tilespmem:v3+s25+$0x240], $0xffff  }
0x420: {  	v60 =	vld.idx.msk [tilespmem:v0+s23+$0x1C0], $0xffff;
	[tilespmem:v62+s17+$0x0] =	vst.idx.msk $0xffff, v61;
	v61 =	vadd.s32 v33, v41  }
0x421: {  	s18 =	simm.s32 $0x35;
	v39 =	vadd.s32 v24, v39;
	[tilespmem:v52+s17+$0x0] =	vst.idx.msk $0xffff, v51;
	v49 =	vld.idx.msk [tilespmem:v7+s24+$0x100], $0xffff  }
0x422: {  	v51 =	vadd.s32 v15, v38;
	v50 =	vld.idx.msk [tilespmem:v5+s26+$0x80], $0xffff;
	v62 =	vmov s18;
	[tilespmem:v54+s17+$0x0] =	vst.idx.msk $0xffff, v53  }
0x423: {  	v63 =	vadd.s32 v4, v43;
	v52 =	vshrl.u32 v62, $0x3;
	v53 =	vld.idx.msk [tilespmem:v3+s28+$0x0], $0xffff;
	[tilespmem:v57+s17+$0x0] =	vst.idx.msk $0xffff, v44  }
0x424: {  	s19 =	simm.s32 $0xC;
	v56 =	vadd.s32 v20, v46;
	v55 =	vshll.u32 v52, v2;
	[tilespmem:v59+s17+$0x0] =	vst.idx.msk $0xffff, v58;
	v37 =	vld.idx.msk [tilespmem:v7+s0+$0x2C0], $0xffff  }
0x425: {  	v40 =	vbroadcast v55, $0x0;
	[tilespmem:v61+s17+$0x0] =	vst.idx.msk $0xffff, v60;
	v58 =	vadd.s32 v11, v42;
	v59 =	vmov s19;
	v57 =	vld.idx.msk [tilespmem:v5+s25+$0x240], $0xffff  }
0x426: {  	v61 =	vadd.s32 v34, v41;
	[tilespmem:v39+s17+$0x0] =	vst.idx.msk $0xffff, v49;
	v60 =	vld.idx.msk [tilespmem:v3+s23+$0x1C0], $0xffff;
	v47 =	vshrl.u32 v59, $0x3  }
0x427: {  	[tilespmem:v51+s17+$0x0] =	vst.idx.msk $0xffff, v50;
	v62 =	vadd.s32 v25, v40;
	v49 =	vld.idx.msk [tilespmem:v0+s24+$0x140], $0xffff;
	v47 =	vshll.u32 v47, v2  }
0x428: {  	s20 =	simm.s32 $0x43;
	v38 =	vadd.s32 v16, v38;
	v51 =	vld.idx.msk [tilespmem:v7+s26+$0x80], $0xffff;
	[tilespmem:v63+s17+$0x0] =	vst.idx.msk $0xffff, v53;
	v47 =	vbroadcast v47, $0x0  }
0x429: {  	v55 =	vmov s20;
	v63 =	vadd.s32 v6, v43;
	v52 =	vld.idx.msk [tilespmem:v5+s28+$0x0], $0xffff;
	[tilespmem:v56+s17+$0x0] =	vst.idx.msk $0xffff, v37  }
0x42a: {  	v37 =	vshrl.u32 v55, $0x3;
	v56 =	vadd.s32 v21, v47;
	[tilespmem:v58+s17+$0x0] =	vst.idx.msk $0xffff, v57;
	v44 =	vld.idx.msk [tilespmem:v0+s0+$0x300], $0xffff  }
0x42b: {  	s31 =	simm.s32 $0x1A;
	v42 =	vadd.s32 v12, v42;
	[tilespmem:v61+s17+$0x0] =	vst.idx.msk $0xffff, v60;
	v37 =	vshll.u32 v37, v2;
	v57 =	vld.idx.msk [tilespmem:v7+s25+$0x240], $0xffff  }
0x42c: {  	v59 =	vadd.s32 v35, v41;
	v60 =	vmov s31;
	[tilespmem:v62+s17+$0x0] =	vst.idx.msk $0xffff, v49;
	v58 =	vld.idx.msk [tilespmem:v5+s23+$0x1C0], $0xffff;
	v37 =	vbroadcast v37, $0x0  }
0x42d: {  	[tilespmem:v38+s17+$0x0] =	vst.idx.msk $0xffff, v51;
	v62 =	vadd.s32 v26, v40;
	v49 =	vshrl.u32 v60, $0x3;
	v61 =	vld.idx.msk [tilespmem:v3+s24+$0x140], $0xffff  }
0x42e: {  	v51 =	vld.idx.msk [tilespmem:v0+s26+$0xC0], $0xffff;
	v49 =	vshll.u32 v49, v2;
	[tilespmem:v63+s17+$0x0] =	vst.idx.msk $0xffff, v52;
	v63 =	vadd.s32 v17, v37  }
0x42f: {  	s5 =	simm.s32 $0x51;
	v43 =	vadd.s32 v8, v43;
	v53 =	vld.idx.msk [tilespmem:v7+s28+$0x0], $0xffff;
	[tilespmem:v56+s17+$0x0] =	vst.idx.msk $0xffff, v44;
	v44 =	vbroadcast v49, $0x0  }
0x430: {  	v45 =	vadd.s32 v22, v47;
	v56 =	vmov s5;
	[tilespmem:v42+s17+$0x0] =	vst.idx.msk $0xffff, v57;
	v39 =	vld.idx.msk [tilespmem:v3+s0+$0x300], $0xffff  }
0x431: {  	[tilespmem:v59+s17+$0x0] =	vst.idx.msk $0xffff, v58;
	v42 =	vshrl.u32 v56, $0x3;
	v46 =	vld.idx.msk [tilespmem:v0+s25+$0x280], $0xffff;
	v57 =	vadd.s32 v13, v44  }
0x432: {  	s7 =	simm.s32 $0x28;
	v41 =	vadd.s32 v36, v41;
	[tilespmem:v62+s17+$0x0] =	vst.idx.msk $0xffff, v61;
	v58 =	vld.idx.msk [tilespmem:v7+s23+$0x1C0], $0xffff;
	v42 =	vshll.u32 v42, v2  }
0x433: {  	v60 =	vmov s7;
	v59 =	vadd.s32 v27, v40;
	[tilespmem:v63+s17+$0x0] =	vst.idx.msk $0xffff, v51;
	v49 =	vld.idx.msk [tilespmem:v5+s24+$0x140], $0xffff;
	v42 =	vbroadcast v42, $0x0  }
0x434: {  	v62 =	vadd.s32 v18, v37;
	v51 =	vshrl.u32 v60, $0x3;
	[tilespmem:v43+s17+$0x0] =	vst.idx.msk $0xffff, v53;
	v61 =	vld.idx.msk [tilespmem:v3+s26+$0xC0], $0xffff  }
0x435: {  	v56 =	vshll.u32 v51, v2;
	v53 =	vld.idx.msk [tilespmem:v0+s28+$0x40], $0xffff;
	v63 =	vadd.s32 v9, v42;
	[tilespmem:v45+s17+$0x0] =	vst.idx.msk $0xffff, v39  }
0x436: {  	v39 =	vbroadcast v56, $0x0;
	[tilespmem:v57+s17+$0x0] =	vst.idx.msk $0xffff, v46;
	v45 =	vld.idx.msk [tilespmem:v5+s0+$0x300], $0xffff;
	v46 =	vadd.s32 v23, v47  }
0x437: {  	[tilespmem:v41+s17+$0x0] =	vst.idx.msk $0xffff, v58;
	v58 =	vadd.s32 v14, v44;
	v57 =	vld.idx.msk [tilespmem:v3+s25+$0x280], $0xffff  }
0x438: {  	[tilespmem:v59+s17+$0x0] =	vst.idx.msk $0xffff, v49;
	v59 =	vld.idx.msk [tilespmem:v0+s23+$0x200], $0xffff;
	v60 =	vadd.s32 v1, v39  }
0x439: {  	s9 =	simm.s32 $0x36;
	v40 =	vadd.s32 v28, v40;
	[tilespmem:v62+s17+$0x0] =	vst.idx.msk $0xffff, v61;
	v61 =	vld.idx.msk [tilespmem:v7+s24+$0x140], $0xffff  }
0x43a: {  	v62 =	vadd.s32 v19, v37;
	[tilespmem:v63+s17+$0x0] =	vst.idx.msk $0xffff, v53;
	v50 =	vld.idx.msk [tilespmem:v5+s26+$0xC0], $0xffff;
	v63 =	vmov s9  }
0x43b: {  	v54 =	vadd.s32 v10, v42;
	v53 =	vld.idx.msk [tilespmem:v3+s28+$0x40], $0xffff;
	v52 =	vshrl.u32 v63, $0x3;
	[tilespmem:v46+s17+$0x0] =	vst.idx.msk $0xffff, v45  }
0x43c: {  	s12 =	simm.s32 $0xD;
	v56 =	vadd.s32 v24, v47;
	v55 =	vshll.u32 v52, v2;
	[tilespmem:v58+s17+$0x0] =	vst.idx.msk $0xffff, v57;
	v38 =	vld.idx.msk [tilespmem:v7+s0+$0x300], $0xffff  }
0x43d: {  	[tilespmem:v60+s17+$0x0] =	vst.idx.msk $0xffff, v59;
	v41 =	vbroadcast v55, $0x0;
	v58 =	vadd.s32 v15, v44;
	v59 =	vmov s12;
	v57 =	vld.idx.msk [tilespmem:v5+s25+$0x280], $0xffff  }
0x43e: {  	[tilespmem:v40+s17+$0x0] =	vst.idx.msk $0xffff, v61;
	v60 =	vld.idx.msk [tilespmem:v3+s23+$0x200], $0xffff;
	v61 =	vadd.s32 v4, v39;
	v48 =	vshrl.u32 v59, $0x3  }
0x43f: {  	[tilespmem:v62+s17+$0x0] =	vst.idx.msk $0xffff, v50;
	v62 =	vld.idx.msk [tilespmem:v0+s24+$0x180], $0xffff;
	v63 =	vadd.s32 v29, v41;
	v48 =	vshll.u32 v48, v2  }
0x440: {  	s18 =	simm.s32 $0x44;
	v37 =	vadd.s32 v20, v37;
	[tilespmem:v54+s17+$0x0] =	vst.idx.msk $0xffff, v53;
	v51 =	vld.idx.msk [tilespmem:v7+s26+$0xC0], $0xffff;
	v48 =	vbroadcast v48, $0x0  }
0x441: {  	v53 =	vadd.s32 v11, v42;
	v52 =	vld.idx.msk [tilespmem:v5+s28+$0x40], $0xffff;
	[tilespmem:v56+s17+$0x0] =	vst.idx.msk $0xffff, v38;
	v56 =	vmov s18  }
0x442: {  	v46 =	vadd.s32 v25, v48;
	[tilespmem:v58+s17+$0x0] =	vst.idx.msk $0xffff, v57;
	v45 =	vld.idx.msk [tilespmem:v0+s0+$0x340], $0xffff;
	v38 =	vshrl.u32 v56, $0x3  }
0x443: {  	s19 =	simm.s32 $0x1B;
	[tilespmem:v61+s17+$0x0] =	vst.idx.msk $0xffff, v60;
	v58 =	vadd.s32 v16, v44;
	v57 =	vld.idx.msk [tilespmem:v7+s25+$0x280], $0xffff;
	v38 =	vshll.u32 v38, v2  }
0x444: {  	v60 =	vadd.s32 v6, v39;
	v61 =	vmov s19;
	[tilespmem:v63+s17+$0x0] =	vst.idx.msk $0xffff, v62;
	v59 =	vld.idx.msk [tilespmem:v5+s23+$0x200], $0xffff;
	v38 =	vbroadcast v38, $0x0  }
0x445: {  	v63 =	vadd.s32 v30, v41;
	v49 =	vshrl.u32 v61, $0x3;
	[tilespmem:v37+s17+$0x0] =	vst.idx.msk $0xffff, v51;
	v62 =	vld.idx.msk [tilespmem:v3+s24+$0x180], $0xffff  }
0x446: {  	v49 =	vshll.u32 v49, v2;
	[tilespmem:v53+s17+$0x0] =	vst.idx.msk $0xffff, v52;
	v51 =	vld.idx.msk [tilespmem:v0+s26+$0x100], $0xffff;
	v56 =	vadd.s32 v21, v38  }
0x447: {  	v42 =	vadd.s32 v12, v42;
	v53 =	vld.idx.msk [tilespmem:v7+s28+$0x40], $0xffff;
	[tilespmem:v46+s17+$0x0] =	vst.idx.msk $0xffff, v45;
	v45 =	vbroadcast v49, $0x0  }
0x448: {  	s20 =	simm.s32 $0x52;
	[tilespmem:v58+s17+$0x0] =	vst.idx.msk $0xffff, v57;
	v40 =	vld.idx.msk [tilespmem:v3+s0+$0x340], $0xffff;
	v58 =	vadd.s32 v26, v48  }
0x449: {  	v57 =	vmov s20;
	[tilespmem:v60+s17+$0x0] =	vst.idx.msk $0xffff, v59;
	v44 =	vld.idx.msk [tilespmem:v0+s25+$0x2C0], $0xffff;
	v47 =	vadd.s32 v17, v45  }
0x44a: {  	v39 =	vadd.s32 v8, v39;
	v43 =	vshrl.u32 v57, $0x3;
	[tilespmem:v63+s17+$0x0] =	vst.idx.msk $0xffff, v62;
	v59 =	vld.idx.msk [tilespmem:v7+s23+$0x200], $0xffff  }
0x44b: {  	v60 =	vadd.s32 v31, v41;
	v43 =	vshll.u32 v43, v2;
	v49 =	vld.idx.msk [tilespmem:v5+s24+$0x180], $0xffff;
	[tilespmem:v56+s17+$0x0] =	vst.idx.msk $0xffff, v51  }
0x44c: {  	s31 =	simm.s32 $0x29;
	v43 =	vbroadcast v43, $0x0;
	[tilespmem:v42+s17+$0x0] =	vst.idx.msk $0xffff, v53  }
0x44d: {  	v62 =	vadd.s32 v22, v38;
	v63 =	vmov s31;
	v61 =	vld.idx.msk [tilespmem:v3+s26+$0x100], $0xffff;
	[tilespmem:v58+s17+$0x0] =	vst.idx.msk $0xffff, v40  }
0x44e: {  	v52 =	vshrl.u32 v63, $0x3;
	v53 =	vld.idx.msk [tilespmem:v0+s28+$0x80], $0xffff;
	v57 =	vadd.s32 v13, v43;
	[tilespmem:v47+s17+$0x0] =	vst.idx.msk $0xffff, v44  }
0x44f: {  	s5 =	simm.s32 $0x60;
	v58 =	vshll.u32 v52, v2;
	v40 =	vadd.s32 v27, v48;
	v44 =	vld.idx.msk [tilespmem:v5+s0+$0x340], $0xffff;
	[tilespmem:v39+s17+$0x0] =	vst.idx.msk $0xffff, v59  }
0x450: {  	v37 =	vbroadcast v58, $0x0;
	v59 =	vmov s5;
	v39 =	vld.idx.msk [tilespmem:v3+s25+$0x2C0], $0xffff;
	[tilespmem:v60+s17+$0x0] =	vst.idx.msk $0xffff, v49;
	v49 =	vadd.s32 v18, v45  }
0x451: {  	v41 =	vadd.s32 v32, v41;
	v46 =	vshrl.u32 v59, $0x3;
	v60 =	vld.idx.msk [tilespmem:v7+s24+$0x180], $0xffff  }
0x452: {  	v47 =	vld.idx.msk [tilespmem:v0+s23+$0x240], $0xffff;
	v46 =	vshll.u32 v46, v2;
	[tilespmem:v62+s17+$0x0] =	vst.idx.msk $0xffff, v61;
	v61 =	vadd.s32 v9, v37  }
0x453: {  	s7 =	simm.s32 $0x37;
	v46 =	vbroadcast v46, $0x0;
	v62 =	vadd.s32 v23, v38;
	[tilespmem:v57+s17+$0x0] =	vst.idx.msk $0xffff, v53;
	v51 =	vld.idx.msk [tilespmem:v5+s26+$0x100], $0xffff  }
0x454: {  	s29 =	simm.s32 $0x5A00;
	v56 =	vmov s7;
	v55 =	vadd.s32 v14, v43;
	v52 =	vld.idx.msk [tilespmem:v3+s28+$0x80], $0xffff;
	[tilespmem:v40+s17+$0x0] =	vst.idx.msk $0xffff, v44  }
0x455: {  	v63 =	vld.idx.msk [tilespmem:v0+s29+$0x0], $0xffff;
	v58 =	vshrl.u32 v56, $0x3;
	v57 =	vadd.s32 v1, v46;
	[tilespmem:v49+s17+$0x0] =	vst.idx.msk $0xffff, v39  }
0x456: {  	v48 =	vadd.s32 v28, v48;
	v44 =	vshll.u32 v58, v2;
	v59 =	vld.idx.msk [tilespmem:v7+s0+$0x340], $0xffff;
	[tilespmem:v41+s17+$0x0] =	vst.idx.msk $0xffff, v60  }
0x457: {  	s9 =	simm.s32 $0xE;
	v41 =	vbroadcast v44, $0x0;
	v60 =	vadd.s32 v19, v45;
	[tilespmem:v61+s17+$0x0] =	vst.idx.msk $0xffff, v47;
	v47 =	vld.idx.msk [tilespmem:v5+s25+$0x2C0], $0xffff  }
0x458: {  	v50 =	vadd.s32 v10, v37;
	v61 =	vmov s9;
	v42 =	vld.idx.msk [tilespmem:v3+s23+$0x240], $0xffff;
	[tilespmem:v62+s17+$0x0] =	vst.idx.msk $0xffff, v51  }
0x459: {  	v49 =	vld.idx.msk [tilespmem:v0+s24+$0x1C0], $0xffff;
	v62 =	vadd.s32 v33, v41;
	v51 =	vshrl.u32 v61, $0x3;
	[tilespmem:v55+s17+$0x0] =	vst.idx.msk $0xffff, v52  }
0x45a: {  	v38 =	vadd.s32 v24, v38;
	v52 =	vld.idx.msk [tilespmem:v7+s26+$0x100], $0xffff;
	[tilespmem:v57+s17+$0x0] =	vst.idx.msk $0xffff, v63;
	v51 =	vshll.u32 v51, v2  }
0x45b: {  	s12 =	simm.s32 $0x45;
	v57 =	vadd.s32 v15, v43;
	v63 =	vld.idx.msk [tilespmem:v5+s28+$0x80], $0xffff;
	[tilespmem:v48+s17+$0x0] =	vst.idx.msk $0xffff, v59;
	v39 =	vbroadcast v51, $0x0  }
0x45c: {  	v58 =	vadd.s32 v4, v46;
	v54 =	vld.idx.msk [tilespmem:v3+s29+$0x0], $0xffff;
	v59 =	vmov s12;
	[tilespmem:v60+s17+$0x0] =	vst.idx.msk $0xffff, v47  }
0x45d: {  	v44 =	vld.idx.msk [tilespmem:v0+s0+$0x380], $0xffff;
	v60 =	vshrl.u32 v59, $0x3;
	v61 =	vadd.s32 v29, v39;
	[tilespmem:v50+s17+$0x0] =	vst.idx.msk $0xffff, v42  }
0x45e: {  	v45 =	vadd.s32 v20, v45;
	v42 =	vld.idx.msk [tilespmem:v7+s25+$0x2C0], $0xffff;
	v47 =	vshll.u32 v60, v2;
	[tilespmem:v62+s17+$0x0] =	vst.idx.msk $0xffff, v49  }
0x45f: {  	s18 =	simm.s32 $0x1C;
	v62 =	vadd.s32 v11, v37;
	v49 =	vld.idx.msk [tilespmem:v5+s23+$0x240], $0xffff;
	[tilespmem:v38+s17+$0x0] =	vst.idx.msk $0xffff, v52;
	v38 =	vbroadcast v47, $0x0  }
0x460: {  	v47 =	vld.idx.msk [tilespmem:v3+s24+$0x1C0], $0xffff;
	v52 =	vadd.s32 v34, v41;
	[tilespmem:v57+s17+$0x0] =	vst.idx.msk $0xffff, v63;
	v63 =	vmov s18  }
0x461: {  	v40 =	vld.idx.msk [tilespmem:v0+s26+$0x140], $0xffff;
	[tilespmem:v58+s17+$0x0] =	vst.idx.msk $0xffff, v54;
	v58 =	vadd.s32 v25, v38;
	v53 =	vshrl.u32 v63, $0x3  }
0x462: {  	v43 =	vadd.s32 v16, v43;
	v57 =	vld.idx.msk [tilespmem:v7+s28+$0x80], $0xffff;
	v53 =	vshll.u32 v53, v2;
	[tilespmem:v61+s17+$0x0] =	vst.idx.msk $0xffff, v44  }
0x463: {  	s19 =	simm.s32 $0x53;
	v60 =	vadd.s32 v6, v46;
	v59 =	vld.idx.msk [tilespmem:v5+s29+$0x0], $0xffff;
	[tilespmem:v45+s17+$0x0] =	vst.idx.msk $0xffff, v42;
	v42 =	vbroadcast v53, $0x0  }
0x464: {  	v61 =	vmov s19;
	v45 =	vld.idx.msk [tilespmem:v3+s0+$0x380], $0xffff;
	[tilespmem:v62+s17+$0x0] =	vst.idx.msk $0xffff, v49;
	v62 =	vadd.s32 v30, v39  }
0x465: {  	v50 =	vshrl.u32 v61, $0x3;
	v49 =	vld.idx.msk [tilespmem:v0+s25+$0x300], $0xffff;
	[tilespmem:v52+s17+$0x0] =	vst.idx.msk $0xffff, v47;
	v52 =	vadd.s32 v21, v42  }
0x466: {  	v37 =	vadd.s32 v12, v37;
	v50 =	vshll.u32 v50, v2;
	v47 =	vld.idx.msk [tilespmem:v7+s23+$0x240], $0xffff;
	[tilespmem:v58+s17+$0x0] =	vst.idx.msk $0xffff, v40  }
0x467: {  	v40 =	vld.idx.msk [tilespmem:v5+s24+$0x1C0], $0xffff;
	[tilespmem:v43+s17+$0x0] =	vst.idx.msk $0xffff, v57;
	v43 =	vbroadcast v50, $0x0;
	v50 =	vadd.s32 v35, v41  }
0x468: {  	s20 =	simm.s32 $0x2A;
	v53 =	vadd.s32 v26, v38;
	[tilespmem:v60+s17+$0x0] =	vst.idx.msk $0xffff, v59;
	v48 =	vld.idx.msk [tilespmem:v3+s26+$0x140], $0xffff  }
0x469: {  	v63 =	vmov s20;
	v61 =	vadd.s32 v8, v46;
	v55 =	vld.idx.msk [tilespmem:v7+s29+$0x0], $0xffff;
	[tilespmem:v62+s17+$0x0] =	vst.idx.msk $0xffff, v45  }
0x46a: {  	v54 =	vshrl.u32 v63, $0x3;
	v44 =	vld.idx.msk [tilespmem:v0+s28+$0xC0], $0xffff;
	v60 =	vadd.s32 v17, v43;
	[tilespmem:v52+s17+$0x0] =	vst.idx.msk $0xffff, v49  }
0x46b: {  	v62 =	vshll.u32 v54, v2;
	v49 =	vld.idx.msk [tilespmem:v5+s0+$0x380], $0xffff;
	[tilespmem:v37+s17+$0x0] =	vst.idx.msk $0xffff, v47  }
0x46c: {  	s31 =	simm.s32 $0x61;
	v63 =	vadd.s32 v31, v39;
	v37 =	vbroadcast v62, $0x0;
	v46 =	vld.idx.msk [tilespmem:v3+s25+$0x300], $0xffff;
	[tilespmem:v50+s17+$0x0] =	vst.idx.msk $0xffff, v40  }
0x46d: {  	v59 =	vmov s31;
	v40 =	vld.idx.msk [tilespmem:v0+s23+$0x280], $0xffff;
	v50 =	vadd.s32 v22, v42;
	[tilespmem:v53+s17+$0x0] =	vst.idx.msk $0xffff, v48  }
0x46e: {  	v51 =	vshrl.u32 v59, $0x3;
	v48 =	vld.idx.msk [tilespmem:v7+s24+$0x1C0], $0xffff;
	v52 =	vadd.s32 v13, v37;
	[tilespmem:v61+s17+$0x0] =	vst.idx.msk $0xffff, v55  }
0x46f: {  	v41 =	vadd.s32 v36, v41;
	v51 =	vshll.u32 v51, v2;
	[tilespmem:v60+s17+$0x0] =	vst.idx.msk $0xffff, v44;
	v44 =	vld.idx.msk [tilespmem:v5+s26+$0x140], $0xffff  }
0x470: {  	s5 =	simm.s32 $0x38;
	v45 =	vbroadcast v51, $0x0;
	v60 =	vadd.s32 v27, v38;
	v54 =	vld.idx.msk [tilespmem:v0+s29+$0x40], $0xffff  }
0x471: {  	v62 =	vmov s5;
	v61 =	vadd.s32 v18, v43;
	v51 =	vld.idx.msk [tilespmem:v3+s28+$0xC0], $0xffff;
	[tilespmem:v63+s17+$0x0] =	vst.idx.msk $0xffff, v49  }
0x472: {  	v57 =	vshrl.u32 v62, $0x3;
	v63 =	vadd.s32 v9, v45;
	[tilespmem:v50+s17+$0x0] =	vst.idx.msk $0xffff, v46;
	v58 =	vld.idx.msk [tilespmem:v7+s0+$0x380], $0xffff  }
0x473: {  	v39 =	vadd.s32 v32, v39;
	v49 =	vshll.u32 v57, v2;
	[tilespmem:v52+s17+$0x0] =	vst.idx.msk $0xffff, v40;
	v40 =	vld.idx.msk [tilespmem:v5+s25+$0x300], $0xffff  }
0x474: {  	s7 =	simm.s32 $0xF;
	v59 =	vadd.s32 v23, v42;
	[tilespmem:v41+s17+$0x0] =	vst.idx.msk $0xffff, v48;
	v48 =	vbroadcast v49, $0x0;
	v41 =	vld.idx.msk [tilespmem:v3+s23+$0x280], $0xffff  }
0x475: {  	v50 =	vadd.s32 v14, v37;
	[tilespmem:v60+s17+$0x0] =	vst.idx.msk $0xffff, v44;
	v44 =	vld.idx.msk [tilespmem:v0+s24+$0x200], $0xffff;
	v60 =	vmov s7  }
0x476: {  	[tilespmem:v61+s17+$0x0] =	vst.idx.msk $0xffff, v51;
	v51 =	vld.idx.msk [tilespmem:v7+s26+$0x140], $0xffff;
	v61 =	vadd.s32 v1, v48;
	v52 =	vshrl.u32 v60, $0x3  }
0x477: {  	v38 =	vadd.s32 v28, v38;
	[tilespmem:v63+s17+$0x0] =	vst.idx.msk $0xffff, v54;
	v62 =	vld.idx.msk [tilespmem:v5+s28+$0xC0], $0xffff;
	v52 =	vshll.u32 v52, v2  }
0x478: {  	s9 =	simm.s32 $0x46;
	v63 =	vadd.s32 v19, v43;
	v54 =	vld.idx.msk [tilespmem:v3+s29+$0x40], $0xffff;
	[tilespmem:v39+s17+$0x0] =	vst.idx.msk $0xffff, v58;
	v52 =	vbroadcast v52, $0x0  }
0x479: {  	v57 =	vadd.s32 v10, v45;
	v58 =	vmov s9;
	[tilespmem:v59+s17+$0x0] =	vst.idx.msk $0xffff, v40;
	v49 =	vld.idx.msk [tilespmem:v0+s0+$0x3C0], $0xffff  }
0x47a: {  	v59 =	vshrl.u32 v58, $0x3;
	[tilespmem:v50+s17+$0x0] =	vst.idx.msk $0xffff, v41;
	v41 =	vld.idx.msk [tilespmem:v7+s25+$0x300], $0xffff;
	v60 =	vadd.s32 v33, v52  }
0x47b: {  	v42 =	vadd.s32 v24, v42;
	v40 =	vshll.u32 v59, v2;
	[tilespmem:v61+s17+$0x0] =	vst.idx.msk $0xffff, v44;
	v44 =	vld.idx.msk [tilespmem:v5+s23+$0x280], $0xffff  }
0x47c: {  	s12 =	simm.s32 $0x1D;
	[tilespmem:v38+s17+$0x0] =	vst.idx.msk $0xffff, v51;
	v40 =	vbroadcast v40, $0x0;
	v61 =	vadd.s32 v15, v37;
	v38 =	vld.idx.msk [tilespmem:v3+s24+$0x200], $0xffff  }
0x47d: {  	v51 =	vadd.s32 v4, v48;
	[tilespmem:v63+s17+$0x0] =	vst.idx.msk $0xffff, v62;
	v47 =	vld.idx.msk [tilespmem:v0+s26+$0x180], $0xffff;
	v62 =	vmov s12  }
0x47e: {  	[tilespmem:v57+s17+$0x0] =	vst.idx.msk $0xffff, v54;
	v54 =	vld.idx.msk [tilespmem:v7+s28+$0xC0], $0xffff;
	v63 =	vadd.s32 v29, v40;
	v57 =	vshrl.u32 v62, $0x3  }
0x47f: {  	v43 =	vadd.s32 v20, v43;
	v58 =	vld.idx.msk [tilespmem:v5+s29+$0x40], $0xffff;
	v39 =	vshll.u32 v57, v2;
	[tilespmem:v60+s17+$0x0] =	vst.idx.msk $0xffff, v49  }
0x480: {  	s18 =	simm.s32 $0x54;
	v59 =	vadd.s32 v11, v45;
	[tilespmem:v42+s17+$0x0] =	vst.idx.msk $0xffff, v41;
	v39 =	vbroadcast v39, $0x0;
	v41 =	vld.idx.msk [tilespmem:v3+s0+$0x3C0], $0xffff  }
0x481: {  	v60 =	vmov s18;
	[tilespmem:v61+s17+$0x0] =	vst.idx.msk $0xffff, v44;
	v44 =	vld.idx.msk [tilespmem:v0+s25+$0x340], $0xffff;
	v61 =	vadd.s32 v34, v52  }
0x482: {  	v42 =	vshrl.u32 v60, $0x3;
	[tilespmem:v51+s17+$0x0] =	vst.idx.msk $0xffff, v38;
	v38 =	vld.idx.msk [tilespmem:v7+s23+$0x280], $0xffff;
	v62 =	vadd.s32 v25, v39  }
0x483: {  	v37 =	vadd.s32 v16, v37;
	v42 =	vshll.u32 v42, v2;
	[tilespmem:v63+s17+$0x0] =	vst.idx.msk $0xffff, v47;
	v47 =	vld.idx.msk [tilespmem:v5+s24+$0x200], $0xffff  }
0x484: {  	s19 =	simm.s32 $0x2B;
	v51 =	vadd.s32 v6, v48;
	[tilespmem:v43+s17+$0x0] =	vst.idx.msk $0xffff, v54;
	v43 =	vbroadcast v42, $0x0;
	v42 =	vld.idx.msk [tilespmem:v3+s26+$0x180], $0xffff  }
0x485: {  	v53 =	vadd.s32 v30, v40;
	v63 =	vmov s19;
	[tilespmem:v59+s17+$0x0] =	vst.idx.msk $0xffff, v58;
	v46 =	vld.idx.msk [tilespmem:v0+s28+$0x100], $0xffff  }
0x486: {  	v54 =	vshrl.u32 v63, $0x3;
	v55 =	vld.idx.msk [tilespmem:v7+s29+$0x40], $0xffff;
	v60 =	vadd.s32 v21, v43;
	[tilespmem:v61+s17+$0x0] =	vst.idx.msk $0xffff, v41  }
0x487: {  	v45 =	vadd.s32 v12, v45;
	v61 =	vshll.u32 v54, v2;
	[tilespmem:v62+s17+$0x0] =	vst.idx.msk $0xffff, v44;
	v49 =	vld.idx.msk [tilespmem:v5+s0+$0x3C0], $0xffff  }
0x488: {  	s20 =	simm.s32 $0x62;
	v54 =	vadd.s32 v35, v52;
	[tilespmem:v37+s17+$0x0] =	vst.idx.msk $0xffff, v38;
	v38 =	vbroadcast v61, $0x0;
	v37 =	vld.idx.msk [tilespmem:v3+s25+$0x340], $0xffff  }
0x489: {  	v63 =	vadd.s32 v26, v39;
	v62 =	vmov s20;
	[tilespmem:v51+s17+$0x0] =	vst.idx.msk $0xffff, v47;
	v47 =	vld.idx.msk [tilespmem:v0+s23+$0x2C0], $0xffff  }
0x48a: {  	v41 =	vshrl.u32 v62, $0x3;
	[tilespmem:v53+s17+$0x0] =	vst.idx.msk $0xffff, v42;
	v53 =	vld.idx.msk [tilespmem:v7+s24+$0x200], $0xffff;
	v57 =	vadd.s32 v17, v38  }
0x48b: {  	v50 =	vshll.u32 v41, v2;
	[tilespmem:v60+s17+$0x0] =	vst.idx.msk $0xffff, v46;
	v41 =	vld.idx.msk [tilespmem:v5+s26+$0x180], $0xffff;
	v60 =	vadd.s32 v8, v48  }
0x48c: {  	s22 =	sadd.s32 s22, s6;
	s31 =	simm.s32 $0x39;
	[tilespmem:v45+s17+$0x0] =	vst.idx.msk $0xffff, v55;
	v45 =	vbroadcast v50, $0x0;
	v50 =	vadd.s32 v31, v40;
	v42 =	vld.idx.msk [tilespmem:v3+s28+$0x100], $0xffff  }
0x48d: {  	s30 =	simm.s32 $0x7F;
	s22 =	sadd.s32 $0x1, s22;
	v61 =	vmov s31;
	v48 =	vadd.s32 v22, v43;
	v44 =	vld.idx.msk [tilespmem:v0+s29+$0x80], $0xffff;
	[tilespmem:v54+s17+$0x0] =	vst.idx.msk $0xffff, v49  }
0x48e: {  	s1 =	simm.s32 $0x6F;
	s5 =	simm.s32 $0x5A00;
	s7 =	simm.s32 $0x3F;
	v62 =	vshrl.u32 v61, $0x3;
	v49 =	vadd.s32 v13, v45;
	[tilespmem:v63+s17+$0x0] =	vst.idx.msk $0xffff, v37;
	v46 =	vld.idx.msk [tilespmem:v7+s0+$0x3C0], $0xffff  }
0x48f: {  	s9 =	simm.s32 $0x2F;
	s12 =	simm.s32 $0x4F;
	s18 =	simm.s32 $0x1F;
	v51 =	vadd.s32 v36, v52;
	v63 =	vshll.u32 v62, v2;
	[tilespmem:v57+s17+$0x0] =	vst.idx.msk $0xffff, v47;
	v47 =	vld.idx.msk [tilespmem:v5+s25+$0x340], $0xffff  }
0x490: {  	s19 =	simm.s32 $0x8F;
	s20 =	simm.s32 $0x70;
	s0 =	simm.s32 $0x5F;
	v37 =	vbroadcast v63, $0x0;
	[tilespmem:v60+s17+$0x0] =	vst.idx.msk $0xffff, v53;
	v52 =	vld.idx.msk [tilespmem:v3+s23+$0x2C0], $0xffff;
	v53 =	vadd.s32 v27, v39  }
.LBB2_7:
0x491: {  	p0 =	sne.s32 s19, $0xFF;
	v54 =	vmov s20;
	[tilespmem:v50+s17+$0x0] =	vst.idx.msk $0xffff, v41;
	v41 =	vld.idx.msk [tilespmem:v0+s24+$0x240], $0xffff;
	v50 =	vadd.s32 v18, v38  }
0x492: {  	v54 =	vshrl.u32 v54, $0x3;
	[tilespmem:v48+s17+$0x0] =	vst.idx.msk $0xffff, v42;
	v42 =	vld.idx.msk [tilespmem:v7+s26+$0x180], $0xffff;
	v48 =	vadd.s32 v9, v37  }
0x493: {  	v40 =	vadd.s32 v32, v40;
	v54 =	vshll.u32 v54, v2;
	[tilespmem:v49+s17+$0x0] =	vst.idx.msk $0xffff, v44;
	v44 =	vld.idx.msk [tilespmem:v5+s28+$0x100], $0xffff  }
0x494: {  	s5 =	sadd.s32 $0x400, s5;
	v55 =	vadd.s32 v23, v43;
	s20 =	sadd.s32 $0xFFFFFFF8, s12;
	v49 =	vbroadcast v54, $0x0;
	v54 =	vld.idx.msk [tilespmem:v3+s29+$0x80], $0xffff;
	[tilespmem:v51+s17+$0x0] =	vst.idx.msk $0xffff, v46  }
0x495: {  	v56 =	vmov s20;
	v51 =	vadd.s32 v14, v45;
	v46 =	vld.idx.msk [tilespmem:v0+s5+$0x0], $0xffff;
	[tilespmem:v53+s17+$0x0] =	vst.idx.msk $0xffff, v47  }
0x496: {  	v53 =	vshrl.u32 v56, $0x3;
	v47 =	vadd.s32 v1, v49;
	[tilespmem:v50+s17+$0x0] =	vst.idx.msk $0xffff, v52;
	v50 =	vld.idx.msk [tilespmem:v7+s25+$0x340], $0xffff  }
0x497: {  	v39 =	vadd.s32 v28, v39;
	v52 =	vshll.u32 v53, v2;
	[tilespmem:v48+s17+$0x0] =	vst.idx.msk $0xffff, v41;
	v41 =	vld.idx.msk [tilespmem:v5+s23+$0x2C0], $0xffff  }
0x498: {  	s20 =	sadd.s32 $0xFFFFFFFF, s18;
	v48 =	vadd.s32 v19, v38;
	[tilespmem:v40+s17+$0x0] =	vst.idx.msk $0xffff, v42;
	v40 =	vbroadcast v52, $0x0;
	v42 =	vld.idx.msk [tilespmem:v3+s24+$0x240], $0xffff  }
0x499: {  	v53 =	vmov s20;
	v52 =	vadd.s32 v10, v37;
	[tilespmem:v55+s17+$0x0] =	vst.idx.msk $0xffff, v44;
	v44 =	vld.idx.msk [tilespmem:v0+s26+$0x1C0], $0xffff  }
0x49a: {  	v53 =	vshrl.u32 v53, $0x3;
	[tilespmem:v51+s17+$0x0] =	vst.idx.msk $0xffff, v54;
	v51 =	vld.idx.msk [tilespmem:v7+s28+$0x100], $0xffff;
	v54 =	vadd.s32 v33, v40  }
0x49b: {  	v43 =	vadd.s32 v24, v43;
	[tilespmem:v47+s17+$0x0] =	vst.idx.msk $0xffff, v46;
	v46 =	vld.idx.msk [tilespmem:v5+s29+$0x80], $0xffff;
	v47 =	vshll.u32 v53, v2  }
0x49c: {  	s20 =	sadd.s32 $0xFFFFFFF6, s0;
	v55 =	vadd.s32 v15, v45;
	v53 =	vld.idx.msk [tilespmem:v3+s5+$0x0], $0xffff;
	[tilespmem:v39+s17+$0x0] =	vst.idx.msk $0xffff, v50;
	v39 =	vbroadcast v47, $0x0  }
0x49d: {  	v47 =	vadd.s32 v4, v49;
	v50 =	vmov s20;
	[tilespmem:v48+s17+$0x0] =	vst.idx.msk $0xffff, v41;
	v41 =	vld.idx.msk [tilespmem:v0+s25+$0x380], $0xffff  }
0x49e: {  	v48 =	vshrl.u32 v50, $0x3;
	[tilespmem:v52+s17+$0x0] =	vst.idx.msk $0xffff, v42;
	v42 =	vld.idx.msk [tilespmem:v7+s23+$0x2C0], $0xffff;
	v50 =	vadd.s32 v29, v39  }
0x49f: {  	v38 =	vadd.s32 v20, v38;
	v48 =	vshll.u32 v48, v2;
	[tilespmem:v54+s17+$0x0] =	vst.idx.msk $0xffff, v44;
	v44 =	vld.idx.msk [tilespmem:v5+s24+$0x240], $0xffff  }
0x4a0: {  	s20 =	sadd.s32 $0xFFFFFFFD, s9;
	[tilespmem:v43+s17+$0x0] =	vst.idx.msk $0xffff, v51;
	v43 =	vbroadcast v48, $0x0;
	v48 =	vld.idx.msk [tilespmem:v3+s26+$0x1C0], $0xffff;
	v51 =	vadd.s32 v11, v37  }
0x4a1: {  	v52 =	vadd.s32 v34, v40;
	v54 =	vmov s20;
	[tilespmem:v55+s17+$0x0] =	vst.idx.msk $0xffff, v46;
	v46 =	vld.idx.msk [tilespmem:v0+s28+$0x140], $0xffff  }
0x4a2: {  	v54 =	vshrl.u32 v54, $0x3;
	[tilespmem:v47+s17+$0x0] =	vst.idx.msk $0xffff, v53;
	v47 =	vld.idx.msk [tilespmem:v7+s29+$0x80], $0xffff;
	v53 =	vadd.s32 v25, v43  }
0x4a3: {  	v45 =	vadd.s32 v16, v45;
	v54 =	vshll.u32 v54, v2;
	v55 =	vld.idx.msk [tilespmem:v5+s5+$0x0], $0xffff;
	[tilespmem:v50+s17+$0x0] =	vst.idx.msk $0xffff, v41  }
0x4a4: {  	s20 =	sadd.s32 $0xFFFFFFF4, s1;
	v41 =	vadd.s32 v6, v49;
	[tilespmem:v38+s17+$0x0] =	vst.idx.msk $0xffff, v42;
	v38 =	vbroadcast v54, $0x0;
	v42 =	vld.idx.msk [tilespmem:v3+s25+$0x380], $0xffff  }
0x4a5: {  	v50 =	vmov s20;
	[tilespmem:v51+s17+$0x0] =	vst.idx.msk $0xffff, v44;
	v44 =	vld.idx.msk [tilespmem:v0+s23+$0x300], $0xffff;
	v51 =	vadd.s32 v30, v39  }
0x4a6: {  	v50 =	vshrl.u32 v50, $0x3;
	[tilespmem:v52+s17+$0x0] =	vst.idx.msk $0xffff, v48;
	v48 =	vld.idx.msk [tilespmem:v7+s24+$0x240], $0xffff;
	v52 =	vadd.s32 v21, v38  }
0x4a7: {  	v37 =	vadd.s32 v12, v37;
	v50 =	vshll.u32 v50, v2;
	[tilespmem:v53+s17+$0x0] =	vst.idx.msk $0xffff, v46;
	v46 =	vld.idx.msk [tilespmem:v5+s26+$0x1C0], $0xffff  }
0x4a8: {  	s20 =	sadd.s32 $0xFFFFFFFB, s7;
	[tilespmem:v45+s17+$0x0] =	vst.idx.msk $0xffff, v47;
	v45 =	vbroadcast v50, $0x0;
	v47 =	vld.idx.msk [tilespmem:v3+s28+$0x140], $0xffff;
	v50 =	vadd.s32 v35, v40  }
0x4a9: {  	v54 =	vmov s20;
	v53 =	vadd.s32 v26, v43;
	[tilespmem:v41+s17+$0x0] =	vst.idx.msk $0xffff, v55;
	v41 =	vld.idx.msk [tilespmem:v0+s29+$0xC0], $0xffff  }
0x4aa: {  	v54 =	vshrl.u32 v54, $0x3;
	v55 =	vld.idx.msk [tilespmem:v7+s5+$0x0], $0xffff;
	v56 =	vadd.s32 v17, v45;
	[tilespmem:v51+s17+$0x0] =	vst.idx.msk $0xffff, v42  }
0x4ab: {  	v42 =	vadd.s32 v8, v49;
	v49 =	vshll.u32 v54, v2;
	[tilespmem:v52+s17+$0x0] =	vst.idx.msk $0xffff, v44;
	v44 =	vld.idx.msk [tilespmem:v5+s25+$0x380], $0xffff  }
0x4ac: {  	s20 =	sadd.s32 $0xFFFFFFF2, s30;
	[tilespmem:v37+s17+$0x0] =	vst.idx.msk $0xffff, v48;
	v48 =	vbroadcast v49, $0x0;
	v37 =	vld.idx.msk [tilespmem:v3+s23+$0x300], $0xffff;
	v49 =	vadd.s32 v31, v39  }
0x4ad: {  	v51 =	vmov s20;
	[tilespmem:v50+s17+$0x0] =	vst.idx.msk $0xffff, v46;
	v46 =	vld.idx.msk [tilespmem:v0+s24+$0x280], $0xffff;
	v50 =	vadd.s32 v22, v38  }
0x4ae: {  	v51 =	vshrl.u32 v51, $0x3;
	[tilespmem:v53+s17+$0x0] =	vst.idx.msk $0xffff, v47;
	v47 =	vld.idx.msk [tilespmem:v7+s26+$0x1C0], $0xffff;
	v52 =	vadd.s32 v13, v48  }
0x4af: {  	v40 =	vadd.s32 v36, v40;
	v51 =	vshll.u32 v51, v2;
	[tilespmem:v56+s17+$0x0] =	vst.idx.msk $0xffff, v41;
	v41 =	vld.idx.msk [tilespmem:v5+s28+$0x140], $0xffff  }
0x4b0: {  	s20 =	sadd.s32 $0xFFFFFFF9, s12;
	v53 =	vadd.s32 v27, v43;
	[tilespmem:v42+s17+$0x0] =	vst.idx.msk $0xffff, v55;
	v42 =	vbroadcast v51, $0x0;
	v51 =	vld.idx.msk [tilespmem:v3+s29+$0xC0], $0xffff  }
0x4b1: {  	v56 =	vmov s20;
	v55 =	vadd.s32 v18, v45;
	v54 =	vld.idx.msk [tilespmem:v0+s5+$0x40], $0xffff;
	[tilespmem:v49+s17+$0x0] =	vst.idx.msk $0xffff, v44  }
0x4b2: {  	v49 =	vshrl.u32 v56, $0x3;
	v44 =	vadd.s32 v9, v42;
	[tilespmem:v50+s17+$0x0] =	vst.idx.msk $0xffff, v37;
	v50 =	vld.idx.msk [tilespmem:v7+s25+$0x380], $0xffff  }
0x4b3: {  	v39 =	vadd.s32 v32, v39;
	v37 =	vshll.u32 v49, v2;
	[tilespmem:v52+s17+$0x0] =	vst.idx.msk $0xffff, v46;
	v46 =	vld.idx.msk [tilespmem:v5+s23+$0x300], $0xffff  }
0x4b4: {  	v37 =	vbroadcast v37, $0x0;
	[tilespmem:v40+s17+$0x0] =	vst.idx.msk $0xffff, v47;
	v40 =	vld.idx.msk [tilespmem:v3+s24+$0x280], $0xffff;
	v47 =	vadd.s32 v23, v38  }
0x4b5: {  	v49 =	vadd.s32 v14, v48;
	v52 =	vmov s18;
	s18 =	smov.u32 s9;
	s9 =	smov.u32 s7;
	s7 =	smov.u32 s12;
	[tilespmem:v53+s17+$0x0] =	vst.idx.msk $0xffff, v41;
	v41 =	vld.idx.msk [tilespmem:v0+s26+$0x200], $0xffff  }
0x4b6: {  	s12 =	smov.u32 s0;
	s0 =	smov.u32 s1;
	s1 =	smov.u32 s30;
	v52 =	vshrl.u32 v52, $0x3;
	v53 =	vadd.s32 v1, v37;
	[tilespmem:v55+s17+$0x0] =	vst.idx.msk $0xffff, v51;
	v51 =	vld.idx.msk [tilespmem:v7+s28+$0x140], $0xffff  }
0x4b7: {  	v43 =	vadd.s32 v28, v43;
	s30 =	smov.u32 s19;
	v52 =	vshll.u32 v52, v2;
	[tilespmem:v44+s17+$0x0] =	vst.idx.msk $0xffff, v54;
	v44 =	vld.idx.msk [tilespmem:v5+s29+$0xC0], $0xffff  }
0x4b8: {  	s20 =	sadd.s32 $0xFFFFFFF7, s12;
	v55 =	vadd.s32 v19, v45;
	v52 =	vbroadcast v52, $0x0;
	v54 =	vld.idx.msk [tilespmem:v3+s5+$0x40], $0xffff;
	[tilespmem:v39+s17+$0x0] =	vst.idx.msk $0xffff, v50  }
0x4b9: {  	v39 =	vadd.s32 v10, v42;
	v50 =	vmov s20;
	[tilespmem:v47+s17+$0x0] =	vst.idx.msk $0xffff, v46;
	v46 =	vld.idx.msk [tilespmem:v0+s25+$0x3C0], $0xffff  }
0x4ba: {  	v47 =	vshrl.u32 v50, $0x3;
	v50 =	vadd.s32 v33, v52;
	[tilespmem:v49+s17+$0x0] =	vst.idx.msk $0xffff, v40;
	v49 =	vld.idx.msk [tilespmem:v7+s23+$0x300], $0xffff  }
0x4bb: {  	v38 =	vadd.s32 v24, v38;
	v40 =	vshll.u32 v47, v2;
	[tilespmem:v53+s17+$0x0] =	vst.idx.msk $0xffff, v41;
	v41 =	vld.idx.msk [tilespmem:v5+s24+$0x280], $0xffff  }
0x4bc: {  	s20 =	sadd.s32 $0xFFFFFFFE, s18;
	v47 =	vadd.s32 v15, v48;
	v40 =	vbroadcast v40, $0x0;
	[tilespmem:v43+s17+$0x0] =	vst.idx.msk $0xffff, v51;
	v43 =	vld.idx.msk [tilespmem:v3+s26+$0x200], $0xffff  }
0x4bd: {  	v53 =	vmov s20;
	v51 =	vadd.s32 v4, v37;
	[tilespmem:v55+s17+$0x0] =	vst.idx.msk $0xffff, v44;
	v44 =	vld.idx.msk [tilespmem:v0+s28+$0x180], $0xffff  }
0x4be: {  	v55 =	vadd.s32 v29, v40;
	[tilespmem:v39+s17+$0x0] =	vst.idx.msk $0xffff, v54;
	v54 =	vld.idx.msk [tilespmem:v7+s29+$0xC0], $0xffff;
	v39 =	vshrl.u32 v53, $0x3  }
0x4bf: {  	v45 =	vadd.s32 v20, v45;
	v53 =	vld.idx.msk [tilespmem:v5+s5+$0x40], $0xffff;
	v39 =	vshll.u32 v39, v2;
	[tilespmem:v50+s17+$0x0] =	vst.idx.msk $0xffff, v46  }
0x4c0: {  	s20 =	sadd.s32 $0xFFFFFFF5, s0;
	v46 =	vadd.s32 v11, v42;
	[tilespmem:v38+s17+$0x0] =	vst.idx.msk $0xffff, v49;
	v39 =	vbroadcast v39, $0x0;
	v38 =	vld.idx.msk [tilespmem:v3+s25+$0x3C0], $0xffff  }
0x4c1: {  	v49 =	vmov s20;
	[tilespmem:v47+s17+$0x0] =	vst.idx.msk $0xffff, v41;
	v41 =	vld.idx.msk [tilespmem:v0+s23+$0x340], $0xffff;
	v47 =	vadd.s32 v34, v52  }
0x4c2: {  	v49 =	vshrl.u32 v49, $0x3;
	[tilespmem:v51+s17+$0x0] =	vst.idx.msk $0xffff, v43;
	v50 =	vld.idx.msk [tilespmem:v7+s24+$0x280], $0xffff;
	v51 =	vadd.s32 v25, v39  }
0x4c3: {  	v48 =	vadd.s32 v16, v48;
	v43 =	vshll.u32 v49, v2;
	[tilespmem:v55+s17+$0x0] =	vst.idx.msk $0xffff, v44;
	v44 =	vld.idx.msk [tilespmem:v5+s26+$0x200], $0xffff  }
0x4c4: {  	s20 =	sadd.s32 $0xFFFFFFFC, s9;
	v49 =	vadd.s32 v6, v37;
	v43 =	vbroadcast v43, $0x0;
	[tilespmem:v45+s17+$0x0] =	vst.idx.msk $0xffff, v54;
	v45 =	vld.idx.msk [tilespmem:v3+s28+$0x180], $0xffff  }
0x4c5: {  	v54 =	vmov s20;
	[tilespmem:v46+s17+$0x0] =	vst.idx.msk $0xffff, v53;
	v46 =	vld.idx.msk [tilespmem:v0+s29+$0x100], $0xffff;
	v53 =	vadd.s32 v30, v40  }
0x4c6: {  	v56 =	vadd.s32 v21, v43;
	v54 =	vshrl.u32 v54, $0x3;
	v55 =	vld.idx.msk [tilespmem:v7+s5+$0x40], $0xffff;
	[tilespmem:v47+s17+$0x0] =	vst.idx.msk $0xffff, v38  }
0x4c7: {  	v42 =	vadd.s32 v12, v42;
	v38 =	vshll.u32 v54, v2;
	[tilespmem:v51+s17+$0x0] =	vst.idx.msk $0xffff, v41;
	v47 =	vld.idx.msk [tilespmem:v5+s25+$0x3C0], $0xffff  }
0x4c8: {  	s20 =	sadd.s32 $0xFFFFFFF3, s1;
	v54 =	vadd.s32 v35, v52;
	v38 =	vbroadcast v38, $0x0;
	[tilespmem:v48+s17+$0x0] =	vst.idx.msk $0xffff, v50;
	v51 =	vld.idx.msk [tilespmem:v3+s23+$0x340], $0xffff  }
0x4c9: {  	v58 =	vadd.s32 v26, v39;
	v41 =	vmov s20;
	[tilespmem:v49+s17+$0x0] =	vst.idx.msk $0xffff, v44;
	v57 =	vld.idx.msk [tilespmem:v0+s24+$0x2C0], $0xffff  }
0x4ca: {  	v41 =	vshrl.u32 v41, $0x3;
	v59 =	vadd.s32 v17, v38;
	[tilespmem:v53+s17+$0x0] =	vst.idx.msk $0xffff, v45;
	v53 =	vld.idx.msk [tilespmem:v7+s26+$0x200], $0xffff  }
0x4cb: {  	v37 =	vadd.s32 v8, v37;
	v44 =	vshll.u32 v41, v2;
	[tilespmem:v56+s17+$0x0] =	vst.idx.msk $0xffff, v46;
	v41 =	vld.idx.msk [tilespmem:v5+s28+$0x180], $0xffff  }
.Ltmp4:
0x4cc: {  	s20 =	sadd.s32 $0xFFFFFFFA, s7;
	v50 =	vadd.s32 v31, v40;
	v45 =	vbroadcast v44, $0x0;
	[tilespmem:v42+s17+$0x0] =	vst.idx.msk $0xffff, v55;
	v42 =	vld.idx.msk [tilespmem:v3+s29+$0x100], $0xffff;
	(pc) =	sbr.rel @p0 .LBB2_7-.Ltmp4, $4  }
0x4cd: {  	v48 =	vadd.s32 v22, v43;
	v46 =	vmov s20;
	v44 =	vld.idx.msk [tilespmem:v0+s5+$0x80], $0xffff;
	[tilespmem:v54+s17+$0x0] =	vst.idx.msk $0xffff, v47  }
0x4ce: {  	v49 =	vadd.s32 v13, v45;
	v47 =	vshrl.u32 v46, $0x3;
	[tilespmem:v58+s17+$0x0] =	vst.idx.msk $0xffff, v51;
	v46 =	vld.idx.msk [tilespmem:v7+s25+$0x3C0], $0xffff;
	s25 =	smov.u32 s23;
	s23 =	smov.u32 s24;
	s24 =	smov.u32 s26  }
0x4cf: {  	v54 =	vshll.u32 v47, v2;
	v51 =	vadd.s32 v36, v52;
	s26 =	smov.u32 s28;
	s28 =	smov.u32 s29;
	s29 =	smov.u32 s5;
	[tilespmem:v59+s17+$0x0] =	vst.idx.msk $0xffff, v57;
	v47 =	vld.idx.msk [tilespmem:v5+s25+$0x340], $0xffff  }
0x4d0: {  	s19 =	sadd.s32 $0x10, s19;
	s20 =	sadd.s32 $0xFFFFFFF1, s30;
	[tilespmem:v37+s17+$0x0] =	vst.idx.msk $0xffff, v53;
	v37 =	vbroadcast v54, $0x0;
	v52 =	vld.idx.msk [tilespmem:v3+s23+$0x2C0], $0xffff;
	v53 =	vadd.s32 v27, v39  }
0x4d1: {  	_ =	sdelay $0x3  }
0x4d2: {  	v54 =	vmov s20;
	[tilespmem:v50+s17+$0x0] =	vst.idx.msk $0xffff, v41;
	v50 =	vadd.s32 v18, v38  }
0x4d3: {  	v41 =	vld.idx.msk [tilespmem:v0+s24+$0x240], $0xffff;
	[tilespmem:v48+s17+$0x0] =	vst.idx.msk $0xffff, v42;
	v54 =	vshrl.u32 v54, $0x3;
	v55 =	vadd.s32 v9, v37  }
0x4d4: {  	v40 =	vadd.s32 v32, v40;
	v48 =	vld.idx.msk [tilespmem:v7+s26+$0x180], $0xffff;
	[tilespmem:v49+s17+$0x0] =	vst.idx.msk $0xffff, v44;
	v61 =	vshll.u32 v54, v2  }
0x4d5: {  	v56 =	vadd.s32 v23, v43;
	v62 =	vld.idx.msk [tilespmem:v5+s28+$0x100], $0xffff;
	[tilespmem:v51+s17+$0x0] =	vst.idx.msk $0xffff, v46;
	v49 =	vbroadcast v61, $0x0  }
0x4d6: {  	s5 =	sadd.s32 $0x400, s5;
	v59 =	vadd.s32 v14, v45;
	v63 =	vld.idx.msk [tilespmem:v3+s29+$0x80], $0xffff;
	[tilespmem:v53+s17+$0x0] =	vst.idx.msk $0xffff, v47  }
0x4d7: {  	v58 =	vld.idx.msk [tilespmem:v0+s5+$0x0], $0xffff;
	v60 =	vadd.s32 v1, v49;
	[tilespmem:v50+s17+$0x0] =	vst.idx.msk $0xffff, v52  }
0x4d8: {  	v42 =	vld.idx.msk [tilespmem:v7+s25+$0x340], $0xffff;
	[tilespmem:v55+s17+$0x0] =	vst.idx.msk $0xffff, v41  }
0x4d9: {  	v41 =	vld.idx.msk [tilespmem:v5+s23+$0x2C0], $0xffff;
	[tilespmem:v40+s17+$0x0] =	vst.idx.msk $0xffff, v48  }
0x4da: {  	[tilespmem:v56+s17+$0x0] =	vst.idx.msk $0xffff, v62;
	v40 =	vld.idx.msk [tilespmem:v3+s24+$0x240], $0xffff  }
0x4db: {  	v44 =	vld.idx.msk [tilespmem:v0+s26+$0x1C0], $0xffff;
	[tilespmem:v59+s17+$0x0] =	vst.idx.msk $0xffff, v63  }
0x4dc: {  	v46 =	vld.idx.msk [tilespmem:v7+s28+$0x100], $0xffff;
	[tilespmem:v60+s17+$0x0] =	vst.idx.msk $0xffff, v58  }
0x4dd: {  	v61 =	vadd.s32 v4, v49;
	v47 =	vld.idx.msk [tilespmem:v3+s5+$0x0], $0xffff;
	_ =	sdelay $0x4  }
0x4de: {  	[tilespmem:v61+s17+$0x0] =	vst.idx.msk $0xffff, v47  }
0x4df: {  	v62 =	vadd.s32 v6, v49;
	v47 =	vld.idx.msk [tilespmem:v5+s5+$0x0], $0xffff;
	_ =	sdelay $0x4  }
0x4e0: {  	[tilespmem:v62+s17+$0x0] =	vst.idx.msk $0xffff, v47  }
0x4e1: {  	s19 =	sadd.s32 $0xFFFFFFF2, s30;
	v63 =	vadd.s32 v8, v49;
	v47 =	vld.idx.msk [tilespmem:v7+s5+$0x0], $0xffff  }
0x4e2: {  	v52 =	vmov s19  }
0x4e3: {  	v49 =	vshrl.u32 v52, $0x3  }
0x4e4: {  	v49 =	vshll.u32 v49, v2  }
0x4e5: {  	v49 =	vbroadcast v49, $0x0  }
0x4e6: {  	[tilespmem:v63+s17+$0x0] =	vst.idx.msk $0xffff, v47  }
0x4e7: {  	v53 =	vadd.s32 v9, v49;
	v47 =	vld.idx.msk [tilespmem:v0+s5+$0x40], $0xffff;
	_ =	sdelay $0x4  }
0x4e8: {  	[tilespmem:v53+s17+$0x0] =	vst.idx.msk $0xffff, v47  }
0x4e9: {  	v54 =	vadd.s32 v10, v49;
	v47 =	vld.idx.msk [tilespmem:v3+s5+$0x40], $0xffff;
	_ =	sdelay $0x4  }
0x4ea: {  	[tilespmem:v54+s17+$0x0] =	vst.idx.msk $0xffff, v47  }
0x4eb: {  	v55 =	vadd.s32 v11, v49;
	v47 =	vld.idx.msk [tilespmem:v5+s5+$0x40], $0xffff;
	_ =	sdelay $0x4  }
0x4ec: {  	[tilespmem:v55+s17+$0x0] =	vst.idx.msk $0xffff, v47  }
0x4ed: {  	s20 =	sadd.s32 $0xFFFFFFF3, s30;
	v56 =	vadd.s32 v12, v49;
	v47 =	vld.idx.msk [tilespmem:v7+s5+$0x40], $0xffff  }
0x4ee: {  	v57 =	vmov s20  }
0x4ef: {  	v49 =	vshrl.u32 v57, $0x3  }
0x4f0: {  	v49 =	vshll.u32 v49, v2  }
0x4f1: {  	v49 =	vbroadcast v49, $0x0  }
0x4f2: {  	[tilespmem:v56+s17+$0x0] =	vst.idx.msk $0xffff, v47  }
0x4f3: {  	v58 =	vadd.s32 v13, v49;
	v47 =	vld.idx.msk [tilespmem:v0+s5+$0x80], $0xffff;
	_ =	sdelay $0x4  }
0x4f4: {  	[tilespmem:v58+s17+$0x0] =	vst.idx.msk $0xffff, v47  }
0x4f5: {  	v59 =	vadd.s32 v14, v49;
	v47 =	vld.idx.msk [tilespmem:v3+s5+$0x80], $0xffff;
	_ =	sdelay $0x4  }
0x4f6: {  	v60 =	vld.idx.msk [tilespmem:v5+s29+$0x80], $0xffff;
	v61 =	vadd.s32 v15, v45;
	[tilespmem:v59+s17+$0x0] =	vst.idx.msk $0xffff, v47  }
0x4f7: {  	v62 =	vadd.s32 v15, v49;
	v47 =	vld.idx.msk [tilespmem:v5+s5+$0x80], $0xffff;
	_ =	sdelay $0x3  }
0x4f8: {  	[tilespmem:v61+s17+$0x0] =	vst.idx.msk $0xffff, v60  }
0x4f9: {  	s31 =	sadd.s32 $0xFFFFFFF4, s1;
	v50 =	vld.idx.msk [tilespmem:v7+s29+$0x80], $0xffff;
	v63 =	vadd.s32 v16, v45;
	[tilespmem:v62+s17+$0x0] =	vst.idx.msk $0xffff, v47  }
0x4fa: {  	s20 =	sadd.s32 $0xFFFFFFF4, s30;
	v49 =	vadd.s32 v16, v49;
	v53 =	vmov s31;
	v48 =	vld.idx.msk [tilespmem:v7+s5+$0x80], $0xffff  }
0x4fb: {  	v54 =	vmov s20;
	v47 =	vshrl.u32 v53, $0x3  }
0x4fc: {  	v51 =	vshrl.u32 v54, $0x3;
	v47 =	vshll.u32 v47, v2  }
0x4fd: {  	v51 =	vshll.u32 v51, v2;
	v47 =	vbroadcast v47, $0x0  }
0x4fe: {  	[tilespmem:v63+s17+$0x0] =	vst.idx.msk $0xffff, v50;
	v55 =	vbroadcast v51, $0x0  }
0x4ff: {  	v50 =	vld.idx.msk [tilespmem:v0+s29+$0xC0], $0xffff;
	v56 =	vadd.s32 v17, v47;
	[tilespmem:v49+s17+$0x0] =	vst.idx.msk $0xffff, v48  }
0x500: {  	v57 =	vadd.s32 v17, v55;
	v48 =	vld.idx.msk [tilespmem:v0+s5+$0xC0], $0xffff;
	_ =	sdelay $0x3  }
0x501: {  	[tilespmem:v56+s17+$0x0] =	vst.idx.msk $0xffff, v50  }
0x502: {  	v58 =	vadd.s32 v18, v47;
	v50 =	vld.idx.msk [tilespmem:v3+s29+$0xC0], $0xffff;
	[tilespmem:v57+s17+$0x0] =	vst.idx.msk $0xffff, v48  }
0x503: {  	v59 =	vadd.s32 v18, v55;
	v48 =	vld.idx.msk [tilespmem:v3+s5+$0xC0], $0xffff;
	_ =	sdelay $0x3  }
0x504: {  	[tilespmem:v58+s17+$0x0] =	vst.idx.msk $0xffff, v50  }
0x505: {  	v60 =	vadd.s32 v19, v47;
	v50 =	vld.idx.msk [tilespmem:v5+s29+$0xC0], $0xffff;
	[tilespmem:v59+s17+$0x0] =	vst.idx.msk $0xffff, v48  }
0x506: {  	v61 =	vadd.s32 v19, v55;
	v48 =	vld.idx.msk [tilespmem:v5+s5+$0xC0], $0xffff;
	_ =	sdelay $0x3  }
0x507: {  	[tilespmem:v60+s17+$0x0] =	vst.idx.msk $0xffff, v50  }
0x508: {  	s31 =	sadd.s32 $0xFFFFFFF5, s1;
	v47 =	vadd.s32 v20, v47;
	v50 =	vld.idx.msk [tilespmem:v7+s29+$0xC0], $0xffff;
	[tilespmem:v61+s17+$0x0] =	vst.idx.msk $0xffff, v48  }
0x509: {  	s20 =	sadd.s32 $0xFFFFFFF5, s30;
	v45 =	vadd.s32 v20, v55;
	v62 =	vmov s31;
	v49 =	vld.idx.msk [tilespmem:v7+s5+$0xC0], $0xffff  }
0x50a: {  	v63 =	vmov s20;
	v48 =	vshrl.u32 v62, $0x3  }
0x50b: {  	v51 =	vshrl.u32 v63, $0x3;
	v48 =	vshll.u32 v48, v2  }
0x50c: {  	v51 =	vshll.u32 v51, v2;
	v48 =	vbroadcast v48, $0x0  }
0x50d: {  	v54 =	vbroadcast v51, $0x0;
	[tilespmem:v47+s17+$0x0] =	vst.idx.msk $0xffff, v50  }
0x50e: {  	v50 =	vld.idx.msk [tilespmem:v0+s29+$0x100], $0xffff;
	v57 =	vadd.s32 v21, v48;
	[tilespmem:v45+s17+$0x0] =	vst.idx.msk $0xffff, v49  }
0x50f: {  	v58 =	vadd.s32 v21, v54;
	v45 =	vld.idx.msk [tilespmem:v0+s5+$0x100], $0xffff;
	_ =	sdelay $0x3  }
0x510: {  	[tilespmem:v57+s17+$0x0] =	vst.idx.msk $0xffff, v50  }
0x511: {  	v59 =	vadd.s32 v22, v48;
	v50 =	vld.idx.msk [tilespmem:v3+s29+$0x100], $0xffff;
	[tilespmem:v58+s17+$0x0] =	vst.idx.msk $0xffff, v45  }
0x512: {  	v60 =	vadd.s32 v22, v54;
	v45 =	vld.idx.msk [tilespmem:v3+s5+$0x100], $0xffff;
	_ =	sdelay $0x3  }
0x513: {  	[tilespmem:v59+s17+$0x0] =	vst.idx.msk $0xffff, v50  }
0x514: {  	v61 =	vadd.s32 v23, v48;
	v50 =	vld.idx.msk [tilespmem:v5+s29+$0x100], $0xffff;
	[tilespmem:v60+s17+$0x0] =	vst.idx.msk $0xffff, v45  }
0x515: {  	v62 =	vadd.s32 v23, v54;
	v45 =	vld.idx.msk [tilespmem:v5+s5+$0x100], $0xffff;
	_ =	sdelay $0x3  }
0x516: {  	v63 =	vadd.s32 v24, v43;
	s31 =	sadd.s32 $0xFFFFFFF6, s0;
	[tilespmem:v61+s17+$0x0] =	vst.idx.msk $0xffff, v50  }
0x517: {  	s20 =	sadd.s32 $0xFFFFFFF6, s1;
	v55 =	vmov s31;
	v48 =	vadd.s32 v24, v48;
	v51 =	vld.idx.msk [tilespmem:v7+s29+$0x100], $0xffff;
	[tilespmem:v62+s17+$0x0] =	vst.idx.msk $0xffff, v45  }
0x518: {  	s31 =	sadd.s32 $0xFFFFFFF6, s30;
	v56 =	vshrl.u32 v55, $0x3;
	v47 =	vadd.s32 v24, v54;
	v57 =	vmov s20;
	v58 =	vld.idx.msk [tilespmem:v7+s5+$0x100], $0xffff  }
0x519: {  	v49 =	vshrl.u32 v57, $0x3;
	v59 =	vmov s31;
	v45 =	vshll.u32 v56, v2  }
0x51a: {  	v49 =	vshll.u32 v49, v2;
	v52 =	vshrl.u32 v59, $0x3;
	v45 =	vbroadcast v45, $0x0  }
0x51b: {  	[tilespmem:v63+s17+$0x0] =	vst.idx.msk $0xffff, v46;
	v43 =	vbroadcast v49, $0x0;
	v60 =	vshll.u32 v52, v2  }
0x51c: {  	v46 =	vbroadcast v60, $0x0;
	v61 =	vld.idx.msk [tilespmem:v0+s28+$0x140], $0xffff;
	v62 =	vadd.s32 v25, v45;
	[tilespmem:v48+s17+$0x0] =	vst.idx.msk $0xffff, v51  }
0x51d: {  	v63 =	vadd.s32 v25, v43;
	v48 =	vld.idx.msk [tilespmem:v0+s29+$0x140], $0xffff;
	[tilespmem:v47+s17+$0x0] =	vst.idx.msk $0xffff, v58  }
0x51e: {  	v56 =	vadd.s32 v25, v46;
	v47 =	vld.idx.msk [tilespmem:v0+s5+$0x140], $0xffff;
	_ =	sdelay $0x2  }
0x51f: {  	[tilespmem:v62+s17+$0x0] =	vst.idx.msk $0xffff, v61  }
0x520: {  	v57 =	vadd.s32 v26, v45;
	v49 =	vld.idx.msk [tilespmem:v3+s28+$0x140], $0xffff;
	[tilespmem:v63+s17+$0x0] =	vst.idx.msk $0xffff, v48  }
0x521: {  	v58 =	vadd.s32 v26, v43;
	v48 =	vld.idx.msk [tilespmem:v3+s29+$0x140], $0xffff;
	[tilespmem:v56+s17+$0x0] =	vst.idx.msk $0xffff, v47  }
0x522: {  	v59 =	vadd.s32 v26, v46;
	v47 =	vld.idx.msk [tilespmem:v3+s5+$0x140], $0xffff;
	_ =	sdelay $0x2  }
0x523: {  	[tilespmem:v57+s17+$0x0] =	vst.idx.msk $0xffff, v49  }
0x524: {  	v60 =	vadd.s32 v27, v45;
	v49 =	vld.idx.msk [tilespmem:v5+s28+$0x140], $0xffff;
	[tilespmem:v58+s17+$0x0] =	vst.idx.msk $0xffff, v48  }
0x525: {  	v61 =	vadd.s32 v27, v43;
	v48 =	vld.idx.msk [tilespmem:v5+s29+$0x140], $0xffff;
	[tilespmem:v59+s17+$0x0] =	vst.idx.msk $0xffff, v47  }
0x526: {  	v62 =	vadd.s32 v27, v46;
	v47 =	vld.idx.msk [tilespmem:v5+s5+$0x140], $0xffff;
	_ =	sdelay $0x2  }
0x527: {  	[tilespmem:v60+s17+$0x0] =	vst.idx.msk $0xffff, v49  }
0x528: {  	s20 =	sadd.s32 $0xFFFFFFF7, s0;
	v45 =	vadd.s32 v28, v45;
	v49 =	vld.idx.msk [tilespmem:v7+s28+$0x140], $0xffff;
	[tilespmem:v61+s17+$0x0] =	vst.idx.msk $0xffff, v48  }
0x529: {  	s31 =	sadd.s32 $0xFFFFFFF7, s1;
	v43 =	vadd.s32 v28, v43;
	v63 =	vmov s20;
	v51 =	vld.idx.msk [tilespmem:v7+s29+$0x140], $0xffff;
	[tilespmem:v62+s17+$0x0] =	vst.idx.msk $0xffff, v47  }
0x52a: {  	v55 =	vmov s31;
	v46 =	vadd.s32 v28, v46;
	s20 =	sadd.s32 $0xFFFFFFF7, s30;
	v54 =	vshrl.u32 v63, $0x3;
	v50 =	vld.idx.msk [tilespmem:v7+s5+$0x140], $0xffff  }
0x52b: {  	v56 =	vmov s20;
	v48 =	vshrl.u32 v55, $0x3;
	v47 =	vshll.u32 v54, v2  }
0x52c: {  	v52 =	vshrl.u32 v56, $0x3;
	v48 =	vshll.u32 v48, v2;
	v47 =	vbroadcast v47, $0x0  }
0x52d: {  	v57 =	vshll.u32 v52, v2;
	[tilespmem:v45+s17+$0x0] =	vst.idx.msk $0xffff, v49;
	v45 =	vbroadcast v48, $0x0  }
0x52e: {  	v49 =	vld.idx.msk [tilespmem:v0+s28+$0x180], $0xffff;
	v58 =	vadd.s32 v29, v47;
	[tilespmem:v43+s17+$0x0] =	vst.idx.msk $0xffff, v51;
	v43 =	vbroadcast v57, $0x0  }
0x52f: {  	v59 =	vld.idx.msk [tilespmem:v0+s29+$0x180], $0xffff;
	v60 =	vadd.s32 v29, v45;
	[tilespmem:v46+s17+$0x0] =	vst.idx.msk $0xffff, v50  }
0x530: {  	v61 =	vadd.s32 v29, v43;
	v46 =	vld.idx.msk [tilespmem:v0+s5+$0x180], $0xffff;
	_ =	sdelay $0x2  }
0x531: {  	[tilespmem:v58+s17+$0x0] =	vst.idx.msk $0xffff, v49  }
0x532: {  	v62 =	vadd.s32 v30, v47;
	v49 =	vld.idx.msk [tilespmem:v3+s28+$0x180], $0xffff;
	[tilespmem:v60+s17+$0x0] =	vst.idx.msk $0xffff, v59  }
0x533: {  	v63 =	vadd.s32 v30, v45;
	v48 =	vld.idx.msk [tilespmem:v3+s29+$0x180], $0xffff;
	[tilespmem:v61+s17+$0x0] =	vst.idx.msk $0xffff, v46  }
0x534: {  	v56 =	vadd.s32 v30, v43;
	v46 =	vld.idx.msk [tilespmem:v3+s5+$0x180], $0xffff;
	_ =	sdelay $0x2  }
0x535: {  	[tilespmem:v62+s17+$0x0] =	vst.idx.msk $0xffff, v49  }
0x536: {  	v57 =	vadd.s32 v31, v47;
	v49 =	vld.idx.msk [tilespmem:v5+s28+$0x180], $0xffff;
	[tilespmem:v63+s17+$0x0] =	vst.idx.msk $0xffff, v48  }
0x537: {  	v58 =	vadd.s32 v31, v45;
	v48 =	vld.idx.msk [tilespmem:v5+s29+$0x180], $0xffff;
	[tilespmem:v56+s17+$0x0] =	vst.idx.msk $0xffff, v46  }
0x538: {  	v60 =	vadd.s32 v31, v43;
	v50 =	vld.idx.msk [tilespmem:v5+s5+$0x180], $0xffff;
	_ =	sdelay $0x1  }
0x539: {  	s31 =	sadd.s32 $0xFFFFFFF8, s12  }
0x53a: {  	v47 =	vadd.s32 v32, v47;
	v45 =	vadd.s32 v32, v45;
	v59 =	vmov s31;
	[tilespmem:v57+s17+$0x0] =	vst.idx.msk $0xffff, v49  }
0x53b: {  	s20 =	sadd.s32 $0xFFFFFFF8, s0;
	s31 =	sadd.s32 $0xFFFFFFF8, s1;
	v43 =	vadd.s32 v32, v43;
	v46 =	vshrl.u32 v59, $0x3;
	v49 =	vld.idx.msk [tilespmem:v7+s28+$0x180], $0xffff;
	[tilespmem:v58+s17+$0x0] =	vst.idx.msk $0xffff, v48  }
0x53c: {  	v61 =	vmov s20;
	v56 =	vmov s31;
	v46 =	vshll.u32 v46, v2;
	v62 =	vld.idx.msk [tilespmem:v7+s29+$0x180], $0xffff;
	[tilespmem:v60+s17+$0x0] =	vst.idx.msk $0xffff, v50  }
0x53d: {  	s20 =	sadd.s32 $0xFFFFFFF8, s30;
	v63 =	vshrl.u32 v61, $0x3;
	v51 =	vshrl.u32 v56, $0x3;
	v46 =	vbroadcast v46, $0x0;
	v53 =	vld.idx.msk [tilespmem:v7+s5+$0x180], $0xffff  }
0x53e: {  	v57 =	vmov s20;
	v51 =	vshll.u32 v51, v2;
	v50 =	vshll.u32 v63, v2  }
0x53f: {  	v54 =	vshrl.u32 v57, $0x3;
	v48 =	vadd.s32 v33, v46;
	v50 =	vbroadcast v50, $0x0  }
0x540: {  	v58 =	vshll.u32 v54, v2;
	[tilespmem:v47+s17+$0x0] =	vst.idx.msk $0xffff, v49;
	v47 =	vbroadcast v51, $0x0  }
0x541: {  	v59 =	vld.idx.msk [tilespmem:v0+s28+$0x1C0], $0xffff;
	v60 =	vadd.s32 v33, v50;
	[tilespmem:v45+s17+$0x0] =	vst.idx.msk $0xffff, v62;
	v45 =	vbroadcast v58, $0x0  }
0x542: {  	v61 =	vld.idx.msk [tilespmem:v0+s29+$0x1C0], $0xffff;
	v62 =	vadd.s32 v33, v47;
	[tilespmem:v43+s17+$0x0] =	vst.idx.msk $0xffff, v53  }
0x543: {  	v63 =	vadd.s32 v33, v45;
	v43 =	vld.idx.msk [tilespmem:v0+s5+$0x1C0], $0xffff  }
0x544: {  	[tilespmem:v48+s17+$0x0] =	vst.idx.msk $0xffff, v44  }
0x545: {  	v57 =	vadd.s32 v34, v46;
	v44 =	vld.idx.msk [tilespmem:v3+s26+$0x1C0], $0xffff  }
0x546: {  	[tilespmem:v60+s17+$0x0] =	vst.idx.msk $0xffff, v59  }
0x547: {  	v58 =	vadd.s32 v34, v50;
	v51 =	vld.idx.msk [tilespmem:v3+s28+$0x1C0], $0xffff;
	[tilespmem:v62+s17+$0x0] =	vst.idx.msk $0xffff, v61  }
0x548: {  	v59 =	vadd.s32 v34, v47;
	v49 =	vld.idx.msk [tilespmem:v3+s29+$0x1C0], $0xffff;
	[tilespmem:v63+s17+$0x0] =	vst.idx.msk $0xffff, v43  }
0x549: {  	v60 =	vadd.s32 v34, v45;
	v43 =	vld.idx.msk [tilespmem:v3+s5+$0x1C0], $0xffff  }
0x54a: {  	[tilespmem:v57+s17+$0x0] =	vst.idx.msk $0xffff, v44  }
0x54b: {  	v61 =	vadd.s32 v35, v46;
	v44 =	vld.idx.msk [tilespmem:v5+s26+$0x1C0], $0xffff  }
0x54c: {  	[tilespmem:v58+s17+$0x0] =	vst.idx.msk $0xffff, v51  }
0x54d: {  	v62 =	vadd.s32 v35, v50;
	v51 =	vld.idx.msk [tilespmem:v5+s28+$0x1C0], $0xffff;
	[tilespmem:v59+s17+$0x0] =	vst.idx.msk $0xffff, v49  }
0x54e: {  	v63 =	vadd.s32 v35, v47;
	v49 =	vld.idx.msk [tilespmem:v5+s29+$0x1C0], $0xffff;
	[tilespmem:v60+s17+$0x0] =	vst.idx.msk $0xffff, v43  }
0x54f: {  	v58 =	vadd.s32 v35, v45;
	v53 =	vld.idx.msk [tilespmem:v5+s5+$0x1C0], $0xffff  }
0x550: {  	[tilespmem:v61+s17+$0x0] =	vst.idx.msk $0xffff, v44  }
0x551: {  	s31 =	sadd.s32 $0xFFFFFFF9, s12;
	v46 =	vadd.s32 v36, v46;
	v44 =	vld.idx.msk [tilespmem:v7+s26+$0x1C0], $0xffff  }
0x552: {  	v57 =	vmov s31;
	v50 =	vadd.s32 v36, v50;
	v47 =	vadd.s32 v36, v47;
	[tilespmem:v62+s17+$0x0] =	vst.idx.msk $0xffff, v51  }
0x553: {  	s20 =	sadd.s32 $0xFFFFFFF9, s0;
	s31 =	sadd.s32 $0xFFFFFFF9, s1;
	v45 =	vadd.s32 v36, v45;
	v43 =	vshrl.u32 v57, $0x3;
	v59 =	vld.idx.msk [tilespmem:v7+s28+$0x1C0], $0xffff;
	[tilespmem:v63+s17+$0x0] =	vst.idx.msk $0xffff, v49  }
0x554: {  	v61 =	vmov s31;
	v60 =	vmov s20;
	s20 =	sadd.s32 $0xFFFFFFF9, s30;
	v43 =	vshll.u32 v43, v2;
	v52 =	vld.idx.msk [tilespmem:v7+s29+$0x1C0], $0xffff;
	[tilespmem:v58+s17+$0x0] =	vst.idx.msk $0xffff, v53  }
0x555: {  	v56 =	vmov s20;
	v43 =	vbroadcast v43, $0x0;
	v51 =	vshrl.u32 v60, $0x3;
	v54 =	vld.idx.msk [tilespmem:v7+s5+$0x1C0], $0xffff  }
0x556: {  	[tilespmem:v46+s17+$0x0] =	vst.idx.msk $0xffff, v44;
	v62 =	vshll.u32 v51, v2;
	v63 =	vshrl.u32 v61, $0x3;
	v51 =	vshrl.u32 v56, $0x3  }
0x557: {  	v49 =	vadd.s32 v1, v43;
	v57 =	vld.idx.msk [tilespmem:v0+s26+$0x200], $0xffff;
	v44 =	vbroadcast v62, $0x0;
	v46 =	vshll.u32 v63, v2  }
0x558: {  	v46 =	vbroadcast v46, $0x0;
	v58 =	vshll.u32 v51, v2;
	[tilespmem:v50+s17+$0x0] =	vst.idx.msk $0xffff, v59  }
0x559: {  	v59 =	vadd.s32 v1, v44;
	v50 =	vld.idx.msk [tilespmem:v0+s28+$0x200], $0xffff;
	[tilespmem:v47+s17+$0x0] =	vst.idx.msk $0xffff, v52;
	v47 =	vbroadcast v58, $0x0  }
0x55a: {  	v61 =	vadd.s32 v1, v46;
	v60 =	vld.idx.msk [tilespmem:v0+s29+$0x200], $0xffff;
	[tilespmem:v45+s17+$0x0] =	vst.idx.msk $0xffff, v54  }
0x55b: {  	v62 =	vadd.s32 v1, v47;
	v45 =	vld.idx.msk [tilespmem:v0+s5+$0x200], $0xffff  }
0x55c: {  	v39 =	vadd.s32 v28, v39;
	[tilespmem:v49+s17+$0x0] =	vst.idx.msk $0xffff, v57  }
0x55d: {  	v53 =	vadd.s32 v4, v43;
	v49 =	vld.idx.msk [tilespmem:v3+s26+$0x200], $0xffff  }
0x55e: {  	v55 =	vadd.s32 v19, v38;
	s31 =	sadd.s32 $0xFFFFFFFF, s18;
	[tilespmem:v59+s17+$0x0] =	vst.idx.msk $0xffff, v50  }
0x55f: {  	v63 =	vmov s31;
	v56 =	vadd.s32 v4, v44;
	v51 =	vld.idx.msk [tilespmem:v3+s28+$0x200], $0xffff;
	[tilespmem:v61+s17+$0x0] =	vst.idx.msk $0xffff, v60  }
0x560: {  	v52 =	vadd.s32 v4, v46;
	v60 =	vshrl.u32 v63, $0x3;
	v50 =	vld.idx.msk [tilespmem:v3+s29+$0x200], $0xffff;
	[tilespmem:v62+s17+$0x0] =	vst.idx.msk $0xffff, v45  }
0x561: {  	[tilespmem:v39+s17+$0x0] =	vst.idx.msk $0xffff, v42;
	v61 =	vshll.u32 v60, v2;
	v62 =	vadd.s32 v4, v47;
	v42 =	vld.idx.msk [tilespmem:v3+s5+$0x200], $0xffff  }
0x562: {  	v63 =	vadd.s32 v10, v37;
	[tilespmem:v53+s17+$0x0] =	vst.idx.msk $0xffff, v49;
	v39 =	vbroadcast v61, $0x0  }
0x563: {  	[tilespmem:v55+s17+$0x0] =	vst.idx.msk $0xffff, v41;
	v41 =	vld.idx.msk [tilespmem:v5+s26+$0x200], $0xffff;
	v60 =	vadd.s32 v6, v43  }
0x564: {  	v45 =	vld.idx.msk [tilespmem:v0+s25+$0x380], $0xffff;
	v61 =	vadd.s32 v29, v39;
	[tilespmem:v56+s17+$0x0] =	vst.idx.msk $0xffff, v51  }
0x565: {  	v56 =	vadd.s32 v6, v44;
	v51 =	vld.idx.msk [tilespmem:v5+s28+$0x200], $0xffff;
	[tilespmem:v52+s17+$0x0] =	vst.idx.msk $0xffff, v50  }
0x566: {  	v59 =	vadd.s32 v6, v46;
	v50 =	vld.idx.msk [tilespmem:v5+s29+$0x200], $0xffff;
	[tilespmem:v62+s17+$0x0] =	vst.idx.msk $0xffff, v42  }
0x567: {  	v48 =	vadd.s32 v6, v47;
	v46 =	vadd.s32 v8, v46;
	[tilespmem:v63+s17+$0x0] =	vst.idx.msk $0xffff, v40;
	v42 =	vld.idx.msk [tilespmem:v5+s5+$0x200], $0xffff  }
0x568: {  	v53 =	vld.idx.msk [tilespmem:v7+s23+$0x2C0], $0xffff;
	v49 =	vadd.s32 v11, v37;
	v63 =	vadd.s32 v20, v38;
	[tilespmem:v60+s17+$0x0] =	vst.idx.msk $0xffff, v41  }
0x569: {  	s20 =	sadd.s32 $0xFFFFFFFA, s12;
	s31 =	sadd.s32 $0xFFFFFFFD, s9;
	v43 =	vadd.s32 v8, v43;
	v47 =	vadd.s32 v8, v47;
	[tilespmem:v61+s17+$0x0] =	vst.idx.msk $0xffff, v45;
	v61 =	vld.idx.msk [tilespmem:v7+s26+$0x200], $0xffff  }
0x56a: {  	v44 =	vadd.s32 v8, v44;
	v54 =	vld.idx.msk [tilespmem:v5+s24+$0x240], $0xffff;
	v60 =	vmov s31;
	s31 =	sadd.s32 $0xFFFFFFFA, s1;
	v62 =	vmov s20;
	[tilespmem:v56+s17+$0x0] =	vst.idx.msk $0xffff, v51  }
0x56b: {  	v41 =	vshrl.u32 v60, $0x3;
	v57 =	vmov s31;
	s20 =	sadd.s32 $0xFFFFFFFA, s0;
	v40 =	vshrl.u32 v62, $0x3;
	v51 =	vld.idx.msk [tilespmem:v7+s28+$0x200], $0xffff;
	[tilespmem:v59+s17+$0x0] =	vst.idx.msk $0xffff, v50  }
0x56c: {  	v41 =	vshll.u32 v41, v2;
	v62 =	vmov s20;
	s20 =	sadd.s32 $0xFFFFFFFA, s30;
	v40 =	vshll.u32 v40, v2;
	v56 =	vld.idx.msk [tilespmem:v7+s29+$0x200], $0xffff;
	[tilespmem:v48+s17+$0x0] =	vst.idx.msk $0xffff, v42  }
0x56d: {  	[tilespmem:v63+s17+$0x0] =	vst.idx.msk $0xffff, v53;
	v63 =	vshrl.u32 v62, $0x3;
	v58 =	vmov s20;
	v40 =	vbroadcast v40, $0x0;
	v48 =	vld.idx.msk [tilespmem:v7+s5+$0x200], $0xffff  }
0x56e: {  	v55 =	vld.idx.msk [tilespmem:v3+s25+$0x380], $0xffff;
	v38 =	vshll.u32 v63, v2;
	v60 =	vshrl.u32 v58, $0x3;
	[tilespmem:v43+s17+$0x0] =	vst.idx.msk $0xffff, v61;
	v42 =	vshrl.u32 v57, $0x3  }
0x56f: {  	v53 =	vbroadcast v38, $0x0;
	v50 =	vadd.s32 v9, v40;
	v45 =	vld.idx.msk [tilespmem:v0+s26+$0x240], $0xffff;
	v59 =	vshll.u32 v42, v2  }
0x570: {  	v62 =	vshll.u32 v60, v2;
	v61 =	vadd.s32 v30, v39;
	[tilespmem:v44+s17+$0x0] =	vst.idx.msk $0xffff, v51;
	v44 =	vbroadcast v59, $0x0  }
0x571: {  	v63 =	vadd.s32 v9, v53;
	v42 =	vld.idx.msk [tilespmem:v0+s28+$0x240], $0xffff;
	[tilespmem:v46+s17+$0x0] =	vst.idx.msk $0xffff, v56;
	v46 =	vbroadcast v62, $0x0  }
0x572: {  	v38 =	vbroadcast v41, $0x0;
	v41 =	vld.idx.msk [tilespmem:v0+s29+$0x240], $0xffff;
	v56 =	vadd.s32 v9, v44;
	[tilespmem:v47+s17+$0x0] =	vst.idx.msk $0xffff, v48  }
0x573: {  	[tilespmem:v49+s17+$0x0] =	vst.idx.msk $0xffff, v54;
	v58 =	vadd.s32 v9, v46;
	v47 =	vld.idx.msk [tilespmem:v0+s5+$0x240], $0xffff  }
0x574: {  	v52 =	vld.idx.msk [tilespmem:v0+s23+$0x300], $0xffff;
	v59 =	vadd.s32 v21, v38;
	[tilespmem:v50+s17+$0x0] =	vst.idx.msk $0xffff, v45  }
0x575: {  	[tilespmem:v61+s17+$0x0] =	vst.idx.msk $0xffff, v55;
	v61 =	vadd.s32 v10, v40;
	v60 =	vld.idx.msk [tilespmem:v3+s26+$0x240], $0xffff  }
0x576: {  	v49 =	vld.idx.msk [tilespmem:v7+s24+$0x240], $0xffff;
	v62 =	vadd.s32 v12, v37;
	[tilespmem:v63+s17+$0x0] =	vst.idx.msk $0xffff, v42  }
0x577: {  	v63 =	vadd.s32 v10, v53;
	v42 =	vld.idx.msk [tilespmem:v3+s28+$0x240], $0xffff;
	[tilespmem:v56+s17+$0x0] =	vst.idx.msk $0xffff, v41  }
0x578: {  	v55 =	vadd.s32 v10, v44;
	v41 =	vld.idx.msk [tilespmem:v3+s29+$0x240], $0xffff;
	[tilespmem:v58+s17+$0x0] =	vst.idx.msk $0xffff, v47  }
0x579: {  	v48 =	vadd.s32 v10, v46;
	[tilespmem:v59+s17+$0x0] =	vst.idx.msk $0xffff, v52;
	v47 =	vld.idx.msk [tilespmem:v3+s5+$0x240], $0xffff  }
0x57a: {  	s31 =	sadd.s32 $0xFFFFFFFB, s7;
	v54 =	vadd.s32 v31, v39;
	v50 =	vld.idx.msk [tilespmem:v5+s25+$0x380], $0xffff;
	[tilespmem:v61+s17+$0x0] =	vst.idx.msk $0xffff, v60  }
0x57b: {  	[tilespmem:v62+s17+$0x0] =	vst.idx.msk $0xffff, v49;
	v60 =	vmov s31;
	v61 =	vadd.s32 v11, v40;
	v37 =	vld.idx.msk [tilespmem:v5+s26+$0x240], $0xffff  }
0x57c: {  	v52 =	vld.idx.msk [tilespmem:v3+s23+$0x300], $0xffff;
	v56 =	vadd.s32 v22, v38;
	v43 =	vshrl.u32 v60, $0x3;
	[tilespmem:v63+s17+$0x0] =	vst.idx.msk $0xffff, v42  }
0x57d: {  	v62 =	vshll.u32 v43, v2;
	v63 =	vadd.s32 v11, v53;
	v43 =	vld.idx.msk [tilespmem:v5+s28+$0x240], $0xffff;
	[tilespmem:v55+s17+$0x0] =	vst.idx.msk $0xffff, v41  }
0x57e: {  	v58 =	vadd.s32 v11, v44;
	v41 =	vbroadcast v62, $0x0;
	v57 =	vld.idx.msk [tilespmem:v5+s29+$0x240], $0xffff;
	[tilespmem:v48+s17+$0x0] =	vst.idx.msk $0xffff, v47  }
0x57f: {  	s20 =	sadd.s32 $0xFFFFFFFB, s12;
	[tilespmem:v54+s17+$0x0] =	vst.idx.msk $0xffff, v50;
	v50 =	vadd.s32 v11, v46;
	v48 =	vld.idx.msk [tilespmem:v5+s5+$0x240], $0xffff  }
0x580: {  	v39 =	vadd.s32 v32, v39;
	v59 =	vmov s20;
	v49 =	vld.idx.msk [tilespmem:v0+s24+$0x280], $0xffff;
	v60 =	vadd.s32 v13, v41;
	[tilespmem:v61+s17+$0x0] =	vst.idx.msk $0xffff, v37  }
0x581: {  	v40 =	vadd.s32 v12, v40;
	[tilespmem:v56+s17+$0x0] =	vst.idx.msk $0xffff, v52;
	v61 =	vshrl.u32 v59, $0x3;
	v62 =	vld.idx.msk [tilespmem:v7+s26+$0x240], $0xffff  }
0x582: {  	v46 =	vadd.s32 v12, v46;
	v45 =	vshll.u32 v61, v2;
	[tilespmem:v63+s17+$0x0] =	vst.idx.msk $0xffff, v43  }
0x583: {  	s31 =	sadd.s32 $0xFFFFFFFB, s0;
	v53 =	vadd.s32 v12, v53;
	v45 =	vbroadcast v45, $0x0;
	v51 =	vld.idx.msk [tilespmem:v7+s28+$0x240], $0xffff;
	[tilespmem:v58+s17+$0x0] =	vst.idx.msk $0xffff, v57  }
0x584: {  	s20 =	sadd.s32 $0xFFFFFFFB, s1;
	v44 =	vadd.s32 v12, v44;
	v43 =	vadd.s32 v14, v41;
	v63 =	vmov s31;
	v56 =	vld.idx.msk [tilespmem:v7+s29+$0x240], $0xffff;
	[tilespmem:v50+s17+$0x0] =	vst.idx.msk $0xffff, v48  }
0x585: {  	v61 =	vmov s20;
	s31 =	sadd.s32 $0xFFFFFFFB, s30;
	v42 =	vadd.s32 v13, v45;
	[tilespmem:v60+s17+$0x0] =	vst.idx.msk $0xffff, v49;
	v60 =	vshrl.u32 v63, $0x3;
	v50 =	vld.idx.msk [tilespmem:v7+s5+$0x240], $0xffff  }
0x586: {  	v55 =	vmov s31;
	v63 =	vshrl.u32 v61, $0x3;
	v54 =	vld.idx.msk [tilespmem:v3+s24+$0x280], $0xffff;
	[tilespmem:v40+s17+$0x0] =	vst.idx.msk $0xffff, v62;
	v62 =	vshll.u32 v60, v2  }
0x587: {  	v47 =	vshll.u32 v63, v2;
	v57 =	vld.idx.msk [tilespmem:v0+s26+$0x280], $0xffff;
	v40 =	vbroadcast v62, $0x0;
	v48 =	vshrl.u32 v55, $0x3  }
0x588: {  	v37 =	vld.idx.msk [tilespmem:v7+s25+$0x380], $0xffff;
	v47 =	vbroadcast v47, $0x0;
	v48 =	vshll.u32 v48, v2;
	[tilespmem:v53+s17+$0x0] =	vst.idx.msk $0xffff, v51  }
0x589: {  	v58 =	vadd.s32 v13, v40;
	v51 =	vld.idx.msk [tilespmem:v0+s28+$0x280], $0xffff;
	[tilespmem:v44+s17+$0x0] =	vst.idx.msk $0xffff, v56;
	v44 =	vbroadcast v48, $0x0  }
0x58a: {  	v59 =	vadd.s32 v13, v47;
	v48 =	vld.idx.msk [tilespmem:v0+s29+$0x280], $0xffff;
	[tilespmem:v46+s17+$0x0] =	vst.idx.msk $0xffff, v50  }
0x58b: {  	[tilespmem:v43+s17+$0x0] =	vst.idx.msk $0xffff, v54;
	v46 =	vadd.s32 v13, v44;
	v43 =	vld.idx.msk [tilespmem:v0+s5+$0x280], $0xffff  }
0x58c: {  	v61 =	vadd.s32 v15, v41;
	v60 =	vld.idx.msk [tilespmem:v5+s24+$0x280], $0xffff;
	[tilespmem:v42+s17+$0x0] =	vst.idx.msk $0xffff, v57  }
0x58d: {  	[tilespmem:v39+s17+$0x0] =	vst.idx.msk $0xffff, v37;
	v63 =	vadd.s32 v14, v45;
	v62 =	vld.idx.msk [tilespmem:v3+s26+$0x280], $0xffff  }
0x58e: {  	v52 =	vld.idx.msk [tilespmem:v5+s23+$0x300], $0xffff;
	v57 =	vadd.s32 v23, v38;
	[tilespmem:v58+s17+$0x0] =	vst.idx.msk $0xffff, v51  }
0x58f: {  	v58 =	vadd.s32 v14, v40;
	v51 =	vld.idx.msk [tilespmem:v3+s28+$0x280], $0xffff;
	[tilespmem:v59+s17+$0x0] =	vst.idx.msk $0xffff, v48  }
0x590: {  	v59 =	vadd.s32 v14, v47;
	v48 =	vld.idx.msk [tilespmem:v3+s29+$0x280], $0xffff;
	[tilespmem:v46+s17+$0x0] =	vst.idx.msk $0xffff, v43  }
0x591: {  	[tilespmem:v61+s17+$0x0] =	vst.idx.msk $0xffff, v60;
	v60 =	vadd.s32 v14, v44;
	v43 =	vld.idx.msk [tilespmem:v3+s5+$0x280], $0xffff  }
0x592: {  	s20 =	sadd.s32 $0xFFFFFFFC, s7;
	v41 =	vadd.s32 v16, v41;
	v50 =	vld.idx.msk [tilespmem:v7+s24+$0x280], $0xffff;
	[tilespmem:v63+s17+$0x0] =	vst.idx.msk $0xffff, v62  }
0x593: {  	v56 =	vadd.s32 v15, v47;
	v42 =	vadd.s32 v15, v45;
	[tilespmem:v57+s17+$0x0] =	vst.idx.msk $0xffff, v52;
	v61 =	vmov s20;
	v39 =	vld.idx.msk [tilespmem:v5+s26+$0x280], $0xffff  }
0x594: {  	v38 =	vadd.s32 v24, v38;
	v52 =	vld.idx.msk [tilespmem:v7+s23+$0x300], $0xffff;
	v37 =	vshrl.u32 v61, $0x3;
	[tilespmem:v58+s17+$0x0] =	vst.idx.msk $0xffff, v51  }
0x595: {  	v54 =	vadd.s32 v15, v40;
	v62 =	vmov s18;
	v37 =	vshll.u32 v37, v2;
	v53 =	vld.idx.msk [tilespmem:v5+s28+$0x280], $0xffff;
	[tilespmem:v59+s17+$0x0] =	vst.idx.msk $0xffff, v48  }
0x596: {  	v40 =	vadd.s32 v16, v40;
	v63 =	vshrl.u32 v62, $0x3;
	v51 =	vbroadcast v37, $0x0;
	v55 =	vld.idx.msk [tilespmem:v5+s29+$0x280], $0xffff;
	[tilespmem:v60+s17+$0x0] =	vst.idx.msk $0xffff, v43  }
0x597: {  	s31 =	sadd.s32 $0xFFFFFFFC, s12;
	v46 =	vadd.s32 v15, v44;
	[tilespmem:v41+s17+$0x0] =	vst.idx.msk $0xffff, v50;
	v60 =	vshll.u32 v63, v2;
	v43 =	vld.idx.msk [tilespmem:v5+s5+$0x280], $0xffff  }
0x598: {  	v61 =	vmov s31;
	v62 =	vld.idx.msk [tilespmem:v0+s24+$0x2C0], $0xffff;
	[tilespmem:v42+s17+$0x0] =	vst.idx.msk $0xffff, v39;
	v63 =	vadd.s32 v17, v51;
	v37 =	vbroadcast v60, $0x0  }
0x599: {  	v59 =	vshrl.u32 v61, $0x3;
	[tilespmem:v38+s17+$0x0] =	vst.idx.msk $0xffff, v52;
	v42 =	vadd.s32 v16, v45;
	v41 =	vld.idx.msk [tilespmem:v7+s26+$0x280], $0xffff  }
0x59a: {  	v49 =	vld.idx.msk [tilespmem:v0+s25+$0x3C0], $0xffff;
	v39 =	vshll.u32 v59, v2;
	[tilespmem:v54+s17+$0x0] =	vst.idx.msk $0xffff, v53;
	v60 =	vadd.s32 v33, v37  }
0x59b: {  	s19 =	sadd.s32 $0xFFFFFFFC, s0;
	v44 =	vadd.s32 v16, v44;
	v57 =	vbroadcast v39, $0x0;
	v53 =	vld.idx.msk [tilespmem:v7+s28+$0x280], $0xffff;
	[tilespmem:v56+s17+$0x0] =	vst.idx.msk $0xffff, v55  }
0x59c: {  	s20 =	sadd.s32 $0xFFFFFFFC, s1;
	v61 =	vmov s19;
	v39 =	vadd.s32 v18, v51;
	[tilespmem:v46+s17+$0x0] =	vst.idx.msk $0xffff, v43;
	v43 =	vld.idx.msk [tilespmem:v7+s29+$0x280], $0xffff;
	v46 =	vadd.s32 v16, v47  }
0x59d: {  	s31 =	sadd.s32 $0xFFFFFFFC, s30;
	v54 =	vadd.s32 v17, v57;
	[tilespmem:v63+s17+$0x0] =	vst.idx.msk $0xffff, v62;
	v62 =	vshrl.u32 v61, $0x3;
	v63 =	vmov s20;
	v58 =	vld.idx.msk [tilespmem:v7+s5+$0x280], $0xffff  }
0x59e: {  	v48 =	vmov s31;
	[tilespmem:v42+s17+$0x0] =	vst.idx.msk $0xffff, v41;
	v59 =	vld.idx.msk [tilespmem:v3+s24+$0x2C0], $0xffff;
	v62 =	vshll.u32 v62, v2;
	v63 =	vshrl.u32 v63, $0x3  }
0x59f: {  	v56 =	vld.idx.msk [tilespmem:v0+s26+$0x2C0], $0xffff;
	v47 =	vshrl.u32 v48, $0x3;
	v41 =	vbroadcast v62, $0x0;
	v42 =	vshll.u32 v63, v2;
	[tilespmem:v60+s17+$0x0] =	vst.idx.msk $0xffff, v49  }
0x5a0: {  	v52 =	vld.idx.msk [tilespmem:v0+s23+$0x340], $0xffff;
	[tilespmem:v40+s17+$0x0] =	vst.idx.msk $0xffff, v53;
	v40 =	vbroadcast v42, $0x0;
	v60 =	vshll.u32 v47, v2  }
0x5a1: {  	v61 =	vld.idx.msk [tilespmem:v0+s28+$0x2C0], $0xffff;
	v62 =	vadd.s32 v17, v41;
	v42 =	vbroadcast v60, $0x0;
	[tilespmem:v46+s17+$0x0] =	vst.idx.msk $0xffff, v43  }
0x5a2: {  	v63 =	vadd.s32 v17, v40;
	v43 =	vld.idx.msk [tilespmem:v0+s29+$0x2C0], $0xffff;
	[tilespmem:v44+s17+$0x0] =	vst.idx.msk $0xffff, v58  }
0x5a3: {  	[tilespmem:v39+s17+$0x0] =	vst.idx.msk $0xffff, v59;
	v58 =	vadd.s32 v17, v42;
	v39 =	vld.idx.msk [tilespmem:v0+s5+$0x2C0], $0xffff  }
0x5a4: {  	v59 =	vadd.s32 v19, v51;
	[tilespmem:v54+s17+$0x0] =	vst.idx.msk $0xffff, v56;
	v50 =	vld.idx.msk [tilespmem:v5+s24+$0x2C0], $0xffff  }
0x5a5: {  	v45 =	vadd.s32 v18, v57;
	v38 =	vld.idx.msk [tilespmem:v3+s26+$0x2C0], $0xffff  }
0x5a6: {  	s19 =	sadd.s32 $0xFFFFFFFE, s9;
	v48 =	vld.idx.msk [tilespmem:v3+s25+$0x3C0], $0xffff;
	v60 =	vadd.s32 v34, v37;
	[tilespmem:v62+s17+$0x0] =	vst.idx.msk $0xffff, v61  }
0x5a7: {  	v55 =	vadd.s32 v18, v41;
	v61 =	vmov s19;
	v49 =	vld.idx.msk [tilespmem:v3+s28+$0x2C0], $0xffff;
	[tilespmem:v63+s17+$0x0] =	vst.idx.msk $0xffff, v43  }
0x5a8: {  	v62 =	vshrl.u32 v61, $0x3;
	v63 =	vadd.s32 v18, v40;
	v46 =	vld.idx.msk [tilespmem:v3+s29+$0x2C0], $0xffff;
	[tilespmem:v58+s17+$0x0] =	vst.idx.msk $0xffff, v39  }
0x5a9: {  	[tilespmem:v59+s17+$0x0] =	vst.idx.msk $0xffff, v50;
	v59 =	vadd.s32 v18, v42;
	v58 =	vshll.u32 v62, v2;
	v43 =	vld.idx.msk [tilespmem:v3+s5+$0x2C0], $0xffff  }
0x5aa: {  	s20 =	sadd.s32 $0xFFFFFFFD, s7;
	v51 =	vadd.s32 v20, v51;
	[tilespmem:v45+s17+$0x0] =	vst.idx.msk $0xffff, v38;
	v50 =	vld.idx.msk [tilespmem:v7+s24+$0x2C0], $0xffff;
	v39 =	vbroadcast v58, $0x0  }
0x5ab: {  	[tilespmem:v60+s17+$0x0] =	vst.idx.msk $0xffff, v48;
	v60 =	vmov s20;
	v61 =	vadd.s32 v19, v57;
	v45 =	vld.idx.msk [tilespmem:v5+s26+$0x2C0], $0xffff  }
0x5ac: {  	v54 =	vld.idx.msk [tilespmem:v5+s25+$0x3C0], $0xffff;
	v38 =	vshrl.u32 v60, $0x3;
	[tilespmem:v55+s17+$0x0] =	vst.idx.msk $0xffff, v49;
	v62 =	vadd.s32 v25, v39  }
0x5ad: {  	v38 =	vshll.u32 v38, v2;
	v55 =	vadd.s32 v19, v41;
	v49 =	vld.idx.msk [tilespmem:v5+s28+$0x2C0], $0xffff;
	[tilespmem:v63+s17+$0x0] =	vst.idx.msk $0xffff, v46  }
0x5ae: {  	v58 =	vadd.s32 v19, v40;
	v46 =	vbroadcast v38, $0x0;
	v63 =	vld.idx.msk [tilespmem:v5+s29+$0x2C0], $0xffff;
	[tilespmem:v59+s17+$0x0] =	vst.idx.msk $0xffff, v43  }
0x5af: {  	s31 =	sadd.s32 $0xFFFFFFFD, s12;
	v60 =	vadd.s32 v19, v42;
	[tilespmem:v51+s17+$0x0] =	vst.idx.msk $0xffff, v50;
	v44 =	vld.idx.msk [tilespmem:v5+s5+$0x2C0], $0xffff  }
0x5b0: {  	[tilespmem:v61+s17+$0x0] =	vst.idx.msk $0xffff, v45;
	v59 =	vmov s31;
	v51 =	vld.idx.msk [tilespmem:v0+s24+$0x300], $0xffff;
	v61 =	vadd.s32 v21, v46  }
0x5b1: {  	v48 =	vld.idx.msk [tilespmem:v7+s26+$0x2C0], $0xffff;
	v43 =	vshrl.u32 v59, $0x3;
	[tilespmem:v62+s17+$0x0] =	vst.idx.msk $0xffff, v52;
	v62 =	vadd.s32 v20, v57  }
0x5b2: {  	v42 =	vadd.s32 v20, v42;
	v43 =	vshll.u32 v43, v2;
	[tilespmem:v55+s17+$0x0] =	vst.idx.msk $0xffff, v49;
	v53 =	vld.idx.msk [tilespmem:v3+s23+$0x340], $0xffff  }
0x5b3: {  	s19 =	sadd.s32 $0xFFFFFFFD, s0;
	v41 =	vadd.s32 v20, v41;
	v43 =	vbroadcast v43, $0x0;
	v55 =	vld.idx.msk [tilespmem:v7+s28+$0x2C0], $0xffff;
	[tilespmem:v58+s17+$0x0] =	vst.idx.msk $0xffff, v63  }
0x5b4: {  	s20 =	sadd.s32 $0xFFFFFFFD, s1;
	v40 =	vadd.s32 v20, v40;
	v49 =	vadd.s32 v22, v46;
	v63 =	vmov s19;
	v56 =	vld.idx.msk [tilespmem:v7+s29+$0x2C0], $0xffff;
	[tilespmem:v60+s17+$0x0] =	vst.idx.msk $0xffff, v44  }
0x5b5: {  	s31 =	sadd.s32 $0xFFFFFFFD, s30;
	v38 =	vadd.s32 v21, v43;
	v58 =	vmov s20;
	[tilespmem:v61+s17+$0x0] =	vst.idx.msk $0xffff, v51;
	v57 =	vshrl.u32 v63, $0x3;
	v47 =	vld.idx.msk [tilespmem:v7+s5+$0x2C0], $0xffff  }
0x5b6: {  	v59 =	vmov s31;
	v45 =	vshrl.u32 v58, $0x3;
	v50 =	vld.idx.msk [tilespmem:v3+s24+$0x300], $0xffff;
	[tilespmem:v62+s17+$0x0] =	vst.idx.msk $0xffff, v48;
	v44 =	vshll.u32 v57, v2  }
0x5b7: {  	v45 =	vshll.u32 v45, v2;
	v48 =	vshrl.u32 v59, $0x3;
	v51 =	vld.idx.msk [tilespmem:v0+s26+$0x300], $0xffff;
	v44 =	vbroadcast v44, $0x0  }
0x5b8: {  	v60 =	vadd.s32 v35, v37;
	[tilespmem:v41+s17+$0x0] =	vst.idx.msk $0xffff, v55;
	v41 =	vbroadcast v45, $0x0;
	v61 =	vshll.u32 v48, v2  }
0x5b9: {  	v48 =	vld.idx.msk [tilespmem:v0+s28+$0x300], $0xffff;
	v62 =	vadd.s32 v21, v44;
	[tilespmem:v40+s17+$0x0] =	vst.idx.msk $0xffff, v56;
	v40 =	vbroadcast v61, $0x0  }
0x5ba: {  	v63 =	vadd.s32 v21, v41;
	v45 =	vld.idx.msk [tilespmem:v0+s29+$0x300], $0xffff;
	[tilespmem:v42+s17+$0x0] =	vst.idx.msk $0xffff, v47  }
0x5bb: {  	[tilespmem:v49+s17+$0x0] =	vst.idx.msk $0xffff, v50;
	v42 =	vld.idx.msk [tilespmem:v0+s5+$0x300], $0xffff;
	v47 =	vadd.s32 v21, v40  }
0x5bc: {  	v50 =	vadd.s32 v23, v46;
	v49 =	vld.idx.msk [tilespmem:v5+s24+$0x300], $0xffff;
	[tilespmem:v38+s17+$0x0] =	vst.idx.msk $0xffff, v51  }
0x5bd: {  	[tilespmem:v60+s17+$0x0] =	vst.idx.msk $0xffff, v54;
	v60 =	vadd.s32 v22, v43;
	v51 =	vld.idx.msk [tilespmem:v3+s26+$0x300], $0xffff  }
0x5be: {  	v61 =	vadd.s32 v26, v39;
	v38 =	vld.idx.msk [tilespmem:v7+s25+$0x3C0], $0xffff;
	[tilespmem:v62+s17+$0x0] =	vst.idx.msk $0xffff, v48  }
0x5bf: {  	v62 =	vadd.s32 v22, v44;
	v48 =	vld.idx.msk [tilespmem:v3+s28+$0x300], $0xffff;
	[tilespmem:v63+s17+$0x0] =	vst.idx.msk $0xffff, v45  }
0x5c0: {  	v63 =	vadd.s32 v22, v41;
	v45 =	vld.idx.msk [tilespmem:v3+s29+$0x300], $0xffff;
	[tilespmem:v47+s17+$0x0] =	vst.idx.msk $0xffff, v42  }
0x5c1: {  	[tilespmem:v50+s17+$0x0] =	vst.idx.msk $0xffff, v49;
	v47 =	vadd.s32 v22, v40;
	v42 =	vld.idx.msk [tilespmem:v3+s5+$0x300], $0xffff  }
0x5c2: {  	s19 =	sadd.s32 $0xFFFFFFFE, s7;
	v46 =	vadd.s32 v24, v46;
	v49 =	vld.idx.msk [tilespmem:v7+s24+$0x300], $0xffff;
	[tilespmem:v60+s17+$0x0] =	vst.idx.msk $0xffff, v51  }
0x5c3: {  	[tilespmem:v61+s17+$0x0] =	vst.idx.msk $0xffff, v53;
	v61 =	vadd.s32 v23, v43;
	v60 =	vmov s19;
	v51 =	vld.idx.msk [tilespmem:v5+s26+$0x300], $0xffff  }
0x5c4: {  	v54 =	vadd.s32 v27, v39;
	v53 =	vld.idx.msk [tilespmem:v5+s23+$0x340], $0xffff;
	v50 =	vshrl.u32 v60, $0x3;
	[tilespmem:v62+s17+$0x0] =	vst.idx.msk $0xffff, v48  }
0x5c5: {  	v55 =	vadd.s32 v23, v44;
	v62 =	vshll.u32 v50, v2;
	v50 =	vld.idx.msk [tilespmem:v5+s28+$0x300], $0xffff;
	[tilespmem:v63+s17+$0x0] =	vst.idx.msk $0xffff, v45  }
0x5c6: {  	v45 =	vbroadcast v62, $0x0;
	v63 =	vadd.s32 v23, v41;
	v48 =	vld.idx.msk [tilespmem:v5+s29+$0x300], $0xffff;
	[tilespmem:v47+s17+$0x0] =	vst.idx.msk $0xffff, v42  }
0x5c7: {  	v39 =	vadd.s32 v28, v39;
	v60 =	vadd.s32 v23, v40;
	[tilespmem:v46+s17+$0x0] =	vst.idx.msk $0xffff, v49;
	v46 =	vld.idx.msk [tilespmem:v5+s5+$0x300], $0xffff  }
0x5c8: {  	s25 =	sadd.s32 $0xFFFFFFFF, s9;
	v44 =	vadd.s32 v24, v44;
	v49 =	vld.idx.msk [tilespmem:v0+s24+$0x340], $0xffff;
	[tilespmem:v61+s17+$0x0] =	vst.idx.msk $0xffff, v51;
	v61 =	vadd.s32 v25, v45  }
0x5c9: {  	s20 =	sadd.s32 $0xFFFFFFFE, s12;
	v43 =	vadd.s32 v24, v43;
	v40 =	vadd.s32 v24, v40;
	[tilespmem:v54+s17+$0x0] =	vst.idx.msk $0xffff, v53;
	v62 =	vmov s25;
	v53 =	vld.idx.msk [tilespmem:v7+s26+$0x300], $0xffff  }
0x5ca: {  	v59 =	vmov s20;
	s20 =	sadd.s32 $0xFFFFFFFE, s30;
	v54 =	vld.idx.msk [tilespmem:v7+s23+$0x340], $0xffff;
	v41 =	vadd.s32 v24, v41;
	v52 =	vshrl.u32 v62, $0x3;
	[tilespmem:v55+s17+$0x0] =	vst.idx.msk $0xffff, v50  }
0x5cb: {  	s31 =	sadd.s32 $0xFFFFFFFE, s0;
	v58 =	vmov s20;
	v42 =	vshrl.u32 v59, $0x3;
	v50 =	vshll.u32 v52, v2;
	v52 =	vld.idx.msk [tilespmem:v7+s28+$0x300], $0xffff;
	[tilespmem:v63+s17+$0x0] =	vst.idx.msk $0xffff, v48  }
0x5cc: {  	s19 =	sadd.s32 $0xFFFFFFFE, s1;
	v47 =	vshrl.u32 v58, $0x3;
	v42 =	vshll.u32 v42, v2;
	v63 =	vmov s31;
	v56 =	vld.idx.msk [tilespmem:v7+s29+$0x300], $0xffff;
	[tilespmem:v60+s17+$0x0] =	vst.idx.msk $0xffff, v46  }
0x5cd: {  	v42 =	vbroadcast v42, $0x0;
	[tilespmem:v61+s17+$0x0] =	vst.idx.msk $0xffff, v49;
	v60 =	vshrl.u32 v63, $0x3;
	v61 =	vmov s19;
	v62 =	vld.idx.msk [tilespmem:v7+s5+$0x300], $0xffff  }
0x5ce: {  	v59 =	vshll.u32 v47, v2;
	[tilespmem:v43+s17+$0x0] =	vst.idx.msk $0xffff, v53;
	v63 =	vshll.u32 v60, v2;
	v57 =	vshrl.u32 v61, $0x3  }
0x5cf: {  	v48 =	vadd.s32 v25, v42;
	v53 =	vld.idx.msk [tilespmem:v0+s26+$0x340], $0xffff;
	v43 =	vbroadcast v63, $0x0;
	v46 =	vshll.u32 v57, v2  }
0x5d0: {  	v55 =	vadd.s32 v26, v45;
	v51 =	vld.idx.msk [tilespmem:v3+s24+$0x340], $0xffff;
	[tilespmem:v44+s17+$0x0] =	vst.idx.msk $0xffff, v52;
	v44 =	vbroadcast v46, $0x0  }
0x5d1: {  	v47 =	vld.idx.msk [tilespmem:v0+s28+$0x340], $0xffff;
	v60 =	vadd.s32 v25, v43;
	[tilespmem:v41+s17+$0x0] =	vst.idx.msk $0xffff, v56;
	v41 =	vbroadcast v59, $0x0  }
0x5d2: {  	v46 =	vbroadcast v50, $0x0;
	v61 =	vadd.s32 v25, v44;
	v50 =	vld.idx.msk [tilespmem:v0+s29+$0x340], $0xffff;
	[tilespmem:v40+s17+$0x0] =	vst.idx.msk $0xffff, v62  }
0x5d3: {  	[tilespmem:v39+s17+$0x0] =	vst.idx.msk $0xffff, v54;
	v39 =	vld.idx.msk [tilespmem:v0+s5+$0x340], $0xffff;
	v40 =	vadd.s32 v25, v41  }
0x5d4: {  	v63 =	vadd.s32 v29, v46;
	v62 =	vld.idx.msk [tilespmem:v0+s23+$0x380], $0xffff;
	[tilespmem:v48+s17+$0x0] =	vst.idx.msk $0xffff, v53  }
0x5d5: {  	[tilespmem:v55+s17+$0x0] =	vst.idx.msk $0xffff, v51;
	v51 =	vadd.s32 v26, v42;
	v48 =	vld.idx.msk [tilespmem:v3+s26+$0x340], $0xffff  }
0x5d6: {  	v55 =	vadd.s32 v27, v45;
	v53 =	vld.idx.msk [tilespmem:v5+s24+$0x340], $0xffff;
	[tilespmem:v60+s17+$0x0] =	vst.idx.msk $0xffff, v47  }
0x5d7: {  	v60 =	vadd.s32 v26, v43;
	v47 =	vld.idx.msk [tilespmem:v3+s28+$0x340], $0xffff;
	[tilespmem:v61+s17+$0x0] =	vst.idx.msk $0xffff, v50  }
0x5d8: {  	v61 =	vadd.s32 v26, v44;
	v50 =	vld.idx.msk [tilespmem:v3+s29+$0x340], $0xffff;
	[tilespmem:v40+s17+$0x0] =	vst.idx.msk $0xffff, v39  }
0x5d9: {  	[tilespmem:v63+s17+$0x0] =	vst.idx.msk $0xffff, v62;
	v62 =	vadd.s32 v26, v41;
	v39 =	vld.idx.msk [tilespmem:v3+s5+$0x340], $0xffff  }
0x5da: {  	v63 =	vadd.s32 v30, v46;
	v49 =	vld.idx.msk [tilespmem:v3+s23+$0x380], $0xffff;
	[tilespmem:v51+s17+$0x0] =	vst.idx.msk $0xffff, v48  }
0x5db: {  	[tilespmem:v55+s17+$0x0] =	vst.idx.msk $0xffff, v53;
	v51 =	vadd.s32 v27, v42;
	v48 =	vld.idx.msk [tilespmem:v5+s26+$0x340], $0xffff  }
0x5dc: {  	v37 =	vadd.s32 v36, v37;
	[tilespmem:v60+s17+$0x0] =	vst.idx.msk $0xffff, v47  }
0x5dd: {  	s25 =	sadd.s32 $0xFFFFFFFF, s7;
	v52 =	vadd.s32 v27, v43;
	v47 =	vld.idx.msk [tilespmem:v5+s28+$0x340], $0xffff;
	[tilespmem:v61+s17+$0x0] =	vst.idx.msk $0xffff, v50  }
0x5de: {  	v56 =	vadd.s32 v27, v44;
	v60 =	vmov s25;
	v55 =	vld.idx.msk [tilespmem:v5+s29+$0x340], $0xffff;
	[tilespmem:v62+s17+$0x0] =	vst.idx.msk $0xffff, v39  }
0x5df: {  	[tilespmem:v63+s17+$0x0] =	vst.idx.msk $0xffff, v49;
	v61 =	vshrl.u32 v60, $0x3;
	v60 =	vadd.s32 v27, v41;
	v63 =	vld.idx.msk [tilespmem:v5+s5+$0x340], $0xffff  }
0x5e0: {  	s31 =	sadd.s32 $0xFFFFFFFF, s12;
	v45 =	vadd.s32 v28, v45;
	v43 =	vadd.s32 v28, v43;
	v53 =	vld.idx.msk [tilespmem:v7+s24+$0x340], $0xffff;
	[tilespmem:v51+s17+$0x0] =	vst.idx.msk $0xffff, v48  }
0x5e1: {  	[tilespmem:v37+s17+$0x0] =	vst.idx.msk $0xffff, v38;
	v44 =	vadd.s32 v28, v44;
	v42 =	vadd.s32 v28, v42;
	s25 =	sadd.s32 $0xFFFFFFFF, s30;
	v62 =	vmov s31;
	v48 =	vld.idx.msk [tilespmem:v7+s26+$0x340], $0xffff  }
0x5e2: {  	s19 =	sadd.s32 $0xFFFFFFFF, s0;
	v58 =	vmov s25;
	v39 =	vshll.u32 v61, v2;
	v40 =	vshrl.u32 v62, $0x3;
	[tilespmem:v52+s17+$0x0] =	vst.idx.msk $0xffff, v47  }
0x5e3: {  	v61 =	vmov s19;
	v39 =	vbroadcast v39, $0x0;
	v40 =	vshll.u32 v40, v2;
	v52 =	vld.idx.msk [tilespmem:v7+s28+$0x340], $0xffff;
	[tilespmem:v56+s17+$0x0] =	vst.idx.msk $0xffff, v55  }
0x5e4: {  	s20 =	sadd.s32 $0xFFFFFFFF, s1;
	v41 =	vadd.s32 v28, v41;
	v62 =	vshrl.u32 v61, $0x3;
	v40 =	vbroadcast v40, $0x0;
	v56 =	vld.idx.msk [tilespmem:v7+s29+$0x340], $0xffff;
	[tilespmem:v60+s17+$0x0] =	vst.idx.msk $0xffff, v63  }
0x5e5: {  	[tilespmem:v45+s17+$0x0] =	vst.idx.msk $0xffff, v53;
	v47 =	vadd.s32 v29, v39;
	v55 =	vshll.u32 v62, v2;
	v63 =	vmov s20;
	v50 =	vld.idx.msk [tilespmem:v7+s5+$0x340], $0xffff  }
0x5e6: {  	v53 =	vld.idx.msk [tilespmem:v0+s24+$0x380], $0xffff;
	v54 =	vadd.s32 v29, v40;
	[tilespmem:v42+s17+$0x0] =	vst.idx.msk $0xffff, v48;
	v57 =	vshrl.u32 v63, $0x3;
	v42 =	vbroadcast v55, $0x0  }
0x5e7: {  	v51 =	vld.idx.msk [tilespmem:v5+s23+$0x380], $0xffff;
	v48 =	vshrl.u32 v58, $0x3;
	v55 =	vadd.s32 v31, v46;
	v45 =	vshll.u32 v57, v2  }
0x5e8: {  	v49 =	vld.idx.msk [tilespmem:v0+s26+$0x380], $0xffff;
	v59 =	vshll.u32 v48, v2;
	[tilespmem:v43+s17+$0x0] =	vst.idx.msk $0xffff, v52;
	v43 =	vbroadcast v45, $0x0  }
0x5e9: {  	v52 =	vadd.s32 v29, v42;
	v48 =	vld.idx.msk [tilespmem:v0+s28+$0x380], $0xffff;
	[tilespmem:v44+s17+$0x0] =	vst.idx.msk $0xffff, v56;
	v44 =	vbroadcast v59, $0x0  }
0x5ea: {  	v60 =	vadd.s32 v29, v43;
	v45 =	vld.idx.msk [tilespmem:v0+s29+$0x380], $0xffff;
	[tilespmem:v41+s17+$0x0] =	vst.idx.msk $0xffff, v50  }
0x5eb: {  	[tilespmem:v47+s17+$0x0] =	vst.idx.msk $0xffff, v53;
	v41 =	vld.idx.msk [tilespmem:v0+s5+$0x380], $0xffff;
	v61 =	vadd.s32 v29, v44  }
0x5ec: {  	v63 =	vadd.s32 v30, v39;
	v62 =	vld.idx.msk [tilespmem:v3+s24+$0x380], $0xffff;
	[tilespmem:v55+s17+$0x0] =	vst.idx.msk $0xffff, v51  }
0x5ed: {  	v46 =	vadd.s32 v32, v46;
	[tilespmem:v54+s17+$0x0] =	vst.idx.msk $0xffff, v49;
	v58 =	vld.idx.msk [tilespmem:v7+s23+$0x380], $0xffff  }
0x5ee: {  	v57 =	vadd.s32 v30, v40;
	v49 =	vld.idx.msk [tilespmem:v3+s26+$0x380], $0xffff;
	[tilespmem:v52+s17+$0x0] =	vst.idx.msk $0xffff, v48  }
0x5ef: {  	v59 =	vadd.s32 v30, v42;
	v48 =	vld.idx.msk [tilespmem:v3+s28+$0x380], $0xffff;
	[tilespmem:v60+s17+$0x0] =	vst.idx.msk $0xffff, v45  }
0x5f0: {  	v60 =	vadd.s32 v30, v43;
	v45 =	vld.idx.msk [tilespmem:v3+s29+$0x380], $0xffff;
	[tilespmem:v61+s17+$0x0] =	vst.idx.msk $0xffff, v41  }
0x5f1: {  	v47 =	vadd.s32 v30, v44;
	[tilespmem:v63+s17+$0x0] =	vst.idx.msk $0xffff, v62;
	v41 =	vld.idx.msk [tilespmem:v3+s5+$0x380], $0xffff  }
0x5f2: {  	v50 =	vld.idx.msk [tilespmem:v5+s24+$0x380], $0xffff;
	v61 =	vadd.s32 v31, v39;
	[tilespmem:v46+s17+$0x0] =	vst.idx.msk $0xffff, v58  }
0x5f3: {  	[tilespmem:v57+s17+$0x0] =	vst.idx.msk $0xffff, v49  }
0x5f4: {  	v51 =	vadd.s32 v31, v40;
	v62 =	vmov s9;
	v46 =	vld.idx.msk [tilespmem:v5+s26+$0x380], $0xffff;
	[tilespmem:v59+s17+$0x0] =	vst.idx.msk $0xffff, v48  }
0x5f5: {  	v56 =	vadd.s32 v31, v42;
	v49 =	vshrl.u32 v62, $0x3;
	v52 =	vld.idx.msk [tilespmem:v5+s28+$0x380], $0xffff;
	[tilespmem:v60+s17+$0x0] =	vst.idx.msk $0xffff, v45  }
0x5f6: {  	v55 =	vadd.s32 v31, v43;
	v63 =	vmov s7;
	v48 =	vshll.u32 v49, v2;
	v49 =	vld.idx.msk [tilespmem:v5+s29+$0x380], $0xffff;
	[tilespmem:v47+s17+$0x0] =	vst.idx.msk $0xffff, v41  }
0x5f7: {  	v60 =	vshrl.u32 v63, $0x3;
	[tilespmem:v61+s17+$0x0] =	vst.idx.msk $0xffff, v50;
	v63 =	vadd.s32 v31, v44;
	v62 =	vld.idx.msk [tilespmem:v5+s5+$0x380], $0xffff  }
0x5f8: {  	v42 =	vadd.s32 v32, v42;
	v40 =	vadd.s32 v32, v40;
	v39 =	vadd.s32 v32, v39;
	v50 =	vld.idx.msk [tilespmem:v7+s24+$0x380], $0xffff  }
0x5f9: {  	v43 =	vadd.s32 v32, v43;
	v58 =	vmov s30;
	v54 =	vld.idx.msk [tilespmem:v0+s23+$0x3C0], $0xffff;
	v48 =	vbroadcast v48, $0x0;
	[tilespmem:v51+s17+$0x0] =	vst.idx.msk $0xffff, v46  }
0x5fa: {  	v44 =	vadd.s32 v32, v44;
	v61 =	vshll.u32 v60, v2;
	v60 =	vmov s12;
	v46 =	vld.idx.msk [tilespmem:v7+s26+$0x380], $0xffff;
	[tilespmem:v56+s17+$0x0] =	vst.idx.msk $0xffff, v52  }
0x5fb: {  	v53 =	vadd.s32 v33, v48;
	v41 =	vbroadcast v61, $0x0;
	v51 =	vshrl.u32 v60, $0x3;
	v56 =	vld.idx.msk [tilespmem:v7+s28+$0x380], $0xffff;
	[tilespmem:v55+s17+$0x0] =	vst.idx.msk $0xffff, v49  }
0x5fc: {  	v61 =	vmov s0;
	v60 =	vshrl.u32 v58, $0x3;
	v51 =	vshll.u32 v51, v2;
	v55 =	vld.idx.msk [tilespmem:v7+s29+$0x380], $0xffff;
	[tilespmem:v63+s17+$0x0] =	vst.idx.msk $0xffff, v62  }
0x5fd: {  	v49 =	vbroadcast v51, $0x0;
	[tilespmem:v39+s17+$0x0] =	vst.idx.msk $0xffff, v50;
	v62 =	vshrl.u32 v61, $0x3;
	v63 =	vmov s1;
	v47 =	vld.idx.msk [tilespmem:v7+s5+$0x380], $0xffff  }
0x5fe: {  	v52 =	vadd.s32 v33, v41;
	v50 =	vld.idx.msk [tilespmem:v0+s24+$0x3C0], $0xffff;
	v39 =	vshll.u32 v62, v2;
	v57 =	vshrl.u32 v63, $0x3  }
0x5ff: {  	[tilespmem:v40+s17+$0x0] =	vst.idx.msk $0xffff, v46;
	v61 =	vadd.s32 v33, v49;
	v38 =	vbroadcast v39, $0x0;
	v59 =	vshll.u32 v57, v2  }
0x600: {  	v40 =	vshll.u32 v60, v2;
	v37 =	vld.idx.msk [tilespmem:v0+s26+$0x3C0], $0xffff;
	[tilespmem:v42+s17+$0x0] =	vst.idx.msk $0xffff, v56;
	v39 =	vbroadcast v59, $0x0  }
0x601: {  	v40 =	vbroadcast v40, $0x0;
	v42 =	vld.idx.msk [tilespmem:v0+s28+$0x3C0], $0xffff;
	v62 =	vadd.s32 v33, v38;
	[tilespmem:v43+s17+$0x0] =	vst.idx.msk $0xffff, v55  }
0x602: {  	v63 =	vadd.s32 v33, v39;
	v43 =	vld.idx.msk [tilespmem:v0+s29+$0x3C0], $0xffff;
	[tilespmem:v44+s17+$0x0] =	vst.idx.msk $0xffff, v47  }
0x603: {  	[tilespmem:v53+s17+$0x0] =	vst.idx.msk $0xffff, v54;
	v57 =	vadd.s32 v33, v40;
	v44 =	vld.idx.msk [tilespmem:v0+s5+$0x3C0], $0xffff  }
0x604: {  	v58 =	vadd.s32 v34, v48;
	v53 =	vld.idx.msk [tilespmem:v3+s23+$0x3C0], $0xffff;
	[tilespmem:v52+s17+$0x0] =	vst.idx.msk $0xffff, v50  }
0x605: {  	v59 =	vadd.s32 v34, v41;
	v50 =	vld.idx.msk [tilespmem:v3+s24+$0x3C0], $0xffff;
	[tilespmem:v61+s17+$0x0] =	vst.idx.msk $0xffff, v37  }
0x606: {  	v60 =	vadd.s32 v34, v49;
	v37 =	vld.idx.msk [tilespmem:v3+s26+$0x3C0], $0xffff;
	[tilespmem:v62+s17+$0x0] =	vst.idx.msk $0xffff, v42  }
0x607: {  	v61 =	vadd.s32 v34, v38;
	v42 =	vld.idx.msk [tilespmem:v3+s28+$0x3C0], $0xffff;
	[tilespmem:v63+s17+$0x0] =	vst.idx.msk $0xffff, v43  }
0x608: {  	v62 =	vadd.s32 v34, v39;
	v43 =	vld.idx.msk [tilespmem:v3+s29+$0x3C0], $0xffff;
	[tilespmem:v57+s17+$0x0] =	vst.idx.msk $0xffff, v44  }
0x609: {  	[tilespmem:v58+s17+$0x0] =	vst.idx.msk $0xffff, v53;
	v63 =	vadd.s32 v34, v40;
	v44 =	vld.idx.msk [tilespmem:v3+s5+$0x3C0], $0xffff  }
0x60a: {  	v53 =	vld.idx.msk [tilespmem:v5+s23+$0x3C0], $0xffff;
	[tilespmem:v59+s17+$0x0] =	vst.idx.msk $0xffff, v50;
	v57 =	vadd.s32 v35, v48  }
0x60b: {  	v58 =	vadd.s32 v35, v41;
	v50 =	vld.idx.msk [tilespmem:v5+s24+$0x3C0], $0xffff;
	[tilespmem:v60+s17+$0x0] =	vst.idx.msk $0xffff, v37  }
0x60c: {  	v59 =	vadd.s32 v35, v49;
	v37 =	vld.idx.msk [tilespmem:v5+s26+$0x3C0], $0xffff;
	[tilespmem:v61+s17+$0x0] =	vst.idx.msk $0xffff, v42  }
0x60d: {  	v60 =	vadd.s32 v35, v38;
	v42 =	vld.idx.msk [tilespmem:v5+s28+$0x3C0], $0xffff;
	[tilespmem:v62+s17+$0x0] =	vst.idx.msk $0xffff, v43  }
0x60e: {  	v61 =	vadd.s32 v35, v39;
	v43 =	vld.idx.msk [tilespmem:v5+s29+$0x3C0], $0xffff;
	[tilespmem:v63+s17+$0x0] =	vst.idx.msk $0xffff, v44  }
0x60f: {  	[tilespmem:v57+s17+$0x0] =	vst.idx.msk $0xffff, v53;
	v62 =	vadd.s32 v35, v40;
	v44 =	vld.idx.msk [tilespmem:v5+s5+$0x3C0], $0xffff  }
0x610: {  	v48 =	vadd.s32 v36, v48;
	[tilespmem:v58+s17+$0x0] =	vst.idx.msk $0xffff, v50;
	v53 =	vld.idx.msk [tilespmem:v7+s23+$0x3C0], $0xffff  }
0x611: {  	v41 =	vadd.s32 v36, v41;
	v50 =	vld.idx.msk [tilespmem:v7+s24+$0x3C0], $0xffff;
	[tilespmem:v59+s17+$0x0] =	vst.idx.msk $0xffff, v37  }
0x612: {  	v63 =	vadd.s32 v36, v49;
	v37 =	vld.idx.msk [tilespmem:v7+s26+$0x3C0], $0xffff;
	[tilespmem:v60+s17+$0x0] =	vst.idx.msk $0xffff, v42  }
0x613: {  	v38 =	vadd.s32 v36, v38;
	v42 =	vld.idx.msk [tilespmem:v7+s28+$0x3C0], $0xffff;
	[tilespmem:v61+s17+$0x0] =	vst.idx.msk $0xffff, v43  }
0x614: {  	v39 =	vadd.s32 v36, v39;
	v43 =	vld.idx.msk [tilespmem:v7+s29+$0x3C0], $0xffff;
	[tilespmem:v62+s17+$0x0] =	vst.idx.msk $0xffff, v44  }
0x615: {  	v40 =	vadd.s32 v36, v40;
	[tilespmem:v48+s17+$0x0] =	vst.idx.msk $0xffff, v53;
	v44 =	vld.idx.msk [tilespmem:v7+s5+$0x3C0], $0xffff  }
0x616: {  	s0 =	sshll.u32 s22, $0x5;
	[tilespmem:v41+s17+$0x0] =	vst.idx.msk $0xffff, v50  }
0x617: {  	s30 =	sshll.u32 s22, $0xB;
	s31 =	sand.u32 $0x1E0, s0;
	[tilespmem:v63+s17+$0x0] =	vst.idx.msk $0xffff, v37  }
0x618: {  	s1 =	sand.u32 $0xFFF8000, s30;
	s5 =	sadd.s32 s4, s31;
	[tilespmem:v38+s17+$0x0] =	vst.idx.msk $0xffff, v42  }
0x619: {  	s7 =	simm.s32 $0x200;
	s1 =	sadd.s32 s1, s5;
	[tilespmem:v39+s17+$0x0] =	vst.idx.msk $0xffff, v43  }
0x61a: {  	s9 =	simm.s32 $0xC508;
	s5 =	simm.s32 $0xC400;
	s12 =	sadd.s32 $0x0, s1;
	[tilespmem:v40+s17+$0x0] =	vst.idx.msk $0xffff, v44  }
.LBB2_9:
0x61b: {  	[hbm4b:s12+s2] =	stream.linear.scatter [tilespmem:s5], [sflag:$0x4], $0x100, $0x38;
	[tilespmem:$0x10600] =	vst v63  }
0x61c: {  	s12 =	smov.u32 s7;
	s5 =	smov.u32 s9;
	p0 =	sne.s32 s7, $0x7E00  }
.Ltmp5:
0x61d: {  	s7 =	sadd.s32 $0x200, s7;
	(pc) =	sbr.rel @p0 .LBB2_9-.Ltmp5, $2  }
0x61e: {  	_ =	sdelay $0x2  }
0x61f: {  	s9 =	sadd.s32 $0x108, s9;
	s12 =	sadd.s32 s12, s1  }
.Ltmp6:
0x620: {  	(pc) =	sbr.rel @p1 .LBB2_12-.Ltmp6, $2  }
0x621: {  	_ =	sdelay $0x2  }
0x622: {  	[hbm4b:s12+s2] =	stream.linear.scatter [tilespmem:s5], [sflag:$0x4], $0x100, $0x38;
	[tilespmem:$0x10600] =	vst v63  }
0x623: {  	s0 =	sadd.s32 s0, s8  }
0x624: {  	[tilespmem:s11], [sflag:$0x5] =	stream.linear.gather [hbm4b:s0+s2], $0x100, $0x38;
	[tilespmem:$0x10600] =	vst v63  }
.Ltmp7:
0x625: {  	_ = 	snop;
	(pc) =	sbr.rel .LBB2_2-.Ltmp7, $4  }
0x626: {  	_ =	swait.ge [sflag:s10], $0x100  }
0x627: {  	[sflag:s10] =	ssyncset.done $0x0  }
0x628: {  	s21 =	sadd.s32 $0x1, s21;
	[sflag:s10] =	ssyncadd.s32 $0xFFFFFF00  }
0x629: {  	[tilespmem:s13], [sflag:$0x2] =	stream.indirect.gather [hbm4b:s3+s11], $0x40, s11, s11, $0xb8;
	[tilespmem:$0x10600] =	vst v63  }
.LBB2_13:
0x62a: {  	_ =	sfence.sel $0x180000  }
0x62b: {  	[bflag:$0x0] =	sbarrier.arrive $0xFFFF  }
0x62c: {  	_ =	strace $0x90000047  }
0x62d: {  	s0 =	stileid.u32;
	[bflag:$0x2] =	sbarrier.arrive $0xFFFF  }
0x62e: {  	p0 =	sne.s32 s0, $0x0;
	s0 =	rddreg [dreg:$0x2]  }
0x62f: {  	s0 =	sadd.s32 @!p0 $0x100000, s0  }
0x630: {  	[sflag:s0] =	ssyncadd.tile.s32 @!p0 $0x1;
	_ =	shalt  }
.Lfunc_end2:
_tile_overlayer_lowered:
.L_overlay_start_2:
0x631: {  	(tag) =	ssettag $0x2  }
0x632: {  	s0 =	rddreg [dreg:$0x0];
	s2 =	stileid.u32  }
0x633: {  	s1 =	rddreg [dreg:$0x1];
	p0 =	sne.s32 s2, $0x0  }
0x634: {  	s3 =	rddreg [dreg:$0x2];
	[bflag:$0x3] =	sbarrier.arrive $0xFFFF;
	s2 =	simm.s32 @!p0 $0x1C05  }
0x635: {  	[timem:s3], [sflag:s2] =	dma.local @!p0 [hbm:s0], s1  }
0x636: {  	s0 =	simm.s32 @!p0 $0x5  }
0x637: {  	_ =	swait.ge @!p0 [sflag:s0], s1  }
0x638: {  	s1 =	ssub.s32 @!p0 $0x0, s1;
	[sflag:s0] =	ssyncset.done @!p0 $0x0  }
0x639: {  	[sflag:s0] =	ssyncadd.s32 @!p0 s1  }
0x63a: {  	[bflag:$0x3] =	sbarrier.arrive $0xFFFF  }
0x63b: {  	_ =	shalt  }

</sc_bundles>
